<compile_context>
chip_gen: v7x
topology: tpu7x:2x2x1
jax: 0.10.2.dev20260603
libtpu: 0.0.44.dev20260713+nightly
codegen_flags: <defaults>
</compile_context>

<pallas_src>
import functools

import jax
import jax.numpy as jnp
from jax import lax
from jax.experimental import pallas as pl
from jax.experimental.pallas import tpu as pltpu
from jax.experimental.pallas import tpu_sc as plsc

_RADIUS2 = 0.2 * 0.2
_NSAMPLE = 32
_DP = 80
_NC, _NS, _L = 2, 16, 16
_NW = _NC * _NS

@functools.cache
def _sc_mesh():
    return plsc.VectorSubcoreMesh(
        core_axis_name="c", subcore_axis_name="s", num_cores=_NC, num_subcores=_NS
    )


def _take(v, idx):
    return lax.gather(
        v, idx[:, None],
        lax.GatherDimensionNumbers(
            offset_dims=(), collapsed_slice_dims=(0,), start_index_map=(0,)),
        (1,), mode=lax.GatherScatterMode.PROMISE_IN_BOUNDS)


def _make_ballq2(B, N, interpret=False):
    QW = (B * N) // _NW
    WPB = N // QW
    SCH = 8
    NSC = N // (_L * SCH)
    NQ = 4
    NP = N + _L

    @functools.partial(
        pl.kernel,
        mesh=_sc_mesh(),
        out_type=jax.ShapeDtypeStruct((B * N * _NSAMPLE,), jnp.int32),
        scratch_types=[
            pltpu.VMEM((NP,), jnp.float32),
            pltpu.VMEM((NP,), jnp.float32),
            pltpu.VMEM((NP,), jnp.float32),
            pltpu.VMEM((NQ, 64), jnp.int32),
            pltpu.VMEM((QW * _NSAMPLE,), jnp.int32),
            pltpu.SMEM((NQ,), jnp.int32),
        ],
        interpret=interpret,
    )
    def ballq(xs_hbm, ys_hbm, zs_hbm, out_hbm, xs_v, ys_v, zs_v, buf_v, out_v, sm):
        wid = lax.axis_index("s") * _NC + lax.axis_index("c")
        b = wid // WPB
        qoff = (wid % WPB) * QW
        pltpu.sync_copy(xs_hbm.at[b], xs_v)
        pltpu.sync_copy(ys_hbm.at[b], ys_v)
        pltpu.sync_copy(zs_hbm.at[b], zs_v)
        gbase = b * N
        iota = lax.iota(jnp.int32, _L)
        shift_idx = [jnp.maximum(iota - s, 0) for s in (1, 2, 4, 8)]
        fifteen = jnp.full((_L,), _L - 1, jnp.int32)

        def compact(m, vals):
            cum = jnp.where(m, 1, 0)
            for s, sidx in zip((1, 2, 4, 8), shift_idx):
                cum = cum + jnp.where(iota >= s, _take(cum, sidx), 0)
            pos = jnp.zeros((_L,), jnp.int32)
            for s in (8, 4, 2, 1):
                probe = jnp.minimum(pos + (s - 1), fifteen)
                pos = pos + jnp.where(_take(cum, probe) <= iota, s, 0)
            return _take(vals, pos), cum[_L - 1]

        def qbody(qg, carry):
            qs = [qg * NQ + i for i in range(NQ)]
            qc = [[c[pl.ds(qoff + q, _L)][0] for c in (xs_v, ys_v, zs_v)]
                  for q in qs]
            for i in range(NQ):
                sm[i] = 0

            def superchunk(j, c2):
                wps = [sm[i] for i in range(NQ)]
                alive = wps[0]
                for i in range(1, NQ):
                    alive = jnp.minimum(alive, wps[i])

                @pl.when(alive < _NSAMPLE)
                def _():
                    wp = list(wps)
                    for u in range(SCH):
                        base = (j * SCH + u) * _L
                        cx = xs_v[pl.ds(base, _L)]
                        cy = ys_v[pl.ds(base, _L)]
                        cz = zs_v[pl.ds(base, _L)]
                        vals = gbase + base + iota
                        for i in range(NQ):
                            dx = cx - qc[i][0]
                            dy = cy - qc[i][1]
                            dz = cz - qc[i][2]
                            d = dx * dx + dy * dy + dz * dz
                            ci, ni = compact(d < _RADIUS2, vals)
                            buf_v[i, pl.ds(jnp.minimum(wp[i], _NSAMPLE), _L)] = ci
                            wp[i] = wp[i] + ni
                    for i in range(NQ):
                        sm[i] = wp[i]

                return c2

            lax.fori_loop(0, NSC, superchunk, jnp.int32(0))
            for i, q in enumerate(qs):
                cnt = jnp.minimum(sm[i], _NSAMPLE)
                v0 = buf_v[i, pl.ds(0, _L)]
                v1 = buf_v[i, pl.ds(_L, _L)]
                first = v0[0]
                out_v[pl.ds(q * _NSAMPLE, _L)] = jnp.where(iota < cnt, v0, first)
                out_v[pl.ds(q * _NSAMPLE + _L, _L)] = jnp.where(
                    iota + _L < cnt, v1, first)
            return carry

        lax.fori_loop(0, QW // NQ, qbody, jnp.int32(0))
        pltpu.sync_copy(out_v, out_hbm.at[pl.ds(wid * QW * _NSAMPLE, QW * _NSAMPLE)])

    return ballq


def _make_gather(P, interpret=False):
    CH = P // _NW
    CK = 128
    NT = CH // CK

    @functools.partial(
        pl.kernel,
        mesh=_sc_mesh(),
        out_type=jax.ShapeDtypeStruct((P, _DP), jnp.float32),
        scratch_types=[
            pltpu.VMEM((CH,), jnp.int32),
            pltpu.VMEM((2, CK, _DP), jnp.float32),
            pltpu.SemaphoreType.DMA,
            pltpu.SemaphoreType.DMA,
        ],
        compiler_params=pltpu.CompilerParams(use_tc_tiling_on_sc=False),
        interpret=interpret,
    )
    def gather(tab_hbm, idx_hbm, out_hbm, idx_v, rows_v, sem0, sem1):
        wid = lax.axis_index("s") * _NC + lax.axis_index("c")
        woff = wid * CH
        pltpu.sync_copy(idx_hbm.at[pl.ds(woff, CH)], idx_v)
        sems = (sem0, sem1)

        def gather_chunk(t, b):
            return pltpu.make_async_copy(
                tab_hbm.at[idx_v.at[pl.ds(t * CK, CK)]], rows_v.at[b], sems[b])

        gather_chunk(0, 0).start()

        def body(tt, carry):
            for b in (0, 1):
                t = tt * 2 + b

                @pl.when(t + 1 < NT)
                def _():
                    gather_chunk(t + 1, 1 - b).start()

                gather_chunk(t, b).wait()
                pltpu.sync_copy(rows_v.at[b], out_hbm.at[pl.ds(woff + t * CK, CK)])
            return carry

        lax.fori_loop(0, NT // 2, body, jnp.int32(0))

    return gather


def _mlp_body(g_ref, mod_ref, cx_ref, w0_ref, b0_ref, w1_ref, b1_ref, w2_ref,
              b2_ref, out_ref):
    Q = mod_ref.shape[0]
    P = Q * _NSAMPLE
    g = g_ref[...]
    mod = jnp.reshape(
        jnp.broadcast_to(mod_ref[...][:, None, :], (Q, _NSAMPLE, _DP)), (P, _DP))
    a = g - mod
    dsq = a * a
    h1 = jnp.maximum(
        jnp.dot(dsq, w0_ref[...], preferred_element_type=jnp.float32)
        + b0_ref[...], 0.0)
    h2 = jnp.maximum(
        jnp.dot(h1, w1_ref[...], preferred_element_type=jnp.float32)
        + b1_ref[...], 0.0)
    h3 = jnp.maximum(
        jnp.sum(h2 * w2_ref[...], axis=1, keepdims=True) + b2_ref[...], 0.0)
    g8 = lax.slice(g, (0, 0), (P, 8))
    lane8 = lax.broadcasted_iota(jnp.int32, (P, 8), 1)
    w8 = jnp.where(lane8 == 7, h3, g8 * h3)
    num = jnp.sum(jnp.reshape(w8, (Q, _NSAMPLE, 8)), axis=1)
    den = lax.slice(num, (0, 7), (Q, 8))
    out_ref[...] = num / den - cx_ref[...]


def _make_mlp(BN, Q, interpret=False):
    grid = (BN // Q,)
    return pl.pallas_call(
        _mlp_body,
        grid=grid,
        in_specs=[
            pl.BlockSpec((Q * _NSAMPLE, _DP), lambda i: (i, 0)),
            pl.BlockSpec((Q, _DP), lambda i: (i, 0)),
            pl.BlockSpec((Q, 8), lambda i: (i, 0)),
            pl.BlockSpec((_DP, 64), lambda i: (0, 0)),
            pl.BlockSpec((1, 64), lambda i: (0, 0)),
            pl.BlockSpec((64, 32), lambda i: (0, 0)),
            pl.BlockSpec((1, 32), lambda i: (0, 0)),
            pl.BlockSpec((1, 32), lambda i: (0, 0)),
            pl.BlockSpec((1, 1), lambda i: (0, 0)),
        ],
        out_specs=pl.BlockSpec((Q, 8), lambda i: (i, 0)),
        out_shape=jax.ShapeDtypeStruct((BN, 8), jnp.float32),
        interpret=interpret,
    )


def kernel(xyz, features, W0, b0, W1, b1, W2, b2):
    B, N, _ = xyz.shape
    C = features.shape[1]
    pad = _DP - (C + 3)
    featT = jnp.transpose(features, (0, 2, 1))
    zpad = jnp.zeros((B, N, pad), jnp.float32)
    tab = jnp.concatenate([xyz, featT, zpad], axis=-1).reshape(B * N, _DP)
    mod = jnp.concatenate([2.0 * xyz, featT, zpad], axis=-1).reshape(B * N, _DP)
    cx = jnp.concatenate(
        [xyz, jnp.zeros((B, N, 5), jnp.float32)], axis=-1).reshape(B * N, 8)

    zp = jnp.zeros((B, _L), jnp.float32)
    xs = jnp.concatenate([xyz[..., 0], zp], axis=1)
    ys = jnp.concatenate([xyz[..., 1], zp], axis=1)
    zs = jnp.concatenate([xyz[..., 2], zp], axis=1)
    idxg = _make_ballq2(B, N)(xs, ys, zs)
    g = _make_gather(B * N * _NSAMPLE)(tab, idxg)

    w0p = jnp.pad(W0.T, ((0, pad), (0, 0)))
    outp = _make_mlp(B * N, 256)(
        g, mod, cx, w0p, b0[None, :], W1.T, b1[None, :], W2, b2[None, :])
    return jnp.transpose(outp.reshape(B, N, 8)[..., :3], (0, 2, 1))

# --- scband reference (transcript-rebuilt; emitter-appended) ---
"""Pipeline reference for scband-pointnet-mean-shift-4209067950527 (READ-ONLY COPY).

The authoritative reference and input builder live on the scoring server;
editing this copy changes nothing except your own understanding.
"""

import jax, jax.numpy as jnp
import numpy as np

RADIUS = 0.2
NSAMPLE = 32
B, N, C = 4, 4096, 64


def ball_query(xyz, new_xyz, radius, nsample):
    # xyz: (B, N, 3), new_xyz: (B, Np, 3) -> idx (B, Np, nsample)
    sqdist = jnp.sum((new_xyz[:, :, None, :] - xyz[:, None, :, :]) ** 2, axis=-1)
    mask = sqdist < radius * radius
    # stable argsort puts in-ball indices first, preserving index order (CUDA ball_query semantics)
    order = jnp.argsort(jnp.where(mask, 0, 1).astype(jnp.int32), axis=-1)
    idx = order[..., :nsample]
    cnt = jnp.sum(mask, axis=-1)
    first = idx[..., :1]
    slots = jnp.arange(nsample)
    idx = jnp.where(slots[None, None, :] < cnt[..., None], idx, first)
    return idx


def group(feat, idx):
    # feat: (B, C, N), idx: (B, Np, ns) -> (B, C, Np, ns)
    return jax.vmap(lambda f, i: f[:, i])(feat, idx)


def _forward(xyz, features, W0, b0, W1, b1, W2, b2):
    xyz_flipped = jnp.transpose(xyz, (0, 2, 1))  # (B, 3, N)
    new_xyz = xyz
    idx = ball_query(xyz, new_xyz, RADIUS, NSAMPLE)
    grouped_xyz = group(xyz_flipped, idx) - jnp.transpose(new_xyz, (0, 2, 1))[..., None]  # (B,3,N,ns) relative
    grouped_feats = group(features, idx)  # (B,C,N,ns)
    grouped_features = jnp.concatenate([grouped_xyz, grouped_feats], axis=1)  # use_xyz=True
    xyz_feature = jnp.concatenate([xyz_flipped, features], axis=1)  # (B, 3+C, N)
    d = grouped_features - jax.lax.stop_gradient(xyz_feature)[..., None]
    h = d * d
    for W, b in ((W0, b0), (W1, b1), (W2, b2)):
        h = jnp.einsum('oc,bcns->bons', W, h) + b[None, :, None, None]
        h = jax.nn.relu(h)
    shift = jnp.sum(grouped_xyz * h, axis=-1)  # (B, 3, N)
    return shift / jnp.sum(h, axis=-1)  # broadcast divide by (B, 1, N)


def setup_inputs(seed: int = 0):
    key = jax.random.key(seed)
    k1, k2, kw = jax.random.split(key, 3)
    xyz = jax.random.uniform(k1, (B, N, 3), dtype=jnp.float32)
    features = jax.random.normal(k2, (B, C, N), dtype=jnp.float32)
    dims = [C + 3, 64, 32, 1]  # mlp[0] += 3 because use_xyz=True
    out = {"xyz": xyz, "features": features}
    for i in range(3):
        kw, ka = jax.random.split(kw)
        out["W%d" % i] = 0.02 * jax.random.normal(ka, (dims[i + 1], dims[i]), dtype=jnp.float32)
        out["b%d" % i] = 0.1 * jnp.ones((dims[i + 1],), dtype=jnp.float32)
    return out


def reference(xyz, features, W0, b0, W1, b1, W2, b2):
    return _forward(xyz, features, W0, b0, W1, b1, W2, b2)

if __name__ == "__main__":
    import jax
    _d = setup_inputs()
    print(jax.jit(kernel)(*tuple(_d.values())))

</pallas_src>

<mosaic_0001>
#map = affine_map<(d0, d1) -> (0, 0)>
#map1 = affine_map<(d0, d1) -> (0)>
module attributes {stable_mosaic.version = 14 : i64} {
  func.func @ballq(%arg0: i32, %arg1: i32, %arg2: memref<4x4112xf32, #tpu.memory_space<hbm>>, %arg3: memref<4x4112xf32, #tpu.memory_space<hbm>>, %arg4: memref<4x4112xf32, #tpu.memory_space<hbm>>, %arg5: memref<524288xi32, #tpu.memory_space<hbm>>, %arg6: memref<4112xf32, #tpu.memory_space<vmem>>, %arg7: memref<4112xf32, #tpu.memory_space<vmem>>, %arg8: memref<4112xf32, #tpu.memory_space<vmem>>, %arg9: memref<4x64xi32, #tpu.memory_space<vmem>>, %arg10: memref<16384xi32, #tpu.memory_space<vmem>>, %arg11: memref<4xi32, #tpu.memory_space<smem>>) attributes {dimension_semantics = [#tpu.dimension_semantics<core_parallel>, #tpu.dimension_semantics<subcore_parallel>], iteration_bounds = array<i64: 2, 16>, scalar_prefetch = 0 : i64, scratch_operands = 6 : i64, tpu.core_type = #tpu.core_type<sc_vector_subcore>, window_params = [{transform_indices = #map}, {transform_indices = #map}, {transform_indices = #map}, {transform_indices = #map1}]} {
    %mul3A = arith.constant 2 : i32
    %mul3A_0 = arith.muli %arg1, %mul3A : i32
    %add3A = arith.addi %mul3A_0, %arg0 : i32
    %jit3A = arith.constant 8 : i32
    %div3A = arith.divsi %add3A, %jit3A : i32
    %sign3A = arith.constant 0 : i32
    %sign3A_1 = arith.cmpi sgt, %add3A, %sign3A : i32
    %sign3A_2 = arith.extui %sign3A_1 : i1 to i32
    %sign3A_3 = arith.constant 0 : i32
    %sign3A_4 = arith.cmpi slt, %add3A, %sign3A_3 : i32
    %sign3A_5 = arith.extui %sign3A_4 : i1 to i32
    %sign3A_6 = arith.subi %sign3A_2, %sign3A_5 : i32
    %sign3A_7 = arith.constant 0 : i32
    %sign3A_8 = arith.cmpi sgt, %jit3A, %sign3A_7 : i32
    %sign3A_9 = arith.extui %sign3A_8 : i1 to i32
    %sign3A_10 = arith.constant 0 : i32
    %sign3A_11 = arith.cmpi slt, %jit3A, %sign3A_10 : i32
    %sign3A_12 = arith.extui %sign3A_11 : i1 to i32
    %sign3A_13 = arith.subi %sign3A_9, %sign3A_12 : i32
    %ne3A = arith.cmpi ne, %sign3A_6, %sign3A_13 : i32
    %rem3A = arith.remsi %add3A, %jit3A : i32
    %ne3A_14 = arith.constant 0 : i32
    %ne3A_15 = arith.cmpi ne, %rem3A, %ne3A_14 : i32
    %and3A = arith.andi %ne3A, %ne3A_15 : i1
    %sub3A = arith.constant 1 : i32
    %sub3A_16 = arith.subi %div3A, %sub3A : i32
    %select_n3A = arith.select %and3A, %sub3A_16, %div3A : i32
    %jit3A_17 = arith.constant 8 : i32
    %eq3A = arith.constant 0 : i32
    %eq3A_18 = arith.cmpi eq, %jit3A_17, %eq3A : i32
    %jit3A_19 = arith.constant 1 : i32
    %select_n3A_20 = arith.select %eq3A_18, %jit3A_19, %jit3A_17 : i32
    %rem3A_21 = arith.remsi %add3A, %select_n3A_20 : i32
    %ne3A_22 = arith.constant 0 : i32
    %ne3A_23 = arith.cmpi ne, %rem3A_21, %ne3A_22 : i32
    %lt3A = arith.constant 0 : i32
    %lt3A_24 = arith.cmpi slt, %rem3A_21, %lt3A : i32
    %lt3A_25 = arith.constant 0 : i32
    %lt3A_26 = arith.cmpi slt, %select_n3A_20, %lt3A_25 : i32
    %ne3A_27 = arith.xori %lt3A_24, %lt3A_26 : i1
    %and3A_28 = arith.andi %ne3A_27, %ne3A_23 : i1
    %add3A_29 = arith.addi %rem3A_21, %select_n3A_20 : i32
    %select_n3A_30 = arith.select %and3A_28, %add3A_29, %rem3A_21 : i32
    %mul3A_31 = arith.constant 512 : i32
    %mul3A_32 = arith.muli %select_n3A_30, %mul3A_31 : i32
    "tpu.region"() ({
      %run_scoped3A = tpu.sem_alloc : memref<!tpu.dma_semaphore, #tpu.memory_space<semaphore_mem>>
      %dma_start3A = arith.constant 0 : i32
      %dma_start3A_68 = tpu.memref_slice %arg2[%select_n3A, %dma_start3A] : memref<4x4112xf32, #tpu.memory_space<hbm>> -> memref<1x4112xf32, #tpu.memory_space<hbm>>
      %dma_start3A_69 = tpu.memref_squeeze %dma_start3A_68 : memref<1x4112xf32, #tpu.memory_space<hbm>> -> memref<4112xf32, #tpu.memory_space<hbm>>
      %dma_start3A_70 = arith.constant 0 : i32
      %dma_start3A_71 = tpu.memref_slice %arg2[%select_n3A, %dma_start3A_70] : memref<4x4112xf32, #tpu.memory_space<hbm>> -> memref<1x4112xf32, #tpu.memory_space<hbm>>
      %dma_start3A_72 = tpu.memref_squeeze %dma_start3A_71 : memref<1x4112xf32, #tpu.memory_space<hbm>> -> memref<4112xf32, #tpu.memory_space<hbm>>
      tpu.enqueue_dma source(%dma_start3A_72 : memref<4112xf32, #tpu.memory_space<hbm>>) target(%arg6 : memref<4112xf32, #tpu.memory_space<vmem>>) target_semaphore(%run_scoped3A : memref<!tpu.dma_semaphore, #tpu.memory_space<semaphore_mem>>)
      %dma_wait3A = arith.constant 0 : i32
      %dma_wait3A_73 = tpu.memref_slice %arg2[%select_n3A, %dma_wait3A] : memref<4x4112xf32, #tpu.memory_space<hbm>> -> memref<1x4112xf32, #tpu.memory_space<hbm>>
      %dma_wait3A_74 = tpu.memref_squeeze %dma_wait3A_73 : memref<1x4112xf32, #tpu.memory_space<hbm>> -> memref<4112xf32, #tpu.memory_space<hbm>>
      %dma_wait3A_75 = arith.constant 0 : i32
      %dma_wait3A_76 = tpu.memref_slice %arg2[%select_n3A, %dma_wait3A_75] : memref<4x4112xf32, #tpu.memory_space<hbm>> -> memref<1x4112xf32, #tpu.memory_space<hbm>>
      %dma_wait3A_77 = tpu.memref_squeeze %dma_wait3A_76 : memref<1x4112xf32, #tpu.memory_space<hbm>> -> memref<4112xf32, #tpu.memory_space<hbm>>
      tpu.wait_dma2 semaphore(%run_scoped3A : memref<!tpu.dma_semaphore, #tpu.memory_space<semaphore_mem>>) src(%dma_wait3A_77 : memref<4112xf32, #tpu.memory_space<hbm>>) dst(%arg6 : memref<4112xf32, #tpu.memory_space<vmem>>)
      tpu.yield
    }) : () -> ()
    "tpu.region"() ({
      %run_scoped3A = tpu.sem_alloc : memref<!tpu.dma_semaphore, #tpu.memory_space<semaphore_mem>>
      %dma_start3A = arith.constant 0 : i32
      %dma_start3A_68 = tpu.memref_slice %arg3[%select_n3A, %dma_start3A] : memref<4x4112xf32, #tpu.memory_space<hbm>> -> memref<1x4112xf32, #tpu.memory_space<hbm>>
      %dma_start3A_69 = tpu.memref_squeeze %dma_start3A_68 : memref<1x4112xf32, #tpu.memory_space<hbm>> -> memref<4112xf32, #tpu.memory_space<hbm>>
      %dma_start3A_70 = arith.constant 0 : i32
      %dma_start3A_71 = tpu.memref_slice %arg3[%select_n3A, %dma_start3A_70] : memref<4x4112xf32, #tpu.memory_space<hbm>> -> memref<1x4112xf32, #tpu.memory_space<hbm>>
      %dma_start3A_72 = tpu.memref_squeeze %dma_start3A_71 : memref<1x4112xf32, #tpu.memory_space<hbm>> -> memref<4112xf32, #tpu.memory_space<hbm>>
      tpu.enqueue_dma source(%dma_start3A_72 : memref<4112xf32, #tpu.memory_space<hbm>>) target(%arg7 : memref<4112xf32, #tpu.memory_space<vmem>>) target_semaphore(%run_scoped3A : memref<!tpu.dma_semaphore, #tpu.memory_space<semaphore_mem>>)
      %dma_wait3A = arith.constant 0 : i32
      %dma_wait3A_73 = tpu.memref_slice %arg3[%select_n3A, %dma_wait3A] : memref<4x4112xf32, #tpu.memory_space<hbm>> -> memref<1x4112xf32, #tpu.memory_space<hbm>>
      %dma_wait3A_74 = tpu.memref_squeeze %dma_wait3A_73 : memref<1x4112xf32, #tpu.memory_space<hbm>> -> memref<4112xf32, #tpu.memory_space<hbm>>
      %dma_wait3A_75 = arith.constant 0 : i32
      %dma_wait3A_76 = tpu.memref_slice %arg3[%select_n3A, %dma_wait3A_75] : memref<4x4112xf32, #tpu.memory_space<hbm>> -> memref<1x4112xf32, #tpu.memory_space<hbm>>
      %dma_wait3A_77 = tpu.memref_squeeze %dma_wait3A_76 : memref<1x4112xf32, #tpu.memory_space<hbm>> -> memref<4112xf32, #tpu.memory_space<hbm>>
      tpu.wait_dma2 semaphore(%run_scoped3A : memref<!tpu.dma_semaphore, #tpu.memory_space<semaphore_mem>>) src(%dma_wait3A_77 : memref<4112xf32, #tpu.memory_space<hbm>>) dst(%arg7 : memref<4112xf32, #tpu.memory_space<vmem>>)
      tpu.yield
    }) : () -> ()
    "tpu.region"() ({
      %run_scoped3A = tpu.sem_alloc : memref<!tpu.dma_semaphore, #tpu.memory_space<semaphore_mem>>
      %dma_start3A = arith.constant 0 : i32
      %dma_start3A_68 = tpu.memref_slice %arg4[%select_n3A, %dma_start3A] : memref<4x4112xf32, #tpu.memory_space<hbm>> -> memref<1x4112xf32, #tpu.memory_space<hbm>>
      %dma_start3A_69 = tpu.memref_squeeze %dma_start3A_68 : memref<1x4112xf32, #tpu.memory_space<hbm>> -> memref<4112xf32, #tpu.memory_space<hbm>>
      %dma_start3A_70 = arith.constant 0 : i32
      %dma_start3A_71 = tpu.memref_slice %arg4[%select_n3A, %dma_start3A_70] : memref<4x4112xf32, #tpu.memory_space<hbm>> -> memref<1x4112xf32, #tpu.memory_space<hbm>>
      %dma_start3A_72 = tpu.memref_squeeze %dma_start3A_71 : memref<1x4112xf32, #tpu.memory_space<hbm>> -> memref<4112xf32, #tpu.memory_space<hbm>>
      tpu.enqueue_dma source(%dma_start3A_72 : memref<4112xf32, #tpu.memory_space<hbm>>) target(%arg8 : memref<4112xf32, #tpu.memory_space<vmem>>) target_semaphore(%run_scoped3A : memref<!tpu.dma_semaphore, #tpu.memory_space<semaphore_mem>>)
      %dma_wait3A = arith.constant 0 : i32
      %dma_wait3A_73 = tpu.memref_slice %arg4[%select_n3A, %dma_wait3A] : memref<4x4112xf32, #tpu.memory_space<hbm>> -> memref<1x4112xf32, #tpu.memory_space<hbm>>
      %dma_wait3A_74 = tpu.memref_squeeze %dma_wait3A_73 : memref<1x4112xf32, #tpu.memory_space<hbm>> -> memref<4112xf32, #tpu.memory_space<hbm>>
      %dma_wait3A_75 = arith.constant 0 : i32
      %dma_wait3A_76 = tpu.memref_slice %arg4[%select_n3A, %dma_wait3A_75] : memref<4x4112xf32, #tpu.memory_space<hbm>> -> memref<1x4112xf32, #tpu.memory_space<hbm>>
      %dma_wait3A_77 = tpu.memref_squeeze %dma_wait3A_76 : memref<1x4112xf32, #tpu.memory_space<hbm>> -> memref<4112xf32, #tpu.memory_space<hbm>>
      tpu.wait_dma2 semaphore(%run_scoped3A : memref<!tpu.dma_semaphore, #tpu.memory_space<semaphore_mem>>) src(%dma_wait3A_77 : memref<4112xf32, #tpu.memory_space<hbm>>) dst(%arg8 : memref<4112xf32, #tpu.memory_space<vmem>>)
      tpu.yield
    }) : () -> ()
    %mul3A_33 = arith.constant 4096 : i32
    %mul3A_34 = arith.muli %select_n3A, %mul3A_33 : i32
    %iota3A = tpu.iota {dimensions = array<i32: 0>} : vector<16xi32>
    %sub3A_35 = arith.constant 1 : i32
    %sub3A_36 = vector.broadcast %sub3A_35 : i32 to vector<16xi32>
    %sub3A_37 = arith.subi %iota3A, %sub3A_36 : vector<16xi32>
    %max3A = arith.constant 0 : i32
    %max3A_38 = vector.broadcast %max3A : i32 to vector<16xi32>
    %max3A_39 = arith.maxsi %sub3A_37, %max3A_38 : vector<16xi32>
    %sub3A_40 = arith.constant 2 : i32
    %sub3A_41 = vector.broadcast %sub3A_40 : i32 to vector<16xi32>
    %sub3A_42 = arith.subi %iota3A, %sub3A_41 : vector<16xi32>
    %max3A_43 = arith.constant 0 : i32
    %max3A_44 = vector.broadcast %max3A_43 : i32 to vector<16xi32>
    %max3A_45 = arith.maxsi %sub3A_42, %max3A_44 : vector<16xi32>
    %sub3A_46 = arith.constant 4 : i32
    %sub3A_47 = vector.broadcast %sub3A_46 : i32 to vector<16xi32>
    %sub3A_48 = arith.subi %iota3A, %sub3A_47 : vector<16xi32>
    %max3A_49 = arith.constant 0 : i32
    %max3A_50 = vector.broadcast %max3A_49 : i32 to vector<16xi32>
    %max3A_51 = arith.maxsi %sub3A_48, %max3A_50 : vector<16xi32>
    %sub3A_52 = arith.constant 8 : i32
    %sub3A_53 = vector.broadcast %sub3A_52 : i32 to vector<16xi32>
    %sub3A_54 = arith.subi %iota3A, %sub3A_53 : vector<16xi32>
    %max3A_55 = arith.constant 0 : i32
    %max3A_56 = vector.broadcast %max3A_55 : i32 to vector<16xi32>
    %max3A_57 = arith.maxsi %sub3A_54, %max3A_56 : vector<16xi32>
    %broadcast_in_dim3A = arith.constant 15 : i32
    %broadcast_in_dim3A_58 = vector.broadcast %broadcast_in_dim3A : i32 to vector<16xi32>
    %scan3A = arith.constant 0 : i32
    %scan3A_59 = arith.constant 0 : i32
    %scan3A_60 = arith.constant 128 : i32
    %scan3A_61 = arith.addi %scan3A_59, %scan3A_60 : i32
    %scan3A_62 = arith.constant 1 : i32
    scf.for %scan3A_68 = %scan3A_59 to %scan3A_61 step %scan3A_62  : i32 {
      %mul3A_69 = arith.constant 4 : i32
      %mul3A_70 = arith.muli %scan3A_68, %mul3A_69 : i32
      %add3A_71 = arith.constant 0 : i32
      %add3A_72 = arith.addi %mul3A_70, %add3A_71 : i32
      %mul3A_73 = arith.constant 4 : i32
      %mul3A_74 = arith.muli %scan3A_68, %mul3A_73 : i32
      %add3A_75 = arith.constant 1 : i32
      %add3A_76 = arith.addi %mul3A_74, %add3A_75 : i32
      %mul3A_77 = arith.constant 4 : i32
      %mul3A_78 = arith.muli %scan3A_68, %mul3A_77 : i32
      %add3A_79 = arith.constant 2 : i32
      %add3A_80 = arith.addi %mul3A_78, %add3A_79 : i32
      %mul3A_81 = arith.constant 4 : i32
      %mul3A_82 = arith.muli %scan3A_68, %mul3A_81 : i32
      %add3A_83 = arith.constant 3 : i32
      %add3A_84 = arith.addi %mul3A_82, %add3A_83 : i32
      %add3A_85 = arith.addi %mul3A_32, %add3A_72 : i32
      %get3A = arith.index_cast %add3A_85 : i32 to index
      %get3A_86 = tpu.vector_load %arg6[%get3A] {strides = array<i32>} : memref<4112xf32, #tpu.memory_space<vmem>>, vector<16xf32>,
      %get3A_87 = vector.shape_cast %get3A_86 : vector<16xf32> to vector<16xf32>
      %slice3A = vector.extract_strided_slice %get3A_87 {offsets = [0], sizes = [1], strides = [1]} : vector<16xf32> to vector<1xf32>
      %squeeze3A = vector.extract %slice3A[0] : f32 from vector<1xf32>
      %add3A_88 = arith.addi %mul3A_32, %add3A_72 : i32
      %get3A_89 = arith.index_cast %add3A_88 : i32 to index
      %get3A_90 = tpu.vector_load %arg7[%get3A_89] {strides = array<i32>} : memref<4112xf32, #tpu.memory_space<vmem>>, vector<16xf32>,
      %get3A_91 = vector.shape_cast %get3A_90 : vector<16xf32> to vector<16xf32>
      %slice3A_92 = vector.extract_strided_slice %get3A_91 {offsets = [0], sizes = [1], strides = [1]} : vector<16xf32> to vector<1xf32>
      %squeeze3A_93 = vector.extract %slice3A_92[0] : f32 from vector<1xf32>
      %add3A_94 = arith.addi %mul3A_32, %add3A_72 : i32
      %get3A_95 = arith.index_cast %add3A_94 : i32 to index
      %get3A_96 = tpu.vector_load %arg8[%get3A_95] {strides = array<i32>} : memref<4112xf32, #tpu.memory_space<vmem>>, vector<16xf32>,
      %get3A_97 = vector.shape_cast %get3A_96 : vector<16xf32> to vector<16xf32>
      %slice3A_98 = vector.extract_strided_slice %get3A_97 {offsets = [0], sizes = [1], strides = [1]} : vector<16xf32> to vector<1xf32>
      %squeeze3A_99 = vector.extract %slice3A_98[0] : f32 from vector<1xf32>
      %add3A_100 = arith.addi %mul3A_32, %add3A_76 : i32
      %get3A_101 = arith.index_cast %add3A_100 : i32 to index
      %get3A_102 = tpu.vector_load %arg6[%get3A_101] {strides = array<i32>} : memref<4112xf32, #tpu.memory_space<vmem>>, vector<16xf32>,
      %get3A_103 = vector.shape_cast %get3A_102 : vector<16xf32> to vector<16xf32>
      %slice3A_104 = vector.extract_strided_slice %get3A_103 {offsets = [0], sizes = [1], strides = [1]} : vector<16xf32> to vector<1xf32>
      %squeeze3A_105 = vector.extract %slice3A_104[0] : f32 from vector<1xf32>
      %add3A_106 = arith.addi %mul3A_32, %add3A_76 : i32
      %get3A_107 = arith.index_cast %add3A_106 : i32 to index
      %get3A_108 = tpu.vector_load %arg7[%get3A_107] {strides = array<i32>} : memref<4112xf32, #tpu.memory_space<vmem>>, vector<16xf32>,
      %get3A_109 = vector.shape_cast %get3A_108 : vector<16xf32> to vector<16xf32>
      %slice3A_110 = vector.extract_strided_slice %get3A_109 {offsets = [0], sizes = [1], strides = [1]} : vector<16xf32> to vector<1xf32>
      %squeeze3A_111 = vector.extract %slice3A_110[0] : f32 from vector<1xf32>
      %add3A_112 = arith.addi %mul3A_32, %add3A_76 : i32
      %get3A_113 = arith.index_cast %add3A_112 : i32 to index
      %get3A_114 = tpu.vector_load %arg8[%get3A_113] {strides = array<i32>} : memref<4112xf32, #tpu.memory_space<vmem>>, vector<16xf32>,
      %get3A_115 = vector.shape_cast %get3A_114 : vector<16xf32> to vector<16xf32>
      %slice3A_116 = vector.extract_strided_slice %get3A_115 {offsets = [0], sizes = [1], strides = [1]} : vector<16xf32> to vector<1xf32>
      %squeeze3A_117 = vector.extract %slice3A_116[0] : f32 from vector<1xf32>
      %add3A_118 = arith.addi %mul3A_32, %add3A_80 : i32
      %get3A_119 = arith.index_cast %add3A_118 : i32 to index
      %get3A_120 = tpu.vector_load %arg6[%get3A_119] {strides = array<i32>} : memref<4112xf32, #tpu.memory_space<vmem>>, vector<16xf32>,
      %get3A_121 = vector.shape_cast %get3A_120 : vector<16xf32> to vector<16xf32>
      %slice3A_122 = vector.extract_strided_slice %get3A_121 {offsets = [0], sizes = [1], strides = [1]} : vector<16xf32> to vector<1xf32>
      %squeeze3A_123 = vector.extract %slice3A_122[0] : f32 from vector<1xf32>
      %add3A_124 = arith.addi %mul3A_32, %add3A_80 : i32
      %get3A_125 = arith.index_cast %add3A_124 : i32 to index
      %get3A_126 = tpu.vector_load %arg7[%get3A_125] {strides = array<i32>} : memref<4112xf32, #tpu.memory_space<vmem>>, vector<16xf32>,
      %get3A_127 = vector.shape_cast %get3A_126 : vector<16xf32> to vector<16xf32>
      %slice3A_128 = vector.extract_strided_slice %get3A_127 {offsets = [0], sizes = [1], strides = [1]} : vector<16xf32> to vector<1xf32>
      %squeeze3A_129 = vector.extract %slice3A_128[0] : f32 from vector<1xf32>
      %add3A_130 = arith.addi %mul3A_32, %add3A_80 : i32
      %get3A_131 = arith.index_cast %add3A_130 : i32 to index
      %get3A_132 = tpu.vector_load %arg8[%get3A_131] {strides = array<i32>} : memref<4112xf32, #tpu.memory_space<vmem>>, vector<16xf32>,
      %get3A_133 = vector.shape_cast %get3A_132 : vector<16xf32> to vector<16xf32>
      %slice3A_134 = vector.extract_strided_slice %get3A_133 {offsets = [0], sizes = [1], strides = [1]} : vector<16xf32> to vector<1xf32>
      %squeeze3A_135 = vector.extract %slice3A_134[0] : f32 from vector<1xf32>
      %add3A_136 = arith.addi %mul3A_32, %add3A_84 : i32
      %get3A_137 = arith.index_cast %add3A_136 : i32 to index
      %get3A_138 = tpu.vector_load %arg6[%get3A_137] {strides = array<i32>} : memref<4112xf32, #tpu.memory_space<vmem>>, vector<16xf32>,
      %get3A_139 = vector.shape_cast %get3A_138 : vector<16xf32> to vector<16xf32>
      %slice3A_140 = vector.extract_strided_slice %get3A_139 {offsets = [0], sizes = [1], strides = [1]} : vector<16xf32> to vector<1xf32>
      %squeeze3A_141 = vector.extract %slice3A_140[0] : f32 from vector<1xf32>
      %add3A_142 = arith.addi %mul3A_32, %add3A_84 : i32
      %get3A_143 = arith.index_cast %add3A_142 : i32 to index
      %get3A_144 = tpu.vector_load %arg7[%get3A_143] {strides = array<i32>} : memref<4112xf32, #tpu.memory_space<vmem>>, vector<16xf32>,
      %get3A_145 = vector.shape_cast %get3A_144 : vector<16xf32> to vector<16xf32>
      %slice3A_146 = vector.extract_strided_slice %get3A_145 {offsets = [0], sizes = [1], strides = [1]} : vector<16xf32> to vector<1xf32>
      %squeeze3A_147 = vector.extract %slice3A_146[0] : f32 from vector<1xf32>
      %add3A_148 = arith.addi %mul3A_32, %add3A_84 : i32
      %get3A_149 = arith.index_cast %add3A_148 : i32 to index
      %get3A_150 = tpu.vector_load %arg8[%get3A_149] {strides = array<i32>} : memref<4112xf32, #tpu.memory_space<vmem>>, vector<16xf32>,
      %get3A_151 = vector.shape_cast %get3A_150 : vector<16xf32> to vector<16xf32>
      %slice3A_152 = vector.extract_strided_slice %get3A_151 {offsets = [0], sizes = [1], strides = [1]} : vector<16xf32> to vector<1xf32>
      %squeeze3A_153 = vector.extract %slice3A_152[0] : f32 from vector<1xf32>
      %swap3A = arith.constant 0 : i32
      %swap3A_154 = arith.constant 0 : i32
      %swap3A_155 = arith.index_cast %swap3A_154 : i32 to index
      %swap3A_156 = memref.load %arg11[%swap3A_155] : memref<4xi32, #tpu.memory_space<smem>>
      memref.store %swap3A, %arg11[%swap3A_155] : memref<4xi32, #tpu.memory_space<smem>>
      %swap3A_157 = arith.constant 0 : i32
      %swap3A_158 = arith.constant 1 : i32
      %swap3A_159 = arith.index_cast %swap3A_158 : i32 to index
      %swap3A_160 = memref.load %arg11[%swap3A_159] : memref<4xi32, #tpu.memory_space<smem>>
      memref.store %swap3A_157, %arg11[%swap3A_159] : memref<4xi32, #tpu.memory_space<smem>>
      %swap3A_161 = arith.constant 0 : i32
      %swap3A_162 = arith.constant 2 : i32
      %swap3A_163 = arith.index_cast %swap3A_162 : i32 to index
      %swap3A_164 = memref.load %arg11[%swap3A_163] : memref<4xi32, #tpu.memory_space<smem>>
      memref.store %swap3A_161, %arg11[%swap3A_163] : memref<4xi32, #tpu.memory_space<smem>>
      %swap3A_165 = arith.constant 0 : i32
      %swap3A_166 = arith.constant 3 : i32
      %swap3A_167 = arith.index_cast %swap3A_166 : i32 to index
      %swap3A_168 = memref.load %arg11[%swap3A_167] : memref<4xi32, #tpu.memory_space<smem>>
      memref.store %swap3A_165, %arg11[%swap3A_167] : memref<4xi32, #tpu.memory_space<smem>>
      %scan3A_169 = arith.constant 0 : i32
      %scan3A_170 = arith.constant 0 : i32
      %scan3A_171 = arith.constant 32 : i32
      %scan3A_172 = arith.addi %scan3A_170, %scan3A_171 : i32
      %scan3A_173 = arith.constant 1 : i32
      scf.for %scan3A_342 = %scan3A_170 to %scan3A_172 step %scan3A_173  : i32 {
        %get3A_343 = arith.constant 0 : i32
        %get3A_344 = arith.index_cast %get3A_343 : i32 to index
        %get3A_345 = memref.load %arg11[%get3A_344] : memref<4xi32, #tpu.memory_space<smem>>
        %get3A_346 = arith.constant 1 : i32
        %get3A_347 = arith.index_cast %get3A_346 : i32 to index
        %get3A_348 = memref.load %arg11[%get3A_347] : memref<4xi32, #tpu.memory_space<smem>>
        %get3A_349 = arith.constant 2 : i32
        %get3A_350 = arith.index_cast %get3A_349 : i32 to index
        %get3A_351 = memref.load %arg11[%get3A_350] : memref<4xi32, #tpu.memory_space<smem>>
        %get3A_352 = arith.constant 3 : i32
        %get3A_353 = arith.index_cast %get3A_352 : i32 to index
        %get3A_354 = memref.load %arg11[%get3A_353] : memref<4xi32, #tpu.memory_space<smem>>
        %min3A_355 = arith.minsi %get3A_345, %get3A_348 : i32
        %min3A_356 = arith.minsi %min3A_355, %get3A_351 : i32
        %min3A_357 = arith.minsi %min3A_356, %get3A_354 : i32
        %lt3A_358 = arith.constant 32 : i32
        %lt3A_359 = arith.cmpi slt, %min3A_357, %lt3A_358 : i32
        %convert_element_type3A = arith.extui %lt3A_359 : i1 to i32
        %cond3A = arith.constant 0 : i32
        %cond3A_360 = arith.cmpi ne, %convert_element_type3A, %cond3A : i32
        scf.if %cond3A_360 {
          %mul3A_361 = arith.constant 8 : i32
          %mul3A_362 = arith.muli %scan3A_342, %mul3A_361 : i32
          %add3A_363 = arith.constant 0 : i32
          %add3A_364 = arith.addi %mul3A_362, %add3A_363 : i32
          %mul3A_365 = arith.constant 16 : i32
          %mul3A_366 = arith.muli %add3A_364, %mul3A_365 : i32
          %get3A_367 = arith.index_cast %mul3A_366 : i32 to index
          %get3A_368 = tpu.vector_load %arg6[%get3A_367] {strides = array<i32>} : memref<4112xf32, #tpu.memory_space<vmem>>, vector<16xf32>,
          %get3A_369 = vector.shape_cast %get3A_368 : vector<16xf32> to vector<16xf32>
          %get3A_370 = arith.index_cast %mul3A_366 : i32 to index
          %get3A_371 = tpu.vector_load %arg7[%get3A_370] {strides = array<i32>} : memref<4112xf32, #tpu.memory_space<vmem>>, vector<16xf32>,
          %get3A_372 = vector.shape_cast %get3A_371 : vector<16xf32> to vector<16xf32>
          %get3A_373 = arith.index_cast %mul3A_366 : i32 to index
          %get3A_374 = tpu.vector_load %arg8[%get3A_373] {strides = array<i32>} : memref<4112xf32, #tpu.memory_space<vmem>>, vector<16xf32>,
          %get3A_375 = vector.shape_cast %get3A_374 : vector<16xf32> to vector<16xf32>
          %add3A_376 = arith.addi %mul3A_34, %mul3A_366 : i32
          %add3A_377 = vector.broadcast %add3A_376 : i32 to vector<16xi32>
          %add3A_378 = arith.addi %add3A_377, %iota3A : vector<16xi32>
          %sub3A_379 = vector.broadcast %squeeze3A : f32 to vector<16xf32>
          %sub3A_380 = arith.subf %get3A_369, %sub3A_379 : vector<16xf32>
          %sub3A_381 = vector.broadcast %squeeze3A_93 : f32 to vector<16xf32>
          %sub3A_382 = arith.subf %get3A_372, %sub3A_381 : vector<16xf32>
          %sub3A_383 = vector.broadcast %squeeze3A_99 : f32 to vector<16xf32>
          %sub3A_384 = arith.subf %get3A_375, %sub3A_383 : vector<16xf32>
          %mul3A_385 = arith.mulf %sub3A_380, %sub3A_380 : vector<16xf32>
          %mul3A_386 = arith.mulf %sub3A_382, %sub3A_382 : vector<16xf32>
          %add3A_387 = arith.addf %mul3A_385, %mul3A_386 : vector<16xf32>
          %mul3A_388 = arith.mulf %sub3A_384, %sub3A_384 : vector<16xf32>
          %add3A_389 = arith.addf %add3A_387, %mul3A_388 : vector<16xf32>
          %lt3A_390 = arith.constant 4.000000e-02 : f32
          %lt3A_391 = vector.broadcast %lt3A_390 : f32 to vector<16xf32>
          %lt3A_392 = arith.cmpf olt, %add3A_389, %lt3A_391 : vector<16xf32>
          %jit3A_393 = arith.constant 1 : i32
          %jit3A_394 = arith.constant 0 : i32
          %broadcast_in_dim3A_395 = vector.broadcast %jit3A_393 : i32 to vector<16xi32>
          %broadcast_in_dim3A_396 = vector.broadcast %jit3A_394 : i32 to vector<16xi32>
          %select_n3A_397 = arith.select %lt3A_392, %broadcast_in_dim3A_395, %broadcast_in_dim3A_396 : vector<16xi1>, vector<16xi32>
          %ge3A = arith.constant 1 : i32
          %ge3A_398 = vector.broadcast %ge3A : i32 to vector<16xi32>
          %ge3A_399 = arith.cmpi sge, %iota3A, %ge3A_398 : vector<16xi32>
          %broadcast_in_dim3A_400 = vector.shape_cast %max3A_39 : vector<16xi32> to vector<16x1xi32>
          %gather3A = vector.shape_cast %broadcast_in_dim3A_400 : vector<16x1xi32> to vector<16xi32>
          %gather3A_401 = tpu.dynamic_gather %select_n3A_397[%gather3A] in [0] : vector<16xi32>, vector<16xi32> -> vector<16xi32>
          %jit3A_402 = arith.constant 0 : i32
          %broadcast_in_dim3A_403 = vector.broadcast %jit3A_402 : i32 to vector<16xi32>
          %select_n3A_404 = arith.select %ge3A_399, %gather3A_401, %broadcast_in_dim3A_403 : vector<16xi1>, vector<16xi32>
          %add3A_405 = arith.addi %select_n3A_397, %select_n3A_404 : vector<16xi32>
          %ge3A_406 = arith.constant 2 : i32
          %ge3A_407 = vector.broadcast %ge3A_406 : i32 to vector<16xi32>
          %ge3A_408 = arith.cmpi sge, %iota3A, %ge3A_407 : vector<16xi32>
          %broadcast_in_dim3A_409 = vector.shape_cast %max3A_45 : vector<16xi32> to vector<16x1xi32>
          %gather3A_410 = vector.shape_cast %broadcast_in_dim3A_409 : vector<16x1xi32> to vector<16xi32>
          %gather3A_411 = tpu.dynamic_gather %add3A_405[%gather3A_410] in [0] : vector<16xi32>, vector<16xi32> -> vector<16xi32>
          %jit3A_412 = arith.constant 0 : i32
          %broadcast_in_dim3A_413 = vector.broadcast %jit3A_412 : i32 to vector<16xi32>
          %select_n3A_414 = arith.select %ge3A_408, %gather3A_411, %broadcast_in_dim3A_413 : vector<16xi1>, vector<16xi32>
          %add3A_415 = arith.addi %add3A_405, %select_n3A_414 : vector<16xi32>
          %ge3A_416 = arith.constant 4 : i32
          %ge3A_417 = vector.broadcast %ge3A_416 : i32 to vector<16xi32>
          %ge3A_418 = arith.cmpi sge, %iota3A, %ge3A_417 : vector<16xi32>
          %broadcast_in_dim3A_419 = vector.shape_cast %max3A_51 : vector<16xi32> to vector<16x1xi32>
          %gather3A_420 = vector.shape_cast %broadcast_in_dim3A_419 : vector<16x1xi32> to vector<16xi32>
          %gather3A_421 = tpu.dynamic_gather %add3A_415[%gather3A_420] in [0] : vector<16xi32>, vector<16xi32> -> vector<16xi32>
          %jit3A_422 = arith.constant 0 : i32
          %broadcast_in_dim3A_423 = vector.broadcast %jit3A_422 : i32 to vector<16xi32>
          %select_n3A_424 = arith.select %ge3A_418, %gather3A_421, %broadcast_in_dim3A_423 : vector<16xi1>, vector<16xi32>
          %add3A_425 = arith.addi %add3A_415, %select_n3A_424 : vector<16xi32>
          %ge3A_426 = arith.constant 8 : i32
          %ge3A_427 = vector.broadcast %ge3A_426 : i32 to vector<16xi32>
          %ge3A_428 = arith.cmpi sge, %iota3A, %ge3A_427 : vector<16xi32>
          %broadcast_in_dim3A_429 = vector.shape_cast %max3A_57 : vector<16xi32> to vector<16x1xi32>
          %gather3A_430 = vector.shape_cast %broadcast_in_dim3A_429 : vector<16x1xi32> to vector<16xi32>
          %gather3A_431 = tpu.dynamic_gather %add3A_425[%gather3A_430] in [0] : vector<16xi32>, vector<16xi32> -> vector<16xi32>
          %jit3A_432 = arith.constant 0 : i32
          %broadcast_in_dim3A_433 = vector.broadcast %jit3A_432 : i32 to vector<16xi32>
          %select_n3A_434 = arith.select %ge3A_428, %gather3A_431, %broadcast_in_dim3A_433 : vector<16xi1>, vector<16xi32>
          %add3A_435 = arith.addi %add3A_425, %select_n3A_434 : vector<16xi32>
          %broadcast_in_dim3A_436 = arith.constant 0 : i32
          %broadcast_in_dim3A_437 = vector.broadcast %broadcast_in_dim3A_436 : i32 to vector<16xi32>
          %add3A_438 = arith.constant 7 : i32
          %add3A_439 = vector.broadcast %add3A_438 : i32 to vector<16xi32>
          %add3A_440 = arith.addi %broadcast_in_dim3A_437, %add3A_439 : vector<16xi32>
          %min3A_441 = arith.minsi %add3A_440, %broadcast_in_dim3A_58 : vector<16xi32>
          %broadcast_in_dim3A_442 = vector.shape_cast %min3A_441 : vector<16xi32> to vector<16x1xi32>
          %gather3A_443 = vector.shape_cast %broadcast_in_dim3A_442 : vector<16x1xi32> to vector<16xi32>
          %gather3A_444 = tpu.dynamic_gather %add3A_435[%gather3A_443] in [0] : vector<16xi32>, vector<16xi32> -> vector<16xi32>
          %le3A = arith.cmpi sle, %gather3A_444, %iota3A : vector<16xi32>
          %jit3A_445 = arith.constant 8 : i32
          %jit3A_446 = arith.constant 0 : i32
          %broadcast_in_dim3A_447 = vector.broadcast %jit3A_445 : i32 to vector<16xi32>
          %broadcast_in_dim3A_448 = vector.broadcast %jit3A_446 : i32 to vector<16xi32>
          %select_n3A_449 = arith.select %le3A, %broadcast_in_dim3A_447, %broadcast_in_dim3A_448 : vector<16xi1>, vector<16xi32>
          %add3A_450 = arith.addi %broadcast_in_dim3A_437, %select_n3A_449 : vector<16xi32>
          %add3A_451 = arith.constant 3 : i32
          %add3A_452 = vector.broadcast %add3A_451 : i32 to vector<16xi32>
          %add3A_453 = arith.addi %add3A_450, %add3A_452 : vector<16xi32>
          %min3A_454 = arith.minsi %add3A_453, %broadcast_in_dim3A_58 : vector<16xi32>
          %broadcast_in_dim3A_455 = vector.shape_cast %min3A_454 : vector<16xi32> to vector<16x1xi32>
          %gather3A_456 = vector.shape_cast %broadcast_in_dim3A_455 : vector<16x1xi32> to vector<16xi32>
          %gather3A_457 = tpu.dynamic_gather %add3A_435[%gather3A_456] in [0] : vector<16xi32>, vector<16xi32> -> vector<16xi32>
          %le3A_458 = arith.cmpi sle, %gather3A_457, %iota3A : vector<16xi32>
          %jit3A_459 = arith.constant 4 : i32
          %jit3A_460 = arith.constant 0 : i32
          %broadcast_in_dim3A_461 = vector.broadcast %jit3A_459 : i32 to vector<16xi32>
          %broadcast_in_dim3A_462 = vector.broadcast %jit3A_460 : i32 to vector<16xi32>
          %select_n3A_463 = arith.select %le3A_458, %broadcast_in_dim3A_461, %broadcast_in_dim3A_462 : vector<16xi1>, vector<16xi32>
          %add3A_464 = arith.addi %add3A_450, %select_n3A_463 : vector<16xi32>
          %add3A_465 = arith.constant 1 : i32
          %add3A_466 = vector.broadcast %add3A_465 : i32 to vector<16xi32>
          %add3A_467 = arith.addi %add3A_464, %add3A_466 : vector<16xi32>
          %min3A_468 = arith.minsi %add3A_467, %broadcast_in_dim3A_58 : vector<16xi32>
          %broadcast_in_dim3A_469 = vector.shape_cast %min3A_468 : vector<16xi32> to vector<16x1xi32>
          %gather3A_470 = vector.shape_cast %broadcast_in_dim3A_469 : vector<16x1xi32> to vector<16xi32>
          %gather3A_471 = tpu.dynamic_gather %add3A_435[%gather3A_470] in [0] : vector<16xi32>, vector<16xi32> -> vector<16xi32>
          %le3A_472 = arith.cmpi sle, %gather3A_471, %iota3A : vector<16xi32>
          %jit3A_473 = arith.constant 2 : i32
          %jit3A_474 = arith.constant 0 : i32
          %broadcast_in_dim3A_475 = vector.broadcast %jit3A_473 : i32 to vector<16xi32>
          %broadcast_in_dim3A_476 = vector.broadcast %jit3A_474 : i32 to vector<16xi32>
          %select_n3A_477 = arith.select %le3A_472, %broadcast_in_dim3A_475, %broadcast_in_dim3A_476 : vector<16xi1>, vector<16xi32>
          %add3A_478 = arith.addi %add3A_464, %select_n3A_477 : vector<16xi32>
          %add3A_479 = arith.constant 0 : i32
          %add3A_480 = vector.broadcast %add3A_479 : i32 to vector<16xi32>
          %add3A_481 = arith.addi %add3A_478, %add3A_480 : vector<16xi32>
          %min3A_482 = arith.minsi %add3A_481, %broadcast_in_dim3A_58 : vector<16xi32>
          %broadcast_in_dim3A_483 = vector.shape_cast %min3A_482 : vector<16xi32> to vector<16x1xi32>
          %gather3A_484 = vector.shape_cast %broadcast_in_dim3A_483 : vector<16x1xi32> to vector<16xi32>
          %gather3A_485 = tpu.dynamic_gather %add3A_435[%gather3A_484] in [0] : vector<16xi32>, vector<16xi32> -> vector<16xi32>
          %le3A_486 = arith.cmpi sle, %gather3A_485, %iota3A : vector<16xi32>
          %jit3A_487 = arith.constant 1 : i32
          %jit3A_488 = arith.constant 0 : i32
          %broadcast_in_dim3A_489 = vector.broadcast %jit3A_487 : i32 to vector<16xi32>
          %broadcast_in_dim3A_490 = vector.broadcast %jit3A_488 : i32 to vector<16xi32>
          %select_n3A_491 = arith.select %le3A_486, %broadcast_in_dim3A_489, %broadcast_in_dim3A_490 : vector<16xi1>, vector<16xi32>
          %add3A_492 = arith.addi %add3A_478, %select_n3A_491 : vector<16xi32>
          %broadcast_in_dim3A_493 = vector.shape_cast %add3A_492 : vector<16xi32> to vector<16x1xi32>
          %gather3A_494 = vector.shape_cast %broadcast_in_dim3A_493 : vector<16x1xi32> to vector<16xi32>
          %gather3A_495 = tpu.dynamic_gather %add3A_378[%gather3A_494] in [0] : vector<16xi32>, vector<16xi32> -> vector<16xi32>
          %slice3A_496 = vector.extract_strided_slice %add3A_435 {offsets = [15], sizes = [1], strides = [1]} : vector<16xi32> to vector<1xi32>
          %squeeze3A_497 = vector.extract %slice3A_496[0] : i32 from vector<1xi32>
          %min3A_498 = arith.constant 32 : i32
          %min3A_499 = arith.minsi %get3A_345, %min3A_498 : i32
          %swap3A_500 = arith.constant 0 : i32
          %swap3A_501 = arith.index_cast %swap3A_500 : i32 to index
          %swap3A_502 = arith.index_cast %min3A_499 : i32 to index
          %swap3A_503 = tpu.vector_load %arg9[%swap3A_501, %swap3A_502] {strides = array<i32>} : memref<4x64xi32, #tpu.memory_space<vmem>>, vector<1x16xi32>,
          %swap3A_504 = vector.shape_cast %swap3A_503 : vector<1x16xi32> to vector<16xi32>
          %swap3A_505 = vector.shape_cast %gather3A_495 : vector<16xi32> to vector<1x16xi32>
          tpu.vector_store %arg9[%swap3A_501, %swap3A_502], %swap3A_505 {strides = array<i32>} : memref<4x64xi32, #tpu.memory_space<vmem>>, vector<1x16xi32>,
          %add3A_506 = arith.addi %get3A_345, %squeeze3A_497 : i32
          %sub3A_507 = vector.broadcast %squeeze3A_105 : f32 to vector<16xf32>
          %sub3A_508 = arith.subf %get3A_369, %sub3A_507 : vector<16xf32>
          %sub3A_509 = vector.broadcast %squeeze3A_111 : f32 to vector<16xf32>
          %sub3A_510 = arith.subf %get3A_372, %sub3A_509 : vector<16xf32>
          %sub3A_511 = vector.broadcast %squeeze3A_117 : f32 to vector<16xf32>
          %sub3A_512 = arith.subf %get3A_375, %sub3A_511 : vector<16xf32>
          %mul3A_513 = arith.mulf %sub3A_508, %sub3A_508 : vector<16xf32>
          %mul3A_514 = arith.mulf %sub3A_510, %sub3A_510 : vector<16xf32>
          %add3A_515 = arith.addf %mul3A_513, %mul3A_514 : vector<16xf32>
          %mul3A_516 = arith.mulf %sub3A_512, %sub3A_512 : vector<16xf32>
          %add3A_517 = arith.addf %add3A_515, %mul3A_516 : vector<16xf32>
          %lt3A_518 = arith.constant 4.000000e-02 : f32
          %lt3A_519 = vector.broadcast %lt3A_518 : f32 to vector<16xf32>
          %lt3A_520 = arith.cmpf olt, %add3A_517, %lt3A_519 : vector<16xf32>
          %jit3A_521 = arith.constant 1 : i32
          %jit3A_522 = arith.constant 0 : i32
          %broadcast_in_dim3A_523 = vector.broadcast %jit3A_521 : i32 to vector<16xi32>
          %broadcast_in_dim3A_524 = vector.broadcast %jit3A_522 : i32 to vector<16xi32>
          %select_n3A_525 = arith.select %lt3A_520, %broadcast_in_dim3A_523, %broadcast_in_dim3A_524 : vector<16xi1>, vector<16xi32>
          %ge3A_526 = arith.constant 1 : i32
          %ge3A_527 = vector.broadcast %ge3A_526 : i32 to vector<16xi32>
          %ge3A_528 = arith.cmpi sge, %iota3A, %ge3A_527 : vector<16xi32>
          %broadcast_in_dim3A_529 = vector.shape_cast %max3A_39 : vector<16xi32> to vector<16x1xi32>
          %gather3A_530 = vector.shape_cast %broadcast_in_dim3A_529 : vector<16x1xi32> to vector<16xi32>
          %gather3A_531 = tpu.dynamic_gather %select_n3A_525[%gather3A_530] in [0] : vector<16xi32>, vector<16xi32> -> vector<16xi32>
          %jit3A_532 = arith.constant 0 : i32
          %broadcast_in_dim3A_533 = vector.broadcast %jit3A_532 : i32 to vector<16xi32>
          %select_n3A_534 = arith.select %ge3A_528, %gather3A_531, %broadcast_in_dim3A_533 : vector<16xi1>, vector<16xi32>
          %add3A_535 = arith.addi %select_n3A_525, %select_n3A_534 : vector<16xi32>
          %ge3A_536 = arith.constant 2 : i32
          %ge3A_537 = vector.broadcast %ge3A_536 : i32 to vector<16xi32>
          %ge3A_538 = arith.cmpi sge, %iota3A, %ge3A_537 : vector<16xi32>
          %broadcast_in_dim3A_539 = vector.shape_cast %max3A_45 : vector<16xi32> to vector<16x1xi32>
          %gather3A_540 = vector.shape_cast %broadcast_in_dim3A_539 : vector<16x1xi32> to vector<16xi32>
          %gather3A_541 = tpu.dynamic_gather %add3A_535[%gather3A_540] in [0] : vector<16xi32>, vector<16xi32> -> vector<16xi32>
          %jit3A_542 = arith.constant 0 : i32
          %broadcast_in_dim3A_543 = vector.broadcast %jit3A_542 : i32 to vector<16xi32>
          %select_n3A_544 = arith.select %ge3A_538, %gather3A_541, %broadcast_in_dim3A_543 : vector<16xi1>, vector<16xi32>
          %add3A_545 = arith.addi %add3A_535, %select_n3A_544 : vector<16xi32>
          %ge3A_546 = arith.constant 4 : i32
          %ge3A_547 = vector.broadcast %ge3A_546 : i32 to vector<16xi32>
          %ge3A_548 = arith.cmpi sge, %iota3A, %ge3A_547 : vector<16xi32>
          %broadcast_in_dim3A_549 = vector.shape_cast %max3A_51 : vector<16xi32> to vector<16x1xi32>
          %gather3A_550 = vector.shape_cast %broadcast_in_dim3A_549 : vector<16x1xi32> to vector<16xi32>
          %gather3A_551 = tpu.dynamic_gather %add3A_545[%gather3A_550] in [0] : vector<16xi32>, vector<16xi32> -> vector<16xi32>
          %jit3A_552 = arith.constant 0 : i32
          %broadcast_in_dim3A_553 = vector.broadcast %jit3A_552 : i32 to vector<16xi32>
          %select_n3A_554 = arith.select %ge3A_548, %gather3A_551, %broadcast_in_dim3A_553 : vector<16xi1>, vector<16xi32>
          %add3A_555 = arith.addi %add3A_545, %select_n3A_554 : vector<16xi32>
          %ge3A_556 = arith.constant 8 : i32
          %ge3A_557 = vector.broadcast %ge3A_556 : i32 to vector<16xi32>
          %ge3A_558 = arith.cmpi sge, %iota3A, %ge3A_557 : vector<16xi32>
          %broadcast_in_dim3A_559 = vector.shape_cast %max3A_57 : vector<16xi32> to vector<16x1xi32>
          %gather3A_560 = vector.shape_cast %broadcast_in_dim3A_559 : vector<16x1xi32> to vector<16xi32>
          %gather3A_561 = tpu.dynamic_gather %add3A_555[%gather3A_560] in [0] : vector<16xi32>, vector<16xi32> -> vector<16xi32>
          %jit3A_562 = arith.constant 0 : i32
          %broadcast_in_dim3A_563 = vector.broadcast %jit3A_562 : i32 to vector<16xi32>
          %select_n3A_564 = arith.select %ge3A_558, %gather3A_561, %broadcast_in_dim3A_563 : vector<16xi1>, vector<16xi32>
          %add3A_565 = arith.addi %add3A_555, %select_n3A_564 : vector<16xi32>
          %broadcast_in_dim3A_566 = arith.constant 0 : i32
          %broadcast_in_dim3A_567 = vector.broadcast %broadcast_in_dim3A_566 : i32 to vector<16xi32>
          %add3A_568 = arith.constant 7 : i32
          %add3A_569 = vector.broadcast %add3A_568 : i32 to vector<16xi32>
          %add3A_570 = arith.addi %broadcast_in_dim3A_567, %add3A_569 : vector<16xi32>
          %min3A_571 = arith.minsi %add3A_570, %broadcast_in_dim3A_58 : vector<16xi32>
          %broadcast_in_dim3A_572 = vector.shape_cast %min3A_571 : vector<16xi32> to vector<16x1xi32>
          %gather3A_573 = vector.shape_cast %broadcast_in_dim3A_572 : vector<16x1xi32> to vector<16xi32>
          %gather3A_574 = tpu.dynamic_gather %add3A_565[%gather3A_573] in [0] : vector<16xi32>, vector<16xi32> -> vector<16xi32>
          %le3A_575 = arith.cmpi sle, %gather3A_574, %iota3A : vector<16xi32>
          %jit3A_576 = arith.constant 8 : i32
          %jit3A_577 = arith.constant 0 : i32
          %broadcast_in_dim3A_578 = vector.broadcast %jit3A_576 : i32 to vector<16xi32>
          %broadcast_in_dim3A_579 = vector.broadcast %jit3A_577 : i32 to vector<16xi32>
          %select_n3A_580 = arith.select %le3A_575, %broadcast_in_dim3A_578, %broadcast_in_dim3A_579 : vector<16xi1>, vector<16xi32>
          %add3A_581 = arith.addi %broadcast_in_dim3A_567, %select_n3A_580 : vector<16xi32>
          %add3A_582 = arith.constant 3 : i32
          %add3A_583 = vector.broadcast %add3A_582 : i32 to vector<16xi32>
          %add3A_584 = arith.addi %add3A_581, %add3A_583 : vector<16xi32>
          %min3A_585 = arith.minsi %add3A_584, %broadcast_in_dim3A_58 : vector<16xi32>
          %broadcast_in_dim3A_586 = vector.shape_cast %min3A_585 : vector<16xi32> to vector<16x1xi32>
          %gather3A_587 = vector.shape_cast %broadcast_in_dim3A_586 : vector<16x1xi32> to vector<16xi32>
          %gather3A_588 = tpu.dynamic_gather %add3A_565[%gather3A_587] in [0] : vector<16xi32>, vector<16xi32> -> vector<16xi32>
          %le3A_589 = arith.cmpi sle, %gather3A_588, %iota3A : vector<16xi32>
          %jit3A_590 = arith.constant 4 : i32
          %jit3A_591 = arith.constant 0 : i32
          %broadcast_in_dim3A_592 = vector.broadcast %jit3A_590 : i32 to vector<16xi32>
          %broadcast_in_dim3A_593 = vector.broadcast %jit3A_591 : i32 to vector<16xi32>
          %select_n3A_594 = arith.select %le3A_589, %broadcast_in_dim3A_592, %broadcast_in_dim3A_593 : vector<16xi1>, vector<16xi32>
          %add3A_595 = arith.addi %add3A_581, %select_n3A_594 : vector<16xi32>
          %add3A_596 = arith.constant 1 : i32
          %add3A_597 = vector.broadcast %add3A_596 : i32 to vector<16xi32>
          %add3A_598 = arith.addi %add3A_595, %add3A_597 : vector<16xi32>
          %min3A_599 = arith.minsi %add3A_598, %broadcast_in_dim3A_58 : vector<16xi32>
          %broadcast_in_dim3A_600 = vector.shape_cast %min3A_599 : vector<16xi32> to vector<16x1xi32>
          %gather3A_601 = vector.shape_cast %broadcast_in_dim3A_600 : vector<16x1xi32> to vector<16xi32>
          %gather3A_602 = tpu.dynamic_gather %add3A_565[%gather3A_601] in [0] : vector<16xi32>, vector<16xi32> -> vector<16xi32>
          %le3A_603 = arith.cmpi sle, %gather3A_602, %iota3A : vector<16xi32>
          %jit3A_604 = arith.constant 2 : i32
          %jit3A_605 = arith.constant 0 : i32
          %broadcast_in_dim3A_606 = vector.broadcast %jit3A_604 : i32 to vector<16xi32>
          %broadcast_in_dim3A_607 = vector.broadcast %jit3A_605 : i32 to vector<16xi32>
          %select_n3A_608 = arith.select %le3A_603, %broadcast_in_dim3A_606, %broadcast_in_dim3A_607 : vector<16xi1>, vector<16xi32>
          %add3A_609 = arith.addi %add3A_595, %select_n3A_608 : vector<16xi32>
          %add3A_610 = arith.constant 0 : i32
          %add3A_611 = vector.broadcast %add3A_610 : i32 to vector<16xi32>
          %add3A_612 = arith.addi %add3A_609, %add3A_611 : vector<16xi32>
          %min3A_613 = arith.minsi %add3A_612, %broadcast_in_dim3A_58 : vector<16xi32>
          %broadcast_in_dim3A_614 = vector.shape_cast %min3A_613 : vector<16xi32> to vector<16x1xi32>
          %gather3A_615 = vector.shape_cast %broadcast_in_dim3A_614 : vector<16x1xi32> to vector<16xi32>
          %gather3A_616 = tpu.dynamic_gather %add3A_565[%gather3A_615] in [0] : vector<16xi32>, vector<16xi32> -> vector<16xi32>
          %le3A_617 = arith.cmpi sle, %gather3A_616, %iota3A : vector<16xi32>
          %jit3A_618 = arith.constant 1 : i32
          %jit3A_619 = arith.constant 0 : i32
          %broadcast_in_dim3A_620 = vector.broadcast %jit3A_618 : i32 to vector<16xi32>
          %broadcast_in_dim3A_621 = vector.broadcast %jit3A_619 : i32 to vector<16xi32>
          %select_n3A_622 = arith.select %le3A_617, %broadcast_in_dim3A_620, %broadcast_in_dim3A_621 : vector<16xi1>, vector<16xi32>
          %add3A_623 = arith.addi %add3A_609, %select_n3A_622 : vector<16xi32>
          %broadcast_in_dim3A_624 = vector.shape_cast %add3A_623 : vector<16xi32> to vector<16x1xi32>
          %gather3A_625 = vector.shape_cast %broadcast_in_dim3A_624 : vector<16x1xi32> to vector<16xi32>
          %gather3A_626 = tpu.dynamic_gather %add3A_378[%gather3A_625] in [0] : vector<16xi32>, vector<16xi32> -> vector<16xi32>
          %slice3A_627 = vector.extract_strided_slice %add3A_565 {offsets = [15], sizes = [1], strides = [1]} : vector<16xi32> to vector<1xi32>
          %squeeze3A_628 = vector.extract %slice3A_627[0] : i32 from vector<1xi32>
          %min3A_629 = arith.constant 32 : i32
          %min3A_630 = arith.minsi %get3A_348, %min3A_629 : i32
          %swap3A_631 = arith.constant 1 : i32
          %swap3A_632 = arith.index_cast %swap3A_631 : i32 to index
          %swap3A_633 = arith.index_cast %min3A_630 : i32 to index
          %swap3A_634 = tpu.vector_load %arg9[%swap3A_632, %swap3A_633] {strides = array<i32>} : memref<4x64xi32, #tpu.memory_space<vmem>>, vector<1x16xi32>,
          %swap3A_635 = vector.shape_cast %swap3A_634 : vector<1x16xi32> to vector<16xi32>
          %swap3A_636 = vector.shape_cast %gather3A_626 : vector<16xi32> to vector<1x16xi32>
          tpu.vector_store %arg9[%swap3A_632, %swap3A_633], %swap3A_636 {strides = array<i32>} : memref<4x64xi32, #tpu.memory_space<vmem>>, vector<1x16xi32>,
          %add3A_637 = arith.addi %get3A_348, %squeeze3A_628 : i32
          %sub3A_638 = vector.broadcast %squeeze3A_123 : f32 to vector<16xf32>
          %sub3A_639 = arith.subf %get3A_369, %sub3A_638 : vector<16xf32>
          %sub3A_640 = vector.broadcast %squeeze3A_129 : f32 to vector<16xf32>
          %sub3A_641 = arith.subf %get3A_372, %sub3A_640 : vector<16xf32>
          %sub3A_642 = vector.broadcast %squeeze3A_135 : f32 to vector<16xf32>
          %sub3A_643 = arith.subf %get3A_375, %sub3A_642 : vector<16xf32>
          %mul3A_644 = arith.mulf %sub3A_639, %sub3A_639 : vector<16xf32>
          %mul3A_645 = arith.mulf %sub3A_641, %sub3A_641 : vector<16xf32>
          %add3A_646 = arith.addf %mul3A_644, %mul3A_645 : vector<16xf32>
          %mul3A_647 = arith.mulf %sub3A_643, %sub3A_643 : vector<16xf32>
          %add3A_648 = arith.addf %add3A_646, %mul3A_647 : vector<16xf32>
          %lt3A_649 = arith.constant 4.000000e-02 : f32
          %lt3A_650 = vector.broadcast %lt3A_649 : f32 to vector<16xf32>
          %lt3A_651 = arith.cmpf olt, %add3A_648, %lt3A_650 : vector<16xf32>
          %jit3A_652 = arith.constant 1 : i32
          %jit3A_653 = arith.constant 0 : i32
          %broadcast_in_dim3A_654 = vector.broadcast %jit3A_652 : i32 to vector<16xi32>
          %broadcast_in_dim3A_655 = vector.broadcast %jit3A_653 : i32 to vector<16xi32>
          %select_n3A_656 = arith.select %lt3A_651, %broadcast_in_dim3A_654, %broadcast_in_dim3A_655 : vector<16xi1>, vector<16xi32>
          %ge3A_657 = arith.constant 1 : i32
          %ge3A_658 = vector.broadcast %ge3A_657 : i32 to vector<16xi32>
          %ge3A_659 = arith.cmpi sge, %iota3A, %ge3A_658 : vector<16xi32>
          %broadcast_in_dim3A_660 = vector.shape_cast %max3A_39 : vector<16xi32> to vector<16x1xi32>
          %gather3A_661 = vector.shape_cast %broadcast_in_dim3A_660 : vector<16x1xi32> to vector<16xi32>
          %gather3A_662 = tpu.dynamic_gather %select_n3A_656[%gather3A_661] in [0] : vector<16xi32>, vector<16xi32> -> vector<16xi32>
          %jit3A_663 = arith.constant 0 : i32
          %broadcast_in_dim3A_664 = vector.broadcast %jit3A_663 : i32 to vector<16xi32>
          %select_n3A_665 = arith.select %ge3A_659, %gather3A_662, %broadcast_in_dim3A_664 : vector<16xi1>, vector<16xi32>
          %add3A_666 = arith.addi %select_n3A_656, %select_n3A_665 : vector<16xi32>
          %ge3A_667 = arith.constant 2 : i32
          %ge3A_668 = vector.broadcast %ge3A_667 : i32 to vector<16xi32>
          %ge3A_669 = arith.cmpi sge, %iota3A, %ge3A_668 : vector<16xi32>
          %broadcast_in_dim3A_670 = vector.shape_cast %max3A_45 : vector<16xi32> to vector<16x1xi32>
          %gather3A_671 = vector.shape_cast %broadcast_in_dim3A_670 : vector<16x1xi32> to vector<16xi32>
          %gather3A_672 = tpu.dynamic_gather %add3A_666[%gather3A_671] in [0] : vector<16xi32>, vector<16xi32> -> vector<16xi32>
          %jit3A_673 = arith.constant 0 : i32
          %broadcast_in_dim3A_674 = vector.broadcast %jit3A_673 : i32 to vector<16xi32>
          %select_n3A_675 = arith.select %ge3A_669, %gather3A_672, %broadcast_in_dim3A_674 : vector<16xi1>, vector<16xi32>
          %add3A_676 = arith.addi %add3A_666, %select_n3A_675 : vector<16xi32>
          %ge3A_677 = arith.constant 4 : i32
          %ge3A_678 = vector.broadcast %ge3A_677 : i32 to vector<16xi32>
          %ge3A_679 = arith.cmpi sge, %iota3A, %ge3A_678 : vector<16xi32>
          %broadcast_in_dim3A_680 = vector.shape_cast %max3A_51 : vector<16xi32> to vector<16x1xi32>
          %gather3A_681 = vector.shape_cast %broadcast_in_dim3A_680 : vector<16x1xi32> to vector<16xi32>
          %gather3A_682 = tpu.dynamic_gather %add3A_676[%gather3A_681] in [0] : vector<16xi32>, vector<16xi32> -> vector<16xi32>
          %jit3A_683 = arith.constant 0 : i32
          %broadcast_in_dim3A_684 = vector.broadcast %jit3A_683 : i32 to vector<16xi32>
          %select_n3A_685 = arith.select %ge3A_679, %gather3A_682, %broadcast_in_dim3A_684 : vector<16xi1>, vector<16xi32>
          %add3A_686 = arith.addi %add3A_676, %select_n3A_685 : vector<16xi32>
          %ge3A_687 = arith.constant 8 : i32
          %ge3A_688 = vector.broadcast %ge3A_687 : i32 to vector<16xi32>
          %ge3A_689 = arith.cmpi sge, %iota3A, %ge3A_688 : vector<16xi32>
          %broadcast_in_dim3A_690 = vector.shape_cast %max3A_57 : vector<16xi32> to vector<16x1xi32>
          %gather3A_691 = vector.shape_cast %broadcast_in_dim3A_690 : vector<16x1xi32> to vector<16xi32>
          %gather3A_692 = tpu.dynamic_gather %add3A_686[%gather3A_691] in [0] : vector<16xi32>, vector<16xi32> -> vector<16xi32>
          %jit3A_693 = arith.constant 0 : i32
          %broadcast_in_dim3A_694 = vector.broadcast %jit3A_693 : i32 to vector<16xi32>
          %select_n3A_695 = arith.select %ge3A_689, %gather3A_692, %broadcast_in_dim3A_694 : vector<16xi1>, vector<16xi32>
          %add3A_696 = arith.addi %add3A_686, %select_n3A_695 : vector<16xi32>
          %broadcast_in_dim3A_697 = arith.constant 0 : i32
          %broadcast_in_dim3A_698 = vector.broadcast %broadcast_in_dim3A_697 : i32 to vector<16xi32>
          %add3A_699 = arith.constant 7 : i32
          %add3A_700 = vector.broadcast %add3A_699 : i32 to vector<16xi32>
          %add3A_701 = arith.addi %broadcast_in_dim3A_698, %add3A_700 : vector<16xi32>
          %min3A_702 = arith.minsi %add3A_701, %broadcast_in_dim3A_58 : vector<16xi32>
          %broadcast_in_dim3A_703 = vector.shape_cast %min3A_702 : vector<16xi32> to vector<16x1xi32>
          %gather3A_704 = vector.shape_cast %broadcast_in_dim3A_703 : vector<16x1xi32> to vector<16xi32>
          %gather3A_705 = tpu.dynamic_gather %add3A_696[%gather3A_704] in [0] : vector<16xi32>, vector<16xi32> -> vector<16xi32>
          %le3A_706 = arith.cmpi sle, %gather3A_705, %iota3A : vector<16xi32>
          %jit3A_707 = arith.constant 8 : i32
          %jit3A_708 = arith.constant 0 : i32
          %broadcast_in_dim3A_709 = vector.broadcast %jit3A_707 : i32 to vector<16xi32>
          %broadcast_in_dim3A_710 = vector.broadcast %jit3A_708 : i32 to vector<16xi32>
          %select_n3A_711 = arith.select %le3A_706, %broadcast_in_dim3A_709, %broadcast_in_dim3A_710 : vector<16xi1>, vector<16xi32>
          %add3A_712 = arith.addi %broadcast_in_dim3A_698, %select_n3A_711 : vector<16xi32>
          %add3A_713 = arith.constant 3 : i32
          %add3A_714 = vector.broadcast %add3A_713 : i32 to vector<16xi32>
          %add3A_715 = arith.addi %add3A_712, %add3A_714 : vector<16xi32>
          %min3A_716 = arith.minsi %add3A_715, %broadcast_in_dim3A_58 : vector<16xi32>
          %broadcast_in_dim3A_717 = vector.shape_cast %min3A_716 : vector<16xi32> to vector<16x1xi32>
          %gather3A_718 = vector.shape_cast %broadcast_in_dim3A_717 : vector<16x1xi32> to vector<16xi32>
          %gather3A_719 = tpu.dynamic_gather %add3A_696[%gather3A_718] in [0] : vector<16xi32>, vector<16xi32> -> vector<16xi32>
          %le3A_720 = arith.cmpi sle, %gather3A_719, %iota3A : vector<16xi32>
          %jit3A_721 = arith.constant 4 : i32
          %jit3A_722 = arith.constant 0 : i32
          %broadcast_in_dim3A_723 = vector.broadcast %jit3A_721 : i32 to vector<16xi32>
          %broadcast_in_dim3A_724 = vector.broadcast %jit3A_722 : i32 to vector<16xi32>
          %select_n3A_725 = arith.select %le3A_720, %broadcast_in_dim3A_723, %broadcast_in_dim3A_724 : vector<16xi1>, vector<16xi32>
          %add3A_726 = arith.addi %add3A_712, %select_n3A_725 : vector<16xi32>
          %add3A_727 = arith.constant 1 : i32
          %add3A_728 = vector.broadcast %add3A_727 : i32 to vector<16xi32>
          %add3A_729 = arith.addi %add3A_726, %add3A_728 : vector<16xi32>
          %min3A_730 = arith.minsi %add3A_729, %broadcast_in_dim3A_58 : vector<16xi32>
          %broadcast_in_dim3A_731 = vector.shape_cast %min3A_730 : vector<16xi32> to vector<16x1xi32>
          %gather3A_732 = vector.shape_cast %broadcast_in_dim3A_731 : vector<16x1xi32> to vector<16xi32>
          %gather3A_733 = tpu.dynamic_gather %add3A_696[%gather3A_732] in [0] : vector<16xi32>, vector<16xi32> -> vector<16xi32>
          %le3A_734 = arith.cmpi sle, %gather3A_733, %iota3A : vector<16xi32>
          %jit3A_735 = arith.constant 2 : i32
          %jit3A_736 = arith.constant 0 : i32
          %broadcast_in_dim3A_737 = vector.broadcast %jit3A_735 : i32 to vector<16xi32>
          %broadcast_in_dim3A_738 = vector.broadcast %jit3A_736 : i32 to vector<16xi32>
          %select_n3A_739 = arith.select %le3A_734, %broadcast_in_dim3A_737, %broadcast_in_dim3A_738 : vector<16xi1>, vector<16xi32>
          %add3A_740 = arith.addi %add3A_726, %select_n3A_739 : vector<16xi32>
          %add3A_741 = arith.constant 0 : i32
          %add3A_742 = vector.broadcast %add3A_741 : i32 to vector<16xi32>
          %add3A_743 = arith.addi %add3A_740, %add3A_742 : vector<16xi32>
          %min3A_744 = arith.minsi %add3A_743, %broadcast_in_dim3A_58 : vector<16xi32>
          %broadcast_in_dim3A_745 = vector.shape_cast %min3A_744 : vector<16xi32> to vector<16x1xi32>
          %gather3A_746 = vector.shape_cast %broadcast_in_dim3A_745 : vector<16x1xi32> to vector<16xi32>
          %gather3A_747 = tpu.dynamic_gather %add3A_696[%gather3A_746] in [0] : vector<16xi32>, vector<16xi32> -> vector<16xi32>
          %le3A_748 = arith.cmpi sle, %gather3A_747, %iota3A : vector<16xi32>
          %jit3A_749 = arith.constant 1 : i32
          %jit3A_750 = arith.constant 0 : i32
          %broadcast_in_dim3A_751 = vector.broadcast %jit3A_749 : i32 to vector<16xi32>
          %broadcast_in_dim3A_752 = vector.broadcast %jit3A_750 : i32 to vector<16xi32>
          %select_n3A_753 = arith.select %le3A_748, %broadcast_in_dim3A_751, %broadcast_in_dim3A_752 : vector<16xi1>, vector<16xi32>
          %add3A_754 = arith.addi %add3A_740, %select_n3A_753 : vector<16xi32>
          %broadcast_in_dim3A_755 = vector.shape_cast %add3A_754 : vector<16xi32> to vector<16x1xi32>
          %gather3A_756 = vector.shape_cast %broadcast_in_dim3A_755 : vector<16x1xi32> to vector<16xi32>
          %gather3A_757 = tpu.dynamic_gather %add3A_378[%gather3A_756] in [0] : vector<16xi32>, vector<16xi32> -> vector<16xi32>
          %slice3A_758 = vector.extract_strided_slice %add3A_696 {offsets = [15], sizes = [1], strides = [1]} : vector<16xi32> to vector<1xi32>
          %squeeze3A_759 = vector.extract %slice3A_758[0] : i32 from vector<1xi32>
          %min3A_760 = arith.constant 32 : i32
          %min3A_761 = arith.minsi %get3A_351, %min3A_760 : i32
          %swap3A_762 = arith.constant 2 : i32
          %swap3A_763 = arith.index_cast %swap3A_762 : i32 to index
          %swap3A_764 = arith.index_cast %min3A_761 : i32 to index
          %swap3A_765 = tpu.vector_load %arg9[%swap3A_763, %swap3A_764] {strides = array<i32>} : memref<4x64xi32, #tpu.memory_space<vmem>>, vector<1x16xi32>,
          %swap3A_766 = vector.shape_cast %swap3A_765 : vector<1x16xi32> to vector<16xi32>
          %swap3A_767 = vector.shape_cast %gather3A_757 : vector<16xi32> to vector<1x16xi32>
          tpu.vector_store %arg9[%swap3A_763, %swap3A_764], %swap3A_767 {strides = array<i32>} : memref<4x64xi32, #tpu.memory_space<vmem>>, vector<1x16xi32>,
          %add3A_768 = arith.addi %get3A_351, %squeeze3A_759 : i32
          %sub3A_769 = vector.broadcast %squeeze3A_141 : f32 to vector<16xf32>
          %sub3A_770 = arith.subf %get3A_369, %sub3A_769 : vector<16xf32>
          %sub3A_771 = vector.broadcast %squeeze3A_147 : f32 to vector<16xf32>
          %sub3A_772 = arith.subf %get3A_372, %sub3A_771 : vector<16xf32>
          %sub3A_773 = vector.broadcast %squeeze3A_153 : f32 to vector<16xf32>
          %sub3A_774 = arith.subf %get3A_375, %sub3A_773 : vector<16xf32>
          %mul3A_775 = arith.mulf %sub3A_770, %sub3A_770 : vector<16xf32>
          %mul3A_776 = arith.mulf %sub3A_772, %sub3A_772 : vector<16xf32>
          %add3A_777 = arith.addf %mul3A_775, %mul3A_776 : vector<16xf32>
          %mul3A_778 = arith.mulf %sub3A_774, %sub3A_774 : vector<16xf32>
          %add3A_779 = arith.addf %add3A_777, %mul3A_778 : vector<16xf32>
          %lt3A_780 = arith.constant 4.000000e-02 : f32
          %lt3A_781 = vector.broadcast %lt3A_780 : f32 to vector<16xf32>
          %lt3A_782 = arith.cmpf olt, %add3A_779, %lt3A_781 : vector<16xf32>
          %jit3A_783 = arith.constant 1 : i32
          %jit3A_784 = arith.constant 0 : i32
          %broadcast_in_dim3A_785 = vector.broadcast %jit3A_783 : i32 to vector<16xi32>
          %broadcast_in_dim3A_786 = vector.broadcast %jit3A_784 : i32 to vector<16xi32>
          %select_n3A_787 = arith.select %lt3A_782, %broadcast_in_dim3A_785, %broadcast_in_dim3A_786 : vector<16xi1>, vector<16xi32>
          %ge3A_788 = arith.constant 1 : i32
          %ge3A_789 = vector.broadcast %ge3A_788 : i32 to vector<16xi32>
          %ge3A_790 = arith.cmpi sge, %iota3A, %ge3A_789 : vector<16xi32>
          %broadcast_in_dim3A_791 = vector.shape_cast %max3A_39 : vector<16xi32> to vector<16x1xi32>
          %gather3A_792 = vector.shape_cast %broadcast_in_dim3A_791 : vector<16x1xi32> to vector<16xi32>
          %gather3A_793 = tpu.dynamic_gather %select_n3A_787[%gather3A_792] in [0] : vector<16xi32>, vector<16xi32> -> vector<16xi32>
          %jit3A_794 = arith.constant 0 : i32
          %broadcast_in_dim3A_795 = vector.broadcast %jit3A_794 : i32 to vector<16xi32>
          %select_n3A_796 = arith.select %ge3A_790, %gather3A_793, %broadcast_in_dim3A_795 : vector<16xi1>, vector<16xi32>
          %add3A_797 = arith.addi %select_n3A_787, %select_n3A_796 : vector<16xi32>
          %ge3A_798 = arith.constant 2 : i32
          %ge3A_799 = vector.broadcast %ge3A_798 : i32 to vector<16xi32>
          %ge3A_800 = arith.cmpi sge, %iota3A, %ge3A_799 : vector<16xi32>
          %broadcast_in_dim3A_801 = vector.shape_cast %max3A_45 : vector<16xi32> to vector<16x1xi32>
          %gather3A_802 = vector.shape_cast %broadcast_in_dim3A_801 : vector<16x1xi32> to vector<16xi32>
          %gather3A_803 = tpu.dynamic_gather %add3A_797[%gather3A_802] in [0] : vector<16xi32>, vector<16xi32> -> vector<16xi32>
          %jit3A_804 = arith.constant 0 : i32
          %broadcast_in_dim3A_805 = vector.broadcast %jit3A_804 : i32 to vector<16xi32>
          %select_n3A_806 = arith.select %ge3A_800, %gather3A_803, %broadcast_in_dim3A_805 : vector<16xi1>, vector<16xi32>
          %add3A_807 = arith.addi %add3A_797, %select_n3A_806 : vector<16xi32>
          %ge3A_808 = arith.constant 4 : i32
          %ge3A_809 = vector.broadcast %ge3A_808 : i32 to vector<16xi32>
          %ge3A_810 = arith.cmpi sge, %iota3A, %ge3A_809 : vector<16xi32>
          %broadcast_in_dim3A_811 = vector.shape_cast %max3A_51 : vector<16xi32> to vector<16x1xi32>
          %gather3A_812 = vector.shape_cast %broadcast_in_dim3A_811 : vector<16x1xi32> to vector<16xi32>
          %gather3A_813 = tpu.dynamic_gather %add3A_807[%gather3A_812] in [0] : vector<16xi32>, vector<16xi32> -> vector<16xi32>
          %jit3A_814 = arith.constant 0 : i32
          %broadcast_in_dim3A_815 = vector.broadcast %jit3A_814 : i32 to vector<16xi32>
          %select_n3A_816 = arith.select %ge3A_810, %gather3A_813, %broadcast_in_dim3A_815 : vector<16xi1>, vector<16xi32>
          %add3A_817 = arith.addi %add3A_807, %select_n3A_816 : vector<16xi32>
          %ge3A_818 = arith.constant 8 : i32
          %ge3A_819 = vector.broadcast %ge3A_818 : i32 to vector<16xi32>
          %ge3A_820 = arith.cmpi sge, %iota3A, %ge3A_819 : vector<16xi32>
          %broadcast_in_dim3A_821 = vector.shape_cast %max3A_57 : vector<16xi32> to vector<16x1xi32>
          %gather3A_822 = vector.shape_cast %broadcast_in_dim3A_821 : vector<16x1xi32> to vector<16xi32>
          %gather3A_823 = tpu.dynamic_gather %add3A_817[%gather3A_822] in [0] : vector<16xi32>, vector<16xi32> -> vector<16xi32>
          %jit3A_824 = arith.constant 0 : i32
          %broadcast_in_dim3A_825 = vector.broadcast %jit3A_824 : i32 to vector<16xi32>
          %select_n3A_826 = arith.select %ge3A_820, %gather3A_823, %broadcast_in_dim3A_825 : vector<16xi1>, vector<16xi32>
          %add3A_827 = arith.addi %add3A_817, %select_n3A_826 : vector<16xi32>
          %broadcast_in_dim3A_828 = arith.constant 0 : i32
          %broadcast_in_dim3A_829 = vector.broadcast %broadcast_in_dim3A_828 : i32 to vector<16xi32>
          %add3A_830 = arith.constant 7 : i32
          %add3A_831 = vector.broadcast %add3A_830 : i32 to vector<16xi32>
          %add3A_832 = arith.addi %broadcast_in_dim3A_829, %add3A_831 : vector<16xi32>
          %min3A_833 = arith.minsi %add3A_832, %broadcast_in_dim3A_58 : vector<16xi32>
          %broadcast_in_dim3A_834 = vector.shape_cast %min3A_833 : vector<16xi32> to vector<16x1xi32>
          %gather3A_835 = vector.shape_cast %broadcast_in_dim3A_834 : vector<16x1xi32> to vector<16xi32>
          %gather3A_836 = tpu.dynamic_gather %add3A_827[%gather3A_835] in [0] : vector<16xi32>, vector<16xi32> -> vector<16xi32>
          %le3A_837 = arith.cmpi sle, %gather3A_836, %iota3A : vector<16xi32>
          %jit3A_838 = arith.constant 8 : i32
          %jit3A_839 = arith.constant 0 : i32
          %broadcast_in_dim3A_840 = vector.broadcast %jit3A_838 : i32 to vector<16xi32>
          %broadcast_in_dim3A_841 = vector.broadcast %jit3A_839 : i32 to vector<16xi32>
          %select_n3A_842 = arith.select %le3A_837, %broadcast_in_dim3A_840, %broadcast_in_dim3A_841 : vector<16xi1>, vector<16xi32>
          %add3A_843 = arith.addi %broadcast_in_dim3A_829, %select_n3A_842 : vector<16xi32>
          %add3A_844 = arith.constant 3 : i32
          %add3A_845 = vector.broadcast %add3A_844 : i32 to vector<16xi32>
          %add3A_846 = arith.addi %add3A_843, %add3A_845 : vector<16xi32>
          %min3A_847 = arith.minsi %add3A_846, %broadcast_in_dim3A_58 : vector<16xi32>
          %broadcast_in_dim3A_848 = vector.shape_cast %min3A_847 : vector<16xi32> to vector<16x1xi32>
          %gather3A_849 = vector.shape_cast %broadcast_in_dim3A_848 : vector<16x1xi32> to vector<16xi32>
          %gather3A_850 = tpu.dynamic_gather %add3A_827[%gather3A_849] in [0] : vector<16xi32>, vector<16xi32> -> vector<16xi32>
          %le3A_851 = arith.cmpi sle, %gather3A_850, %iota3A : vector<16xi32>
          %jit3A_852 = arith.constant 4 : i32
          %jit3A_853 = arith.constant 0 : i32
          %broadcast_in_dim3A_854 = vector.broadcast %jit3A_852 : i32 to vector<16xi32>
          %broadcast_in_dim3A_855 = vector.broadcast %jit3A_853 : i32 to vector<16xi32>
          %select_n3A_856 = arith.select %le3A_851, %broadcast_in_dim3A_854, %broadcast_in_dim3A_855 : vector<16xi1>, vector<16xi32>
          %add3A_857 = arith.addi %add3A_843, %select_n3A_856 : vector<16xi32>
          %add3A_858 = arith.constant 1 : i32
          %add3A_859 = vector.broadcast %add3A_858 : i32 to vector<16xi32>
          %add3A_860 = arith.addi %add3A_857, %add3A_859 : vector<16xi32>
          %min3A_861 = arith.minsi %add3A_860, %broadcast_in_dim3A_58 : vector<16xi32>
          %broadcast_in_dim3A_862 = vector.shape_cast %min3A_861 : vector<16xi32> to vector<16x1xi32>
          %gather3A_863 = vector.shape_cast %broadcast_in_dim3A_862 : vector<16x1xi32> to vector<16xi32>
          %gather3A_864 = tpu.dynamic_gather %add3A_827[%gather3A_863] in [0] : vector<16xi32>, vector<16xi32> -> vector<16xi32>
          %le3A_865 = arith.cmpi sle, %gather3A_864, %iota3A : vector<16xi32>
          %jit3A_866 = arith.constant 2 : i32
          %jit3A_867 = arith.constant 0 : i32
          %broadcast_in_dim3A_868 = vector.broadcast %jit3A_866 : i32 to vector<16xi32>
          %broadcast_in_dim3A_869 = vector.broadcast %jit3A_867 : i32 to vector<16xi32>
          %select_n3A_870 = arith.select %le3A_865, %broadcast_in_dim3A_868, %broadcast_in_dim3A_869 : vector<16xi1>, vector<16xi32>
          %add3A_871 = arith.addi %add3A_857, %select_n3A_870 : vector<16xi32>
          %add3A_872 = arith.constant 0 : i32
          %add3A_873 = vector.broadcast %add3A_872 : i32 to vector<16xi32>
          %add3A_874 = arith.addi %add3A_871, %add3A_873 : vector<16xi32>
          %min3A_875 = arith.minsi %add3A_874, %broadcast_in_dim3A_58 : vector<16xi32>
          %broadcast_in_dim3A_876 = vector.shape_cast %min3A_875 : vector<16xi32> to vector<16x1xi32>
          %gather3A_877 = vector.shape_cast %broadcast_in_dim3A_876 : vector<16x1xi32> to vector<16xi32>
          %gather3A_878 = tpu.dynamic_gather %add3A_827[%gather3A_877] in [0] : vector<16xi32>, vector<16xi32> -> vector<16xi32>
          %le3A_879 = arith.cmpi sle, %gather3A_878, %iota3A : vector<16xi32>
          %jit3A_880 = arith.constant 1 : i32
          %jit3A_881 = arith.constant 0 : i32
          %broadcast_in_dim3A_882 = vector.broadcast %jit3A_880 : i32 to vector<16xi32>
          %broadcast_in_dim3A_883 = vector.broadcast %jit3A_881 : i32 to vector<16xi32>
          %select_n3A_884 = arith.select %le3A_879, %broadcast_in_dim3A_882, %broadcast_in_dim3A_883 : vector<16xi1>, vector<16xi32>
          %add3A_885 = arith.addi %add3A_871, %select_n3A_884 : vector<16xi32>
          %broadcast_in_dim3A_886 = vector.shape_cast %add3A_885 : vector<16xi32> to vector<16x1xi32>
          %gather3A_887 = vector.shape_cast %broadcast_in_dim3A_886 : vector<16x1xi32> to vector<16xi32>
          %gather3A_888 = tpu.dynamic_gather %add3A_378[%gather3A_887] in [0] : vector<16xi32>, vector<16xi32> -> vector<16xi32>
          %slice3A_889 = vector.extract_strided_slice %add3A_827 {offsets = [15], sizes = [1], strides = [1]} : vector<16xi32> to vector<1xi32>
          %squeeze3A_890 = vector.extract %slice3A_889[0] : i32 from vector<1xi32>
          %min3A_891 = arith.constant 32 : i32
          %min3A_892 = arith.minsi %get3A_354, %min3A_891 : i32
          %swap3A_893 = arith.constant 3 : i32
          %swap3A_894 = arith.index_cast %swap3A_893 : i32 to index
          %swap3A_895 = arith.index_cast %min3A_892 : i32 to index
          %swap3A_896 = tpu.vector_load %arg9[%swap3A_894, %swap3A_895] {strides = array<i32>} : memref<4x64xi32, #tpu.memory_space<vmem>>, vector<1x16xi32>,
          %swap3A_897 = vector.shape_cast %swap3A_896 : vector<1x16xi32> to vector<16xi32>
          %swap3A_898 = vector.shape_cast %gather3A_888 : vector<16xi32> to vector<1x16xi32>
          tpu.vector_store %arg9[%swap3A_894, %swap3A_895], %swap3A_898 {strides = array<i32>} : memref<4x64xi32, #tpu.memory_space<vmem>>, vector<1x16xi32>,
          %add3A_899 = arith.addi %get3A_354, %squeeze3A_890 : i32
          %mul3A_900 = arith.constant 8 : i32
          %mul3A_901 = arith.muli %scan3A_342, %mul3A_900 : i32
          %add3A_902 = arith.constant 1 : i32
          %add3A_903 = arith.addi %mul3A_901, %add3A_902 : i32
          %mul3A_904 = arith.constant 16 : i32
          %mul3A_905 = arith.muli %add3A_903, %mul3A_904 : i32
          %get3A_906 = arith.index_cast %mul3A_905 : i32 to index
          %get3A_907 = tpu.vector_load %arg6[%get3A_906] {strides = array<i32>} : memref<4112xf32, #tpu.memory_space<vmem>>, vector<16xf32>,
          %get3A_908 = vector.shape_cast %get3A_907 : vector<16xf32> to vector<16xf32>
          %get3A_909 = arith.index_cast %mul3A_905 : i32 to index
          %get3A_910 = tpu.vector_load %arg7[%get3A_909] {strides = array<i32>} : memref<4112xf32, #tpu.memory_space<vmem>>, vector<16xf32>,
          %get3A_911 = vector.shape_cast %get3A_910 : vector<16xf32> to vector<16xf32>
          %get3A_912 = arith.index_cast %mul3A_905 : i32 to index
          %get3A_913 = tpu.vector_load %arg8[%get3A_912] {strides = array<i32>} : memref<4112xf32, #tpu.memory_space<vmem>>, vector<16xf32>,
          %get3A_914 = vector.shape_cast %get3A_913 : vector<16xf32> to vector<16xf32>
          %add3A_915 = arith.addi %mul3A_34, %mul3A_905 : i32
          %add3A_916 = vector.broadcast %add3A_915 : i32 to vector<16xi32>
          %add3A_917 = arith.addi %add3A_916, %iota3A : vector<16xi32>
          %sub3A_918 = vector.broadcast %squeeze3A : f32 to vector<16xf32>
          %sub3A_919 = arith.subf %get3A_908, %sub3A_918 : vector<16xf32>
          %sub3A_920 = vector.broadcast %squeeze3A_93 : f32 to vector<16xf32>
          %sub3A_921 = arith.subf %get3A_911, %sub3A_920 : vector<16xf32>
          %sub3A_922 = vector.broadcast %squeeze3A_99 : f32 to vector<16xf32>
          %sub3A_923 = arith.subf %get3A_914, %sub3A_922 : vector<16xf32>
          %mul3A_924 = arith.mulf %sub3A_919, %sub3A_919 : vector<16xf32>
          %mul3A_925 = arith.mulf %sub3A_921, %sub3A_921 : vector<16xf32>
          %add3A_926 = arith.addf %mul3A_924, %mul3A_925 : vector<16xf32>
          %mul3A_927 = arith.mulf %sub3A_923, %sub3A_923 : vector<16xf32>
          %add3A_928 = arith.addf %add3A_926, %mul3A_927 : vector<16xf32>
          %lt3A_929 = arith.constant 4.000000e-02 : f32
          %lt3A_930 = vector.broadcast %lt3A_929 : f32 to vector<16xf32>
          %lt3A_931 = arith.cmpf olt, %add3A_928, %lt3A_930 : vector<16xf32>
          %jit3A_932 = arith.constant 1 : i32
          %jit3A_933 = arith.constant 0 : i32
          %broadcast_in_dim3A_934 = vector.broadcast %jit3A_932 : i32 to vector<16xi32>
          %broadcast_in_dim3A_935 = vector.broadcast %jit3A_933 : i32 to vector<16xi32>
          %select_n3A_936 = arith.select %lt3A_931, %broadcast_in_dim3A_934, %broadcast_in_dim3A_935 : vector<16xi1>, vector<16xi32>
          %ge3A_937 = arith.constant 1 : i32
          %ge3A_938 = vector.broadcast %ge3A_937 : i32 to vector<16xi32>
          %ge3A_939 = arith.cmpi sge, %iota3A, %ge3A_938 : vector<16xi32>
          %broadcast_in_dim3A_940 = vector.shape_cast %max3A_39 : vector<16xi32> to vector<16x1xi32>
          %gather3A_941 = vector.shape_cast %broadcast_in_dim3A_940 : vector<16x1xi32> to vector<16xi32>
          %gather3A_942 = tpu.dynamic_gather %select_n3A_936[%gather3A_941] in [0] : vector<16xi32>, vector<16xi32> -> vector<16xi32>
          %jit3A_943 = arith.constant 0 : i32
          %broadcast_in_dim3A_944 = vector.broadcast %jit3A_943 : i32 to vector<16xi32>
          %select_n3A_945 = arith.select %ge3A_939, %gather3A_942, %broadcast_in_dim3A_944 : vector<16xi1>, vector<16xi32>
          %add3A_946 = arith.addi %select_n3A_936, %select_n3A_945 : vector<16xi32>
          %ge3A_947 = arith.constant 2 : i32
          %ge3A_948 = vector.broadcast %ge3A_947 : i32 to vector<16xi32>
          %ge3A_949 = arith.cmpi sge, %iota3A, %ge3A_948 : vector<16xi32>
          %broadcast_in_dim3A_950 = vector.shape_cast %max3A_45 : vector<16xi32> to vector<16x1xi32>
          %gather3A_951 = vector.shape_cast %broadcast_in_dim3A_950 : vector<16x1xi32> to vector<16xi32>
          %gather3A_952 = tpu.dynamic_gather %add3A_946[%gather3A_951] in [0] : vector<16xi32>, vector<16xi32> -> vector<16xi32>
          %jit3A_953 = arith.constant 0 : i32
          %broadcast_in_dim3A_954 = vector.broadcast %jit3A_953 : i32 to vector<16xi32>
          %select_n3A_955 = arith.select %ge3A_949, %gather3A_952, %broadcast_in_dim3A_954 : vector<16xi1>, vector<16xi32>
          %add3A_956 = arith.addi %add3A_946, %select_n3A_955 : vector<16xi32>
          %ge3A_957 = arith.constant 4 : i32
          %ge3A_958 = vector.broadcast %ge3A_957 : i32 to vector<16xi32>
          %ge3A_959 = arith.cmpi sge, %iota3A, %ge3A_958 : vector<16xi32>
          %broadcast_in_dim3A_960 = vector.shape_cast %max3A_51 : vector<16xi32> to vector<16x1xi32>
          %gather3A_961 = vector.shape_cast %broadcast_in_dim3A_960 : vector<16x1xi32> to vector<16xi32>
          %gather3A_962 = tpu.dynamic_gather %add3A_956[%gather3A_961] in [0] : vector<16xi32>, vector<16xi32> -> vector<16xi32>
          %jit3A_963 = arith.constant 0 : i32
          %broadcast_in_dim3A_964 = vector.broadcast %jit3A_963 : i32 to vector<16xi32>
          %select_n3A_965 = arith.select %ge3A_959, %gather3A_962, %broadcast_in_dim3A_964 : vector<16xi1>, vector<16xi32>
          %add3A_966 = arith.addi %add3A_956, %select_n3A_965 : vector<16xi32>
          %ge3A_967 = arith.constant 8 : i32
          %ge3A_968 = vector.broadcast %ge3A_967 : i32 to vector<16xi32>
          %ge3A_969 = arith.cmpi sge, %iota3A, %ge3A_968 : vector<16xi32>
          %broadcast_in_dim3A_970 = vector.shape_cast %max3A_57 : vector<16xi32> to vector<16x1xi32>
          %gather3A_971 = vector.shape_cast %broadcast_in_dim3A_970 : vector<16x1xi32> to vector<16xi32>
          %gather3A_972 = tpu.dynamic_gather %add3A_966[%gather3A_971] in [0] : vector<16xi32>, vector<16xi32> -> vector<16xi32>
          %jit3A_973 = arith.constant 0 : i32
          %broadcast_in_dim3A_974 = vector.broadcast %jit3A_973 : i32 to vector<16xi32>
          %select_n3A_975 = arith.select %ge3A_969, %gather3A_972, %broadcast_in_dim3A_974 : vector<16xi1>, vector<16xi32>
          %add3A_976 = arith.addi %add3A_966, %select_n3A_975 : vector<16xi32>
          %broadcast_in_dim3A_977 = arith.constant 0 : i32
          %broadcast_in_dim3A_978 = vector.broadcast %broadcast_in_dim3A_977 : i32 to vector<16xi32>
          %add3A_979 = arith.constant 7 : i32
          %add3A_980 = vector.broadcast %add3A_979 : i32 to vector<16xi32>
          %add3A_981 = arith.addi %broadcast_in_dim3A_978, %add3A_980 : vector<16xi32>
          %min3A_982 = arith.minsi %add3A_981, %broadcast_in_dim3A_58 : vector<16xi32>
          %broadcast_in_dim3A_983 = vector.shape_cast %min3A_982 : vector<16xi32> to vector<16x1xi32>
          %gather3A_984 = vector.shape_cast %broadcast_in_dim3A_983 : vector<16x1xi32> to vector<16xi32>
          %gather3A_985 = tpu.dynamic_gather %add3A_976[%gather3A_984] in [0] : vector<16xi32>, vector<16xi32> -> vector<16xi32>
          %le3A_986 = arith.cmpi sle, %gather3A_985, %iota3A : vector<16xi32>
          %jit3A_987 = arith.constant 8 : i32
          %jit3A_988 = arith.constant 0 : i32
          %broadcast_in_dim3A_989 = vector.broadcast %jit3A_987 : i32 to vector<16xi32>
          %broadcast_in_dim3A_990 = vector.broadcast %jit3A_988 : i32 to vector<16xi32>
          %select_n3A_991 = arith.select %le3A_986, %broadcast_in_dim3A_989, %broadcast_in_dim3A_990 : vector<16xi1>, vector<16xi32>
          %add3A_992 = arith.addi %broadcast_in_dim3A_978, %select_n3A_991 : vector<16xi32>
          %add3A_993 = arith.constant 3 : i32
          %add3A_994 = vector.broadcast %add3A_993 : i32 to vector<16xi32>
          %add3A_995 = arith.addi %add3A_992, %add3A_994 : vector<16xi32>
          %min3A_996 = arith.minsi %add3A_995, %broadcast_in_dim3A_58 : vector<16xi32>
          %broadcast_in_dim3A_997 = vector.shape_cast %min3A_996 : vector<16xi32> to vector<16x1xi32>
          %gather3A_998 = vector.shape_cast %broadcast_in_dim3A_997 : vector<16x1xi32> to vector<16xi32>
          %gather3A_999 = tpu.dynamic_gather %add3A_976[%gather3A_998] in [0] : vector<16xi32>, vector<16xi32> -> vector<16xi32>
          %le3A_1000 = arith.cmpi sle, %gather3A_999, %iota3A : vector<16xi32>
          %jit3A_1001 = arith.constant 4 : i32
          %jit3A_1002 = arith.constant 0 : i32
          %broadcast_in_dim3A_1003 = vector.broadcast %jit3A_1001 : i32 to vector<16xi32>
          %broadcast_in_dim3A_1004 = vector.broadcast %jit3A_1002 : i32 to vector<16xi32>
          %select_n3A_1005 = arith.select %le3A_1000, %broadcast_in_dim3A_1003, %broadcast_in_dim3A_1004 : vector<16xi1>, vector<16xi32>
          %add3A_1006 = arith.addi %add3A_992, %select_n3A_1005 : vector<16xi32>
          %add3A_1007 = arith.constant 1 : i32
          %add3A_1008 = vector.broadcast %add3A_1007 : i32 to vector<16xi32>
          %add3A_1009 = arith.addi %add3A_1006, %add3A_1008 : vector<16xi32>
          %min3A_1010 = arith.minsi %add3A_1009, %broadcast_in_dim3A_58 : vector<16xi32>
          %broadcast_in_dim3A_1011 = vector.shape_cast %min3A_1010 : vector<16xi32> to vector<16x1xi32>
          %gather3A_1012 = vector.shape_cast %broadcast_in_dim3A_1011 : vector<16x1xi32> to vector<16xi32>
          %gather3A_1013 = tpu.dynamic_gather %add3A_976[%gather3A_1012] in [0] : vector<16xi32>, vector<16xi32> -> vector<16xi32>
          %le3A_1014 = arith.cmpi sle, %gather3A_1013, %iota3A : vector<16xi32>
          %jit3A_1015 = arith.constant 2 : i32
          %jit3A_1016 = arith.constant 0 : i32
          %broadcast_in_dim3A_1017 = vector.broadcast %jit3A_1015 : i32 to vector<16xi32>
          %broadcast_in_dim3A_1018 = vector.broadcast %jit3A_1016 : i32 to vector<16xi32>
          %select_n3A_1019 = arith.select %le3A_1014, %broadcast_in_dim3A_1017, %broadcast_in_dim3A_1018 : vector<16xi1>, vector<16xi32>
          %add3A_1020 = arith.addi %add3A_1006, %select_n3A_1019 : vector<16xi32>
          %add3A_1021 = arith.constant 0 : i32
          %add3A_1022 = vector.broadcast %add3A_1021 : i32 to vector<16xi32>
          %add3A_1023 = arith.addi %add3A_1020, %add3A_1022 : vector<16xi32>
          %min3A_1024 = arith.minsi %add3A_1023, %broadcast_in_dim3A_58 : vector<16xi32>
          %broadcast_in_dim3A_1025 = vector.shape_cast %min3A_1024 : vector<16xi32> to vector<16x1xi32>
          %gather3A_1026 = vector.shape_cast %broadcast_in_dim3A_1025 : vector<16x1xi32> to vector<16xi32>
          %gather3A_1027 = tpu.dynamic_gather %add3A_976[%gather3A_1026] in [0] : vector<16xi32>, vector<16xi32> -> vector<16xi32>
          %le3A_1028 = arith.cmpi sle, %gather3A_1027, %iota3A : vector<16xi32>
          %jit3A_1029 = arith.constant 1 : i32
          %jit3A_1030 = arith.constant 0 : i32
          %broadcast_in_dim3A_1031 = vector.broadcast %jit3A_1029 : i32 to vector<16xi32>
          %broadcast_in_dim3A_1032 = vector.broadcast %jit3A_1030 : i32 to vector<16xi32>
          %select_n3A_1033 = arith.select %le3A_1028, %broadcast_in_dim3A_1031, %broadcast_in_dim3A_1032 : vector<16xi1>, vector<16xi32>
          %add3A_1034 = arith.addi %add3A_1020, %select_n3A_1033 : vector<16xi32>
          %broadcast_in_dim3A_1035 = vector.shape_cast %add3A_1034 : vector<16xi32> to vector<16x1xi32>
          %gather3A_1036 = vector.shape_cast %broadcast_in_dim3A_1035 : vector<16x1xi32> to vector<16xi32>
          %gather3A_1037 = tpu.dynamic_gather %add3A_917[%gather3A_1036] in [0] : vector<16xi32>, vector<16xi32> -> vector<16xi32>
          %slice3A_1038 = vector.extract_strided_slice %add3A_976 {offsets = [15], sizes = [1], strides = [1]} : vector<16xi32> to vector<1xi32>
          %squeeze3A_1039 = vector.extract %slice3A_1038[0] : i32 from vector<1xi32>
          %min3A_1040 = arith.constant 32 : i32
          %min3A_1041 = arith.minsi %add3A_506, %min3A_1040 : i32
          %swap3A_1042 = arith.constant 0 : i32
          %swap3A_1043 = arith.index_cast %swap3A_1042 : i32 to index
          %swap3A_1044 = arith.index_cast %min3A_1041 : i32 to index
          %swap3A_1045 = tpu.vector_load %arg9[%swap3A_1043, %swap3A_1044] {strides = array<i32>} : memref<4x64xi32, #tpu.memory_space<vmem>>, vector<1x16xi32>,
          %swap3A_1046 = vector.shape_cast %swap3A_1045 : vector<1x16xi32> to vector<16xi32>
          %swap3A_1047 = vector.shape_cast %gather3A_1037 : vector<16xi32> to vector<1x16xi32>
          tpu.vector_store %arg9[%swap3A_1043, %swap3A_1044], %swap3A_1047 {strides = array<i32>} : memref<4x64xi32, #tpu.memory_space<vmem>>, vector<1x16xi32>,
          %add3A_1048 = arith.addi %add3A_506, %squeeze3A_1039 : i32
          %sub3A_1049 = vector.broadcast %squeeze3A_105 : f32 to vector<16xf32>
          %sub3A_1050 = arith.subf %get3A_908, %sub3A_1049 : vector<16xf32>
          %sub3A_1051 = vector.broadcast %squeeze3A_111 : f32 to vector<16xf32>
          %sub3A_1052 = arith.subf %get3A_911, %sub3A_1051 : vector<16xf32>
          %sub3A_1053 = vector.broadcast %squeeze3A_117 : f32 to vector<16xf32>
          %sub3A_1054 = arith.subf %get3A_914, %sub3A_1053 : vector<16xf32>
          %mul3A_1055 = arith.mulf %sub3A_1050, %sub3A_1050 : vector<16xf32>
          %mul3A_1056 = arith.mulf %sub3A_1052, %sub3A_1052 : vector<16xf32>
          %add3A_1057 = arith.addf %mul3A_1055, %mul3A_1056 : vector<16xf32>
          %mul3A_1058 = arith.mulf %sub3A_1054, %sub3A_1054 : vector<16xf32>
          %add3A_1059 = arith.addf %add3A_1057, %mul3A_1058 : vector<16xf32>
          %lt3A_1060 = arith.constant 4.000000e-02 : f32
          %lt3A_1061 = vector.broadcast %lt3A_1060 : f32 to vector<16xf32>
          %lt3A_1062 = arith.cmpf olt, %add3A_1059, %lt3A_1061 : vector<16xf32>
          %jit3A_1063 = arith.constant 1 : i32
          %jit3A_1064 = arith.constant 0 : i32
          %broadcast_in_dim3A_1065 = vector.broadcast %jit3A_1063 : i32 to vector<16xi32>
          %broadcast_in_dim3A_1066 = vector.broadcast %jit3A_1064 : i32 to vector<16xi32>
          %select_n3A_1067 = arith.select %lt3A_1062, %broadcast_in_dim3A_1065, %broadcast_in_dim3A_1066 : vector<16xi1>, vector<16xi32>
          %ge3A_1068 = arith.constant 1 : i32
          %ge3A_1069 = vector.broadcast %ge3A_1068 : i32 to vector<16xi32>
          %ge3A_1070 = arith.cmpi sge, %iota3A, %ge3A_1069 : vector<16xi32>
          %broadcast_in_dim3A_1071 = vector.shape_cast %max3A_39 : vector<16xi32> to vector<16x1xi32>
          %gather3A_1072 = vector.shape_cast %broadcast_in_dim3A_1071 : vector<16x1xi32> to vector<16xi32>
          %gather3A_1073 = tpu.dynamic_gather %select_n3A_1067[%gather3A_1072] in [0] : vector<16xi32>, vector<16xi32> -> vector<16xi32>
          %jit3A_1074 = arith.constant 0 : i32
          %broadcast_in_dim3A_1075 = vector.broadcast %jit3A_1074 : i32 to vector<16xi32>
          %select_n3A_1076 = arith.select %ge3A_1070, %gather3A_1073, %broadcast_in_dim3A_1075 : vector<16xi1>, vector<16xi32>
          %add3A_1077 = arith.addi %select_n3A_1067, %select_n3A_1076 : vector<16xi32>
          %ge3A_1078 = arith.constant 2 : i32
          %ge3A_1079 = vector.broadcast %ge3A_1078 : i32 to vector<16xi32>
          %ge3A_1080 = arith.cmpi sge, %iota3A, %ge3A_1079 : vector<16xi32>
          %broadcast_in_dim3A_1081 = vector.shape_cast %max3A_45 : vector<16xi32> to vector<16x1xi32>
          %gather3A_1082 = vector.shape_cast %broadcast_in_dim3A_1081 : vector<16x1xi32> to vector<16xi32>
          %gather3A_1083 = tpu.dynamic_gather %add3A_1077[%gather3A_1082] in [0] : vector<16xi32>, vector<16xi32> -> vector<16xi32>
          %jit3A_1084 = arith.constant 0 : i32
          %broadcast_in_dim3A_1085 = vector.broadcast %jit3A_1084 : i32 to vector<16xi32>
          %select_n3A_1086 = arith.select %ge3A_1080, %gather3A_1083, %broadcast_in_dim3A_1085 : vector<16xi1>, vector<16xi32>
          %add3A_1087 = arith.addi %add3A_1077, %select_n3A_1086 : vector<16xi32>
          %ge3A_1088 = arith.constant 4 : i32
          %ge3A_1089 = vector.broadcast %ge3A_1088 : i32 to vector<16xi32>
          %ge3A_1090 = arith.cmpi sge, %iota3A, %ge3A_1089 : vector<16xi32>
          %broadcast_in_dim3A_1091 = vector.shape_cast %max3A_51 : vector<16xi32> to vector<16x1xi32>
          %gather3A_1092 = vector.shape_cast %broadcast_in_dim3A_1091 : vector<16x1xi32> to vector<16xi32>
          %gather3A_1093 = tpu.dynamic_gather %add3A_1087[%gather3A_1092] in [0] : vector<16xi32>, vector<16xi32> -> vector<16xi32>
          %jit3A_1094 = arith.constant 0 : i32
          %broadcast_in_dim3A_1095 = vector.broadcast %jit3A_1094 : i32 to vector<16xi32>
          %select_n3A_1096 = arith.select %ge3A_1090, %gather3A_1093, %broadcast_in_dim3A_1095 : vector<16xi1>, vector<16xi32>
          %add3A_1097 = arith.addi %add3A_1087, %select_n3A_1096 : vector<16xi32>
          %ge3A_1098 = arith.constant 8 : i32
          %ge3A_1099 = vector.broadcast %ge3A_1098 : i32 to vector<16xi32>
          %ge3A_1100 = arith.cmpi sge, %iota3A, %ge3A_1099 : vector<16xi32>
          %broadcast_in_dim3A_1101 = vector.shape_cast %max3A_57 : vector<16xi32> to vector<16x1xi32>
          %gather3A_1102 = vector.shape_cast %broadcast_in_dim3A_1101 : vector<16x1xi32> to vector<16xi32>
          %gather3A_1103 = tpu.dynamic_gather %add3A_1097[%gather3A_1102] in [0] : vector<16xi32>, vector<16xi32> -> vector<16xi32>
          %jit3A_1104 = arith.constant 0 : i32
          %broadcast_in_dim3A_1105 = vector.broadcast %jit3A_1104 : i32 to vector<16xi32>
          %select_n3A_1106 = arith.select %ge3A_1100, %gather3A_1103, %broadcast_in_dim3A_1105 : vector<16xi1>, vector<16xi32>
          %add3A_1107 = arith.addi %add3A_1097, %select_n3A_1106 : vector<16xi32>
          %broadcast_in_dim3A_1108 = arith.constant 0 : i32
          %broadcast_in_dim3A_1109 = vector.broadcast %broadcast_in_dim3A_1108 : i32 to vector<16xi32>
          %add3A_1110 = arith.constant 7 : i32
          %add3A_1111 = vector.broadcast %add3A_1110 : i32 to vector<16xi32>
          %add3A_1112 = arith.addi %broadcast_in_dim3A_1109, %add3A_1111 : vector<16xi32>
          %min3A_1113 = arith.minsi %add3A_1112, %broadcast_in_dim3A_58 : vector<16xi32>
          %broadcast_in_dim3A_1114 = vector.shape_cast %min3A_1113 : vector<16xi32> to vector<16x1xi32>
          %gather3A_1115 = vector.shape_cast %broadcast_in_dim3A_1114 : vector<16x1xi32> to vector<16xi32>
          %gather3A_1116 = tpu.dynamic_gather %add3A_1107[%gather3A_1115] in [0] : vector<16xi32>, vector<16xi32> -> vector<16xi32>
          %le3A_1117 = arith.cmpi sle, %gather3A_1116, %iota3A : vector<16xi32>
          %jit3A_1118 = arith.constant 8 : i32
          %jit3A_1119 = arith.constant 0 : i32
          %broadcast_in_dim3A_1120 = vector.broadcast %jit3A_1118 : i32 to vector<16xi32>
          %broadcast_in_dim3A_1121 = vector.broadcast %jit3A_1119 : i32 to vector<16xi32>
          %select_n3A_1122 = arith.select %le3A_1117, %broadcast_in_dim3A_1120, %broadcast_in_dim3A_1121 : vector<16xi1>, vector<16xi32>
          %add3A_1123 = arith.addi %broadcast_in_dim3A_1109, %select_n3A_1122 : vector<16xi32>
          %add3A_1124 = arith.constant 3 : i32
          %add3A_1125 = vector.broadcast %add3A_1124 : i32 to vector<16xi32>
          %add3A_1126 = arith.addi %add3A_1123, %add3A_1125 : vector<16xi32>
          %min3A_1127 = arith.minsi %add3A_1126, %broadcast_in_dim3A_58 : vector<16xi32>
          %broadcast_in_dim3A_1128 = vector.shape_cast %min3A_1127 : vector<16xi32> to vector<16x1xi32>
          %gather3A_1129 = vector.shape_cast %broadcast_in_dim3A_1128 : vector<16x1xi32> to vector<16xi32>
          %gather3A_1130 = tpu.dynamic_gather %add3A_1107[%gather3A_1129] in [0] : vector<16xi32>, vector<16xi32> -> vector<16xi32>
          %le3A_1131 = arith.cmpi sle, %gather3A_1130, %iota3A : vector<16xi32>
          %jit3A_1132 = arith.constant 4 : i32
          %jit3A_1133 = arith.constant 0 : i32
          %broadcast_in_dim3A_1134 = vector.broadcast %jit3A_1132 : i32 to vector<16xi32>
          %broadcast_in_dim3A_1135 = vector.broadcast %jit3A_1133 : i32 to vector<16xi32>
          %select_n3A_1136 = arith.select %le3A_1131, %broadcast_in_dim3A_1134, %broadcast_in_dim3A_1135 : vector<16xi1>, vector<16xi32>
          %add3A_1137 = arith.addi %add3A_1123, %select_n3A_1136 : vector<16xi32>
          %add3A_1138 = arith.constant 1 : i32
          %add3A_1139 = vector.broadcast %add3A_1138 : i32 to vector<16xi32>
          %add3A_1140 = arith.addi %add3A_1137, %add3A_1139 : vector<16xi32>
          %min3A_1141 = arith.minsi %add3A_1140, %broadcast_in_dim3A_58 : vector<16xi32>
          %broadcast_in_dim3A_1142 = vector.shape_cast %min3A_1141 : vector<16xi32> to vector<16x1xi32>
          %gather3A_1143 = vector.shape_cast %broadcast_in_dim3A_1142 : vector<16x1xi32> to vector<16xi32>
          %gather3A_1144 = tpu.dynamic_gather %add3A_1107[%gather3A_1143] in [0] : vector<16xi32>, vector<16xi32> -> vector<16xi32>
          %le3A_1145 = arith.cmpi sle, %gather3A_1144, %iota3A : vector<16xi32>
          %jit3A_1146 = arith.constant 2 : i32
          %jit3A_1147 = arith.constant 0 : i32
          %broadcast_in_dim3A_1148 = vector.broadcast %jit3A_1146 : i32 to vector<16xi32>
          %broadcast_in_dim3A_1149 = vector.broadcast %jit3A_1147 : i32 to vector<16xi32>
          %select_n3A_1150 = arith.select %le3A_1145, %broadcast_in_dim3A_1148, %broadcast_in_dim3A_1149 : vector<16xi1>, vector<16xi32>
          %add3A_1151 = arith.addi %add3A_1137, %select_n3A_1150 : vector<16xi32>
          %add3A_1152 = arith.constant 0 : i32
          %add3A_1153 = vector.broadcast %add3A_1152 : i32 to vector<16xi32>
          %add3A_1154 = arith.addi %add3A_1151, %add3A_1153 : vector<16xi32>
          %min3A_1155 = arith.minsi %add3A_1154, %broadcast_in_dim3A_58 : vector<16xi32>
          %broadcast_in_dim3A_1156 = vector.shape_cast %min3A_1155 : vector<16xi32> to vector<16x1xi32>
          %gather3A_1157 = vector.shape_cast %broadcast_in_dim3A_1156 : vector<16x1xi32> to vector<16xi32>
          %gather3A_1158 = tpu.dynamic_gather %add3A_1107[%gather3A_1157] in [0] : vector<16xi32>, vector<16xi32> -> vector<16xi32>
          %le3A_1159 = arith.cmpi sle, %gather3A_1158, %iota3A : vector<16xi32>
          %jit3A_1160 = arith.constant 1 : i32
          %jit3A_1161 = arith.constant 0 : i32
          %broadcast_in_dim3A_1162 = vector.broadcast %jit3A_1160 : i32 to vector<16xi32>
          %broadcast_in_dim3A_1163 = vector.broadcast %jit3A_1161 : i32 to vector<16xi32>
          %select_n3A_1164 = arith.select %le3A_1159, %broadcast_in_dim3A_1162, %broadcast_in_dim3A_1163 : vector<16xi1>, vector<16xi32>
          %add3A_1165 = arith.addi %add3A_1151, %select_n3A_1164 : vector<16xi32>
          %broadcast_in_dim3A_1166 = vector.shape_cast %add3A_1165 : vector<16xi32> to vector<16x1xi32>
          %gather3A_1167 = vector.shape_cast %broadcast_in_dim3A_1166 : vector<16x1xi32> to vector<16xi32>
          %gather3A_1168 = tpu.dynamic_gather %add3A_917[%gather3A_1167] in [0] : vector<16xi32>, vector<16xi32> -> vector<16xi32>
          %slice3A_1169 = vector.extract_strided_slice %add3A_1107 {offsets = [15], sizes = [1], strides = [1]} : vector<16xi32> to vector<1xi32>
          %squeeze3A_1170 = vector.extract %slice3A_1169[0] : i32 from vector<1xi32>
          %min3A_1171 = arith.constant 32 : i32
          %min3A_1172 = arith.minsi %add3A_637, %min3A_1171 : i32
          %swap3A_1173 = arith.constant 1 : i32
          %swap3A_1174 = arith.index_cast %swap3A_1173 : i32 to index
          %swap3A_1175 = arith.index_cast %min3A_1172 : i32 to index
          %swap3A_1176 = tpu.vector_load %arg9[%swap3A_1174, %swap3A_1175] {strides = array<i32>} : memref<4x64xi32, #tpu.memory_space<vmem>>, vector<1x16xi32>,
          %swap3A_1177 = vector.shape_cast %swap3A_1176 : vector<1x16xi32> to vector<16xi32>
          %swap3A_1178 = vector.shape_cast %gather3A_1168 : vector<16xi32> to vector<1x16xi32>
          tpu.vector_store %arg9[%swap3A_1174, %swap3A_1175], %swap3A_1178 {strides = array<i32>} : memref<4x64xi32, #tpu.memory_space<vmem>>, vector<1x16xi32>,
          %add3A_1179 = arith.addi %add3A_637, %squeeze3A_1170 : i32
          %sub3A_1180 = vector.broadcast %squeeze3A_123 : f32 to vector<16xf32>
          %sub3A_1181 = arith.subf %get3A_908, %sub3A_1180 : vector<16xf32>
          %sub3A_1182 = vector.broadcast %squeeze3A_129 : f32 to vector<16xf32>
          %sub3A_1183 = arith.subf %get3A_911, %sub3A_1182 : vector<16xf32>
          %sub3A_1184 = vector.broadcast %squeeze3A_135 : f32 to vector<16xf32>
          %sub3A_1185 = arith.subf %get3A_914, %sub3A_1184 : vector<16xf32>
          %mul3A_1186 = arith.mulf %sub3A_1181, %sub3A_1181 : vector<16xf32>
          %mul3A_1187 = arith.mulf %sub3A_1183, %sub3A_1183 : vector<16xf32>
          %add3A_1188 = arith.addf %mul3A_1186, %mul3A_1187 : vector<16xf32>
          %mul3A_1189 = arith.mulf %sub3A_1185, %sub3A_1185 : vector<16xf32>
          %add3A_1190 = arith.addf %add3A_1188, %mul3A_1189 : vector<16xf32>
          %lt3A_1191 = arith.constant 4.000000e-02 : f32
          %lt3A_1192 = vector.broadcast %lt3A_1191 : f32 to vector<16xf32>
          %lt3A_1193 = arith.cmpf olt, %add3A_1190, %lt3A_1192 : vector<16xf32>
          %jit3A_1194 = arith.constant 1 : i32
          %jit3A_1195 = arith.constant 0 : i32
          %broadcast_in_dim3A_1196 = vector.broadcast %jit3A_1194 : i32 to vector<16xi32>
          %broadcast_in_dim3A_1197 = vector.broadcast %jit3A_1195 : i32 to vector<16xi32>
          %select_n3A_1198 = arith.select %lt3A_1193, %broadcast_in_dim3A_1196, %broadcast_in_dim3A_1197 : vector<16xi1>, vector<16xi32>
          %ge3A_1199 = arith.constant 1 : i32
          %ge3A_1200 = vector.broadcast %ge3A_1199 : i32 to vector<16xi32>
          %ge3A_1201 = arith.cmpi sge, %iota3A, %ge3A_1200 : vector<16xi32>
          %broadcast_in_dim3A_1202 = vector.shape_cast %max3A_39 : vector<16xi32> to vector<16x1xi32>
          %gather3A_1203 = vector.shape_cast %broadcast_in_dim3A_1202 : vector<16x1xi32> to vector<16xi32>
          %gather3A_1204 = tpu.dynamic_gather %select_n3A_1198[%gather3A_1203] in [0] : vector<16xi32>, vector<16xi32> -> vector<16xi32>
          %jit3A_1205 = arith.constant 0 : i32
          %broadcast_in_dim3A_1206 = vector.broadcast %jit3A_1205 : i32 to vector<16xi32>
          %select_n3A_1207 = arith.select %ge3A_1201, %gather3A_1204, %broadcast_in_dim3A_1206 : vector<16xi1>, vector<16xi32>
          %add3A_1208 = arith.addi %select_n3A_1198, %select_n3A_1207 : vector<16xi32>
          %ge3A_1209 = arith.constant 2 : i32
          %ge3A_1210 = vector.broadcast %ge3A_1209 : i32 to vector<16xi32>
          %ge3A_1211 = arith.cmpi sge, %iota3A, %ge3A_1210 : vector<16xi32>
          %broadcast_in_dim3A_1212 = vector.shape_cast %max3A_45 : vector<16xi32> to vector<16x1xi32>
          %gather3A_1213 = vector.shape_cast %broadcast_in_dim3A_1212 : vector<16x1xi32> to vector<16xi32>
          %gather3A_1214 = tpu.dynamic_gather %add3A_1208[%gather3A_1213] in [0] : vector<16xi32>, vector<16xi32> -> vector<16xi32>
          %jit3A_1215 = arith.constant 0 : i32
          %broadcast_in_dim3A_1216 = vector.broadcast %jit3A_1215 : i32 to vector<16xi32>
          %select_n3A_1217 = arith.select %ge3A_1211, %gather3A_1214, %broadcast_in_dim3A_1216 : vector<16xi1>, vector<16xi32>
          %add3A_1218 = arith.addi %add3A_1208, %select_n3A_1217 : vector<16xi32>
          %ge3A_1219 = arith.constant 4 : i32
          %ge3A_1220 = vector.broadcast %ge3A_1219 : i32 to vector<16xi32>
          %ge3A_1221 = arith.cmpi sge, %iota3A, %ge3A_1220 : vector<16xi32>
          %broadcast_in_dim3A_1222 = vector.shape_cast %max3A_51 : vector<16xi32> to vector<16x1xi32>
          %gather3A_1223 = vector.shape_cast %broadcast_in_dim3A_1222 : vector<16x1xi32> to vector<16xi32>
          %gather3A_1224 = tpu.dynamic_gather %add3A_1218[%gather3A_1223] in [0] : vector<16xi32>, vector<16xi32> -> vector<16xi32>
          %jit3A_1225 = arith.constant 0 : i32
          %broadcast_in_dim3A_1226 = vector.broadcast %jit3A_1225 : i32 to vector<16xi32>
          %select_n3A_1227 = arith.select %ge3A_1221, %gather3A_1224, %broadcast_in_dim3A_1226 : vector<16xi1>, vector<16xi32>
          %add3A_1228 = arith.addi %add3A_1218, %select_n3A_1227 : vector<16xi32>
          %ge3A_1229 = arith.constant 8 : i32
          %ge3A_1230 = vector.broadcast %ge3A_1229 : i32 to vector<16xi32>
          %ge3A_1231 = arith.cmpi sge, %iota3A, %ge3A_1230 : vector<16xi32>
          %broadcast_in_dim3A_1232 = vector.shape_cast %max3A_57 : vector<16xi32> to vector<16x1xi32>
          %gather3A_1233 = vector.shape_cast %broadcast_in_dim3A_1232 : vector<16x1xi32> to vector<16xi32>
          %gather3A_1234 = tpu.dynamic_gather %add3A_1228[%gather3A_1233] in [0] : vector<16xi32>, vector<16xi32> -> vector<16xi32>
          %jit3A_1235 = arith.constant 0 : i32
          %broadcast_in_dim3A_1236 = vector.broadcast %jit3A_1235 : i32 to vector<16xi32>
          %select_n3A_1237 = arith.select %ge3A_1231, %gather3A_1234, %broadcast_in_dim3A_1236 : vector<16xi1>, vector<16xi32>
          %add3A_1238 = arith.addi %add3A_1228, %select_n3A_1237 : vector<16xi32>
          %broadcast_in_dim3A_1239 = arith.constant 0 : i32
          %broadcast_in_dim3A_1240 = vector.broadcast %broadcast_in_dim3A_1239 : i32 to vector<16xi32>
          %add3A_1241 = arith.constant 7 : i32
          %add3A_1242 = vector.broadcast %add3A_1241 : i32 to vector<16xi32>
          %add3A_1243 = arith.addi %broadcast_in_dim3A_1240, %add3A_1242 : vector<16xi32>
          %min3A_1244 = arith.minsi %add3A_1243, %broadcast_in_dim3A_58 : vector<16xi32>
          %broadcast_in_dim3A_1245 = vector.shape_cast %min3A_1244 : vector<16xi32> to vector<16x1xi32>
          %gather3A_1246 = vector.shape_cast %broadcast_in_dim3A_1245 : vector<16x1xi32> to vector<16xi32>
          %gather3A_1247 = tpu.dynamic_gather %add3A_1238[%gather3A_1246] in [0] : vector<16xi32>, vector<16xi32> -> vector<16xi32>
          %le3A_1248 = arith.cmpi sle, %gather3A_1247, %iota3A : vector<16xi32>
          %jit3A_1249 = arith.constant 8 : i32
          %jit3A_1250 = arith.constant 0 : i32
          %broadcast_in_dim3A_1251 = vector.broadcast %jit3A_1249 : i32 to vector<16xi32>
          %broadcast_in_dim3A_1252 = vector.broadcast %jit3A_1250 : i32 to vector<16xi32>
          %select_n3A_1253 = arith.select %le3A_1248, %broadcast_in_dim3A_1251, %broadcast_in_dim3A_1252 : vector<16xi1>, vector<16xi32>
          %add3A_1254 = arith.addi %broadcast_in_dim3A_1240, %select_n3A_1253 : vector<16xi32>
          %add3A_1255 = arith.constant 3 : i32
          %add3A_1256 = vector.broadcast %add3A_1255 : i32 to vector<16xi32>
          %add3A_1257 = arith.addi %add3A_1254, %add3A_1256 : vector<16xi32>
          %min3A_1258 = arith.minsi %add3A_1257, %broadcast_in_dim3A_58 : vector<16xi32>
          %broadcast_in_dim3A_1259 = vector.shape_cast %min3A_1258 : vector<16xi32> to vector<16x1xi32>
          %gather3A_1260 = vector.shape_cast %broadcast_in_dim3A_1259 : vector<16x1xi32> to vector<16xi32>
          %gather3A_1261 = tpu.dynamic_gather %add3A_1238[%gather3A_1260] in [0] : vector<16xi32>, vector<16xi32> -> vector<16xi32>
          %le3A_1262 = arith.cmpi sle, %gather3A_1261, %iota3A : vector<16xi32>
          %jit3A_1263 = arith.constant 4 : i32
          %jit3A_1264 = arith.constant 0 : i32
          %broadcast_in_dim3A_1265 = vector.broadcast %jit3A_1263 : i32 to vector<16xi32>
          %broadcast_in_dim3A_1266 = vector.broadcast %jit3A_1264 : i32 to vector<16xi32>
          %select_n3A_1267 = arith.select %le3A_1262, %broadcast_in_dim3A_1265, %broadcast_in_dim3A_1266 : vector<16xi1>, vector<16xi32>
          %add3A_1268 = arith.addi %add3A_1254, %select_n3A_1267 : vector<16xi32>
          %add3A_1269 = arith.constant 1 : i32
          %add3A_1270 = vector.broadcast %add3A_1269 : i32 to vector<16xi32>
          %add3A_1271 = arith.addi %add3A_1268, %add3A_1270 : vector<16xi32>
          %min3A_1272 = arith.minsi %add3A_1271, %broadcast_in_dim3A_58 : vector<16xi32>
          %broadcast_in_dim3A_1273 = vector.shape_cast %min3A_1272 : vector<16xi32> to vector<16x1xi32>
          %gather3A_1274 = vector.shape_cast %broadcast_in_dim3A_1273 : vector<16x1xi32> to vector<16xi32>
          %gather3A_1275 = tpu.dynamic_gather %add3A_1238[%gather3A_1274] in [0] : vector<16xi32>, vector<16xi32> -> vector<16xi32>
          %le3A_1276 = arith.cmpi sle, %gather3A_1275, %iota3A : vector<16xi32>
          %jit3A_1277 = arith.constant 2 : i32
          %jit3A_1278 = arith.constant 0 : i32
          %broadcast_in_dim3A_1279 = vector.broadcast %jit3A_1277 : i32 to vector<16xi32>
          %broadcast_in_dim3A_1280 = vector.broadcast %jit3A_1278 : i32 to vector<16xi32>
          %select_n3A_1281 = arith.select %le3A_1276, %broadcast_in_dim3A_1279, %broadcast_in_dim3A_1280 : vector<16xi1>, vector<16xi32>
          %add3A_1282 = arith.addi %add3A_1268, %select_n3A_1281 : vector<16xi32>
          %add3A_1283 = arith.constant 0 : i32
          %add3A_1284 = vector.broadcast %add3A_1283 : i32 to vector<16xi32>
          %add3A_1285 = arith.addi %add3A_1282, %add3A_1284 : vector<16xi32>
          %min3A_1286 = arith.minsi %add3A_1285, %broadcast_in_dim3A_58 : vector<16xi32>
          %broadcast_in_dim3A_1287 = vector.shape_cast %min3A_1286 : vector<16xi32> to vector<16x1xi32>
          %gather3A_1288 = vector.shape_cast %broadcast_in_dim3A_1287 : vector<16x1xi32> to vector<16xi32>
          %gather3A_1289 = tpu.dynamic_gather %add3A_1238[%gather3A_1288] in [0] : vector<16xi32>, vector<16xi32> -> vector<16xi32>
          %le3A_1290 = arith.cmpi sle, %gather3A_1289, %iota3A : vector<16xi32>
          %jit3A_1291 = arith.constant 1 : i32
          %jit3A_1292 = arith.constant 0 : i32
          %broadcast_in_dim3A_1293 = vector.broadcast %jit3A_1291 : i32 to vector<16xi32>
          %broadcast_in_dim3A_1294 = vector.broadcast %jit3A_1292 : i32 to vector<16xi32>
          %select_n3A_1295 = arith.select %le3A_1290, %broadcast_in_dim3A_1293, %broadcast_in_dim3A_1294 : vector<16xi1>, vector<16xi32>
          %add3A_1296 = arith.addi %add3A_1282, %select_n3A_1295 : vector<16xi32>
          %broadcast_in_dim3A_1297 = vector.shape_cast %add3A_1296 : vector<16xi32> to vector<16x1xi32>
          %gather3A_1298 = vector.shape_cast %broadcast_in_dim3A_1297 : vector<16x1xi32> to vector<16xi32>
          %gather3A_1299 = tpu.dynamic_gather %add3A_917[%gather3A_1298] in [0] : vector<16xi32>, vector<16xi32> -> vector<16xi32>
          %slice3A_1300 = vector.extract_strided_slice %add3A_1238 {offsets = [15], sizes = [1], strides = [1]} : vector<16xi32> to vector<1xi32>
          %squeeze3A_1301 = vector.extract %slice3A_1300[0] : i32 from vector<1xi32>
          %min3A_1302 = arith.constant 32 : i32
          %min3A_1303 = arith.minsi %add3A_768, %min3A_1302 : i32
          %swap3A_1304 = arith.constant 2 : i32
          %swap3A_1305 = arith.index_cast %swap3A_1304 : i32 to index
          %swap3A_1306 = arith.index_cast %min3A_1303 : i32 to index
          %swap3A_1307 = tpu.vector_load %arg9[%swap3A_1305, %swap3A_1306] {strides = array<i32>} : memref<4x64xi32, #tpu.memory_space<vmem>>, vector<1x16xi32>,
          %swap3A_1308 = vector.shape_cast %swap3A_1307 : vector<1x16xi32> to vector<16xi32>
          %swap3A_1309 = vector.shape_cast %gather3A_1299 : vector<16xi32> to vector<1x16xi32>
          tpu.vector_store %arg9[%swap3A_1305, %swap3A_1306], %swap3A_1309 {strides = array<i32>} : memref<4x64xi32, #tpu.memory_space<vmem>>, vector<1x16xi32>,
          %add3A_1310 = arith.addi %add3A_768, %squeeze3A_1301 : i32
          %sub3A_1311 = vector.broadcast %squeeze3A_141 : f32 to vector<16xf32>
          %sub3A_1312 = arith.subf %get3A_908, %sub3A_1311 : vector<16xf32>
          %sub3A_1313 = vector.broadcast %squeeze3A_147 : f32 to vector<16xf32>
          %sub3A_1314 = arith.subf %get3A_911, %sub3A_1313 : vector<16xf32>
          %sub3A_1315 = vector.broadcast %squeeze3A_153 : f32 to vector<16xf32>
          %sub3A_1316 = arith.subf %get3A_914, %sub3A_1315 : vector<16xf32>
          %mul3A_1317 = arith.mulf %sub3A_1312, %sub3A_1312 : vector<16xf32>
          %mul3A_1318 = arith.mulf %sub3A_1314, %sub3A_1314 : vector<16xf32>
          %add3A_1319 = arith.addf %mul3A_1317, %mul3A_1318 : vector<16xf32>
          %mul3A_1320 = arith.mulf %sub3A_1316, %sub3A_1316 : vector<16xf32>
          %add3A_1321 = arith.addf %add3A_1319, %mul3A_1320 : vector<16xf32>
          %lt3A_1322 = arith.constant 4.000000e-02 : f32
          %lt3A_1323 = vector.broadcast %lt3A_1322 : f32 to vector<16xf32>
          %lt3A_1324 = arith.cmpf olt, %add3A_1321, %lt3A_1323 : vector<16xf32>
          %jit3A_1325 = arith.constant 1 : i32
          %jit3A_1326 = arith.constant 0 : i32
          %broadcast_in_dim3A_1327 = vector.broadcast %jit3A_1325 : i32 to vector<16xi32>
          %broadcast_in_dim3A_1328 = vector.broadcast %jit3A_1326 : i32 to vector<16xi32>
          %select_n3A_1329 = arith.select %lt3A_1324, %broadcast_in_dim3A_1327, %broadcast_in_dim3A_1328 : vector<16xi1>, vector<16xi32>
          %ge3A_1330 = arith.constant 1 : i32
          %ge3A_1331 = vector.broadcast %ge3A_1330 : i32 to vector<16xi32>
          %ge3A_1332 = arith.cmpi sge, %iota3A, %ge3A_1331 : vector<16xi32>
          %broadcast_in_dim3A_1333 = vector.shape_cast %max3A_39 : vector<16xi32> to vector<16x1xi32>
          %gather3A_1334 = vector.shape_cast %broadcast_in_dim3A_1333 : vector<16x1xi32> to vector<16xi32>
          %gather3A_1335 = tpu.dynamic_gather %select_n3A_1329[%gather3A_1334] in [0] : vector<16xi32>, vector<16xi32> -> vector<16xi32>
          %jit3A_1336 = arith.constant 0 : i32
          %broadcast_in_dim3A_1337 = vector.broadcast %jit3A_1336 : i32 to vector<16xi32>
          %select_n3A_1338 = arith.select %ge3A_1332, %gather3A_1335, %broadcast_in_dim3A_1337 : vector<16xi1>, vector<16xi32>
          %add3A_1339 = arith.addi %select_n3A_1329, %select_n3A_1338 : vector<16xi32>
          %ge3A_1340 = arith.constant 2 : i32
          %ge3A_1341 = vector.broadcast %ge3A_1340 : i32 to vector<16xi32>
          %ge3A_1342 = arith.cmpi sge, %iota3A, %ge3A_1341 : vector<16xi32>
          %broadcast_in_dim3A_1343 = vector.shape_cast %max3A_45 : vector<16xi32> to vector<16x1xi32>
          %gather3A_1344 = vector.shape_cast %broadcast_in_dim3A_1343 : vector<16x1xi32> to vector<16xi32>
          %gather3A_1345 = tpu.dynamic_gather %add3A_1339[%gather3A_1344] in [0] : vector<16xi32>, vector<16xi32> -> vector<16xi32>
          %jit3A_1346 = arith.constant 0 : i32
          %broadcast_in_dim3A_1347 = vector.broadcast %jit3A_1346 : i32 to vector<16xi32>
          %select_n3A_1348 = arith.select %ge3A_1342, %gather3A_1345, %broadcast_in_dim3A_1347 : vector<16xi1>, vector<16xi32>
          %add3A_1349 = arith.addi %add3A_1339, %select_n3A_1348 : vector<16xi32>
          %ge3A_1350 = arith.constant 4 : i32
          %ge3A_1351 = vector.broadcast %ge3A_1350 : i32 to vector<16xi32>
          %ge3A_1352 = arith.cmpi sge, %iota3A, %ge3A_1351 : vector<16xi32>
          %broadcast_in_dim3A_1353 = vector.shape_cast %max3A_51 : vector<16xi32> to vector<16x1xi32>
          %gather3A_1354 = vector.shape_cast %broadcast_in_dim3A_1353 : vector<16x1xi32> to vector<16xi32>
          %gather3A_1355 = tpu.dynamic_gather %add3A_1349[%gather3A_1354] in [0] : vector<16xi32>, vector<16xi32> -> vector<16xi32>
          %jit3A_1356 = arith.constant 0 : i32
          %broadcast_in_dim3A_1357 = vector.broadcast %jit3A_1356 : i32 to vector<16xi32>
          %select_n3A_1358 = arith.select %ge3A_1352, %gather3A_1355, %broadcast_in_dim3A_1357 : vector<16xi1>, vector<16xi32>
          %add3A_1359 = arith.addi %add3A_1349, %select_n3A_1358 : vector<16xi32>
          %ge3A_1360 = arith.constant 8 : i32
          %ge3A_1361 = vector.broadcast %ge3A_1360 : i32 to vector<16xi32>
          %ge3A_1362 = arith.cmpi sge, %iota3A, %ge3A_1361 : vector<16xi32>
          %broadcast_in_dim3A_1363 = vector.shape_cast %max3A_57 : vector<16xi32> to vector<16x1xi32>
          %gather3A_1364 = vector.shape_cast %broadcast_in_dim3A_1363 : vector<16x1xi32> to vector<16xi32>
          %gather3A_1365 = tpu.dynamic_gather %add3A_1359[%gather3A_1364] in [0] : vector<16xi32>, vector<16xi32> -> vector<16xi32>
          %jit3A_1366 = arith.constant 0 : i32
          %broadcast_in_dim3A_1367 = vector.broadcast %jit3A_1366 : i32 to vector<16xi32>
          %select_n3A_1368 = arith.select %ge3A_1362, %gather3A_1365, %broadcast_in_dim3A_1367 : vector<16xi1>, vector<16xi32>
          %add3A_1369 = arith.addi %add3A_1359, %select_n3A_1368 : vector<16xi32>
          %broadcast_in_dim3A_1370 = arith.constant 0 : i32
          %broadcast_in_dim3A_1371 = vector.broadcast %broadcast_in_dim3A_1370 : i32 to vector<16xi32>
          %add3A_1372 = arith.constant 7 : i32
          %add3A_1373 = vector.broadcast %add3A_1372 : i32 to vector<16xi32>
          %add3A_1374 = arith.addi %broadcast_in_dim3A_1371, %add3A_1373 : vector<16xi32>
          %min3A_1375 = arith.minsi %add3A_1374, %broadcast_in_dim3A_58 : vector<16xi32>
          %broadcast_in_dim3A_1376 = vector.shape_cast %min3A_1375 : vector<16xi32> to vector<16x1xi32>
          %gather3A_1377 = vector.shape_cast %broadcast_in_dim3A_1376 : vector<16x1xi32> to vector<16xi32>
          %gather3A_1378 = tpu.dynamic_gather %add3A_1369[%gather3A_1377] in [0] : vector<16xi32>, vector<16xi32> -> vector<16xi32>
          %le3A_1379 = arith.cmpi sle, %gather3A_1378, %iota3A : vector<16xi32>
          %jit3A_1380 = arith.constant 8 : i32
          %jit3A_1381 = arith.constant 0 : i32
          %broadcast_in_dim3A_1382 = vector.broadcast %jit3A_1380 : i32 to vector<16xi32>
          %broadcast_in_dim3A_1383 = vector.broadcast %jit3A_1381 : i32 to vector<16xi32>
          %select_n3A_1384 = arith.select %le3A_1379, %broadcast_in_dim3A_1382, %broadcast_in_dim3A_1383 : vector<16xi1>, vector<16xi32>
          %add3A_1385 = arith.addi %broadcast_in_dim3A_1371, %select_n3A_1384 : vector<16xi32>
          %add3A_1386 = arith.constant 3 : i32
          %add3A_1387 = vector.broadcast %add3A_1386 : i32 to vector<16xi32>
          %add3A_1388 = arith.addi %add3A_1385, %add3A_1387 : vector<16xi32>
          %min3A_1389 = arith.minsi %add3A_1388, %broadcast_in_dim3A_58 : vector<16xi32>
          %broadcast_in_dim3A_1390 = vector.shape_cast %min3A_1389 : vector<16xi32> to vector<16x1xi32>
          %gather3A_1391 = vector.shape_cast %broadcast_in_dim3A_1390 : vector<16x1xi32> to vector<16xi32>
          %gather3A_1392 = tpu.dynamic_gather %add3A_1369[%gather3A_1391] in [0] : vector<16xi32>, vector<16xi32> -> vector<16xi32>
          %le3A_1393 = arith.cmpi sle, %gather3A_1392, %iota3A : vector<16xi32>
          %jit3A_1394 = arith.constant 4 : i32
          %jit3A_1395 = arith.constant 0 : i32
          %broadcast_in_dim3A_1396 = vector.broadcast %jit3A_1394 : i32 to vector<16xi32>
          %broadcast_in_dim3A_1397 = vector.broadcast %jit3A_1395 : i32 to vector<16xi32>
          %select_n3A_1398 = arith.select %le3A_1393, %broadcast_in_dim3A_1396, %broadcast_in_dim3A_1397 : vector<16xi1>, vector<16xi32>
          %add3A_1399 = arith.addi %add3A_1385, %select_n3A_1398 : vector<16xi32>
          %add3A_1400 = arith.constant 1 : i32
          %add3A_1401 = vector.broadcast %add3A_1400 : i32 to vector<16xi32>
          %add3A_1402 = arith.addi %add3A_1399, %add3A_1401 : vector<16xi32>
          %min3A_1403 = arith.minsi %add3A_1402, %broadcast_in_dim3A_58 : vector<16xi32>
          %broadcast_in_dim3A_1404 = vector.shape_cast %min3A_1403 : vector<16xi32> to vector<16x1xi32>
          %gather3A_1405 = vector.shape_cast %broadcast_in_dim3A_1404 : vector<16x1xi32> to vector<16xi32>
          %gather3A_1406 = tpu.dynamic_gather %add3A_1369[%gather3A_1405] in [0] : vector<16xi32>, vector<16xi32> -> vector<16xi32>
          %le3A_1407 = arith.cmpi sle, %gather3A_1406, %iota3A : vector<16xi32>
          %jit3A_1408 = arith.constant 2 : i32
          %jit3A_1409 = arith.constant 0 : i32
          %broadcast_in_dim3A_1410 = vector.broadcast %jit3A_1408 : i32 to vector<16xi32>
          %broadcast_in_dim3A_1411 = vector.broadcast %jit3A_1409 : i32 to vector<16xi32>
          %select_n3A_1412 = arith.select %le3A_1407, %broadcast_in_dim3A_1410, %broadcast_in_dim3A_1411 : vector<16xi1>, vector<16xi32>
          %add3A_1413 = arith.addi %add3A_1399, %select_n3A_1412 : vector<16xi32>
          %add3A_1414 = arith.constant 0 : i32
          %add3A_1415 = vector.broadcast %add3A_1414 : i32 to vector<16xi32>
          %add3A_1416 = arith.addi %add3A_1413, %add3A_1415 : vector<16xi32>
          %min3A_1417 = arith.minsi %add3A_1416, %broadcast_in_dim3A_58 : vector<16xi32>
          %broadcast_in_dim3A_1418 = vector.shape_cast %min3A_1417 : vector<16xi32> to vector<16x1xi32>
          %gather3A_1419 = vector.shape_cast %broadcast_in_dim3A_1418 : vector<16x1xi32> to vector<16xi32>
          %gather3A_1420 = tpu.dynamic_gather %add3A_1369[%gather3A_1419] in [0] : vector<16xi32>, vector<16xi32> -> vector<16xi32>
          %le3A_1421 = arith.cmpi sle, %gather3A_1420, %iota3A : vector<16xi32>
          %jit3A_1422 = arith.constant 1 : i32
          %jit3A_1423 = arith.constant 0 : i32
          %broadcast_in_dim3A_1424 = vector.broadcast %jit3A_1422 : i32 to vector<16xi32>
          %broadcast_in_dim3A_1425 = vector.broadcast %jit3A_1423 : i32 to vector<16xi32>
          %select_n3A_1426 = arith.select %le3A_1421, %broadcast_in_dim3A_1424, %broadcast_in_dim3A_1425 : vector<16xi1>, vector<16xi32>
          %add3A_1427 = arith.addi %add3A_1413, %select_n3A_1426 : vector<16xi32>
          %broadcast_in_dim3A_1428 = vector.shape_cast %add3A_1427 : vector<16xi32> to vector<16x1xi32>
          %gather3A_1429 = vector.shape_cast %broadcast_in_dim3A_1428 : vector<16x1xi32> to vector<16xi32>
          %gather3A_1430 = tpu.dynamic_gather %add3A_917[%gather3A_1429] in [0] : vector<16xi32>, vector<16xi32> -> vector<16xi32>
          %slice3A_1431 = vector.extract_strided_slice %add3A_1369 {offsets = [15], sizes = [1], strides = [1]} : vector<16xi32> to vector<1xi32>
          %squeeze3A_1432 = vector.extract %slice3A_1431[0] : i32 from vector<1xi32>
          %min3A_1433 = arith.constant 32 : i32
          %min3A_1434 = arith.minsi %add3A_899, %min3A_1433 : i32
          %swap3A_1435 = arith.constant 3 : i32
          %swap3A_1436 = arith.index_cast %swap3A_1435 : i32 to index
          %swap3A_1437 = arith.index_cast %min3A_1434 : i32 to index
          %swap3A_1438 = tpu.vector_load %arg9[%swap3A_1436, %swap3A_1437] {strides = array<i32>} : memref<4x64xi32, #tpu.memory_space<vmem>>, vector<1x16xi32>,
          %swap3A_1439 = vector.shape_cast %swap3A_1438 : vector<1x16xi32> to vector<16xi32>
          %swap3A_1440 = vector.shape_cast %gather3A_1430 : vector<16xi32> to vector<1x16xi32>
          tpu.vector_store %arg9[%swap3A_1436, %swap3A_1437], %swap3A_1440 {strides = array<i32>} : memref<4x64xi32, #tpu.memory_space<vmem>>, vector<1x16xi32>,
          %add3A_1441 = arith.addi %add3A_899, %squeeze3A_1432 : i32
          %mul3A_1442 = arith.constant 8 : i32
          %mul3A_1443 = arith.muli %scan3A_342, %mul3A_1442 : i32
          %add3A_1444 = arith.constant 2 : i32
          %add3A_1445 = arith.addi %mul3A_1443, %add3A_1444 : i32
          %mul3A_1446 = arith.constant 16 : i32
          %mul3A_1447 = arith.muli %add3A_1445, %mul3A_1446 : i32
          %get3A_1448 = arith.index_cast %mul3A_1447 : i32 to index
          %get3A_1449 = tpu.vector_load %arg6[%get3A_1448] {strides = array<i32>} : memref<4112xf32, #tpu.memory_space<vmem>>, vector<16xf32>,
          %get3A_1450 = vector.shape_cast %get3A_1449 : vector<16xf32> to vector<16xf32>
          %get3A_1451 = arith.index_cast %mul3A_1447 : i32 to index
          %get3A_1452 = tpu.vector_load %arg7[%get3A_1451] {strides = array<i32>} : memref<4112xf32, #tpu.memory_space<vmem>>, vector<16xf32>,
          %get3A_1453 = vector.shape_cast %get3A_1452 : vector<16xf32> to vector<16xf32>
          %get3A_1454 = arith.index_cast %mul3A_1447 : i32 to index
          %get3A_1455 = tpu.vector_load %arg8[%get3A_1454] {strides = array<i32>} : memref<4112xf32, #tpu.memory_space<vmem>>, vector<16xf32>,
          %get3A_1456 = vector.shape_cast %get3A_1455 : vector<16xf32> to vector<16xf32>
          %add3A_1457 = arith.addi %mul3A_34, %mul3A_1447 : i32
          %add3A_1458 = vector.broadcast %add3A_1457 : i32 to vector<16xi32>
          %add3A_1459 = arith.addi %add3A_1458, %iota3A : vector<16xi32>
          %sub3A_1460 = vector.broadcast %squeeze3A : f32 to vector<16xf32>
          %sub3A_1461 = arith.subf %get3A_1450, %sub3A_1460 : vector<16xf32>
          %sub3A_1462 = vector.broadcast %squeeze3A_93 : f32 to vector<16xf32>
          %sub3A_1463 = arith.subf %get3A_1453, %sub3A_1462 : vector<16xf32>
          %sub3A_1464 = vector.broadcast %squeeze3A_99 : f32 to vector<16xf32>
          %sub3A_1465 = arith.subf %get3A_1456, %sub3A_1464 : vector<16xf32>
          %mul3A_1466 = arith.mulf %sub3A_1461, %sub3A_1461 : vector<16xf32>
          %mul3A_1467 = arith.mulf %sub3A_1463, %sub3A_1463 : vector<16xf32>
          %add3A_1468 = arith.addf %mul3A_1466, %mul3A_1467 : vector<16xf32>
          %mul3A_1469 = arith.mulf %sub3A_1465, %sub3A_1465 : vector<16xf32>
          %add3A_1470 = arith.addf %add3A_1468, %mul3A_1469 : vector<16xf32>
          %lt3A_1471 = arith.constant 4.000000e-02 : f32
          %lt3A_1472 = vector.broadcast %lt3A_1471 : f32 to vector<16xf32>
          %lt3A_1473 = arith.cmpf olt, %add3A_1470, %lt3A_1472 : vector<16xf32>
          %jit3A_1474 = arith.constant 1 : i32
          %jit3A_1475 = arith.constant 0 : i32
          %broadcast_in_dim3A_1476 = vector.broadcast %jit3A_1474 : i32 to vector<16xi32>
          %broadcast_in_dim3A_1477 = vector.broadcast %jit3A_1475 : i32 to vector<16xi32>
          %select_n3A_1478 = arith.select %lt3A_1473, %broadcast_in_dim3A_1476, %broadcast_in_dim3A_1477 : vector<16xi1>, vector<16xi32>
          %ge3A_1479 = arith.constant 1 : i32
          %ge3A_1480 = vector.broadcast %ge3A_1479 : i32 to vector<16xi32>
          %ge3A_1481 = arith.cmpi sge, %iota3A, %ge3A_1480 : vector<16xi32>
          %broadcast_in_dim3A_1482 = vector.shape_cast %max3A_39 : vector<16xi32> to vector<16x1xi32>
          %gather3A_1483 = vector.shape_cast %broadcast_in_dim3A_1482 : vector<16x1xi32> to vector<16xi32>
          %gather3A_1484 = tpu.dynamic_gather %select_n3A_1478[%gather3A_1483] in [0] : vector<16xi32>, vector<16xi32> -> vector<16xi32>
          %jit3A_1485 = arith.constant 0 : i32
          %broadcast_in_dim3A_1486 = vector.broadcast %jit3A_1485 : i32 to vector<16xi32>
          %select_n3A_1487 = arith.select %ge3A_1481, %gather3A_1484, %broadcast_in_dim3A_1486 : vector<16xi1>, vector<16xi32>
          %add3A_1488 = arith.addi %select_n3A_1478, %select_n3A_1487 : vector<16xi32>
          %ge3A_1489 = arith.constant 2 : i32
          %ge3A_1490 = vector.broadcast %ge3A_1489 : i32 to vector<16xi32>
          %ge3A_1491 = arith.cmpi sge, %iota3A, %ge3A_1490 : vector<16xi32>
          %broadcast_in_dim3A_1492 = vector.shape_cast %max3A_45 : vector<16xi32> to vector<16x1xi32>
          %gather3A_1493 = vector.shape_cast %broadcast_in_dim3A_1492 : vector<16x1xi32> to vector<16xi32>
          %gather3A_1494 = tpu.dynamic_gather %add3A_1488[%gather3A_1493] in [0] : vector<16xi32>, vector<16xi32> -> vector<16xi32>
          %jit3A_1495 = arith.constant 0 : i32
          %broadcast_in_dim3A_1496 = vector.broadcast %jit3A_1495 : i32 to vector<16xi32>
          %select_n3A_1497 = arith.select %ge3A_1491, %gather3A_1494, %broadcast_in_dim3A_1496 : vector<16xi1>, vector<16xi32>
          %add3A_1498 = arith.addi %add3A_1488, %select_n3A_1497 : vector<16xi32>
          %ge3A_1499 = arith.constant 4 : i32
          %ge3A_1500 = vector.broadcast %ge3A_1499 : i32 to vector<16xi32>
          %ge3A_1501 = arith.cmpi sge, %iota3A, %ge3A_1500 : vector<16xi32>
          %broadcast_in_dim3A_1502 = vector.shape_cast %max3A_51 : vector<16xi32> to vector<16x1xi32>
          %gather3A_1503 = vector.shape_cast %broadcast_in_dim3A_1502 : vector<16x1xi32> to vector<16xi32>
          %gather3A_1504 = tpu.dynamic_gather %add3A_1498[%gather3A_1503] in [0] : vector<16xi32>, vector<16xi32> -> vector<16xi32>
          %jit3A_1505 = arith.constant 0 : i32
          %broadcast_in_dim3A_1506 = vector.broadcast %jit3A_1505 : i32 to vector<16xi32>
          %select_n3A_1507 = arith.select %ge3A_1501, %gather3A_1504, %broadcast_in_dim3A_1506 : vector<16xi1>, vector<16xi32>
          %add3A_1508 = arith.addi %add3A_1498, %select_n3A_1507 : vector<16xi32>
          %ge3A_1509 = arith.constant 8 : i32
          %ge3A_1510 = vector.broadcast %ge3A_1509 : i32 to vector<16xi32>
          %ge3A_1511 = arith.cmpi sge, %iota3A, %ge3A_1510 : vector<16xi32>
          %broadcast_in_dim3A_1512 = vector.shape_cast %max3A_57 : vector<16xi32> to vector<16x1xi32>
          %gather3A_1513 = vector.shape_cast %broadcast_in_dim3A_1512 : vector<16x1xi32> to vector<16xi32>
          %gather3A_1514 = tpu.dynamic_gather %add3A_1508[%gather3A_1513] in [0] : vector<16xi32>, vector<16xi32> -> vector<16xi32>
          %jit3A_1515 = arith.constant 0 : i32
          %broadcast_in_dim3A_1516 = vector.broadcast %jit3A_1515 : i32 to vector<16xi32>
          %select_n3A_1517 = arith.select %ge3A_1511, %gather3A_1514, %broadcast_in_dim3A_1516 : vector<16xi1>, vector<16xi32>
          %add3A_1518 = arith.addi %add3A_1508, %select_n3A_1517 : vector<16xi32>
          %broadcast_in_dim3A_1519 = arith.constant 0 : i32
          %broadcast_in_dim3A_1520 = vector.broadcast %broadcast_in_dim3A_1519 : i32 to vector<16xi32>
          %add3A_1521 = arith.constant 7 : i32
          %add3A_1522 = vector.broadcast %add3A_1521 : i32 to vector<16xi32>
          %add3A_1523 = arith.addi %broadcast_in_dim3A_1520, %add3A_1522 : vector<16xi32>
          %min3A_1524 = arith.minsi %add3A_1523, %broadcast_in_dim3A_58 : vector<16xi32>
          %broadcast_in_dim3A_1525 = vector.shape_cast %min3A_1524 : vector<16xi32> to vector<16x1xi32>
          %gather3A_1526 = vector.shape_cast %broadcast_in_dim3A_1525 : vector<16x1xi32> to vector<16xi32>
          %gather3A_1527 = tpu.dynamic_gather %add3A_1518[%gather3A_1526] in [0] : vector<16xi32>, vector<16xi32> -> vector<16xi32>
          %le3A_1528 = arith.cmpi sle, %gather3A_1527, %iota3A : vector<16xi32>
          %jit3A_1529 = arith.constant 8 : i32
          %jit3A_1530 = arith.constant 0 : i32
          %broadcast_in_dim3A_1531 = vector.broadcast %jit3A_1529 : i32 to vector<16xi32>
          %broadcast_in_dim3A_1532 = vector.broadcast %jit3A_1530 : i32 to vector<16xi32>
          %select_n3A_1533 = arith.select %le3A_1528, %broadcast_in_dim3A_1531, %broadcast_in_dim3A_1532 : vector<16xi1>, vector<16xi32>
          %add3A_1534 = arith.addi %broadcast_in_dim3A_1520, %select_n3A_1533 : vector<16xi32>
          %add3A_1535 = arith.constant 3 : i32
          %add3A_1536 = vector.broadcast %add3A_1535 : i32 to vector<16xi32>
          %add3A_1537 = arith.addi %add3A_1534, %add3A_1536 : vector<16xi32>
          %min3A_1538 = arith.minsi %add3A_1537, %broadcast_in_dim3A_58 : vector<16xi32>
          %broadcast_in_dim3A_1539 = vector.shape_cast %min3A_1538 : vector<16xi32> to vector<16x1xi32>
          %gather3A_1540 = vector.shape_cast %broadcast_in_dim3A_1539 : vector<16x1xi32> to vector<16xi32>
          %gather3A_1541 = tpu.dynamic_gather %add3A_1518[%gather3A_1540] in [0] : vector<16xi32>, vector<16xi32> -> vector<16xi32>
          %le3A_1542 = arith.cmpi sle, %gather3A_1541, %iota3A : vector<16xi32>
          %jit3A_1543 = arith.constant 4 : i32
          %jit3A_1544 = arith.constant 0 : i32
          %broadcast_in_dim3A_1545 = vector.broadcast %jit3A_1543 : i32 to vector<16xi32>
          %broadcast_in_dim3A_1546 = vector.broadcast %jit3A_1544 : i32 to vector<16xi32>
          %select_n3A_1547 = arith.select %le3A_1542, %broadcast_in_dim3A_1545, %broadcast_in_dim3A_1546 : vector<16xi1>, vector<16xi32>
          %add3A_1548 = arith.addi %add3A_1534, %select_n3A_1547 : vector<16xi32>
          %add3A_1549 = arith.constant 1 : i32
          %add3A_1550 = vector.broadcast %add3A_1549 : i32 to vector<16xi32>
          %add3A_1551 = arith.addi %add3A_1548, %add3A_1550 : vector<16xi32>
          %min3A_1552 = arith.minsi %add3A_1551, %broadcast_in_dim3A_58 : vector<16xi32>
          %broadcast_in_dim3A_1553 = vector.shape_cast %min3A_1552 : vector<16xi32> to vector<16x1xi32>
          %gather3A_1554 = vector.shape_cast %broadcast_in_dim3A_1553 : vector<16x1xi32> to vector<16xi32>
          %gather3A_1555 = tpu.dynamic_gather %add3A_1518[%gather3A_1554] in [0] : vector<16xi32>, vector<16xi32> -> vector<16xi32>
          %le3A_1556 = arith.cmpi sle, %gather3A_1555, %iota3A : vector<16xi32>
          %jit3A_1557 = arith.constant 2 : i32
          %jit3A_1558 = arith.constant 0 : i32
          %broadcast_in_dim3A_1559 = vector.broadcast %jit3A_1557 : i32 to vector<16xi32>
          %broadcast_in_dim3A_1560 = vector.broadcast %jit3A_1558 : i32 to vector<16xi32>
          %select_n3A_1561 = arith.select %le3A_1556, %broadcast_in_dim3A_1559, %broadcast_in_dim3A_1560 : vector<16xi1>, vector<16xi32>
          %add3A_1562 = arith.addi %add3A_1548, %select_n3A_1561 : vector<16xi32>
          %add3A_1563 = arith.constant 0 : i32
          %add3A_1564 = vector.broadcast %add3A_1563 : i32 to vector<16xi32>
          %add3A_1565 = arith.addi %add3A_1562, %add3A_1564 : vector<16xi32>
          %min3A_1566 = arith.minsi %add3A_1565, %broadcast_in_dim3A_58 : vector<16xi32>
          %broadcast_in_dim3A_1567 = vector.shape_cast %min3A_1566 : vector<16xi32> to vector<16x1xi32>
          %gather3A_1568 = vector.shape_cast %broadcast_in_dim3A_1567 : vector<16x1xi32> to vector<16xi32>
          %gather3A_1569 = tpu.dynamic_gather %add3A_1518[%gather3A_1568] in [0] : vector<16xi32>, vector<16xi32> -> vector<16xi32>
          %le3A_1570 = arith.cmpi sle, %gather3A_1569, %iota3A : vector<16xi32>
          %jit3A_1571 = arith.constant 1 : i32
          %jit3A_1572 = arith.constant 0 : i32
          %broadcast_in_dim3A_1573 = vector.broadcast %jit3A_1571 : i32 to vector<16xi32>
          %broadcast_in_dim3A_1574 = vector.broadcast %jit3A_1572 : i32 to vector<16xi32>
          %select_n3A_1575 = arith.select %le3A_1570, %broadcast_in_dim3A_1573, %broadcast_in_dim3A_1574 : vector<16xi1>, vector<16xi32>
          %add3A_1576 = arith.addi %add3A_1562, %select_n3A_1575 : vector<16xi32>
          %broadcast_in_dim3A_1577 = vector.shape_cast %add3A_1576 : vector<16xi32> to vector<16x1xi32>
          %gather3A_1578 = vector.shape_cast %broadcast_in_dim3A_1577 : vector<16x1xi32> to vector<16xi32>
          %gather3A_1579 = tpu.dynamic_gather %add3A_1459[%gather3A_1578] in [0] : vector<16xi32>, vector<16xi32> -> vector<16xi32>
          %slice3A_1580 = vector.extract_strided_slice %add3A_1518 {offsets = [15], sizes = [1], strides = [1]} : vector<16xi32> to vector<1xi32>
          %squeeze3A_1581 = vector.extract %slice3A_1580[0] : i32 from vector<1xi32>
          %min3A_1582 = arith.constant 32 : i32
          %min3A_1583 = arith.minsi %add3A_1048, %min3A_1582 : i32
          %swap3A_1584 = arith.constant 0 : i32
          %swap3A_1585 = arith.index_cast %swap3A_1584 : i32 to index
          %swap3A_1586 = arith.index_cast %min3A_1583 : i32 to index
          %swap3A_1587 = tpu.vector_load %arg9[%swap3A_1585, %swap3A_1586] {strides = array<i32>} : memref<4x64xi32, #tpu.memory_space<vmem>>, vector<1x16xi32>,
          %swap3A_1588 = vector.shape_cast %swap3A_1587 : vector<1x16xi32> to vector<16xi32>
          %swap3A_1589 = vector.shape_cast %gather3A_1579 : vector<16xi32> to vector<1x16xi32>
          tpu.vector_store %arg9[%swap3A_1585, %swap3A_1586], %swap3A_1589 {strides = array<i32>} : memref<4x64xi32, #tpu.memory_space<vmem>>, vector<1x16xi32>,
          %add3A_1590 = arith.addi %add3A_1048, %squeeze3A_1581 : i32
          %sub3A_1591 = vector.broadcast %squeeze3A_105 : f32 to vector<16xf32>
          %sub3A_1592 = arith.subf %get3A_1450, %sub3A_1591 : vector<16xf32>
          %sub3A_1593 = vector.broadcast %squeeze3A_111 : f32 to vector<16xf32>
          %sub3A_1594 = arith.subf %get3A_1453, %sub3A_1593 : vector<16xf32>
          %sub3A_1595 = vector.broadcast %squeeze3A_117 : f32 to vector<16xf32>
          %sub3A_1596 = arith.subf %get3A_1456, %sub3A_1595 : vector<16xf32>
          %mul3A_1597 = arith.mulf %sub3A_1592, %sub3A_1592 : vector<16xf32>
          %mul3A_1598 = arith.mulf %sub3A_1594, %sub3A_1594 : vector<16xf32>
          %add3A_1599 = arith.addf %mul3A_1597, %mul3A_1598 : vector<16xf32>
          %mul3A_1600 = arith.mulf %sub3A_1596, %sub3A_1596 : vector<16xf32>
          %add3A_1601 = arith.addf %add3A_1599, %mul3A_1600 : vector<16xf32>
          %lt3A_1602 = arith.constant 4.000000e-02 : f32
          %lt3A_1603 = vector.broadcast %lt3A_1602 : f32 to vector<16xf32>
          %lt3A_1604 = arith.cmpf olt, %add3A_1601, %lt3A_1603 : vector<16xf32>
          %jit3A_1605 = arith.constant 1 : i32
          %jit3A_1606 = arith.constant 0 : i32
          %broadcast_in_dim3A_1607 = vector.broadcast %jit3A_1605 : i32 to vector<16xi32>
          %broadcast_in_dim3A_1608 = vector.broadcast %jit3A_1606 : i32 to vector<16xi32>
          %select_n3A_1609 = arith.select %lt3A_1604, %broadcast_in_dim3A_1607, %broadcast_in_dim3A_1608 : vector<16xi1>, vector<16xi32>
          %ge3A_1610 = arith.constant 1 : i32
          %ge3A_1611 = vector.broadcast %ge3A_1610 : i32 to vector<16xi32>
          %ge3A_1612 = arith.cmpi sge, %iota3A, %ge3A_1611 : vector<16xi32>
          %broadcast_in_dim3A_1613 = vector.shape_cast %max3A_39 : vector<16xi32> to vector<16x1xi32>
          %gather3A_1614 = vector.shape_cast %broadcast_in_dim3A_1613 : vector<16x1xi32> to vector<16xi32>
          %gather3A_1615 = tpu.dynamic_gather %select_n3A_1609[%gather3A_1614] in [0] : vector<16xi32>, vector<16xi32> -> vector<16xi32>
          %jit3A_1616 = arith.constant 0 : i32
          %broadcast_in_dim3A_1617 = vector.broadcast %jit3A_1616 : i32 to vector<16xi32>
          %select_n3A_1618 = arith.select %ge3A_1612, %gather3A_1615, %broadcast_in_dim3A_1617 : vector<16xi1>, vector<16xi32>
          %add3A_1619 = arith.addi %select_n3A_1609, %select_n3A_1618 : vector<16xi32>
          %ge3A_1620 = arith.constant 2 : i32
          %ge3A_1621 = vector.broadcast %ge3A_1620 : i32 to vector<16xi32>
          %ge3A_1622 = arith.cmpi sge, %iota3A, %ge3A_1621 : vector<16xi32>
          %broadcast_in_dim3A_1623 = vector.shape_cast %max3A_45 : vector<16xi32> to vector<16x1xi32>
          %gather3A_1624 = vector.shape_cast %broadcast_in_dim3A_1623 : vector<16x1xi32> to vector<16xi32>
          %gather3A_1625 = tpu.dynamic_gather %add3A_1619[%gather3A_1624] in [0] : vector<16xi32>, vector<16xi32> -> vector<16xi32>
          %jit3A_1626 = arith.constant 0 : i32
          %broadcast_in_dim3A_1627 = vector.broadcast %jit3A_1626 : i32 to vector<16xi32>
          %select_n3A_1628 = arith.select %ge3A_1622, %gather3A_1625, %broadcast_in_dim3A_1627 : vector<16xi1>, vector<16xi32>
          %add3A_1629 = arith.addi %add3A_1619, %select_n3A_1628 : vector<16xi32>
          %ge3A_1630 = arith.constant 4 : i32
          %ge3A_1631 = vector.broadcast %ge3A_1630 : i32 to vector<16xi32>
          %ge3A_1632 = arith.cmpi sge, %iota3A, %ge3A_1631 : vector<16xi32>
          %broadcast_in_dim3A_1633 = vector.shape_cast %max3A_51 : vector<16xi32> to vector<16x1xi32>
          %gather3A_1634 = vector.shape_cast %broadcast_in_dim3A_1633 : vector<16x1xi32> to vector<16xi32>
          %gather3A_1635 = tpu.dynamic_gather %add3A_1629[%gather3A_1634] in [0] : vector<16xi32>, vector<16xi32> -> vector<16xi32>
          %jit3A_1636 = arith.constant 0 : i32
          %broadcast_in_dim3A_1637 = vector.broadcast %jit3A_1636 : i32 to vector<16xi32>
          %select_n3A_1638 = arith.select %ge3A_1632, %gather3A_1635, %broadcast_in_dim3A_1637 : vector<16xi1>, vector<16xi32>
          %add3A_1639 = arith.addi %add3A_1629, %select_n3A_1638 : vector<16xi32>
          %ge3A_1640 = arith.constant 8 : i32
          %ge3A_1641 = vector.broadcast %ge3A_1640 : i32 to vector<16xi32>
          %ge3A_1642 = arith.cmpi sge, %iota3A, %ge3A_1641 : vector<16xi32>
          %broadcast_in_dim3A_1643 = vector.shape_cast %max3A_57 : vector<16xi32> to vector<16x1xi32>
          %gather3A_1644 = vector.shape_cast %broadcast_in_dim3A_1643 : vector<16x1xi32> to vector<16xi32>
          %gather3A_1645 = tpu.dynamic_gather %add3A_1639[%gather3A_1644] in [0] : vector<16xi32>, vector<16xi32> -> vector<16xi32>
          %jit3A_1646 = arith.constant 0 : i32
          %broadcast_in_dim3A_1647 = vector.broadcast %jit3A_1646 : i32 to vector<16xi32>
          %select_n3A_1648 = arith.select %ge3A_1642, %gather3A_1645, %broadcast_in_dim3A_1647 : vector<16xi1>, vector<16xi32>
          %add3A_1649 = arith.addi %add3A_1639, %select_n3A_1648 : vector<16xi32>
          %broadcast_in_dim3A_1650 = arith.constant 0 : i32
          %broadcast_in_dim3A_1651 = vector.broadcast %broadcast_in_dim3A_1650 : i32 to vector<16xi32>
          %add3A_1652 = arith.constant 7 : i32
          %add3A_1653 = vector.broadcast %add3A_1652 : i32 to vector<16xi32>
          %add3A_1654 = arith.addi %broadcast_in_dim3A_1651, %add3A_1653 : vector<16xi32>
          %min3A_1655 = arith.minsi %add3A_1654, %broadcast_in_dim3A_58 : vector<16xi32>
          %broadcast_in_dim3A_1656 = vector.shape_cast %min3A_1655 : vector<16xi32> to vector<16x1xi32>
          %gather3A_1657 = vector.shape_cast %broadcast_in_dim3A_1656 : vector<16x1xi32> to vector<16xi32>
          %gather3A_1658 = tpu.dynamic_gather %add3A_1649[%gather3A_1657] in [0] : vector<16xi32>, vector<16xi32> -> vector<16xi32>
          %le3A_1659 = arith.cmpi sle, %gather3A_1658, %iota3A : vector<16xi32>
          %jit3A_1660 = arith.constant 8 : i32
          %jit3A_1661 = arith.constant 0 : i32
          %broadcast_in_dim3A_1662 = vector.broadcast %jit3A_1660 : i32 to vector<16xi32>
          %broadcast_in_dim3A_1663 = vector.broadcast %jit3A_1661 : i32 to vector<16xi32>
          %select_n3A_1664 = arith.select %le3A_1659, %broadcast_in_dim3A_1662, %broadcast_in_dim3A_1663 : vector<16xi1>, vector<16xi32>
          %add3A_1665 = arith.addi %broadcast_in_dim3A_1651, %select_n3A_1664 : vector<16xi32>
          %add3A_1666 = arith.constant 3 : i32
          %add3A_1667 = vector.broadcast %add3A_1666 : i32 to vector<16xi32>
          %add3A_1668 = arith.addi %add3A_1665, %add3A_1667 : vector<16xi32>
          %min3A_1669 = arith.minsi %add3A_1668, %broadcast_in_dim3A_58 : vector<16xi32>
          %broadcast_in_dim3A_1670 = vector.shape_cast %min3A_1669 : vector<16xi32> to vector<16x1xi32>
          %gather3A_1671 = vector.shape_cast %broadcast_in_dim3A_1670 : vector<16x1xi32> to vector<16xi32>
          %gather3A_1672 = tpu.dynamic_gather %add3A_1649[%gather3A_1671] in [0] : vector<16xi32>, vector<16xi32> -> vector<16xi32>
          %le3A_1673 = arith.cmpi sle, %gather3A_1672, %iota3A : vector<16xi32>
          %jit3A_1674 = arith.constant 4 : i32
          %jit3A_1675 = arith.constant 0 : i32
          %broadcast_in_dim3A_1676 = vector.broadcast %jit3A_1674 : i32 to vector<16xi32>
          %broadcast_in_dim3A_1677 = vector.broadcast %jit3A_1675 : i32 to vector<16xi32>
          %select_n3A_1678 = arith.select %le3A_1673, %broadcast_in_dim3A_1676, %broadcast_in_dim3A_1677 : vector<16xi1>, vector<16xi32>
          %add3A_1679 = arith.addi %add3A_1665, %select_n3A_1678 : vector<16xi32>
          %add3A_1680 = arith.constant 1 : i32
          %add3A_1681 = vector.broadcast %add3A_1680 : i32 to vector<16xi32>
          %add3A_1682 = arith.addi %add3A_1679, %add3A_1681 : vector<16xi32>
          %min3A_1683 = arith.minsi %add3A_1682, %broadcast_in_dim3A_58 : vector<16xi32>
          %broadcast_in_dim3A_1684 = vector.shape_cast %min3A_1683 : vector<16xi32> to vector<16x1xi32>
          %gather3A_1685 = vector.shape_cast %broadcast_in_dim3A_1684 : vector<16x1xi32> to vector<16xi32>
          %gather3A_1686 = tpu.dynamic_gather %add3A_1649[%gather3A_1685] in [0] : vector<16xi32>, vector<16xi32> -> vector<16xi32>
          %le3A_1687 = arith.cmpi sle, %gather3A_1686, %iota3A : vector<16xi32>
          %jit3A_1688 = arith.constant 2 : i32
          %jit3A_1689 = arith.constant 0 : i32
          %broadcast_in_dim3A_1690 = vector.broadcast %jit3A_1688 : i32 to vector<16xi32>
          %broadcast_in_dim3A_1691 = vector.broadcast %jit3A_1689 : i32 to vector<16xi32>
          %select_n3A_1692 = arith.select %le3A_1687, %broadcast_in_dim3A_1690, %broadcast_in_dim3A_1691 : vector<16xi1>, vector<16xi32>
          %add3A_1693 = arith.addi %add3A_1679, %select_n3A_1692 : vector<16xi32>
          %add3A_1694 = arith.constant 0 : i32
          %add3A_1695 = vector.broadcast %add3A_1694 : i32 to vector<16xi32>
          %add3A_1696 = arith.addi %add3A_1693, %add3A_1695 : vector<16xi32>
          %min3A_1697 = arith.minsi %add3A_1696, %broadcast_in_dim3A_58 : vector<16xi32>
          %broadcast_in_dim3A_1698 = vector.shape_cast %min3A_1697 : vector<16xi32> to vector<16x1xi32>
          %gather3A_1699 = vector.shape_cast %broadcast_in_dim3A_1698 : vector<16x1xi32> to vector<16xi32>
          %gather3A_1700 = tpu.dynamic_gather %add3A_1649[%gather3A_1699] in [0] : vector<16xi32>, vector<16xi32> -> vector<16xi32>
          %le3A_1701 = arith.cmpi sle, %gather3A_1700, %iota3A : vector<16xi32>
          %jit3A_1702 = arith.constant 1 : i32
          %jit3A_1703 = arith.constant 0 : i32
          %broadcast_in_dim3A_1704 = vector.broadcast %jit3A_1702 : i32 to vector<16xi32>
          %broadcast_in_dim3A_1705 = vector.broadcast %jit3A_1703 : i32 to vector<16xi32>
          %select_n3A_1706 = arith.select %le3A_1701, %broadcast_in_dim3A_1704, %broadcast_in_dim3A_1705 : vector<16xi1>, vector<16xi32>
          %add3A_1707 = arith.addi %add3A_1693, %select_n3A_1706 : vector<16xi32>
          %broadcast_in_dim3A_1708 = vector.shape_cast %add3A_1707 : vector<16xi32> to vector<16x1xi32>
          %gather3A_1709 = vector.shape_cast %broadcast_in_dim3A_1708 : vector<16x1xi32> to vector<16xi32>
          %gather3A_1710 = tpu.dynamic_gather %add3A_1459[%gather3A_1709] in [0] : vector<16xi32>, vector<16xi32> -> vector<16xi32>
          %slice3A_1711 = vector.extract_strided_slice %add3A_1649 {offsets = [15], sizes = [1], strides = [1]} : vector<16xi32> to vector<1xi32>
          %squeeze3A_1712 = vector.extract %slice3A_1711[0] : i32 from vector<1xi32>
          %min3A_1713 = arith.constant 32 : i32
          %min3A_1714 = arith.minsi %add3A_1179, %min3A_1713 : i32
          %swap3A_1715 = arith.constant 1 : i32
          %swap3A_1716 = arith.index_cast %swap3A_1715 : i32 to index
          %swap3A_1717 = arith.index_cast %min3A_1714 : i32 to index
          %swap3A_1718 = tpu.vector_load %arg9[%swap3A_1716, %swap3A_1717] {strides = array<i32>} : memref<4x64xi32, #tpu.memory_space<vmem>>, vector<1x16xi32>,
          %swap3A_1719 = vector.shape_cast %swap3A_1718 : vector<1x16xi32> to vector<16xi32>
          %swap3A_1720 = vector.shape_cast %gather3A_1710 : vector<16xi32> to vector<1x16xi32>
          tpu.vector_store %arg9[%swap3A_1716, %swap3A_1717], %swap3A_1720 {strides = array<i32>} : memref<4x64xi32, #tpu.memory_space<vmem>>, vector<1x16xi32>,
          %add3A_1721 = arith.addi %add3A_1179, %squeeze3A_1712 : i32
          %sub3A_1722 = vector.broadcast %squeeze3A_123 : f32 to vector<16xf32>
          %sub3A_1723 = arith.subf %get3A_1450, %sub3A_1722 : vector<16xf32>
          %sub3A_1724 = vector.broadcast %squeeze3A_129 : f32 to vector<16xf32>
          %sub3A_1725 = arith.subf %get3A_1453, %sub3A_1724 : vector<16xf32>
          %sub3A_1726 = vector.broadcast %squeeze3A_135 : f32 to vector<16xf32>
          %sub3A_1727 = arith.subf %get3A_1456, %sub3A_1726 : vector<16xf32>
          %mul3A_1728 = arith.mulf %sub3A_1723, %sub3A_1723 : vector<16xf32>
          %mul3A_1729 = arith.mulf %sub3A_1725, %sub3A_1725 : vector<16xf32>
          %add3A_1730 = arith.addf %mul3A_1728, %mul3A_1729 : vector<16xf32>
          %mul3A_1731 = arith.mulf %sub3A_1727, %sub3A_1727 : vector<16xf32>
          %add3A_1732 = arith.addf %add3A_1730, %mul3A_1731 : vector<16xf32>
          %lt3A_1733 = arith.constant 4.000000e-02 : f32
          %lt3A_1734 = vector.broadcast %lt3A_1733 : f32 to vector<16xf32>
          %lt3A_1735 = arith.cmpf olt, %add3A_1732, %lt3A_1734 : vector<16xf32>
          %jit3A_1736 = arith.constant 1 : i32
          %jit3A_1737 = arith.constant 0 : i32
          %broadcast_in_dim3A_1738 = vector.broadcast %jit3A_1736 : i32 to vector<16xi32>
          %broadcast_in_dim3A_1739 = vector.broadcast %jit3A_1737 : i32 to vector<16xi32>
          %select_n3A_1740 = arith.select %lt3A_1735, %broadcast_in_dim3A_1738, %broadcast_in_dim3A_1739 : vector<16xi1>, vector<16xi32>
          %ge3A_1741 = arith.constant 1 : i32
          %ge3A_1742 = vector.broadcast %ge3A_1741 : i32 to vector<16xi32>
          %ge3A_1743 = arith.cmpi sge, %iota3A, %ge3A_1742 : vector<16xi32>
          %broadcast_in_dim3A_1744 = vector.shape_cast %max3A_39 : vector<16xi32> to vector<16x1xi32>
          %gather3A_1745 = vector.shape_cast %broadcast_in_dim3A_1744 : vector<16x1xi32> to vector<16xi32>
          %gather3A_1746 = tpu.dynamic_gather %select_n3A_1740[%gather3A_1745] in [0] : vector<16xi32>, vector<16xi32> -> vector<16xi32>
          %jit3A_1747 = arith.constant 0 : i32
          %broadcast_in_dim3A_1748 = vector.broadcast %jit3A_1747 : i32 to vector<16xi32>
          %select_n3A_1749 = arith.select %ge3A_1743, %gather3A_1746, %broadcast_in_dim3A_1748 : vector<16xi1>, vector<16xi32>
          %add3A_1750 = arith.addi %select_n3A_1740, %select_n3A_1749 : vector<16xi32>
          %ge3A_1751 = arith.constant 2 : i32
          %ge3A_1752 = vector.broadcast %ge3A_1751 : i32 to vector<16xi32>
          %ge3A_1753 = arith.cmpi sge, %iota3A, %ge3A_1752 : vector<16xi32>
          %broadcast_in_dim3A_1754 = vector.shape_cast %max3A_45 : vector<16xi32> to vector<16x1xi32>
          %gather3A_1755 = vector.shape_cast %broadcast_in_dim3A_1754 : vector<16x1xi32> to vector<16xi32>
          %gather3A_1756 = tpu.dynamic_gather %add3A_1750[%gather3A_1755] in [0] : vector<16xi32>, vector<16xi32> -> vector<16xi32>
          %jit3A_1757 = arith.constant 0 : i32
          %broadcast_in_dim3A_1758 = vector.broadcast %jit3A_1757 : i32 to vector<16xi32>
          %select_n3A_1759 = arith.select %ge3A_1753, %gather3A_1756, %broadcast_in_dim3A_1758 : vector<16xi1>, vector<16xi32>
          %add3A_1760 = arith.addi %add3A_1750, %select_n3A_1759 : vector<16xi32>
          %ge3A_1761 = arith.constant 4 : i32
          %ge3A_1762 = vector.broadcast %ge3A_1761 : i32 to vector<16xi32>
          %ge3A_1763 = arith.cmpi sge, %iota3A, %ge3A_1762 : vector<16xi32>
          %broadcast_in_dim3A_1764 = vector.shape_cast %max3A_51 : vector<16xi32> to vector<16x1xi32>
          %gather3A_1765 = vector.shape_cast %broadcast_in_dim3A_1764 : vector<16x1xi32> to vector<16xi32>
          %gather3A_1766 = tpu.dynamic_gather %add3A_1760[%gather3A_1765] in [0] : vector<16xi32>, vector<16xi32> -> vector<16xi32>
          %jit3A_1767 = arith.constant 0 : i32
          %broadcast_in_dim3A_1768 = vector.broadcast %jit3A_1767 : i32 to vector<16xi32>
          %select_n3A_1769 = arith.select %ge3A_1763, %gather3A_1766, %broadcast_in_dim3A_1768 : vector<16xi1>, vector<16xi32>
          %add3A_1770 = arith.addi %add3A_1760, %select_n3A_1769 : vector<16xi32>
          %ge3A_1771 = arith.constant 8 : i32
          %ge3A_1772 = vector.broadcast %ge3A_1771 : i32 to vector<16xi32>
          %ge3A_1773 = arith.cmpi sge, %iota3A, %ge3A_1772 : vector<16xi32>
          %broadcast_in_dim3A_1774 = vector.shape_cast %max3A_57 : vector<16xi32> to vector<16x1xi32>
          %gather3A_1775 = vector.shape_cast %broadcast_in_dim3A_1774 : vector<16x1xi32> to vector<16xi32>
          %gather3A_1776 = tpu.dynamic_gather %add3A_1770[%gather3A_1775] in [0] : vector<16xi32>, vector<16xi32> -> vector<16xi32>
          %jit3A_1777 = arith.constant 0 : i32
          %broadcast_in_dim3A_1778 = vector.broadcast %jit3A_1777 : i32 to vector<16xi32>
          %select_n3A_1779 = arith.select %ge3A_1773, %gather3A_1776, %broadcast_in_dim3A_1778 : vector<16xi1>, vector<16xi32>
          %add3A_1780 = arith.addi %add3A_1770, %select_n3A_1779 : vector<16xi32>
          %broadcast_in_dim3A_1781 = arith.constant 0 : i32
          %broadcast_in_dim3A_1782 = vector.broadcast %broadcast_in_dim3A_1781 : i32 to vector<16xi32>
          %add3A_1783 = arith.constant 7 : i32
          %add3A_1784 = vector.broadcast %add3A_1783 : i32 to vector<16xi32>
          %add3A_1785 = arith.addi %broadcast_in_dim3A_1782, %add3A_1784 : vector<16xi32>
          %min3A_1786 = arith.minsi %add3A_1785, %broadcast_in_dim3A_58 : vector<16xi32>
          %broadcast_in_dim3A_1787 = vector.shape_cast %min3A_1786 : vector<16xi32> to vector<16x1xi32>
          %gather3A_1788 = vector.shape_cast %broadcast_in_dim3A_1787 : vector<16x1xi32> to vector<16xi32>
          %gather3A_1789 = tpu.dynamic_gather %add3A_1780[%gather3A_1788] in [0] : vector<16xi32>, vector<16xi32> -> vector<16xi32>
          %le3A_1790 = arith.cmpi sle, %gather3A_1789, %iota3A : vector<16xi32>
          %jit3A_1791 = arith.constant 8 : i32
          %jit3A_1792 = arith.constant 0 : i32
          %broadcast_in_dim3A_1793 = vector.broadcast %jit3A_1791 : i32 to vector<16xi32>
          %broadcast_in_dim3A_1794 = vector.broadcast %jit3A_1792 : i32 to vector<16xi32>
          %select_n3A_1795 = arith.select %le3A_1790, %broadcast_in_dim3A_1793, %broadcast_in_dim3A_1794 : vector<16xi1>, vector<16xi32>
          %add3A_1796 = arith.addi %broadcast_in_dim3A_1782, %select_n3A_1795 : vector<16xi32>
          %add3A_1797 = arith.constant 3 : i32
          %add3A_1798 = vector.broadcast %add3A_1797 : i32 to vector<16xi32>
          %add3A_1799 = arith.addi %add3A_1796, %add3A_1798 : vector<16xi32>
          %min3A_1800 = arith.minsi %add3A_1799, %broadcast_in_dim3A_58 : vector<16xi32>
          %broadcast_in_dim3A_1801 = vector.shape_cast %min3A_1800 : vector<16xi32> to vector<16x1xi32>
          %gather3A_1802 = vector.shape_cast %broadcast_in_dim3A_1801 : vector<16x1xi32> to vector<16xi32>
          %gather3A_1803 = tpu.dynamic_gather %add3A_1780[%gather3A_1802] in [0] : vector<16xi32>, vector<16xi32> -> vector<16xi32>
          %le3A_1804 = arith.cmpi sle, %gather3A_1803, %iota3A : vector<16xi32>
          %jit3A_1805 = arith.constant 4 : i32
          %jit3A_1806 = arith.constant 0 : i32
          %broadcast_in_dim3A_1807 = vector.broadcast %jit3A_1805 : i32 to vector<16xi32>
          %broadcast_in_dim3A_1808 = vector.broadcast %jit3A_1806 : i32 to vector<16xi32>
          %select_n3A_1809 = arith.select %le3A_1804, %broadcast_in_dim3A_1807, %broadcast_in_dim3A_1808 : vector<16xi1>, vector<16xi32>
          %add3A_1810 = arith.addi %add3A_1796, %select_n3A_1809 : vector<16xi32>
          %add3A_1811 = arith.constant 1 : i32
          %add3A_1812 = vector.broadcast %add3A_1811 : i32 to vector<16xi32>
          %add3A_1813 = arith.addi %add3A_1810, %add3A_1812 : vector<16xi32>
          %min3A_1814 = arith.minsi %add3A_1813, %broadcast_in_dim3A_58 : vector<16xi32>
          %broadcast_in_dim3A_1815 = vector.shape_cast %min3A_1814 : vector<16xi32> to vector<16x1xi32>
          %gather3A_1816 = vector.shape_cast %broadcast_in_dim3A_1815 : vector<16x1xi32> to vector<16xi32>
          %gather3A_1817 = tpu.dynamic_gather %add3A_1780[%gather3A_1816] in [0] : vector<16xi32>, vector<16xi32> -> vector<16xi32>
          %le3A_1818 = arith.cmpi sle, %gather3A_1817, %iota3A : vector<16xi32>
          %jit3A_1819 = arith.constant 2 : i32
          %jit3A_1820 = arith.constant 0 : i32
          %broadcast_in_dim3A_1821 = vector.broadcast %jit3A_1819 : i32 to vector<16xi32>
          %broadcast_in_dim3A_1822 = vector.broadcast %jit3A_1820 : i32 to vector<16xi32>
          %select_n3A_1823 = arith.select %le3A_1818, %broadcast_in_dim3A_1821, %broadcast_in_dim3A_1822 : vector<16xi1>, vector<16xi32>
          %add3A_1824 = arith.addi %add3A_1810, %select_n3A_1823 : vector<16xi32>
          %add3A_1825 = arith.constant 0 : i32
          %add3A_1826 = vector.broadcast %add3A_1825 : i32 to vector<16xi32>
          %add3A_1827 = arith.addi %add3A_1824, %add3A_1826 : vector<16xi32>
          %min3A_1828 = arith.minsi %add3A_1827, %broadcast_in_dim3A_58 : vector<16xi32>
          %broadcast_in_dim3A_1829 = vector.shape_cast %min3A_1828 : vector<16xi32> to vector<16x1xi32>
          %gather3A_1830 = vector.shape_cast %broadcast_in_dim3A_1829 : vector<16x1xi32> to vector<16xi32>
          %gather3A_1831 = tpu.dynamic_gather %add3A_1780[%gather3A_1830] in [0] : vector<16xi32>, vector<16xi32> -> vector<16xi32>
          %le3A_1832 = arith.cmpi sle, %gather3A_1831, %iota3A : vector<16xi32>
          %jit3A_1833 = arith.constant 1 : i32
          %jit3A_1834 = arith.constant 0 : i32
          %broadcast_in_dim3A_1835 = vector.broadcast %jit3A_1833 : i32 to vector<16xi32>
          %broadcast_in_dim3A_1836 = vector.broadcast %jit3A_1834 : i32 to vector<16xi32>
          %select_n3A_1837 = arith.select %le3A_1832, %broadcast_in_dim3A_1835, %broadcast_in_dim3A_1836 : vector<16xi1>, vector<16xi32>
          %add3A_1838 = arith.addi %add3A_1824, %select_n3A_1837 : vector<16xi32>
          %broadcast_in_dim3A_1839 = vector.shape_cast %add3A_1838 : vector<16xi32> to vector<16x1xi32>
          %gather3A_1840 = vector.shape_cast %broadcast_in_dim3A_1839 : vector<16x1xi32> to vector<16xi32>
          %gather3A_1841 = tpu.dynamic_gather %add3A_1459[%gather3A_1840] in [0] : vector<16xi32>, vector<16xi32> -> vector<16xi32>
          %slice3A_1842 = vector.extract_strided_slice %add3A_1780 {offsets = [15], sizes = [1], strides = [1]} : vector<16xi32> to vector<1xi32>
          %squeeze3A_1843 = vector.extract %slice3A_1842[0] : i32 from vector<1xi32>
          %min3A_1844 = arith.constant 32 : i32
          %min3A_1845 = arith.minsi %add3A_1310, %min3A_1844 : i32
          %swap3A_1846 = arith.constant 2 : i32
          %swap3A_1847 = arith.index_cast %swap3A_1846 : i32 to index
          %swap3A_1848 = arith.index_cast %min3A_1845 : i32 to index
          %swap3A_1849 = tpu.vector_load %arg9[%swap3A_1847, %swap3A_1848] {strides = array<i32>} : memref<4x64xi32, #tpu.memory_space<vmem>>, vector<1x16xi32>,
          %swap3A_1850 = vector.shape_cast %swap3A_1849 : vector<1x16xi32> to vector<16xi32>
          %swap3A_1851 = vector.shape_cast %gather3A_1841 : vector<16xi32> to vector<1x16xi32>
          tpu.vector_store %arg9[%swap3A_1847, %swap3A_1848], %swap3A_1851 {strides = array<i32>} : memref<4x64xi32, #tpu.memory_space<vmem>>, vector<1x16xi32>,
          %add3A_1852 = arith.addi %add3A_1310, %squeeze3A_1843 : i32
          %sub3A_1853 = vector.broadcast %squeeze3A_141 : f32 to vector<16xf32>
          %sub3A_1854 = arith.subf %get3A_1450, %sub3A_1853 : vector<16xf32>
          %sub3A_1855 = vector.broadcast %squeeze3A_147 : f32 to vector<16xf32>
          %sub3A_1856 = arith.subf %get3A_1453, %sub3A_1855 : vector<16xf32>
          %sub3A_1857 = vector.broadcast %squeeze3A_153 : f32 to vector<16xf32>
          %sub3A_1858 = arith.subf %get3A_1456, %sub3A_1857 : vector<16xf32>
          %mul3A_1859 = arith.mulf %sub3A_1854, %sub3A_1854 : vector<16xf32>
          %mul3A_1860 = arith.mulf %sub3A_1856, %sub3A_1856 : vector<16xf32>
          %add3A_1861 = arith.addf %mul3A_1859, %mul3A_1860 : vector<16xf32>
          %mul3A_1862 = arith.mulf %sub3A_1858, %sub3A_1858 : vector<16xf32>
          %add3A_1863 = arith.addf %add3A_1861, %mul3A_1862 : vector<16xf32>
          %lt3A_1864 = arith.constant 4.000000e-02 : f32
          %lt3A_1865 = vector.broadcast %lt3A_1864 : f32 to vector<16xf32>
          %lt3A_1866 = arith.cmpf olt, %add3A_1863, %lt3A_1865 : vector<16xf32>
          %jit3A_1867 = arith.constant 1 : i32
          %jit3A_1868 = arith.constant 0 : i32
          %broadcast_in_dim3A_1869 = vector.broadcast %jit3A_1867 : i32 to vector<16xi32>
          %broadcast_in_dim3A_1870 = vector.broadcast %jit3A_1868 : i32 to vector<16xi32>
          %select_n3A_1871 = arith.select %lt3A_1866, %broadcast_in_dim3A_1869, %broadcast_in_dim3A_1870 : vector<16xi1>, vector<16xi32>
          %ge3A_1872 = arith.constant 1 : i32
          %ge3A_1873 = vector.broadcast %ge3A_1872 : i32 to vector<16xi32>
          %ge3A_1874 = arith.cmpi sge, %iota3A, %ge3A_1873 : vector<16xi32>
          %broadcast_in_dim3A_1875 = vector.shape_cast %max3A_39 : vector<16xi32> to vector<16x1xi32>
          %gather3A_1876 = vector.shape_cast %broadcast_in_dim3A_1875 : vector<16x1xi32> to vector<16xi32>
          %gather3A_1877 = tpu.dynamic_gather %select_n3A_1871[%gather3A_1876] in [0] : vector<16xi32>, vector<16xi32> -> vector<16xi32>
          %jit3A_1878 = arith.constant 0 : i32
          %broadcast_in_dim3A_1879 = vector.broadcast %jit3A_1878 : i32 to vector<16xi32>
          %select_n3A_1880 = arith.select %ge3A_1874, %gather3A_1877, %broadcast_in_dim3A_1879 : vector<16xi1>, vector<16xi32>
          %add3A_1881 = arith.addi %select_n3A_1871, %select_n3A_1880 : vector<16xi32>
          %ge3A_1882 = arith.constant 2 : i32
          %ge3A_1883 = vector.broadcast %ge3A_1882 : i32 to vector<16xi32>
          %ge3A_1884 = arith.cmpi sge, %iota3A, %ge3A_1883 : vector<16xi32>
          %broadcast_in_dim3A_1885 = vector.shape_cast %max3A_45 : vector<16xi32> to vector<16x1xi32>
          %gather3A_1886 = vector.shape_cast %broadcast_in_dim3A_1885 : vector<16x1xi32> to vector<16xi32>
          %gather3A_1887 = tpu.dynamic_gather %add3A_1881[%gather3A_1886] in [0] : vector<16xi32>, vector<16xi32> -> vector<16xi32>
          %jit3A_1888 = arith.constant 0 : i32
          %broadcast_in_dim3A_1889 = vector.broadcast %jit3A_1888 : i32 to vector<16xi32>
          %select_n3A_1890 = arith.select %ge3A_1884, %gather3A_1887, %broadcast_in_dim3A_1889 : vector<16xi1>, vector<16xi32>
          %add3A_1891 = arith.addi %add3A_1881, %select_n3A_1890 : vector<16xi32>
          %ge3A_1892 = arith.constant 4 : i32
          %ge3A_1893 = vector.broadcast %ge3A_1892 : i32 to vector<16xi32>
          %ge3A_1894 = arith.cmpi sge, %iota3A, %ge3A_1893 : vector<16xi32>
          %broadcast_in_dim3A_1895 = vector.shape_cast %max3A_51 : vector<16xi32> to vector<16x1xi32>
          %gather3A_1896 = vector.shape_cast %broadcast_in_dim3A_1895 : vector<16x1xi32> to vector<16xi32>
          %gather3A_1897 = tpu.dynamic_gather %add3A_1891[%gather3A_1896] in [0] : vector<16xi32>, vector<16xi32> -> vector<16xi32>
          %jit3A_1898 = arith.constant 0 : i32
          %broadcast_in_dim3A_1899 = vector.broadcast %jit3A_1898 : i32 to vector<16xi32>
          %select_n3A_1900 = arith.select %ge3A_1894, %gather3A_1897, %broadcast_in_dim3A_1899 : vector<16xi1>, vector<16xi32>
          %add3A_1901 = arith.addi %add3A_1891, %select_n3A_1900 : vector<16xi32>
          %ge3A_1902 = arith.constant 8 : i32
          %ge3A_1903 = vector.broadcast %ge3A_1902 : i32 to vector<16xi32>
          %ge3A_1904 = arith.cmpi sge, %iota3A, %ge3A_1903 : vector<16xi32>
          %broadcast_in_dim3A_1905 = vector.shape_cast %max3A_57 : vector<16xi32> to vector<16x1xi32>
          %gather3A_1906 = vector.shape_cast %broadcast_in_dim3A_1905 : vector<16x1xi32> to vector<16xi32>
          %gather3A_1907 = tpu.dynamic_gather %add3A_1901[%gather3A_1906] in [0] : vector<16xi32>, vector<16xi32> -> vector<16xi32>
          %jit3A_1908 = arith.constant 0 : i32
          %broadcast_in_dim3A_1909 = vector.broadcast %jit3A_1908 : i32 to vector<16xi32>
          %select_n3A_1910 = arith.select %ge3A_1904, %gather3A_1907, %broadcast_in_dim3A_1909 : vector<16xi1>, vector<16xi32>
          %add3A_1911 = arith.addi %add3A_1901, %select_n3A_1910 : vector<16xi32>
          %broadcast_in_dim3A_1912 = arith.constant 0 : i32
          %broadcast_in_dim3A_1913 = vector.broadcast %broadcast_in_dim3A_1912 : i32 to vector<16xi32>
          %add3A_1914 = arith.constant 7 : i32
          %add3A_1915 = vector.broadcast %add3A_1914 : i32 to vector<16xi32>
          %add3A_1916 = arith.addi %broadcast_in_dim3A_1913, %add3A_1915 : vector<16xi32>
          %min3A_1917 = arith.minsi %add3A_1916, %broadcast_in_dim3A_58 : vector<16xi32>
          %broadcast_in_dim3A_1918 = vector.shape_cast %min3A_1917 : vector<16xi32> to vector<16x1xi32>
          %gather3A_1919 = vector.shape_cast %broadcast_in_dim3A_1918 : vector<16x1xi32> to vector<16xi32>
          %gather3A_1920 = tpu.dynamic_gather %add3A_1911[%gather3A_1919] in [0] : vector<16xi32>, vector<16xi32> -> vector<16xi32>
          %le3A_1921 = arith.cmpi sle, %gather3A_1920, %iota3A : vector<16xi32>
          %jit3A_1922 = arith.constant 8 : i32
          %jit3A_1923 = arith.constant 0 : i32
          %broadcast_in_dim3A_1924 = vector.broadcast %jit3A_1922 : i32 to vector<16xi32>
          %broadcast_in_dim3A_1925 = vector.broadcast %jit3A_1923 : i32 to vector<16xi32>
          %select_n3A_1926 = arith.select %le3A_1921, %broadcast_in_dim3A_1924, %broadcast_in_dim3A_1925 : vector<16xi1>, vector<16xi32>
          %add3A_1927 = arith.addi %broadcast_in_dim3A_1913, %select_n3A_1926 : vector<16xi32>
          %add3A_1928 = arith.constant 3 : i32
          %add3A_1929 = vector.broadcast %add3A_1928 : i32 to vector<16xi32>
          %add3A_1930 = arith.addi %add3A_1927, %add3A_1929 : vector<16xi32>
          %min3A_1931 = arith.minsi %add3A_1930, %broadcast_in_dim3A_58 : vector<16xi32>
          %broadcast_in_dim3A_1932 = vector.shape_cast %min3A_1931 : vector<16xi32> to vector<16x1xi32>
          %gather3A_1933 = vector.shape_cast %broadcast_in_dim3A_1932 : vector<16x1xi32> to vector<16xi32>
          %gather3A_1934 = tpu.dynamic_gather %add3A_1911[%gather3A_1933] in [0] : vector<16xi32>, vector<16xi32> -> vector<16xi32>
          %le3A_1935 = arith.cmpi sle, %gather3A_1934, %iota3A : vector<16xi32>
          %jit3A_1936 = arith.constant 4 : i32
          %jit3A_1937 = arith.constant 0 : i32
          %broadcast_in_dim3A_1938 = vector.broadcast %jit3A_1936 : i32 to vector<16xi32>
          %broadcast_in_dim3A_1939 = vector.broadcast %jit3A_1937 : i32 to vector<16xi32>
          %select_n3A_1940 = arith.select %le3A_1935, %broadcast_in_dim3A_1938, %broadcast_in_dim3A_1939 : vector<16xi1>, vector<16xi32>
          %add3A_1941 = arith.addi %add3A_1927, %select_n3A_1940 : vector<16xi32>
          %add3A_1942 = arith.constant 1 : i32
          %add3A_1943 = vector.broadcast %add3A_1942 : i32 to vector<16xi32>
          %add3A_1944 = arith.addi %add3A_1941, %add3A_1943 : vector<16xi32>
          %min3A_1945 = arith.minsi %add3A_1944, %broadcast_in_dim3A_58 : vector<16xi32>
          %broadcast_in_dim3A_1946 = vector.shape_cast %min3A_1945 : vector<16xi32> to vector<16x1xi32>
          %gather3A_1947 = vector.shape_cast %broadcast_in_dim3A_1946 : vector<16x1xi32> to vector<16xi32>
          %gather3A_1948 = tpu.dynamic_gather %add3A_1911[%gather3A_1947] in [0] : vector<16xi32>, vector<16xi32> -> vector<16xi32>
          %le3A_1949 = arith.cmpi sle, %gather3A_1948, %iota3A : vector<16xi32>
          %jit3A_1950 = arith.constant 2 : i32
          %jit3A_1951 = arith.constant 0 : i32
          %broadcast_in_dim3A_1952 = vector.broadcast %jit3A_1950 : i32 to vector<16xi32>
          %broadcast_in_dim3A_1953 = vector.broadcast %jit3A_1951 : i32 to vector<16xi32>
          %select_n3A_1954 = arith.select %le3A_1949, %broadcast_in_dim3A_1952, %broadcast_in_dim3A_1953 : vector<16xi1>, vector<16xi32>
          %add3A_1955 = arith.addi %add3A_1941, %select_n3A_1954 : vector<16xi32>
          %add3A_1956 = arith.constant 0 : i32
          %add3A_1957 = vector.broadcast %add3A_1956 : i32 to vector<16xi32>
          %add3A_1958 = arith.addi %add3A_1955, %add3A_1957 : vector<16xi32>
          %min3A_1959 = arith.minsi %add3A_1958, %broadcast_in_dim3A_58 : vector<16xi32>
          %broadcast_in_dim3A_1960 = vector.shape_cast %min3A_1959 : vector<16xi32> to vector<16x1xi32>
          %gather3A_1961 = vector.shape_cast %broadcast_in_dim3A_1960 : vector<16x1xi32> to vector<16xi32>
          %gather3A_1962 = tpu.dynamic_gather %add3A_1911[%gather3A_1961] in [0] : vector<16xi32>, vector<16xi32> -> vector<16xi32>
          %le3A_1963 = arith.cmpi sle, %gather3A_1962, %iota3A : vector<16xi32>
          %jit3A_1964 = arith.constant 1 : i32
          %jit3A_1965 = arith.constant 0 : i32
          %broadcast_in_dim3A_1966 = vector.broadcast %jit3A_1964 : i32 to vector<16xi32>
          %broadcast_in_dim3A_1967 = vector.broadcast %jit3A_1965 : i32 to vector<16xi32>
          %select_n3A_1968 = arith.select %le3A_1963, %broadcast_in_dim3A_1966, %broadcast_in_dim3A_1967 : vector<16xi1>, vector<16xi32>
          %add3A_1969 = arith.addi %add3A_1955, %select_n3A_1968 : vector<16xi32>
          %broadcast_in_dim3A_1970 = vector.shape_cast %add3A_1969 : vector<16xi32> to vector<16x1xi32>
          %gather3A_1971 = vector.shape_cast %broadcast_in_dim3A_1970 : vector<16x1xi32> to vector<16xi32>
          %gather3A_1972 = tpu.dynamic_gather %add3A_1459[%gather3A_1971] in [0] : vector<16xi32>, vector<16xi32> -> vector<16xi32>
          %slice3A_1973 = vector.extract_strided_slice %add3A_1911 {offsets = [15], sizes = [1], strides = [1]} : vector<16xi32> to vector<1xi32>
          %squeeze3A_1974 = vector.extract %slice3A_1973[0] : i32 from vector<1xi32>
          %min3A_1975 = arith.constant 32 : i32
          %min3A_1976 = arith.minsi %add3A_1441, %min3A_1975 : i32
          %swap3A_1977 = arith.constant 3 : i32
          %swap3A_1978 = arith.index_cast %swap3A_1977 : i32 to index
          %swap3A_1979 = arith.index_cast %min3A_1976 : i32 to index
          %swap3A_1980 = tpu.vector_load %arg9[%swap3A_1978, %swap3A_1979] {strides = array<i32>} : memref<4x64xi32, #tpu.memory_space<vmem>>, vector<1x16xi32>,
          %swap3A_1981 = vector.shape_cast %swap3A_1980 : vector<1x16xi32> to vector<16xi32>
          %swap3A_1982 = vector.shape_cast %gather3A_1972 : vector<16xi32> to vector<1x16xi32>
          tpu.vector_store %arg9[%swap3A_1978, %swap3A_1979], %swap3A_1982 {strides = array<i32>} : memref<4x64xi32, #tpu.memory_space<vmem>>, vector<1x16xi32>,
          %add3A_1983 = arith.addi %add3A_1441, %squeeze3A_1974 : i32
          %mul3A_1984 = arith.constant 8 : i32
          %mul3A_1985 = arith.muli %scan3A_342, %mul3A_1984 : i32
          %add3A_1986 = arith.constant 3 : i32
          %add3A_1987 = arith.addi %mul3A_1985, %add3A_1986 : i32
          %mul3A_1988 = arith.constant 16 : i32
          %mul3A_1989 = arith.muli %add3A_1987, %mul3A_1988 : i32
          %get3A_1990 = arith.index_cast %mul3A_1989 : i32 to index
          %get3A_1991 = tpu.vector_load %arg6[%get3A_1990] {strides = array<i32>} : memref<4112xf32, #tpu.memory_space<vmem>>, vector<16xf32>,
          %get3A_1992 = vector.shape_cast %get3A_1991 : vector<16xf32> to vector<16xf32>
          %get3A_1993 = arith.index_cast %mul3A_1989 : i32 to index
          %get3A_1994 = tpu.vector_load %arg7[%get3A_1993] {strides = array<i32>} : memref<4112xf32, #tpu.memory_space<vmem>>, vector<16xf32>,
          %get3A_1995 = vector.shape_cast %get3A_1994 : vector<16xf32> to vector<16xf32>
          %get3A_1996 = arith.index_cast %mul3A_1989 : i32 to index
          %get3A_1997 = tpu.vector_load %arg8[%get3A_1996] {strides = array<i32>} : memref<4112xf32, #tpu.memory_space<vmem>>, vector<16xf32>,
          %get3A_1998 = vector.shape_cast %get3A_1997 : vector<16xf32> to vector<16xf32>
          %add3A_1999 = arith.addi %mul3A_34, %mul3A_1989 : i32
          %add3A_2000 = vector.broadcast %add3A_1999 : i32 to vector<16xi32>
          %add3A_2001 = arith.addi %add3A_2000, %iota3A : vector<16xi32>
          %sub3A_2002 = vector.broadcast %squeeze3A : f32 to vector<16xf32>
          %sub3A_2003 = arith.subf %get3A_1992, %sub3A_2002 : vector<16xf32>
          %sub3A_2004 = vector.broadcast %squeeze3A_93 : f32 to vector<16xf32>
          %sub3A_2005 = arith.subf %get3A_1995, %sub3A_2004 : vector<16xf32>
          %sub3A_2006 = vector.broadcast %squeeze3A_99 : f32 to vector<16xf32>
          %sub3A_2007 = arith.subf %get3A_1998, %sub3A_2006 : vector<16xf32>
          %mul3A_2008 = arith.mulf %sub3A_2003, %sub3A_2003 : vector<16xf32>
          %mul3A_2009 = arith.mulf %sub3A_2005, %sub3A_2005 : vector<16xf32>
          %add3A_2010 = arith.addf %mul3A_2008, %mul3A_2009 : vector<16xf32>
          %mul3A_2011 = arith.mulf %sub3A_2007, %sub3A_2007 : vector<16xf32>
          %add3A_2012 = arith.addf %add3A_2010, %mul3A_2011 : vector<16xf32>
          %lt3A_2013 = arith.constant 4.000000e-02 : f32
          %lt3A_2014 = vector.broadcast %lt3A_2013 : f32 to vector<16xf32>
          %lt3A_2015 = arith.cmpf olt, %add3A_2012, %lt3A_2014 : vector<16xf32>
          %jit3A_2016 = arith.constant 1 : i32
          %jit3A_2017 = arith.constant 0 : i32
          %broadcast_in_dim3A_2018 = vector.broadcast %jit3A_2016 : i32 to vector<16xi32>
          %broadcast_in_dim3A_2019 = vector.broadcast %jit3A_2017 : i32 to vector<16xi32>
          %select_n3A_2020 = arith.select %lt3A_2015, %broadcast_in_dim3A_2018, %broadcast_in_dim3A_2019 : vector<16xi1>, vector<16xi32>
          %ge3A_2021 = arith.constant 1 : i32
          %ge3A_2022 = vector.broadcast %ge3A_2021 : i32 to vector<16xi32>
          %ge3A_2023 = arith.cmpi sge, %iota3A, %ge3A_2022 : vector<16xi32>
          %broadcast_in_dim3A_2024 = vector.shape_cast %max3A_39 : vector<16xi32> to vector<16x1xi32>
          %gather3A_2025 = vector.shape_cast %broadcast_in_dim3A_2024 : vector<16x1xi32> to vector<16xi32>
          %gather3A_2026 = tpu.dynamic_gather %select_n3A_2020[%gather3A_2025] in [0] : vector<16xi32>, vector<16xi32> -> vector<16xi32>
          %jit3A_2027 = arith.constant 0 : i32
          %broadcast_in_dim3A_2028 = vector.broadcast %jit3A_2027 : i32 to vector<16xi32>
          %select_n3A_2029 = arith.select %ge3A_2023, %gather3A_2026, %broadcast_in_dim3A_2028 : vector<16xi1>, vector<16xi32>
          %add3A_2030 = arith.addi %select_n3A_2020, %select_n3A_2029 : vector<16xi32>
          %ge3A_2031 = arith.constant 2 : i32
          %ge3A_2032 = vector.broadcast %ge3A_2031 : i32 to vector<16xi32>
          %ge3A_2033 = arith.cmpi sge, %iota3A, %ge3A_2032 : vector<16xi32>
          %broadcast_in_dim3A_2034 = vector.shape_cast %max3A_45 : vector<16xi32> to vector<16x1xi32>
          %gather3A_2035 = vector.shape_cast %broadcast_in_dim3A_2034 : vector<16x1xi32> to vector<16xi32>
          %gather3A_2036 = tpu.dynamic_gather %add3A_2030[%gather3A_2035] in [0] : vector<16xi32>, vector<16xi32> -> vector<16xi32>
          %jit3A_2037 = arith.constant 0 : i32
          %broadcast_in_dim3A_2038 = vector.broadcast %jit3A_2037 : i32 to vector<16xi32>
          %select_n3A_2039 = arith.select %ge3A_2033, %gather3A_2036, %broadcast_in_dim3A_2038 : vector<16xi1>, vector<16xi32>
          %add3A_2040 = arith.addi %add3A_2030, %select_n3A_2039 : vector<16xi32>
          %ge3A_2041 = arith.constant 4 : i32
          %ge3A_2042 = vector.broadcast %ge3A_2041 : i32 to vector<16xi32>
          %ge3A_2043 = arith.cmpi sge, %iota3A, %ge3A_2042 : vector<16xi32>
          %broadcast_in_dim3A_2044 = vector.shape_cast %max3A_51 : vector<16xi32> to vector<16x1xi32>
          %gather3A_2045 = vector.shape_cast %broadcast_in_dim3A_2044 : vector<16x1xi32> to vector<16xi32>
          %gather3A_2046 = tpu.dynamic_gather %add3A_2040[%gather3A_2045] in [0] : vector<16xi32>, vector<16xi32> -> vector<16xi32>
          %jit3A_2047 = arith.constant 0 : i32
          %broadcast_in_dim3A_2048 = vector.broadcast %jit3A_2047 : i32 to vector<16xi32>
          %select_n3A_2049 = arith.select %ge3A_2043, %gather3A_2046, %broadcast_in_dim3A_2048 : vector<16xi1>, vector<16xi32>
          %add3A_2050 = arith.addi %add3A_2040, %select_n3A_2049 : vector<16xi32>
          %ge3A_2051 = arith.constant 8 : i32
          %ge3A_2052 = vector.broadcast %ge3A_2051 : i32 to vector<16xi32>
          %ge3A_2053 = arith.cmpi sge, %iota3A, %ge3A_2052 : vector<16xi32>
          %broadcast_in_dim3A_2054 = vector.shape_cast %max3A_57 : vector<16xi32> to vector<16x1xi32>
          %gather3A_2055 = vector.shape_cast %broadcast_in_dim3A_2054 : vector<16x1xi32> to vector<16xi32>
          %gather3A_2056 = tpu.dynamic_gather %add3A_2050[%gather3A_2055] in [0] : vector<16xi32>, vector<16xi32> -> vector<16xi32>
          %jit3A_2057 = arith.constant 0 : i32
          %broadcast_in_dim3A_2058 = vector.broadcast %jit3A_2057 : i32 to vector<16xi32>
          %select_n3A_2059 = arith.select %ge3A_2053, %gather3A_2056, %broadcast_in_dim3A_2058 : vector<16xi1>, vector<16xi32>
          %add3A_2060 = arith.addi %add3A_2050, %select_n3A_2059 : vector<16xi32>
          %broadcast_in_dim3A_2061 = arith.constant 0 : i32
          %broadcast_in_dim3A_2062 = vector.broadcast %broadcast_in_dim3A_2061 : i32 to vector<16xi32>
          %add3A_2063 = arith.constant 7 : i32
          %add3A_2064 = vector.broadcast %add3A_2063 : i32 to vector<16xi32>
          %add3A_2065 = arith.addi %broadcast_in_dim3A_2062, %add3A_2064 : vector<16xi32>
          %min3A_2066 = arith.minsi %add3A_2065, %broadcast_in_dim3A_58 : vector<16xi32>
          %broadcast_in_dim3A_2067 = vector.shape_cast %min3A_2066 : vector<16xi32> to vector<16x1xi32>
          %gather3A_2068 = vector.shape_cast %broadcast_in_dim3A_2067 : vector<16x1xi32> to vector<16xi32>
          %gather3A_2069 = tpu.dynamic_gather %add3A_2060[%gather3A_2068] in [0] : vector<16xi32>, vector<16xi32> -> vector<16xi32>
          %le3A_2070 = arith.cmpi sle, %gather3A_2069, %iota3A : vector<16xi32>
          %jit3A_2071 = arith.constant 8 : i32
          %jit3A_2072 = arith.constant 0 : i32
          %broadcast_in_dim3A_2073 = vector.broadcast %jit3A_2071 : i32 to vector<16xi32>
          %broadcast_in_dim3A_2074 = vector.broadcast %jit3A_2072 : i32 to vector<16xi32>
          %select_n3A_2075 = arith.select %le3A_2070, %broadcast_in_dim3A_2073, %broadcast_in_dim3A_2074 : vector<16xi1>, vector<16xi32>
          %add3A_2076 = arith.addi %broadcast_in_dim3A_2062, %select_n3A_2075 : vector<16xi32>
          %add3A_2077 = arith.constant 3 : i32
          %add3A_2078 = vector.broadcast %add3A_2077 : i32 to vector<16xi32>
          %add3A_2079 = arith.addi %add3A_2076, %add3A_2078 : vector<16xi32>
          %min3A_2080 = arith.minsi %add3A_2079, %broadcast_in_dim3A_58 : vector<16xi32>
          %broadcast_in_dim3A_2081 = vector.shape_cast %min3A_2080 : vector<16xi32> to vector<16x1xi32>
          %gather3A_2082 = vector.shape_cast %broadcast_in_dim3A_2081 : vector<16x1xi32> to vector<16xi32>
          %gather3A_2083 = tpu.dynamic_gather %add3A_2060[%gather3A_2082] in [0] : vector<16xi32>, vector<16xi32> -> vector<16xi32>
          %le3A_2084 = arith.cmpi sle, %gather3A_2083, %iota3A : vector<16xi32>
          %jit3A_2085 = arith.constant 4 : i32
          %jit3A_2086 = arith.constant 0 : i32
          %broadcast_in_dim3A_2087 = vector.broadcast %jit3A_2085 : i32 to vector<16xi32>
          %broadcast_in_dim3A_2088 = vector.broadcast %jit3A_2086 : i32 to vector<16xi32>
          %select_n3A_2089 = arith.select %le3A_2084, %broadcast_in_dim3A_2087, %broadcast_in_dim3A_2088 : vector<16xi1>, vector<16xi32>
          %add3A_2090 = arith.addi %add3A_2076, %select_n3A_2089 : vector<16xi32>
          %add3A_2091 = arith.constant 1 : i32
          %add3A_2092 = vector.broadcast %add3A_2091 : i32 to vector<16xi32>
          %add3A_2093 = arith.addi %add3A_2090, %add3A_2092 : vector<16xi32>
          %min3A_2094 = arith.minsi %add3A_2093, %broadcast_in_dim3A_58 : vector<16xi32>
          %broadcast_in_dim3A_2095 = vector.shape_cast %min3A_2094 : vector<16xi32> to vector<16x1xi32>
          %gather3A_2096 = vector.shape_cast %broadcast_in_dim3A_2095 : vector<16x1xi32> to vector<16xi32>
          %gather3A_2097 = tpu.dynamic_gather %add3A_2060[%gather3A_2096] in [0] : vector<16xi32>, vector<16xi32> -> vector<16xi32>
          %le3A_2098 = arith.cmpi sle, %gather3A_2097, %iota3A : vector<16xi32>
          %jit3A_2099 = arith.constant 2 : i32
          %jit3A_2100 = arith.constant 0 : i32
          %broadcast_in_dim3A_2101 = vector.broadcast %jit3A_2099 : i32 to vector<16xi32>
          %broadcast_in_dim3A_2102 = vector.broadcast %jit3A_2100 : i32 to vector<16xi32>
          %select_n3A_2103 = arith.select %le3A_2098, %broadcast_in_dim3A_2101, %broadcast_in_dim3A_2102 : vector<16xi1>, vector<16xi32>
          %add3A_2104 = arith.addi %add3A_2090, %select_n3A_2103 : vector<16xi32>
          %add3A_2105 = arith.constant 0 : i32
          %add3A_2106 = vector.broadcast %add3A_2105 : i32 to vector<16xi32>
          %add3A_2107 = arith.addi %add3A_2104, %add3A_2106 : vector<16xi32>
          %min3A_2108 = arith.minsi %add3A_2107, %broadcast_in_dim3A_58 : vector<16xi32>
          %broadcast_in_dim3A_2109 = vector.shape_cast %min3A_2108 : vector<16xi32> to vector<16x1xi32>
          %gather3A_2110 = vector.shape_cast %broadcast_in_dim3A_2109 : vector<16x1xi32> to vector<16xi32>
          %gather3A_2111 = tpu.dynamic_gather %add3A_2060[%gather3A_2110] in [0] : vector<16xi32>, vector<16xi32> -> vector<16xi32>
          %le3A_2112 = arith.cmpi sle, %gather3A_2111, %iota3A : vector<16xi32>
          %jit3A_2113 = arith.constant 1 : i32
          %jit3A_2114 = arith.constant 0 : i32
          %broadcast_in_dim3A_2115 = vector.broadcast %jit3A_2113 : i32 to vector<16xi32>
          %broadcast_in_dim3A_2116 = vector.broadcast %jit3A_2114 : i32 to vector<16xi32>
          %select_n3A_2117 = arith.select %le3A_2112, %broadcast_in_dim3A_2115, %broadcast_in_dim3A_2116 : vector<16xi1>, vector<16xi32>
          %add3A_2118 = arith.addi %add3A_2104, %select_n3A_2117 : vector<16xi32>
          %broadcast_in_dim3A_2119 = vector.shape_cast %add3A_2118 : vector<16xi32> to vector<16x1xi32>
          %gather3A_2120 = vector.shape_cast %broadcast_in_dim3A_2119 : vector<16x1xi32> to vector<16xi32>
          %gather3A_2121 = tpu.dynamic_gather %add3A_2001[%gather3A_2120] in [0] : vector<16xi32>, vector<16xi32> -> vector<16xi32>
          %slice3A_2122 = vector.extract_strided_slice %add3A_2060 {offsets = [15], sizes = [1], strides = [1]} : vector<16xi32> to vector<1xi32>
          %squeeze3A_2123 = vector.extract %slice3A_2122[0] : i32 from vector<1xi32>
          %min3A_2124 = arith.constant 32 : i32
          %min3A_2125 = arith.minsi %add3A_1590, %min3A_2124 : i32
          %swap3A_2126 = arith.constant 0 : i32
          %swap3A_2127 = arith.index_cast %swap3A_2126 : i32 to index
          %swap3A_2128 = arith.index_cast %min3A_2125 : i32 to index
          %swap3A_2129 = tpu.vector_load %arg9[%swap3A_2127, %swap3A_2128] {strides = array<i32>} : memref<4x64xi32, #tpu.memory_space<vmem>>, vector<1x16xi32>,
          %swap3A_2130 = vector.shape_cast %swap3A_2129 : vector<1x16xi32> to vector<16xi32>
          %swap3A_2131 = vector.shape_cast %gather3A_2121 : vector<16xi32> to vector<1x16xi32>
          tpu.vector_store %arg9[%swap3A_2127, %swap3A_2128], %swap3A_2131 {strides = array<i32>} : memref<4x64xi32, #tpu.memory_space<vmem>>, vector<1x16xi32>,
          %add3A_2132 = arith.addi %add3A_1590, %squeeze3A_2123 : i32
          %sub3A_2133 = vector.broadcast %squeeze3A_105 : f32 to vector<16xf32>
          %sub3A_2134 = arith.subf %get3A_1992, %sub3A_2133 : vector<16xf32>
          %sub3A_2135 = vector.broadcast %squeeze3A_111 : f32 to vector<16xf32>
          %sub3A_2136 = arith.subf %get3A_1995, %sub3A_2135 : vector<16xf32>
          %sub3A_2137 = vector.broadcast %squeeze3A_117 : f32 to vector<16xf32>
          %sub3A_2138 = arith.subf %get3A_1998, %sub3A_2137 : vector<16xf32>
          %mul3A_2139 = arith.mulf %sub3A_2134, %sub3A_2134 : vector<16xf32>
          %mul3A_2140 = arith.mulf %sub3A_2136, %sub3A_2136 : vector<16xf32>
          %add3A_2141 = arith.addf %mul3A_2139, %mul3A_2140 : vector<16xf32>
          %mul3A_2142 = arith.mulf %sub3A_2138, %sub3A_2138 : vector<16xf32>
          %add3A_2143 = arith.addf %add3A_2141, %mul3A_2142 : vector<16xf32>
          %lt3A_2144 = arith.constant 4.000000e-02 : f32
          %lt3A_2145 = vector.broadcast %lt3A_2144 : f32 to vector<16xf32>
          %lt3A_2146 = arith.cmpf olt, %add3A_2143, %lt3A_2145 : vector<16xf32>
          %jit3A_2147 = arith.constant 1 : i32
          %jit3A_2148 = arith.constant 0 : i32
          %broadcast_in_dim3A_2149 = vector.broadcast %jit3A_2147 : i32 to vector<16xi32>
          %broadcast_in_dim3A_2150 = vector.broadcast %jit3A_2148 : i32 to vector<16xi32>
          %select_n3A_2151 = arith.select %lt3A_2146, %broadcast_in_dim3A_2149, %broadcast_in_dim3A_2150 : vector<16xi1>, vector<16xi32>
          %ge3A_2152 = arith.constant 1 : i32
          %ge3A_2153 = vector.broadcast %ge3A_2152 : i32 to vector<16xi32>
          %ge3A_2154 = arith.cmpi sge, %iota3A, %ge3A_2153 : vector<16xi32>
          %broadcast_in_dim3A_2155 = vector.shape_cast %max3A_39 : vector<16xi32> to vector<16x1xi32>
          %gather3A_2156 = vector.shape_cast %broadcast_in_dim3A_2155 : vector<16x1xi32> to vector<16xi32>
          %gather3A_2157 = tpu.dynamic_gather %select_n3A_2151[%gather3A_2156] in [0] : vector<16xi32>, vector<16xi32> -> vector<16xi32>
          %jit3A_2158 = arith.constant 0 : i32
          %broadcast_in_dim3A_2159 = vector.broadcast %jit3A_2158 : i32 to vector<16xi32>
          %select_n3A_2160 = arith.select %ge3A_2154, %gather3A_2157, %broadcast_in_dim3A_2159 : vector<16xi1>, vector<16xi32>
          %add3A_2161 = arith.addi %select_n3A_2151, %select_n3A_2160 : vector<16xi32>
          %ge3A_2162 = arith.constant 2 : i32
          %ge3A_2163 = vector.broadcast %ge3A_2162 : i32 to vector<16xi32>
          %ge3A_2164 = arith.cmpi sge, %iota3A, %ge3A_2163 : vector<16xi32>
          %broadcast_in_dim3A_2165 = vector.shape_cast %max3A_45 : vector<16xi32> to vector<16x1xi32>
          %gather3A_2166 = vector.shape_cast %broadcast_in_dim3A_2165 : vector<16x1xi32> to vector<16xi32>
          %gather3A_2167 = tpu.dynamic_gather %add3A_2161[%gather3A_2166] in [0] : vector<16xi32>, vector<16xi32> -> vector<16xi32>
          %jit3A_2168 = arith.constant 0 : i32
          %broadcast_in_dim3A_2169 = vector.broadcast %jit3A_2168 : i32 to vector<16xi32>
          %select_n3A_2170 = arith.select %ge3A_2164, %gather3A_2167, %broadcast_in_dim3A_2169 : vector<16xi1>, vector<16xi32>
          %add3A_2171 = arith.addi %add3A_2161, %select_n3A_2170 : vector<16xi32>
          %ge3A_2172 = arith.constant 4 : i32
          %ge3A_2173 = vector.broadcast %ge3A_2172 : i32 to vector<16xi32>
          %ge3A_2174 = arith.cmpi sge, %iota3A, %ge3A_2173 : vector<16xi32>
          %broadcast_in_dim3A_2175 = vector.shape_cast %max3A_51 : vector<16xi32> to vector<16x1xi32>
          %gather3A_2176 = vector.shape_cast %broadcast_in_dim3A_2175 : vector<16x1xi32> to vector<16xi32>
          %gather3A_2177 = tpu.dynamic_gather %add3A_2171[%gather3A_2176] in [0] : vector<16xi32>, vector<16xi32> -> vector<16xi32>
          %jit3A_2178 = arith.constant 0 : i32
          %broadcast_in_dim3A_2179 = vector.broadcast %jit3A_2178 : i32 to vector<16xi32>
          %select_n3A_2180 = arith.select %ge3A_2174, %gather3A_2177, %broadcast_in_dim3A_2179 : vector<16xi1>, vector<16xi32>
          %add3A_2181 = arith.addi %add3A_2171, %select_n3A_2180 : vector<16xi32>
          %ge3A_2182 = arith.constant 8 : i32
          %ge3A_2183 = vector.broadcast %ge3A_2182 : i32 to vector<16xi32>
          %ge3A_2184 = arith.cmpi sge, %iota3A, %ge3A_2183 : vector<16xi32>
          %broadcast_in_dim3A_2185 = vector.shape_cast %max3A_57 : vector<16xi32> to vector<16x1xi32>
          %gather3A_2186 = vector.shape_cast %broadcast_in_dim3A_2185 : vector<16x1xi32> to vector<16xi32>
          %gather3A_2187 = tpu.dynamic_gather %add3A_2181[%gather3A_2186] in [0] : vector<16xi32>, vector<16xi32> -> vector<16xi32>
          %jit3A_2188 = arith.constant 0 : i32
          %broadcast_in_dim3A_2189 = vector.broadcast %jit3A_2188 : i32 to vector<16xi32>
          %select_n3A_2190 = arith.select %ge3A_2184, %gather3A_2187, %broadcast_in_dim3A_2189 : vector<16xi1>, vector<16xi32>
          %add3A_2191 = arith.addi %add3A_2181, %select_n3A_2190 : vector<16xi32>
          %broadcast_in_dim3A_2192 = arith.constant 0 : i32
          %broadcast_in_dim3A_2193 = vector.broadcast %broadcast_in_dim3A_2192 : i32 to vector<16xi32>
          %add3A_2194 = arith.constant 7 : i32
          %add3A_2195 = vector.broadcast %add3A_2194 : i32 to vector<16xi32>
          %add3A_2196 = arith.addi %broadcast_in_dim3A_2193, %add3A_2195 : vector<16xi32>
          %min3A_2197 = arith.minsi %add3A_2196, %broadcast_in_dim3A_58 : vector<16xi32>
          %broadcast_in_dim3A_2198 = vector.shape_cast %min3A_2197 : vector<16xi32> to vector<16x1xi32>
          %gather3A_2199 = vector.shape_cast %broadcast_in_dim3A_2198 : vector<16x1xi32> to vector<16xi32>
          %gather3A_2200 = tpu.dynamic_gather %add3A_2191[%gather3A_2199] in [0] : vector<16xi32>, vector<16xi32> -> vector<16xi32>
          %le3A_2201 = arith.cmpi sle, %gather3A_2200, %iota3A : vector<16xi32>
          %jit3A_2202 = arith.constant 8 : i32
          %jit3A_2203 = arith.constant 0 : i32
          %broadcast_in_dim3A_2204 = vector.broadcast %jit3A_2202 : i32 to vector<16xi32>
          %broadcast_in_dim3A_2205 = vector.broadcast %jit3A_2203 : i32 to vector<16xi32>
          %select_n3A_2206 = arith.select %le3A_2201, %broadcast_in_dim3A_2204, %broadcast_in_dim3A_2205 : vector<16xi1>, vector<16xi32>
          %add3A_2207 = arith.addi %broadcast_in_dim3A_2193, %select_n3A_2206 : vector<16xi32>
          %add3A_2208 = arith.constant 3 : i32
          %add3A_2209 = vector.broadcast %add3A_2208 : i32 to vector<16xi32>
          %add3A_2210 = arith.addi %add3A_2207, %add3A_2209 : vector<16xi32>
          %min3A_2211 = arith.minsi %add3A_2210, %broadcast_in_dim3A_58 : vector<16xi32>
          %broadcast_in_dim3A_2212 = vector.shape_cast %min3A_2211 : vector<16xi32> to vector<16x1xi32>
          %gather3A_2213 = vector.shape_cast %broadcast_in_dim3A_2212 : vector<16x1xi32> to vector<16xi32>
          %gather3A_2214 = tpu.dynamic_gather %add3A_2191[%gather3A_2213] in [0] : vector<16xi32>, vector<16xi32> -> vector<16xi32>
          %le3A_2215 = arith.cmpi sle, %gather3A_2214, %iota3A : vector<16xi32>
          %jit3A_2216 = arith.constant 4 : i32
          %jit3A_2217 = arith.constant 0 : i32
          %broadcast_in_dim3A_2218 = vector.broadcast %jit3A_2216 : i32 to vector<16xi32>
          %broadcast_in_dim3A_2219 = vector.broadcast %jit3A_2217 : i32 to vector<16xi32>
          %select_n3A_2220 = arith.select %le3A_2215, %broadcast_in_dim3A_2218, %broadcast_in_dim3A_2219 : vector<16xi1>, vector<16xi32>
          %add3A_2221 = arith.addi %add3A_2207, %select_n3A_2220 : vector<16xi32>
          %add3A_2222 = arith.constant 1 : i32
          %add3A_2223 = vector.broadcast %add3A_2222 : i32 to vector<16xi32>
          %add3A_2224 = arith.addi %add3A_2221, %add3A_2223 : vector<16xi32>
          %min3A_2225 = arith.minsi %add3A_2224, %broadcast_in_dim3A_58 : vector<16xi32>
          %broadcast_in_dim3A_2226 = vector.shape_cast %min3A_2225 : vector<16xi32> to vector<16x1xi32>
          %gather3A_2227 = vector.shape_cast %broadcast_in_dim3A_2226 : vector<16x1xi32> to vector<16xi32>
          %gather3A_2228 = tpu.dynamic_gather %add3A_2191[%gather3A_2227] in [0] : vector<16xi32>, vector<16xi32> -> vector<16xi32>
          %le3A_2229 = arith.cmpi sle, %gather3A_2228, %iota3A : vector<16xi32>
          %jit3A_2230 = arith.constant 2 : i32
          %jit3A_2231 = arith.constant 0 : i32
          %broadcast_in_dim3A_2232 = vector.broadcast %jit3A_2230 : i32 to vector<16xi32>
          %broadcast_in_dim3A_2233 = vector.broadcast %jit3A_2231 : i32 to vector<16xi32>
          %select_n3A_2234 = arith.select %le3A_2229, %broadcast_in_dim3A_2232, %broadcast_in_dim3A_2233 : vector<16xi1>, vector<16xi32>
          %add3A_2235 = arith.addi %add3A_2221, %select_n3A_2234 : vector<16xi32>
          %add3A_2236 = arith.constant 0 : i32
          %add3A_2237 = vector.broadcast %add3A_2236 : i32 to vector<16xi32>
          %add3A_2238 = arith.addi %add3A_2235, %add3A_2237 : vector<16xi32>
          %min3A_2239 = arith.minsi %add3A_2238, %broadcast_in_dim3A_58 : vector<16xi32>
          %broadcast_in_dim3A_2240 = vector.shape_cast %min3A_2239 : vector<16xi32> to vector<16x1xi32>
          %gather3A_2241 = vector.shape_cast %broadcast_in_dim3A_2240 : vector<16x1xi32> to vector<16xi32>
          %gather3A_2242 = tpu.dynamic_gather %add3A_2191[%gather3A_2241] in [0] : vector<16xi32>, vector<16xi32> -> vector<16xi32>
          %le3A_2243 = arith.cmpi sle, %gather3A_2242, %iota3A : vector<16xi32>
          %jit3A_2244 = arith.constant 1 : i32
          %jit3A_2245 = arith.constant 0 : i32
          %broadcast_in_dim3A_2246 = vector.broadcast %jit3A_2244 : i32 to vector<16xi32>
          %broadcast_in_dim3A_2247 = vector.broadcast %jit3A_2245 : i32 to vector<16xi32>
          %select_n3A_2248 = arith.select %le3A_2243, %broadcast_in_dim3A_2246, %broadcast_in_dim3A_2247 : vector<16xi1>, vector<16xi32>
          %add3A_2249 = arith.addi %add3A_2235, %select_n3A_2248 : vector<16xi32>
          %broadcast_in_dim3A_2250 = vector.shape_cast %add3A_2249 : vector<16xi32> to vector<16x1xi32>
          %gather3A_2251 = vector.shape_cast %broadcast_in_dim3A_2250 : vector<16x1xi32> to vector<16xi32>
          %gather3A_2252 = tpu.dynamic_gather %add3A_2001[%gather3A_2251] in [0] : vector<16xi32>, vector<16xi32> -> vector<16xi32>
          %slice3A_2253 = vector.extract_strided_slice %add3A_2191 {offsets = [15], sizes = [1], strides = [1]} : vector<16xi32> to vector<1xi32>
          %squeeze3A_2254 = vector.extract %slice3A_2253[0] : i32 from vector<1xi32>
          %min3A_2255 = arith.constant 32 : i32
          %min3A_2256 = arith.minsi %add3A_1721, %min3A_2255 : i32
          %swap3A_2257 = arith.constant 1 : i32
          %swap3A_2258 = arith.index_cast %swap3A_2257 : i32 to index
          %swap3A_2259 = arith.index_cast %min3A_2256 : i32 to index
          %swap3A_2260 = tpu.vector_load %arg9[%swap3A_2258, %swap3A_2259] {strides = array<i32>} : memref<4x64xi32, #tpu.memory_space<vmem>>, vector<1x16xi32>,
          %swap3A_2261 = vector.shape_cast %swap3A_2260 : vector<1x16xi32> to vector<16xi32>
          %swap3A_2262 = vector.shape_cast %gather3A_2252 : vector<16xi32> to vector<1x16xi32>
          tpu.vector_store %arg9[%swap3A_2258, %swap3A_2259], %swap3A_2262 {strides = array<i32>} : memref<4x64xi32, #tpu.memory_space<vmem>>, vector<1x16xi32>,
          %add3A_2263 = arith.addi %add3A_1721, %squeeze3A_2254 : i32
          %sub3A_2264 = vector.broadcast %squeeze3A_123 : f32 to vector<16xf32>
          %sub3A_2265 = arith.subf %get3A_1992, %sub3A_2264 : vector<16xf32>
          %sub3A_2266 = vector.broadcast %squeeze3A_129 : f32 to vector<16xf32>
          %sub3A_2267 = arith.subf %get3A_1995, %sub3A_2266 : vector<16xf32>
          %sub3A_2268 = vector.broadcast %squeeze3A_135 : f32 to vector<16xf32>
          %sub3A_2269 = arith.subf %get3A_1998, %sub3A_2268 : vector<16xf32>
          %mul3A_2270 = arith.mulf %sub3A_2265, %sub3A_2265 : vector<16xf32>
          %mul3A_2271 = arith.mulf %sub3A_2267, %sub3A_2267 : vector<16xf32>
          %add3A_2272 = arith.addf %mul3A_2270, %mul3A_2271 : vector<16xf32>
          %mul3A_2273 = arith.mulf %sub3A_2269, %sub3A_2269 : vector<16xf32>
          %add3A_2274 = arith.addf %add3A_2272, %mul3A_2273 : vector<16xf32>
          %lt3A_2275 = arith.constant 4.000000e-02 : f32
          %lt3A_2276 = vector.broadcast %lt3A_2275 : f32 to vector<16xf32>
          %lt3A_2277 = arith.cmpf olt, %add3A_2274, %lt3A_2276 : vector<16xf32>
          %jit3A_2278 = arith.constant 1 : i32
          %jit3A_2279 = arith.constant 0 : i32
          %broadcast_in_dim3A_2280 = vector.broadcast %jit3A_2278 : i32 to vector<16xi32>
          %broadcast_in_dim3A_2281 = vector.broadcast %jit3A_2279 : i32 to vector<16xi32>
          %select_n3A_2282 = arith.select %lt3A_2277, %broadcast_in_dim3A_2280, %broadcast_in_dim3A_2281 : vector<16xi1>, vector<16xi32>
          %ge3A_2283 = arith.constant 1 : i32
          %ge3A_2284 = vector.broadcast %ge3A_2283 : i32 to vector<16xi32>
          %ge3A_2285 = arith.cmpi sge, %iota3A, %ge3A_2284 : vector<16xi32>
          %broadcast_in_dim3A_2286 = vector.shape_cast %max3A_39 : vector<16xi32> to vector<16x1xi32>
          %gather3A_2287 = vector.shape_cast %broadcast_in_dim3A_2286 : vector<16x1xi32> to vector<16xi32>
          %gather3A_2288 = tpu.dynamic_gather %select_n3A_2282[%gather3A_2287] in [0] : vector<16xi32>, vector<16xi32> -> vector<16xi32>
          %jit3A_2289 = arith.constant 0 : i32
          %broadcast_in_dim3A_2290 = vector.broadcast %jit3A_2289 : i32 to vector<16xi32>
          %select_n3A_2291 = arith.select %ge3A_2285, %gather3A_2288, %broadcast_in_dim3A_2290 : vector<16xi1>, vector<16xi32>
          %add3A_2292 = arith.addi %select_n3A_2282, %select_n3A_2291 : vector<16xi32>
          %ge3A_2293 = arith.constant 2 : i32
          %ge3A_2294 = vector.broadcast %ge3A_2293 : i32 to vector<16xi32>
          %ge3A_2295 = arith.cmpi sge, %iota3A, %ge3A_2294 : vector<16xi32>
          %broadcast_in_dim3A_2296 = vector.shape_cast %max3A_45 : vector<16xi32> to vector<16x1xi32>
          %gather3A_2297 = vector.shape_cast %broadcast_in_dim3A_2296 : vector<16x1xi32> to vector<16xi32>
          %gather3A_2298 = tpu.dynamic_gather %add3A_2292[%gather3A_2297] in [0] : vector<16xi32>, vector<16xi32> -> vector<16xi32>
          %jit3A_2299 = arith.constant 0 : i32
          %broadcast_in_dim3A_2300 = vector.broadcast %jit3A_2299 : i32 to vector<16xi32>
          %select_n3A_2301 = arith.select %ge3A_2295, %gather3A_2298, %broadcast_in_dim3A_2300 : vector<16xi1>, vector<16xi32>
          %add3A_2302 = arith.addi %add3A_2292, %select_n3A_2301 : vector<16xi32>
          %ge3A_2303 = arith.constant 4 : i32
          %ge3A_2304 = vector.broadcast %ge3A_2303 : i32 to vector<16xi32>
          %ge3A_2305 = arith.cmpi sge, %iota3A, %ge3A_2304 : vector<16xi32>
          %broadcast_in_dim3A_2306 = vector.shape_cast %max3A_51 : vector<16xi32> to vector<16x1xi32>
          %gather3A_2307 = vector.shape_cast %broadcast_in_dim3A_2306 : vector<16x1xi32> to vector<16xi32>
          %gather3A_2308 = tpu.dynamic_gather %add3A_2302[%gather3A_2307] in [0] : vector<16xi32>, vector<16xi32> -> vector<16xi32>
          %jit3A_2309 = arith.constant 0 : i32
          %broadcast_in_dim3A_2310 = vector.broadcast %jit3A_2309 : i32 to vector<16xi32>
          %select_n3A_2311 = arith.select %ge3A_2305, %gather3A_2308, %broadcast_in_dim3A_2310 : vector<16xi1>, vector<16xi32>
          %add3A_2312 = arith.addi %add3A_2302, %select_n3A_2311 : vector<16xi32>
          %ge3A_2313 = arith.constant 8 : i32
          %ge3A_2314 = vector.broadcast %ge3A_2313 : i32 to vector<16xi32>
          %ge3A_2315 = arith.cmpi sge, %iota3A, %ge3A_2314 : vector<16xi32>
          %broadcast_in_dim3A_2316 = vector.shape_cast %max3A_57 : vector<16xi32> to vector<16x1xi32>
          %gather3A_2317 = vector.shape_cast %broadcast_in_dim3A_2316 : vector<16x1xi32> to vector<16xi32>
          %gather3A_2318 = tpu.dynamic_gather %add3A_2312[%gather3A_2317] in [0] : vector<16xi32>, vector<16xi32> -> vector<16xi32>
          %jit3A_2319 = arith.constant 0 : i32
          %broadcast_in_dim3A_2320 = vector.broadcast %jit3A_2319 : i32 to vector<16xi32>
          %select_n3A_2321 = arith.select %ge3A_2315, %gather3A_2318, %broadcast_in_dim3A_2320 : vector<16xi1>, vector<16xi32>
          %add3A_2322 = arith.addi %add3A_2312, %select_n3A_2321 : vector<16xi32>
          %broadcast_in_dim3A_2323 = arith.constant 0 : i32
          %broadcast_in_dim3A_2324 = vector.broadcast %broadcast_in_dim3A_2323 : i32 to vector<16xi32>
          %add3A_2325 = arith.constant 7 : i32
          %add3A_2326 = vector.broadcast %add3A_2325 : i32 to vector<16xi32>
          %add3A_2327 = arith.addi %broadcast_in_dim3A_2324, %add3A_2326 : vector<16xi32>
          %min3A_2328 = arith.minsi %add3A_2327, %broadcast_in_dim3A_58 : vector<16xi32>
          %broadcast_in_dim3A_2329 = vector.shape_cast %min3A_2328 : vector<16xi32> to vector<16x1xi32>
          %gather3A_2330 = vector.shape_cast %broadcast_in_dim3A_2329 : vector<16x1xi32> to vector<16xi32>
          %gather3A_2331 = tpu.dynamic_gather %add3A_2322[%gather3A_2330] in [0] : vector<16xi32>, vector<16xi32> -> vector<16xi32>
          %le3A_2332 = arith.cmpi sle, %gather3A_2331, %iota3A : vector<16xi32>
          %jit3A_2333 = arith.constant 8 : i32
          %jit3A_2334 = arith.constant 0 : i32
          %broadcast_in_dim3A_2335 = vector.broadcast %jit3A_2333 : i32 to vector<16xi32>
          %broadcast_in_dim3A_2336 = vector.broadcast %jit3A_2334 : i32 to vector<16xi32>
          %select_n3A_2337 = arith.select %le3A_2332, %broadcast_in_dim3A_2335, %broadcast_in_dim3A_2336 : vector<16xi1>, vector<16xi32>
          %add3A_2338 = arith.addi %broadcast_in_dim3A_2324, %select_n3A_2337 : vector<16xi32>
          %add3A_2339 = arith.constant 3 : i32
          %add3A_2340 = vector.broadcast %add3A_2339 : i32 to vector<16xi32>
          %add3A_2341 = arith.addi %add3A_2338, %add3A_2340 : vector<16xi32>
          %min3A_2342 = arith.minsi %add3A_2341, %broadcast_in_dim3A_58 : vector<16xi32>
          %broadcast_in_dim3A_2343 = vector.shape_cast %min3A_2342 : vector<16xi32> to vector<16x1xi32>
          %gather3A_2344 = vector.shape_cast %broadcast_in_dim3A_2343 : vector<16x1xi32> to vector<16xi32>
          %gather3A_2345 = tpu.dynamic_gather %add3A_2322[%gather3A_2344] in [0] : vector<16xi32>, vector<16xi32> -> vector<16xi32>
          %le3A_2346 = arith.cmpi sle, %gather3A_2345, %iota3A : vector<16xi32>
          %jit3A_2347 = arith.constant 4 : i32
          %jit3A_2348 = arith.constant 0 : i32
          %broadcast_in_dim3A_2349 = vector.broadcast %jit3A_2347 : i32 to vector<16xi32>
          %broadcast_in_dim3A_2350 = vector.broadcast %jit3A_2348 : i32 to vector<16xi32>
          %select_n3A_2351 = arith.select %le3A_2346, %broadcast_in_dim3A_2349, %broadcast_in_dim3A_2350 : vector<16xi1>, vector<16xi32>
          %add3A_2352 = arith.addi %add3A_2338, %select_n3A_2351 : vector<16xi32>
          %add3A_2353 = arith.constant 1 : i32
          %add3A_2354 = vector.broadcast %add3A_2353 : i32 to vector<16xi32>
          %add3A_2355 = arith.addi %add3A_2352, %add3A_2354 : vector<16xi32>
          %min3A_2356 = arith.minsi %add3A_2355, %broadcast_in_dim3A_58 : vector<16xi32>
          %broadcast_in_dim3A_2357 = vector.shape_cast %min3A_2356 : vector<16xi32> to vector<16x1xi32>
          %gather3A_2358 = vector.shape_cast %broadcast_in_dim3A_2357 : vector<16x1xi32> to vector<16xi32>
          %gather3A_2359 = tpu.dynamic_gather %add3A_2322[%gather3A_2358] in [0] : vector<16xi32>, vector<16xi32> -> vector<16xi32>
          %le3A_2360 = arith.cmpi sle, %gather3A_2359, %iota3A : vector<16xi32>
          %jit3A_2361 = arith.constant 2 : i32
          %jit3A_2362 = arith.constant 0 : i32
          %broadcast_in_dim3A_2363 = vector.broadcast %jit3A_2361 : i32 to vector<16xi32>
          %broadcast_in_dim3A_2364 = vector.broadcast %jit3A_2362 : i32 to vector<16xi32>
          %select_n3A_2365 = arith.select %le3A_2360, %broadcast_in_dim3A_2363, %broadcast_in_dim3A_2364 : vector<16xi1>, vector<16xi32>
          %add3A_2366 = arith.addi %add3A_2352, %select_n3A_2365 : vector<16xi32>
          %add3A_2367 = arith.constant 0 : i32
          %add3A_2368 = vector.broadcast %add3A_2367 : i32 to vector<16xi32>
          %add3A_2369 = arith.addi %add3A_2366, %add3A_2368 : vector<16xi32>
          %min3A_2370 = arith.minsi %add3A_2369, %broadcast_in_dim3A_58 : vector<16xi32>
          %broadcast_in_dim3A_2371 = vector.shape_cast %min3A_2370 : vector<16xi32> to vector<16x1xi32>
          %gather3A_2372 = vector.shape_cast %broadcast_in_dim3A_2371 : vector<16x1xi32> to vector<16xi32>
          %gather3A_2373 = tpu.dynamic_gather %add3A_2322[%gather3A_2372] in [0] : vector<16xi32>, vector<16xi32> -> vector<16xi32>
          %le3A_2374 = arith.cmpi sle, %gather3A_2373, %iota3A : vector<16xi32>
          %jit3A_2375 = arith.constant 1 : i32
          %jit3A_2376 = arith.constant 0 : i32
          %broadcast_in_dim3A_2377 = vector.broadcast %jit3A_2375 : i32 to vector<16xi32>
          %broadcast_in_dim3A_2378 = vector.broadcast %jit3A_2376 : i32 to vector<16xi32>
          %select_n3A_2379 = arith.select %le3A_2374, %broadcast_in_dim3A_2377, %broadcast_in_dim3A_2378 : vector<16xi1>, vector<16xi32>
          %add3A_2380 = arith.addi %add3A_2366, %select_n3A_2379 : vector<16xi32>
          %broadcast_in_dim3A_2381 = vector.shape_cast %add3A_2380 : vector<16xi32> to vector<16x1xi32>
          %gather3A_2382 = vector.shape_cast %broadcast_in_dim3A_2381 : vector<16x1xi32> to vector<16xi32>
          %gather3A_2383 = tpu.dynamic_gather %add3A_2001[%gather3A_2382] in [0] : vector<16xi32>, vector<16xi32> -> vector<16xi32>
          %slice3A_2384 = vector.extract_strided_slice %add3A_2322 {offsets = [15], sizes = [1], strides = [1]} : vector<16xi32> to vector<1xi32>
          %squeeze3A_2385 = vector.extract %slice3A_2384[0] : i32 from vector<1xi32>
          %min3A_2386 = arith.constant 32 : i32
          %min3A_2387 = arith.minsi %add3A_1852, %min3A_2386 : i32
          %swap3A_2388 = arith.constant 2 : i32
          %swap3A_2389 = arith.index_cast %swap3A_2388 : i32 to index
          %swap3A_2390 = arith.index_cast %min3A_2387 : i32 to index
          %swap3A_2391 = tpu.vector_load %arg9[%swap3A_2389, %swap3A_2390] {strides = array<i32>} : memref<4x64xi32, #tpu.memory_space<vmem>>, vector<1x16xi32>,
          %swap3A_2392 = vector.shape_cast %swap3A_2391 : vector<1x16xi32> to vector<16xi32>
          %swap3A_2393 = vector.shape_cast %gather3A_2383 : vector<16xi32> to vector<1x16xi32>
          tpu.vector_store %arg9[%swap3A_2389, %swap3A_2390], %swap3A_2393 {strides = array<i32>} : memref<4x64xi32, #tpu.memory_space<vmem>>, vector<1x16xi32>,
          %add3A_2394 = arith.addi %add3A_1852, %squeeze3A_2385 : i32
          %sub3A_2395 = vector.broadcast %squeeze3A_141 : f32 to vector<16xf32>
          %sub3A_2396 = arith.subf %get3A_1992, %sub3A_2395 : vector<16xf32>
          %sub3A_2397 = vector.broadcast %squeeze3A_147 : f32 to vector<16xf32>
          %sub3A_2398 = arith.subf %get3A_1995, %sub3A_2397 : vector<16xf32>
          %sub3A_2399 = vector.broadcast %squeeze3A_153 : f32 to vector<16xf32>
          %sub3A_2400 = arith.subf %get3A_1998, %sub3A_2399 : vector<16xf32>
          %mul3A_2401 = arith.mulf %sub3A_2396, %sub3A_2396 : vector<16xf32>
          %mul3A_2402 = arith.mulf %sub3A_2398, %sub3A_2398 : vector<16xf32>
          %add3A_2403 = arith.addf %mul3A_2401, %mul3A_2402 : vector<16xf32>
          %mul3A_2404 = arith.mulf %sub3A_2400, %sub3A_2400 : vector<16xf32>
          %add3A_2405 = arith.addf %add3A_2403, %mul3A_2404 : vector<16xf32>
          %lt3A_2406 = arith.constant 4.000000e-02 : f32
          %lt3A_2407 = vector.broadcast %lt3A_2406 : f32 to vector<16xf32>
          %lt3A_2408 = arith.cmpf olt, %add3A_2405, %lt3A_2407 : vector<16xf32>
          %jit3A_2409 = arith.constant 1 : i32
          %jit3A_2410 = arith.constant 0 : i32
          %broadcast_in_dim3A_2411 = vector.broadcast %jit3A_2409 : i32 to vector<16xi32>
          %broadcast_in_dim3A_2412 = vector.broadcast %jit3A_2410 : i32 to vector<16xi32>
          %select_n3A_2413 = arith.select %lt3A_2408, %broadcast_in_dim3A_2411, %broadcast_in_dim3A_2412 : vector<16xi1>, vector<16xi32>
          %ge3A_2414 = arith.constant 1 : i32
          %ge3A_2415 = vector.broadcast %ge3A_2414 : i32 to vector<16xi32>
          %ge3A_2416 = arith.cmpi sge, %iota3A, %ge3A_2415 : vector<16xi32>
          %broadcast_in_dim3A_2417 = vector.shape_cast %max3A_39 : vector<16xi32> to vector<16x1xi32>
          %gather3A_2418 = vector.shape_cast %broadcast_in_dim3A_2417 : vector<16x1xi32> to vector<16xi32>
          %gather3A_2419 = tpu.dynamic_gather %select_n3A_2413[%gather3A_2418] in [0] : vector<16xi32>, vector<16xi32> -> vector<16xi32>
          %jit3A_2420 = arith.constant 0 : i32
          %broadcast_in_dim3A_2421 = vector.broadcast %jit3A_2420 : i32 to vector<16xi32>
          %select_n3A_2422 = arith.select %ge3A_2416, %gather3A_2419, %broadcast_in_dim3A_2421 : vector<16xi1>, vector<16xi32>
          %add3A_2423 = arith.addi %select_n3A_2413, %select_n3A_2422 : vector<16xi32>
          %ge3A_2424 = arith.constant 2 : i32
          %ge3A_2425 = vector.broadcast %ge3A_2424 : i32 to vector<16xi32>
          %ge3A_2426 = arith.cmpi sge, %iota3A, %ge3A_2425 : vector<16xi32>
          %broadcast_in_dim3A_2427 = vector.shape_cast %max3A_45 : vector<16xi32> to vector<16x1xi32>
          %gather3A_2428 = vector.shape_cast %broadcast_in_dim3A_2427 : vector<16x1xi32> to vector<16xi32>
          %gather3A_2429 = tpu.dynamic_gather %add3A_2423[%gather3A_2428] in [0] : vector<16xi32>, vector<16xi32> -> vector<16xi32>
          %jit3A_2430 = arith.constant 0 : i32
          %broadcast_in_dim3A_2431 = vector.broadcast %jit3A_2430 : i32 to vector<16xi32>
          %select_n3A_2432 = arith.select %ge3A_2426, %gather3A_2429, %broadcast_in_dim3A_2431 : vector<16xi1>, vector<16xi32>
          %add3A_2433 = arith.addi %add3A_2423, %select_n3A_2432 : vector<16xi32>
          %ge3A_2434 = arith.constant 4 : i32
          %ge3A_2435 = vector.broadcast %ge3A_2434 : i32 to vector<16xi32>
          %ge3A_2436 = arith.cmpi sge, %iota3A, %ge3A_2435 : vector<16xi32>
          %broadcast_in_dim3A_2437 = vector.shape_cast %max3A_51 : vector<16xi32> to vector<16x1xi32>
          %gather3A_2438 = vector.shape_cast %broadcast_in_dim3A_2437 : vector<16x1xi32> to vector<16xi32>
          %gather3A_2439 = tpu.dynamic_gather %add3A_2433[%gather3A_2438] in [0] : vector<16xi32>, vector<16xi32> -> vector<16xi32>
          %jit3A_2440 = arith.constant 0 : i32
          %broadcast_in_dim3A_2441 = vector.broadcast %jit3A_2440 : i32 to vector<16xi32>
          %select_n3A_2442 = arith.select %ge3A_2436, %gather3A_2439, %broadcast_in_dim3A_2441 : vector<16xi1>, vector<16xi32>
          %add3A_2443 = arith.addi %add3A_2433, %select_n3A_2442 : vector<16xi32>
          %ge3A_2444 = arith.constant 8 : i32
          %ge3A_2445 = vector.broadcast %ge3A_2444 : i32 to vector<16xi32>
          %ge3A_2446 = arith.cmpi sge, %iota3A, %ge3A_2445 : vector<16xi32>
          %broadcast_in_dim3A_2447 = vector.shape_cast %max3A_57 : vector<16xi32> to vector<16x1xi32>
          %gather3A_2448 = vector.shape_cast %broadcast_in_dim3A_2447 : vector<16x1xi32> to vector<16xi32>
          %gather3A_2449 = tpu.dynamic_gather %add3A_2443[%gather3A_2448] in [0] : vector<16xi32>, vector<16xi32> -> vector<16xi32>
          %jit3A_2450 = arith.constant 0 : i32
          %broadcast_in_dim3A_2451 = vector.broadcast %jit3A_2450 : i32 to vector<16xi32>
          %select_n3A_2452 = arith.select %ge3A_2446, %gather3A_2449, %broadcast_in_dim3A_2451 : vector<16xi1>, vector<16xi32>
          %add3A_2453 = arith.addi %add3A_2443, %select_n3A_2452 : vector<16xi32>
          %broadcast_in_dim3A_2454 = arith.constant 0 : i32
          %broadcast_in_dim3A_2455 = vector.broadcast %broadcast_in_dim3A_2454 : i32 to vector<16xi32>
          %add3A_2456 = arith.constant 7 : i32
          %add3A_2457 = vector.broadcast %add3A_2456 : i32 to vector<16xi32>
          %add3A_2458 = arith.addi %broadcast_in_dim3A_2455, %add3A_2457 : vector<16xi32>
          %min3A_2459 = arith.minsi %add3A_2458, %broadcast_in_dim3A_58 : vector<16xi32>
          %broadcast_in_dim3A_2460 = vector.shape_cast %min3A_2459 : vector<16xi32> to vector<16x1xi32>
          %gather3A_2461 = vector.shape_cast %broadcast_in_dim3A_2460 : vector<16x1xi32> to vector<16xi32>
          %gather3A_2462 = tpu.dynamic_gather %add3A_2453[%gather3A_2461] in [0] : vector<16xi32>, vector<16xi32> -> vector<16xi32>
          %le3A_2463 = arith.cmpi sle, %gather3A_2462, %iota3A : vector<16xi32>
          %jit3A_2464 = arith.constant 8 : i32
          %jit3A_2465 = arith.constant 0 : i32
          %broadcast_in_dim3A_2466 = vector.broadcast %jit3A_2464 : i32 to vector<16xi32>
          %broadcast_in_dim3A_2467 = vector.broadcast %jit3A_2465 : i32 to vector<16xi32>
          %select_n3A_2468 = arith.select %le3A_2463, %broadcast_in_dim3A_2466, %broadcast_in_dim3A_2467 : vector<16xi1>, vector<16xi32>
          %add3A_2469 = arith.addi %broadcast_in_dim3A_2455, %select_n3A_2468 : vector<16xi32>
          %add3A_2470 = arith.constant 3 : i32
          %add3A_2471 = vector.broadcast %add3A_2470 : i32 to vector<16xi32>
          %add3A_2472 = arith.addi %add3A_2469, %add3A_2471 : vector<16xi32>
          %min3A_2473 = arith.minsi %add3A_2472, %broadcast_in_dim3A_58 : vector<16xi32>
          %broadcast_in_dim3A_2474 = vector.shape_cast %min3A_2473 : vector<16xi32> to vector<16x1xi32>
          %gather3A_2475 = vector.shape_cast %broadcast_in_dim3A_2474 : vector<16x1xi32> to vector<16xi32>
          %gather3A_2476 = tpu.dynamic_gather %add3A_2453[%gather3A_2475] in [0] : vector<16xi32>, vector<16xi32> -> vector<16xi32>
          %le3A_2477 = arith.cmpi sle, %gather3A_2476, %iota3A : vector<16xi32>
          %jit3A_2478 = arith.constant 4 : i32
          %jit3A_2479 = arith.constant 0 : i32
          %broadcast_in_dim3A_2480 = vector.broadcast %jit3A_2478 : i32 to vector<16xi32>
          %broadcast_in_dim3A_2481 = vector.broadcast %jit3A_2479 : i32 to vector<16xi32>
          %select_n3A_2482 = arith.select %le3A_2477, %broadcast_in_dim3A_2480, %broadcast_in_dim3A_2481 : vector<16xi1>, vector<16xi32>
          %add3A_2483 = arith.addi %add3A_2469, %select_n3A_2482 : vector<16xi32>
          %add3A_2484 = arith.constant 1 : i32
          %add3A_2485 = vector.broadcast %add3A_2484 : i32 to vector<16xi32>
          %add3A_2486 = arith.addi %add3A_2483, %add3A_2485 : vector<16xi32>
          %min3A_2487 = arith.minsi %add3A_2486, %broadcast_in_dim3A_58 : vector<16xi32>
          %broadcast_in_dim3A_2488 = vector.shape_cast %min3A_2487 : vector<16xi32> to vector<16x1xi32>
          %gather3A_2489 = vector.shape_cast %broadcast_in_dim3A_2488 : vector<16x1xi32> to vector<16xi32>
          %gather3A_2490 = tpu.dynamic_gather %add3A_2453[%gather3A_2489] in [0] : vector<16xi32>, vector<16xi32> -> vector<16xi32>
          %le3A_2491 = arith.cmpi sle, %gather3A_2490, %iota3A : vector<16xi32>
          %jit3A_2492 = arith.constant 2 : i32
          %jit3A_2493 = arith.constant 0 : i32
          %broadcast_in_dim3A_2494 = vector.broadcast %jit3A_2492 : i32 to vector<16xi32>
          %broadcast_in_dim3A_2495 = vector.broadcast %jit3A_2493 : i32 to vector<16xi32>
          %select_n3A_2496 = arith.select %le3A_2491, %broadcast_in_dim3A_2494, %broadcast_in_dim3A_2495 : vector<16xi1>, vector<16xi32>
          %add3A_2497 = arith.addi %add3A_2483, %select_n3A_2496 : vector<16xi32>
          %add3A_2498 = arith.constant 0 : i32
          %add3A_2499 = vector.broadcast %add3A_2498 : i32 to vector<16xi32>
          %add3A_2500 = arith.addi %add3A_2497, %add3A_2499 : vector<16xi32>
          %min3A_2501 = arith.minsi %add3A_2500, %broadcast_in_dim3A_58 : vector<16xi32>
          %broadcast_in_dim3A_2502 = vector.shape_cast %min3A_2501 : vector<16xi32> to vector<16x1xi32>
          %gather3A_2503 = vector.shape_cast %broadcast_in_dim3A_2502 : vector<16x1xi32> to vector<16xi32>
          %gather3A_2504 = tpu.dynamic_gather %add3A_2453[%gather3A_2503] in [0] : vector<16xi32>, vector<16xi32> -> vector<16xi32>
          %le3A_2505 = arith.cmpi sle, %gather3A_2504, %iota3A : vector<16xi32>
          %jit3A_2506 = arith.constant 1 : i32
          %jit3A_2507 = arith.constant 0 : i32
          %broadcast_in_dim3A_2508 = vector.broadcast %jit3A_2506 : i32 to vector<16xi32>
          %broadcast_in_dim3A_2509 = vector.broadcast %jit3A_2507 : i32 to vector<16xi32>
          %select_n3A_2510 = arith.select %le3A_2505, %broadcast_in_dim3A_2508, %broadcast_in_dim3A_2509 : vector<16xi1>, vector<16xi32>
          %add3A_2511 = arith.addi %add3A_2497, %select_n3A_2510 : vector<16xi32>
          %broadcast_in_dim3A_2512 = vector.shape_cast %add3A_2511 : vector<16xi32> to vector<16x1xi32>
          %gather3A_2513 = vector.shape_cast %broadcast_in_dim3A_2512 : vector<16x1xi32> to vector<16xi32>
          %gather3A_2514 = tpu.dynamic_gather %add3A_2001[%gather3A_2513] in [0] : vector<16xi32>, vector<16xi32> -> vector<16xi32>
          %slice3A_2515 = vector.extract_strided_slice %add3A_2453 {offsets = [15], sizes = [1], strides = [1]} : vector<16xi32> to vector<1xi32>
          %squeeze3A_2516 = vector.extract %slice3A_2515[0] : i32 from vector<1xi32>
          %min3A_2517 = arith.constant 32 : i32
          %min3A_2518 = arith.minsi %add3A_1983, %min3A_2517 : i32
          %swap3A_2519 = arith.constant 3 : i32
          %swap3A_2520 = arith.index_cast %swap3A_2519 : i32 to index
          %swap3A_2521 = arith.index_cast %min3A_2518 : i32 to index
          %swap3A_2522 = tpu.vector_load %arg9[%swap3A_2520, %swap3A_2521] {strides = array<i32>} : memref<4x64xi32, #tpu.memory_space<vmem>>, vector<1x16xi32>,
          %swap3A_2523 = vector.shape_cast %swap3A_2522 : vector<1x16xi32> to vector<16xi32>
          %swap3A_2524 = vector.shape_cast %gather3A_2514 : vector<16xi32> to vector<1x16xi32>
          tpu.vector_store %arg9[%swap3A_2520, %swap3A_2521], %swap3A_2524 {strides = array<i32>} : memref<4x64xi32, #tpu.memory_space<vmem>>, vector<1x16xi32>,
          %add3A_2525 = arith.addi %add3A_1983, %squeeze3A_2516 : i32
          %mul3A_2526 = arith.constant 8 : i32
          %mul3A_2527 = arith.muli %scan3A_342, %mul3A_2526 : i32
          %add3A_2528 = arith.constant 4 : i32
          %add3A_2529 = arith.addi %mul3A_2527, %add3A_2528 : i32
          %mul3A_2530 = arith.constant 16 : i32
          %mul3A_2531 = arith.muli %add3A_2529, %mul3A_2530 : i32
          %get3A_2532 = arith.index_cast %mul3A_2531 : i32 to index
          %get3A_2533 = tpu.vector_load %arg6[%get3A_2532] {strides = array<i32>} : memref<4112xf32, #tpu.memory_space<vmem>>, vector<16xf32>,
          %get3A_2534 = vector.shape_cast %get3A_2533 : vector<16xf32> to vector<16xf32>
          %get3A_2535 = arith.index_cast %mul3A_2531 : i32 to index
          %get3A_2536 = tpu.vector_load %arg7[%get3A_2535] {strides = array<i32>} : memref<4112xf32, #tpu.memory_space<vmem>>, vector<16xf32>,
          %get3A_2537 = vector.shape_cast %get3A_2536 : vector<16xf32> to vector<16xf32>
          %get3A_2538 = arith.index_cast %mul3A_2531 : i32 to index
          %get3A_2539 = tpu.vector_load %arg8[%get3A_2538] {strides = array<i32>} : memref<4112xf32, #tpu.memory_space<vmem>>, vector<16xf32>,
          %get3A_2540 = vector.shape_cast %get3A_2539 : vector<16xf32> to vector<16xf32>
          %add3A_2541 = arith.addi %mul3A_34, %mul3A_2531 : i32
          %add3A_2542 = vector.broadcast %add3A_2541 : i32 to vector<16xi32>
          %add3A_2543 = arith.addi %add3A_2542, %iota3A : vector<16xi32>
          %sub3A_2544 = vector.broadcast %squeeze3A : f32 to vector<16xf32>
          %sub3A_2545 = arith.subf %get3A_2534, %sub3A_2544 : vector<16xf32>
          %sub3A_2546 = vector.broadcast %squeeze3A_93 : f32 to vector<16xf32>
          %sub3A_2547 = arith.subf %get3A_2537, %sub3A_2546 : vector<16xf32>
          %sub3A_2548 = vector.broadcast %squeeze3A_99 : f32 to vector<16xf32>
          %sub3A_2549 = arith.subf %get3A_2540, %sub3A_2548 : vector<16xf32>
          %mul3A_2550 = arith.mulf %sub3A_2545, %sub3A_2545 : vector<16xf32>
          %mul3A_2551 = arith.mulf %sub3A_2547, %sub3A_2547 : vector<16xf32>
          %add3A_2552 = arith.addf %mul3A_2550, %mul3A_2551 : vector<16xf32>
          %mul3A_2553 = arith.mulf %sub3A_2549, %sub3A_2549 : vector<16xf32>
          %add3A_2554 = arith.addf %add3A_2552, %mul3A_2553 : vector<16xf32>
          %lt3A_2555 = arith.constant 4.000000e-02 : f32
          %lt3A_2556 = vector.broadcast %lt3A_2555 : f32 to vector<16xf32>
          %lt3A_2557 = arith.cmpf olt, %add3A_2554, %lt3A_2556 : vector<16xf32>
          %jit3A_2558 = arith.constant 1 : i32
          %jit3A_2559 = arith.constant 0 : i32
          %broadcast_in_dim3A_2560 = vector.broadcast %jit3A_2558 : i32 to vector<16xi32>
          %broadcast_in_dim3A_2561 = vector.broadcast %jit3A_2559 : i32 to vector<16xi32>
          %select_n3A_2562 = arith.select %lt3A_2557, %broadcast_in_dim3A_2560, %broadcast_in_dim3A_2561 : vector<16xi1>, vector<16xi32>
          %ge3A_2563 = arith.constant 1 : i32
          %ge3A_2564 = vector.broadcast %ge3A_2563 : i32 to vector<16xi32>
          %ge3A_2565 = arith.cmpi sge, %iota3A, %ge3A_2564 : vector<16xi32>
          %broadcast_in_dim3A_2566 = vector.shape_cast %max3A_39 : vector<16xi32> to vector<16x1xi32>
          %gather3A_2567 = vector.shape_cast %broadcast_in_dim3A_2566 : vector<16x1xi32> to vector<16xi32>
          %gather3A_2568 = tpu.dynamic_gather %select_n3A_2562[%gather3A_2567] in [0] : vector<16xi32>, vector<16xi32> -> vector<16xi32>
          %jit3A_2569 = arith.constant 0 : i32
          %broadcast_in_dim3A_2570 = vector.broadcast %jit3A_2569 : i32 to vector<16xi32>
          %select_n3A_2571 = arith.select %ge3A_2565, %gather3A_2568, %broadcast_in_dim3A_2570 : vector<16xi1>, vector<16xi32>
          %add3A_2572 = arith.addi %select_n3A_2562, %select_n3A_2571 : vector<16xi32>
          %ge3A_2573 = arith.constant 2 : i32
          %ge3A_2574 = vector.broadcast %ge3A_2573 : i32 to vector<16xi32>
          %ge3A_2575 = arith.cmpi sge, %iota3A, %ge3A_2574 : vector<16xi32>
          %broadcast_in_dim3A_2576 = vector.shape_cast %max3A_45 : vector<16xi32> to vector<16x1xi32>
          %gather3A_2577 = vector.shape_cast %broadcast_in_dim3A_2576 : vector<16x1xi32> to vector<16xi32>
          %gather3A_2578 = tpu.dynamic_gather %add3A_2572[%gather3A_2577] in [0] : vector<16xi32>, vector<16xi32> -> vector<16xi32>
          %jit3A_2579 = arith.constant 0 : i32
          %broadcast_in_dim3A_2580 = vector.broadcast %jit3A_2579 : i32 to vector<16xi32>
          %select_n3A_2581 = arith.select %ge3A_2575, %gather3A_2578, %broadcast_in_dim3A_2580 : vector<16xi1>, vector<16xi32>
          %add3A_2582 = arith.addi %add3A_2572, %select_n3A_2581 : vector<16xi32>
          %ge3A_2583 = arith.constant 4 : i32
          %ge3A_2584 = vector.broadcast %ge3A_2583 : i32 to vector<16xi32>
          %ge3A_2585 = arith.cmpi sge, %iota3A, %ge3A_2584 : vector<16xi32>
          %broadcast_in_dim3A_2586 = vector.shape_cast %max3A_51 : vector<16xi32> to vector<16x1xi32>
          %gather3A_2587 = vector.shape_cast %broadcast_in_dim3A_2586 : vector<16x1xi32> to vector<16xi32>
          %gather3A_2588 = tpu.dynamic_gather %add3A_2582[%gather3A_2587] in [0] : vector<16xi32>, vector<16xi32> -> vector<16xi32>
          %jit3A_2589 = arith.constant 0 : i32
          %broadcast_in_dim3A_2590 = vector.broadcast %jit3A_2589 : i32 to vector<16xi32>
          %select_n3A_2591 = arith.select %ge3A_2585, %gather3A_2588, %broadcast_in_dim3A_2590 : vector<16xi1>, vector<16xi32>
          %add3A_2592 = arith.addi %add3A_2582, %select_n3A_2591 : vector<16xi32>
          %ge3A_2593 = arith.constant 8 : i32
          %ge3A_2594 = vector.broadcast %ge3A_2593 : i32 to vector<16xi32>
          %ge3A_2595 = arith.cmpi sge, %iota3A, %ge3A_2594 : vector<16xi32>
          %broadcast_in_dim3A_2596 = vector.shape_cast %max3A_57 : vector<16xi32> to vector<16x1xi32>
          %gather3A_2597 = vector.shape_cast %broadcast_in_dim3A_2596 : vector<16x1xi32> to vector<16xi32>
          %gather3A_2598 = tpu.dynamic_gather %add3A_2592[%gather3A_2597] in [0] : vector<16xi32>, vector<16xi32> -> vector<16xi32>
          %jit3A_2599 = arith.constant 0 : i32
          %broadcast_in_dim3A_2600 = vector.broadcast %jit3A_2599 : i32 to vector<16xi32>
          %select_n3A_2601 = arith.select %ge3A_2595, %gather3A_2598, %broadcast_in_dim3A_2600 : vector<16xi1>, vector<16xi32>
          %add3A_2602 = arith.addi %add3A_2592, %select_n3A_2601 : vector<16xi32>
          %broadcast_in_dim3A_2603 = arith.constant 0 : i32
          %broadcast_in_dim3A_2604 = vector.broadcast %broadcast_in_dim3A_2603 : i32 to vector<16xi32>
          %add3A_2605 = arith.constant 7 : i32
          %add3A_2606 = vector.broadcast %add3A_2605 : i32 to vector<16xi32>
          %add3A_2607 = arith.addi %broadcast_in_dim3A_2604, %add3A_2606 : vector<16xi32>
          %min3A_2608 = arith.minsi %add3A_2607, %broadcast_in_dim3A_58 : vector<16xi32>
          %broadcast_in_dim3A_2609 = vector.shape_cast %min3A_2608 : vector<16xi32> to vector<16x1xi32>
          %gather3A_2610 = vector.shape_cast %broadcast_in_dim3A_2609 : vector<16x1xi32> to vector<16xi32>
          %gather3A_2611 = tpu.dynamic_gather %add3A_2602[%gather3A_2610] in [0] : vector<16xi32>, vector<16xi32> -> vector<16xi32>
          %le3A_2612 = arith.cmpi sle, %gather3A_2611, %iota3A : vector<16xi32>
          %jit3A_2613 = arith.constant 8 : i32
          %jit3A_2614 = arith.constant 0 : i32
          %broadcast_in_dim3A_2615 = vector.broadcast %jit3A_2613 : i32 to vector<16xi32>
          %broadcast_in_dim3A_2616 = vector.broadcast %jit3A_2614 : i32 to vector<16xi32>
          %select_n3A_2617 = arith.select %le3A_2612, %broadcast_in_dim3A_2615, %broadcast_in_dim3A_2616 : vector<16xi1>, vector<16xi32>
          %add3A_2618 = arith.addi %broadcast_in_dim3A_2604, %select_n3A_2617 : vector<16xi32>
          %add3A_2619 = arith.constant 3 : i32
          %add3A_2620 = vector.broadcast %add3A_2619 : i32 to vector<16xi32>
          %add3A_2621 = arith.addi %add3A_2618, %add3A_2620 : vector<16xi32>
          %min3A_2622 = arith.minsi %add3A_2621, %broadcast_in_dim3A_58 : vector<16xi32>
          %broadcast_in_dim3A_2623 = vector.shape_cast %min3A_2622 : vector<16xi32> to vector<16x1xi32>
          %gather3A_2624 = vector.shape_cast %broadcast_in_dim3A_2623 : vector<16x1xi32> to vector<16xi32>
          %gather3A_2625 = tpu.dynamic_gather %add3A_2602[%gather3A_2624] in [0] : vector<16xi32>, vector<16xi32> -> vector<16xi32>
          %le3A_2626 = arith.cmpi sle, %gather3A_2625, %iota3A : vector<16xi32>
          %jit3A_2627 = arith.constant 4 : i32
          %jit3A_2628 = arith.constant 0 : i32
          %broadcast_in_dim3A_2629 = vector.broadcast %jit3A_2627 : i32 to vector<16xi32>
          %broadcast_in_dim3A_2630 = vector.broadcast %jit3A_2628 : i32 to vector<16xi32>
          %select_n3A_2631 = arith.select %le3A_2626, %broadcast_in_dim3A_2629, %broadcast_in_dim3A_2630 : vector<16xi1>, vector<16xi32>
          %add3A_2632 = arith.addi %add3A_2618, %select_n3A_2631 : vector<16xi32>
          %add3A_2633 = arith.constant 1 : i32
          %add3A_2634 = vector.broadcast %add3A_2633 : i32 to vector<16xi32>
          %add3A_2635 = arith.addi %add3A_2632, %add3A_2634 : vector<16xi32>
          %min3A_2636 = arith.minsi %add3A_2635, %broadcast_in_dim3A_58 : vector<16xi32>
          %broadcast_in_dim3A_2637 = vector.shape_cast %min3A_2636 : vector<16xi32> to vector<16x1xi32>
          %gather3A_2638 = vector.shape_cast %broadcast_in_dim3A_2637 : vector<16x1xi32> to vector<16xi32>
          %gather3A_2639 = tpu.dynamic_gather %add3A_2602[%gather3A_2638] in [0] : vector<16xi32>, vector<16xi32> -> vector<16xi32>
          %le3A_2640 = arith.cmpi sle, %gather3A_2639, %iota3A : vector<16xi32>
          %jit3A_2641 = arith.constant 2 : i32
          %jit3A_2642 = arith.constant 0 : i32
          %broadcast_in_dim3A_2643 = vector.broadcast %jit3A_2641 : i32 to vector<16xi32>
          %broadcast_in_dim3A_2644 = vector.broadcast %jit3A_2642 : i32 to vector<16xi32>
          %select_n3A_2645 = arith.select %le3A_2640, %broadcast_in_dim3A_2643, %broadcast_in_dim3A_2644 : vector<16xi1>, vector<16xi32>
          %add3A_2646 = arith.addi %add3A_2632, %select_n3A_2645 : vector<16xi32>
          %add3A_2647 = arith.constant 0 : i32
          %add3A_2648 = vector.broadcast %add3A_2647 : i32 to vector<16xi32>
          %add3A_2649 = arith.addi %add3A_2646, %add3A_2648 : vector<16xi32>
          %min3A_2650 = arith.minsi %add3A_2649, %broadcast_in_dim3A_58 : vector<16xi32>
          %broadcast_in_dim3A_2651 = vector.shape_cast %min3A_2650 : vector<16xi32> to vector<16x1xi32>
          %gather3A_2652 = vector.shape_cast %broadcast_in_dim3A_2651 : vector<16x1xi32> to vector<16xi32>
          %gather3A_2653 = tpu.dynamic_gather %add3A_2602[%gather3A_2652] in [0] : vector<16xi32>, vector<16xi32> -> vector<16xi32>
          %le3A_2654 = arith.cmpi sle, %gather3A_2653, %iota3A : vector<16xi32>
          %jit3A_2655 = arith.constant 1 : i32
          %jit3A_2656 = arith.constant 0 : i32
          %broadcast_in_dim3A_2657 = vector.broadcast %jit3A_2655 : i32 to vector<16xi32>
          %broadcast_in_dim3A_2658 = vector.broadcast %jit3A_2656 : i32 to vector<16xi32>
          %select_n3A_2659 = arith.select %le3A_2654, %broadcast_in_dim3A_2657, %broadcast_in_dim3A_2658 : vector<16xi1>, vector<16xi32>
          %add3A_2660 = arith.addi %add3A_2646, %select_n3A_2659 : vector<16xi32>
          %broadcast_in_dim3A_2661 = vector.shape_cast %add3A_2660 : vector<16xi32> to vector<16x1xi32>
          %gather3A_2662 = vector.shape_cast %broadcast_in_dim3A_2661 : vector<16x1xi32> to vector<16xi32>
          %gather3A_2663 = tpu.dynamic_gather %add3A_2543[%gather3A_2662] in [0] : vector<16xi32>, vector<16xi32> -> vector<16xi32>
          %slice3A_2664 = vector.extract_strided_slice %add3A_2602 {offsets = [15], sizes = [1], strides = [1]} : vector<16xi32> to vector<1xi32>
          %squeeze3A_2665 = vector.extract %slice3A_2664[0] : i32 from vector<1xi32>
          %min3A_2666 = arith.constant 32 : i32
          %min3A_2667 = arith.minsi %add3A_2132, %min3A_2666 : i32
          %swap3A_2668 = arith.constant 0 : i32
          %swap3A_2669 = arith.index_cast %swap3A_2668 : i32 to index
          %swap3A_2670 = arith.index_cast %min3A_2667 : i32 to index
          %swap3A_2671 = tpu.vector_load %arg9[%swap3A_2669, %swap3A_2670] {strides = array<i32>} : memref<4x64xi32, #tpu.memory_space<vmem>>, vector<1x16xi32>,
          %swap3A_2672 = vector.shape_cast %swap3A_2671 : vector<1x16xi32> to vector<16xi32>
          %swap3A_2673 = vector.shape_cast %gather3A_2663 : vector<16xi32> to vector<1x16xi32>
          tpu.vector_store %arg9[%swap3A_2669, %swap3A_2670], %swap3A_2673 {strides = array<i32>} : memref<4x64xi32, #tpu.memory_space<vmem>>, vector<1x16xi32>,
          %add3A_2674 = arith.addi %add3A_2132, %squeeze3A_2665 : i32
          %sub3A_2675 = vector.broadcast %squeeze3A_105 : f32 to vector<16xf32>
          %sub3A_2676 = arith.subf %get3A_2534, %sub3A_2675 : vector<16xf32>
          %sub3A_2677 = vector.broadcast %squeeze3A_111 : f32 to vector<16xf32>
          %sub3A_2678 = arith.subf %get3A_2537, %sub3A_2677 : vector<16xf32>
          %sub3A_2679 = vector.broadcast %squeeze3A_117 : f32 to vector<16xf32>
          %sub3A_2680 = arith.subf %get3A_2540, %sub3A_2679 : vector<16xf32>
          %mul3A_2681 = arith.mulf %sub3A_2676, %sub3A_2676 : vector<16xf32>
          %mul3A_2682 = arith.mulf %sub3A_2678, %sub3A_2678 : vector<16xf32>
          %add3A_2683 = arith.addf %mul3A_2681, %mul3A_2682 : vector<16xf32>
          %mul3A_2684 = arith.mulf %sub3A_2680, %sub3A_2680 : vector<16xf32>
          %add3A_2685 = arith.addf %add3A_2683, %mul3A_2684 : vector<16xf32>
          %lt3A_2686 = arith.constant 4.000000e-02 : f32
          %lt3A_2687 = vector.broadcast %lt3A_2686 : f32 to vector<16xf32>
          %lt3A_2688 = arith.cmpf olt, %add3A_2685, %lt3A_2687 : vector<16xf32>
          %jit3A_2689 = arith.constant 1 : i32
          %jit3A_2690 = arith.constant 0 : i32
          %broadcast_in_dim3A_2691 = vector.broadcast %jit3A_2689 : i32 to vector<16xi32>
          %broadcast_in_dim3A_2692 = vector.broadcast %jit3A_2690 : i32 to vector<16xi32>
          %select_n3A_2693 = arith.select %lt3A_2688, %broadcast_in_dim3A_2691, %broadcast_in_dim3A_2692 : vector<16xi1>, vector<16xi32>
          %ge3A_2694 = arith.constant 1 : i32
          %ge3A_2695 = vector.broadcast %ge3A_2694 : i32 to vector<16xi32>
          %ge3A_2696 = arith.cmpi sge, %iota3A, %ge3A_2695 : vector<16xi32>
          %broadcast_in_dim3A_2697 = vector.shape_cast %max3A_39 : vector<16xi32> to vector<16x1xi32>
          %gather3A_2698 = vector.shape_cast %broadcast_in_dim3A_2697 : vector<16x1xi32> to vector<16xi32>
          %gather3A_2699 = tpu.dynamic_gather %select_n3A_2693[%gather3A_2698] in [0] : vector<16xi32>, vector<16xi32> -> vector<16xi32>
          %jit3A_2700 = arith.constant 0 : i32
          %broadcast_in_dim3A_2701 = vector.broadcast %jit3A_2700 : i32 to vector<16xi32>
          %select_n3A_2702 = arith.select %ge3A_2696, %gather3A_2699, %broadcast_in_dim3A_2701 : vector<16xi1>, vector<16xi32>
          %add3A_2703 = arith.addi %select_n3A_2693, %select_n3A_2702 : vector<16xi32>
          %ge3A_2704 = arith.constant 2 : i32
          %ge3A_2705 = vector.broadcast %ge3A_2704 : i32 to vector<16xi32>
          %ge3A_2706 = arith.cmpi sge, %iota3A, %ge3A_2705 : vector<16xi32>
          %broadcast_in_dim3A_2707 = vector.shape_cast %max3A_45 : vector<16xi32> to vector<16x1xi32>
          %gather3A_2708 = vector.shape_cast %broadcast_in_dim3A_2707 : vector<16x1xi32> to vector<16xi32>
          %gather3A_2709 = tpu.dynamic_gather %add3A_2703[%gather3A_2708] in [0] : vector<16xi32>, vector<16xi32> -> vector<16xi32>
          %jit3A_2710 = arith.constant 0 : i32
          %broadcast_in_dim3A_2711 = vector.broadcast %jit3A_2710 : i32 to vector<16xi32>
          %select_n3A_2712 = arith.select %ge3A_2706, %gather3A_2709, %broadcast_in_dim3A_2711 : vector<16xi1>, vector<16xi32>
          %add3A_2713 = arith.addi %add3A_2703, %select_n3A_2712 : vector<16xi32>
          %ge3A_2714 = arith.constant 4 : i32
          %ge3A_2715 = vector.broadcast %ge3A_2714 : i32 to vector<16xi32>
          %ge3A_2716 = arith.cmpi sge, %iota3A, %ge3A_2715 : vector<16xi32>
          %broadcast_in_dim3A_2717 = vector.shape_cast %max3A_51 : vector<16xi32> to vector<16x1xi32>
          %gather3A_2718 = vector.shape_cast %broadcast_in_dim3A_2717 : vector<16x1xi32> to vector<16xi32>
          %gather3A_2719 = tpu.dynamic_gather %add3A_2713[%gather3A_2718] in [0] : vector<16xi32>, vector<16xi32> -> vector<16xi32>
          %jit3A_2720 = arith.constant 0 : i32
          %broadcast_in_dim3A_2721 = vector.broadcast %jit3A_2720 : i32 to vector<16xi32>
          %select_n3A_2722 = arith.select %ge3A_2716, %gather3A_2719, %broadcast_in_dim3A_2721 : vector<16xi1>, vector<16xi32>
          %add3A_2723 = arith.addi %add3A_2713, %select_n3A_2722 : vector<16xi32>
          %ge3A_2724 = arith.constant 8 : i32
          %ge3A_2725 = vector.broadcast %ge3A_2724 : i32 to vector<16xi32>
          %ge3A_2726 = arith.cmpi sge, %iota3A, %ge3A_2725 : vector<16xi32>
          %broadcast_in_dim3A_2727 = vector.shape_cast %max3A_57 : vector<16xi32> to vector<16x1xi32>
          %gather3A_2728 = vector.shape_cast %broadcast_in_dim3A_2727 : vector<16x1xi32> to vector<16xi32>
          %gather3A_2729 = tpu.dynamic_gather %add3A_2723[%gather3A_2728] in [0] : vector<16xi32>, vector<16xi32> -> vector<16xi32>
          %jit3A_2730 = arith.constant 0 : i32
          %broadcast_in_dim3A_2731 = vector.broadcast %jit3A_2730 : i32 to vector<16xi32>
          %select_n3A_2732 = arith.select %ge3A_2726, %gather3A_2729, %broadcast_in_dim3A_2731 : vector<16xi1>, vector<16xi32>
          %add3A_2733 = arith.addi %add3A_2723, %select_n3A_2732 : vector<16xi32>
          %broadcast_in_dim3A_2734 = arith.constant 0 : i32
          %broadcast_in_dim3A_2735 = vector.broadcast %broadcast_in_dim3A_2734 : i32 to vector<16xi32>
          %add3A_2736 = arith.constant 7 : i32
          %add3A_2737 = vector.broadcast %add3A_2736 : i32 to vector<16xi32>
          %add3A_2738 = arith.addi %broadcast_in_dim3A_2735, %add3A_2737 : vector<16xi32>
          %min3A_2739 = arith.minsi %add3A_2738, %broadcast_in_dim3A_58 : vector<16xi32>
          %broadcast_in_dim3A_2740 = vector.shape_cast %min3A_2739 : vector<16xi32> to vector<16x1xi32>
          %gather3A_2741 = vector.shape_cast %broadcast_in_dim3A_2740 : vector<16x1xi32> to vector<16xi32>
          %gather3A_2742 = tpu.dynamic_gather %add3A_2733[%gather3A_2741] in [0] : vector<16xi32>, vector<16xi32> -> vector<16xi32>
          %le3A_2743 = arith.cmpi sle, %gather3A_2742, %iota3A : vector<16xi32>
          %jit3A_2744 = arith.constant 8 : i32
          %jit3A_2745 = arith.constant 0 : i32
          %broadcast_in_dim3A_2746 = vector.broadcast %jit3A_2744 : i32 to vector<16xi32>
          %broadcast_in_dim3A_2747 = vector.broadcast %jit3A_2745 : i32 to vector<16xi32>
          %select_n3A_2748 = arith.select %le3A_2743, %broadcast_in_dim3A_2746, %broadcast_in_dim3A_2747 : vector<16xi1>, vector<16xi32>
          %add3A_2749 = arith.addi %broadcast_in_dim3A_2735, %select_n3A_2748 : vector<16xi32>
          %add3A_2750 = arith.constant 3 : i32
          %add3A_2751 = vector.broadcast %add3A_2750 : i32 to vector<16xi32>
          %add3A_2752 = arith.addi %add3A_2749, %add3A_2751 : vector<16xi32>
          %min3A_2753 = arith.minsi %add3A_2752, %broadcast_in_dim3A_58 : vector<16xi32>
          %broadcast_in_dim3A_2754 = vector.shape_cast %min3A_2753 : vector<16xi32> to vector<16x1xi32>
          %gather3A_2755 = vector.shape_cast %broadcast_in_dim3A_2754 : vector<16x1xi32> to vector<16xi32>
          %gather3A_2756 = tpu.dynamic_gather %add3A_2733[%gather3A_2755] in [0] : vector<16xi32>, vector<16xi32> -> vector<16xi32>
          %le3A_2757 = arith.cmpi sle, %gather3A_2756, %iota3A : vector<16xi32>
          %jit3A_2758 = arith.constant 4 : i32
          %jit3A_2759 = arith.constant 0 : i32
          %broadcast_in_dim3A_2760 = vector.broadcast %jit3A_2758 : i32 to vector<16xi32>
          %broadcast_in_dim3A_2761 = vector.broadcast %jit3A_2759 : i32 to vector<16xi32>
          %select_n3A_2762 = arith.select %le3A_2757, %broadcast_in_dim3A_2760, %broadcast_in_dim3A_2761 : vector<16xi1>, vector<16xi32>
          %add3A_2763 = arith.addi %add3A_2749, %select_n3A_2762 : vector<16xi32>
          %add3A_2764 = arith.constant 1 : i32
          %add3A_2765 = vector.broadcast %add3A_2764 : i32 to vector<16xi32>
          %add3A_2766 = arith.addi %add3A_2763, %add3A_2765 : vector<16xi32>
          %min3A_2767 = arith.minsi %add3A_2766, %broadcast_in_dim3A_58 : vector<16xi32>
          %broadcast_in_dim3A_2768 = vector.shape_cast %min3A_2767 : vector<16xi32> to vector<16x1xi32>
          %gather3A_2769 = vector.shape_cast %broadcast_in_dim3A_2768 : vector<16x1xi32> to vector<16xi32>
          %gather3A_2770 = tpu.dynamic_gather %add3A_2733[%gather3A_2769] in [0] : vector<16xi32>, vector<16xi32> -> vector<16xi32>
          %le3A_2771 = arith.cmpi sle, %gather3A_2770, %iota3A : vector<16xi32>
          %jit3A_2772 = arith.constant 2 : i32
          %jit3A_2773 = arith.constant 0 : i32
          %broadcast_in_dim3A_2774 = vector.broadcast %jit3A_2772 : i32 to vector<16xi32>
          %broadcast_in_dim3A_2775 = vector.broadcast %jit3A_2773 : i32 to vector<16xi32>
          %select_n3A_2776 = arith.select %le3A_2771, %broadcast_in_dim3A_2774, %broadcast_in_dim3A_2775 : vector<16xi1>, vector<16xi32>
          %add3A_2777 = arith.addi %add3A_2763, %select_n3A_2776 : vector<16xi32>
          %add3A_2778 = arith.constant 0 : i32
          %add3A_2779 = vector.broadcast %add3A_2778 : i32 to vector<16xi32>
          %add3A_2780 = arith.addi %add3A_2777, %add3A_2779 : vector<16xi32>
          %min3A_2781 = arith.minsi %add3A_2780, %broadcast_in_dim3A_58 : vector<16xi32>
          %broadcast_in_dim3A_2782 = vector.shape_cast %min3A_2781 : vector<16xi32> to vector<16x1xi32>
          %gather3A_2783 = vector.shape_cast %broadcast_in_dim3A_2782 : vector<16x1xi32> to vector<16xi32>
          %gather3A_2784 = tpu.dynamic_gather %add3A_2733[%gather3A_2783] in [0] : vector<16xi32>, vector<16xi32> -> vector<16xi32>
          %le3A_2785 = arith.cmpi sle, %gather3A_2784, %iota3A : vector<16xi32>
          %jit3A_2786 = arith.constant 1 : i32
          %jit3A_2787 = arith.constant 0 : i32
          %broadcast_in_dim3A_2788 = vector.broadcast %jit3A_2786 : i32 to vector<16xi32>
          %broadcast_in_dim3A_2789 = vector.broadcast %jit3A_2787 : i32 to vector<16xi32>
          %select_n3A_2790 = arith.select %le3A_2785, %broadcast_in_dim3A_2788, %broadcast_in_dim3A_2789 : vector<16xi1>, vector<16xi32>
          %add3A_2791 = arith.addi %add3A_2777, %select_n3A_2790 : vector<16xi32>
          %broadcast_in_dim3A_2792 = vector.shape_cast %add3A_2791 : vector<16xi32> to vector<16x1xi32>
          %gather3A_2793 = vector.shape_cast %broadcast_in_dim3A_2792 : vector<16x1xi32> to vector<16xi32>
          %gather3A_2794 = tpu.dynamic_gather %add3A_2543[%gather3A_2793] in [0] : vector<16xi32>, vector<16xi32> -> vector<16xi32>
          %slice3A_2795 = vector.extract_strided_slice %add3A_2733 {offsets = [15], sizes = [1], strides = [1]} : vector<16xi32> to vector<1xi32>
          %squeeze3A_2796 = vector.extract %slice3A_2795[0] : i32 from vector<1xi32>
          %min3A_2797 = arith.constant 32 : i32
          %min3A_2798 = arith.minsi %add3A_2263, %min3A_2797 : i32
          %swap3A_2799 = arith.constant 1 : i32
          %swap3A_2800 = arith.index_cast %swap3A_2799 : i32 to index
          %swap3A_2801 = arith.index_cast %min3A_2798 : i32 to index
          %swap3A_2802 = tpu.vector_load %arg9[%swap3A_2800, %swap3A_2801] {strides = array<i32>} : memref<4x64xi32, #tpu.memory_space<vmem>>, vector<1x16xi32>,
          %swap3A_2803 = vector.shape_cast %swap3A_2802 : vector<1x16xi32> to vector<16xi32>
          %swap3A_2804 = vector.shape_cast %gather3A_2794 : vector<16xi32> to vector<1x16xi32>
          tpu.vector_store %arg9[%swap3A_2800, %swap3A_2801], %swap3A_2804 {strides = array<i32>} : memref<4x64xi32, #tpu.memory_space<vmem>>, vector<1x16xi32>,
          %add3A_2805 = arith.addi %add3A_2263, %squeeze3A_2796 : i32
          %sub3A_2806 = vector.broadcast %squeeze3A_123 : f32 to vector<16xf32>
          %sub3A_2807 = arith.subf %get3A_2534, %sub3A_2806 : vector<16xf32>
          %sub3A_2808 = vector.broadcast %squeeze3A_129 : f32 to vector<16xf32>
          %sub3A_2809 = arith.subf %get3A_2537, %sub3A_2808 : vector<16xf32>
          %sub3A_2810 = vector.broadcast %squeeze3A_135 : f32 to vector<16xf32>
          %sub3A_2811 = arith.subf %get3A_2540, %sub3A_2810 : vector<16xf32>
          %mul3A_2812 = arith.mulf %sub3A_2807, %sub3A_2807 : vector<16xf32>
          %mul3A_2813 = arith.mulf %sub3A_2809, %sub3A_2809 : vector<16xf32>
          %add3A_2814 = arith.addf %mul3A_2812, %mul3A_2813 : vector<16xf32>
          %mul3A_2815 = arith.mulf %sub3A_2811, %sub3A_2811 : vector<16xf32>
          %add3A_2816 = arith.addf %add3A_2814, %mul3A_2815 : vector<16xf32>
          %lt3A_2817 = arith.constant 4.000000e-02 : f32
          %lt3A_2818 = vector.broadcast %lt3A_2817 : f32 to vector<16xf32>
          %lt3A_2819 = arith.cmpf olt, %add3A_2816, %lt3A_2818 : vector<16xf32>
          %jit3A_2820 = arith.constant 1 : i32
          %jit3A_2821 = arith.constant 0 : i32
          %broadcast_in_dim3A_2822 = vector.broadcast %jit3A_2820 : i32 to vector<16xi32>
          %broadcast_in_dim3A_2823 = vector.broadcast %jit3A_2821 : i32 to vector<16xi32>
          %select_n3A_2824 = arith.select %lt3A_2819, %broadcast_in_dim3A_2822, %broadcast_in_dim3A_2823 : vector<16xi1>, vector<16xi32>
          %ge3A_2825 = arith.constant 1 : i32
          %ge3A_2826 = vector.broadcast %ge3A_2825 : i32 to vector<16xi32>
          %ge3A_2827 = arith.cmpi sge, %iota3A, %ge3A_2826 : vector<16xi32>
          %broadcast_in_dim3A_2828 = vector.shape_cast %max3A_39 : vector<16xi32> to vector<16x1xi32>
          %gather3A_2829 = vector.shape_cast %broadcast_in_dim3A_2828 : vector<16x1xi32> to vector<16xi32>
          %gather3A_2830 = tpu.dynamic_gather %select_n3A_2824[%gather3A_2829] in [0] : vector<16xi32>, vector<16xi32> -> vector<16xi32>
          %jit3A_2831 = arith.constant 0 : i32
          %broadcast_in_dim3A_2832 = vector.broadcast %jit3A_2831 : i32 to vector<16xi32>
          %select_n3A_2833 = arith.select %ge3A_2827, %gather3A_2830, %broadcast_in_dim3A_2832 : vector<16xi1>, vector<16xi32>
          %add3A_2834 = arith.addi %select_n3A_2824, %select_n3A_2833 : vector<16xi32>
          %ge3A_2835 = arith.constant 2 : i32
          %ge3A_2836 = vector.broadcast %ge3A_2835 : i32 to vector<16xi32>
          %ge3A_2837 = arith.cmpi sge, %iota3A, %ge3A_2836 : vector<16xi32>
          %broadcast_in_dim3A_2838 = vector.shape_cast %max3A_45 : vector<16xi32> to vector<16x1xi32>
          %gather3A_2839 = vector.shape_cast %broadcast_in_dim3A_2838 : vector<16x1xi32> to vector<16xi32>
          %gather3A_2840 = tpu.dynamic_gather %add3A_2834[%gather3A_2839] in [0] : vector<16xi32>, vector<16xi32> -> vector<16xi32>
          %jit3A_2841 = arith.constant 0 : i32
          %broadcast_in_dim3A_2842 = vector.broadcast %jit3A_2841 : i32 to vector<16xi32>
          %select_n3A_2843 = arith.select %ge3A_2837, %gather3A_2840, %broadcast_in_dim3A_2842 : vector<16xi1>, vector<16xi32>
          %add3A_2844 = arith.addi %add3A_2834, %select_n3A_2843 : vector<16xi32>
          %ge3A_2845 = arith.constant 4 : i32
          %ge3A_2846 = vector.broadcast %ge3A_2845 : i32 to vector<16xi32>
          %ge3A_2847 = arith.cmpi sge, %iota3A, %ge3A_2846 : vector<16xi32>
          %broadcast_in_dim3A_2848 = vector.shape_cast %max3A_51 : vector<16xi32> to vector<16x1xi32>
          %gather3A_2849 = vector.shape_cast %broadcast_in_dim3A_2848 : vector<16x1xi32> to vector<16xi32>
          %gather3A_2850 = tpu.dynamic_gather %add3A_2844[%gather3A_2849] in [0] : vector<16xi32>, vector<16xi32> -> vector<16xi32>
          %jit3A_2851 = arith.constant 0 : i32
          %broadcast_in_dim3A_2852 = vector.broadcast %jit3A_2851 : i32 to vector<16xi32>
          %select_n3A_2853 = arith.select %ge3A_2847, %gather3A_2850, %broadcast_in_dim3A_2852 : vector<16xi1>, vector<16xi32>
          %add3A_2854 = arith.addi %add3A_2844, %select_n3A_2853 : vector<16xi32>
          %ge3A_2855 = arith.constant 8 : i32
          %ge3A_2856 = vector.broadcast %ge3A_2855 : i32 to vector<16xi32>
          %ge3A_2857 = arith.cmpi sge, %iota3A, %ge3A_2856 : vector<16xi32>
          %broadcast_in_dim3A_2858 = vector.shape_cast %max3A_57 : vector<16xi32> to vector<16x1xi32>
          %gather3A_2859 = vector.shape_cast %broadcast_in_dim3A_2858 : vector<16x1xi32> to vector<16xi32>
          %gather3A_2860 = tpu.dynamic_gather %add3A_2854[%gather3A_2859] in [0] : vector<16xi32>, vector<16xi32> -> vector<16xi32>
          %jit3A_2861 = arith.constant 0 : i32
          %broadcast_in_dim3A_2862 = vector.broadcast %jit3A_2861 : i32 to vector<16xi32>
          %select_n3A_2863 = arith.select %ge3A_2857, %gather3A_2860, %broadcast_in_dim3A_2862 : vector<16xi1>, vector<16xi32>
          %add3A_2864 = arith.addi %add3A_2854, %select_n3A_2863 : vector<16xi32>
          %broadcast_in_dim3A_2865 = arith.constant 0 : i32
          %broadcast_in_dim3A_2866 = vector.broadcast %broadcast_in_dim3A_2865 : i32 to vector<16xi32>
          %add3A_2867 = arith.constant 7 : i32
          %add3A_2868 = vector.broadcast %add3A_2867 : i32 to vector<16xi32>
          %add3A_2869 = arith.addi %broadcast_in_dim3A_2866, %add3A_2868 : vector<16xi32>
          %min3A_2870 = arith.minsi %add3A_2869, %broadcast_in_dim3A_58 : vector<16xi32>
          %broadcast_in_dim3A_2871 = vector.shape_cast %min3A_2870 : vector<16xi32> to vector<16x1xi32>
          %gather3A_2872 = vector.shape_cast %broadcast_in_dim3A_2871 : vector<16x1xi32> to vector<16xi32>
          %gather3A_2873 = tpu.dynamic_gather %add3A_2864[%gather3A_2872] in [0] : vector<16xi32>, vector<16xi32> -> vector<16xi32>
          %le3A_2874 = arith.cmpi sle, %gather3A_2873, %iota3A : vector<16xi32>
          %jit3A_2875 = arith.constant 8 : i32
          %jit3A_2876 = arith.constant 0 : i32
          %broadcast_in_dim3A_2877 = vector.broadcast %jit3A_2875 : i32 to vector<16xi32>
          %broadcast_in_dim3A_2878 = vector.broadcast %jit3A_2876 : i32 to vector<16xi32>
          %select_n3A_2879 = arith.select %le3A_2874, %broadcast_in_dim3A_2877, %broadcast_in_dim3A_2878 : vector<16xi1>, vector<16xi32>
          %add3A_2880 = arith.addi %broadcast_in_dim3A_2866, %select_n3A_2879 : vector<16xi32>
          %add3A_2881 = arith.constant 3 : i32
          %add3A_2882 = vector.broadcast %add3A_2881 : i32 to vector<16xi32>
          %add3A_2883 = arith.addi %add3A_2880, %add3A_2882 : vector<16xi32>
          %min3A_2884 = arith.minsi %add3A_2883, %broadcast_in_dim3A_58 : vector<16xi32>
          %broadcast_in_dim3A_2885 = vector.shape_cast %min3A_2884 : vector<16xi32> to vector<16x1xi32>
          %gather3A_2886 = vector.shape_cast %broadcast_in_dim3A_2885 : vector<16x1xi32> to vector<16xi32>
          %gather3A_2887 = tpu.dynamic_gather %add3A_2864[%gather3A_2886] in [0] : vector<16xi32>, vector<16xi32> -> vector<16xi32>
          %le3A_2888 = arith.cmpi sle, %gather3A_2887, %iota3A : vector<16xi32>
          %jit3A_2889 = arith.constant 4 : i32
          %jit3A_2890 = arith.constant 0 : i32
          %broadcast_in_dim3A_2891 = vector.broadcast %jit3A_2889 : i32 to vector<16xi32>
          %broadcast_in_dim3A_2892 = vector.broadcast %jit3A_2890 : i32 to vector<16xi32>
          %select_n3A_2893 = arith.select %le3A_2888, %broadcast_in_dim3A_2891, %broadcast_in_dim3A_2892 : vector<16xi1>, vector<16xi32>
          %add3A_2894 = arith.addi %add3A_2880, %select_n3A_2893 : vector<16xi32>
          %add3A_2895 = arith.constant 1 : i32
          %add3A_2896 = vector.broadcast %add3A_2895 : i32 to vector<16xi32>
          %add3A_2897 = arith.addi %add3A_2894, %add3A_2896 : vector<16xi32>
          %min3A_2898 = arith.minsi %add3A_2897, %broadcast_in_dim3A_58 : vector<16xi32>
          %broadcast_in_dim3A_2899 = vector.shape_cast %min3A_2898 : vector<16xi32> to vector<16x1xi32>
          %gather3A_2900 = vector.shape_cast %broadcast_in_dim3A_2899 : vector<16x1xi32> to vector<16xi32>
          %gather3A_2901 = tpu.dynamic_gather %add3A_2864[%gather3A_2900] in [0] : vector<16xi32>, vector<16xi32> -> vector<16xi32>
          %le3A_2902 = arith.cmpi sle, %gather3A_2901, %iota3A : vector<16xi32>
          %jit3A_2903 = arith.constant 2 : i32
          %jit3A_2904 = arith.constant 0 : i32
          %broadcast_in_dim3A_2905 = vector.broadcast %jit3A_2903 : i32 to vector<16xi32>
          %broadcast_in_dim3A_2906 = vector.broadcast %jit3A_2904 : i32 to vector<16xi32>
          %select_n3A_2907 = arith.select %le3A_2902, %broadcast_in_dim3A_2905, %broadcast_in_dim3A_2906 : vector<16xi1>, vector<16xi32>
          %add3A_2908 = arith.addi %add3A_2894, %select_n3A_2907 : vector<16xi32>
          %add3A_2909 = arith.constant 0 : i32
          %add3A_2910 = vector.broadcast %add3A_2909 : i32 to vector<16xi32>
          %add3A_2911 = arith.addi %add3A_2908, %add3A_2910 : vector<16xi32>
          %min3A_2912 = arith.minsi %add3A_2911, %broadcast_in_dim3A_58 : vector<16xi32>
          %broadcast_in_dim3A_2913 = vector.shape_cast %min3A_2912 : vector<16xi32> to vector<16x1xi32>
          %gather3A_2914 = vector.shape_cast %broadcast_in_dim3A_2913 : vector<16x1xi32> to vector<16xi32>
          %gather3A_2915 = tpu.dynamic_gather %add3A_2864[%gather3A_2914] in [0] : vector<16xi32>, vector<16xi32> -> vector<16xi32>
          %le3A_2916 = arith.cmpi sle, %gather3A_2915, %iota3A : vector<16xi32>
          %jit3A_2917 = arith.constant 1 : i32
          %jit3A_2918 = arith.constant 0 : i32
          %broadcast_in_dim3A_2919 = vector.broadcast %jit3A_2917 : i32 to vector<16xi32>
          %broadcast_in_dim3A_2920 = vector.broadcast %jit3A_2918 : i32 to vector<16xi32>
          %select_n3A_2921 = arith.select %le3A_2916, %broadcast_in_dim3A_2919, %broadcast_in_dim3A_2920 : vector<16xi1>, vector<16xi32>
          %add3A_2922 = arith.addi %add3A_2908, %select_n3A_2921 : vector<16xi32>
          %broadcast_in_dim3A_2923 = vector.shape_cast %add3A_2922 : vector<16xi32> to vector<16x1xi32>
          %gather3A_2924 = vector.shape_cast %broadcast_in_dim3A_2923 : vector<16x1xi32> to vector<16xi32>
          %gather3A_2925 = tpu.dynamic_gather %add3A_2543[%gather3A_2924] in [0] : vector<16xi32>, vector<16xi32> -> vector<16xi32>
          %slice3A_2926 = vector.extract_strided_slice %add3A_2864 {offsets = [15], sizes = [1], strides = [1]} : vector<16xi32> to vector<1xi32>
          %squeeze3A_2927 = vector.extract %slice3A_2926[0] : i32 from vector<1xi32>
          %min3A_2928 = arith.constant 32 : i32
          %min3A_2929 = arith.minsi %add3A_2394, %min3A_2928 : i32
          %swap3A_2930 = arith.constant 2 : i32
          %swap3A_2931 = arith.index_cast %swap3A_2930 : i32 to index
          %swap3A_2932 = arith.index_cast %min3A_2929 : i32 to index
          %swap3A_2933 = tpu.vector_load %arg9[%swap3A_2931, %swap3A_2932] {strides = array<i32>} : memref<4x64xi32, #tpu.memory_space<vmem>>, vector<1x16xi32>,
          %swap3A_2934 = vector.shape_cast %swap3A_2933 : vector<1x16xi32> to vector<16xi32>
          %swap3A_2935 = vector.shape_cast %gather3A_2925 : vector<16xi32> to vector<1x16xi32>
          tpu.vector_store %arg9[%swap3A_2931, %swap3A_2932], %swap3A_2935 {strides = array<i32>} : memref<4x64xi32, #tpu.memory_space<vmem>>, vector<1x16xi32>,
          %add3A_2936 = arith.addi %add3A_2394, %squeeze3A_2927 : i32
          %sub3A_2937 = vector.broadcast %squeeze3A_141 : f32 to vector<16xf32>
          %sub3A_2938 = arith.subf %get3A_2534, %sub3A_2937 : vector<16xf32>
          %sub3A_2939 = vector.broadcast %squeeze3A_147 : f32 to vector<16xf32>
          %sub3A_2940 = arith.subf %get3A_2537, %sub3A_2939 : vector<16xf32>
          %sub3A_2941 = vector.broadcast %squeeze3A_153 : f32 to vector<16xf32>
          %sub3A_2942 = arith.subf %get3A_2540, %sub3A_2941 : vector<16xf32>
          %mul3A_2943 = arith.mulf %sub3A_2938, %sub3A_2938 : vector<16xf32>
          %mul3A_2944 = arith.mulf %sub3A_2940, %sub3A_2940 : vector<16xf32>
          %add3A_2945 = arith.addf %mul3A_2943, %mul3A_2944 : vector<16xf32>
          %mul3A_2946 = arith.mulf %sub3A_2942, %sub3A_2942 : vector<16xf32>
          %add3A_2947 = arith.addf %add3A_2945, %mul3A_2946 : vector<16xf32>
          %lt3A_2948 = arith.constant 4.000000e-02 : f32
          %lt3A_2949 = vector.broadcast %lt3A_2948 : f32 to vector<16xf32>
          %lt3A_2950 = arith.cmpf olt, %add3A_2947, %lt3A_2949 : vector<16xf32>
          %jit3A_2951 = arith.constant 1 : i32
          %jit3A_2952 = arith.constant 0 : i32
          %broadcast_in_dim3A_2953 = vector.broadcast %jit3A_2951 : i32 to vector<16xi32>
          %broadcast_in_dim3A_2954 = vector.broadcast %jit3A_2952 : i32 to vector<16xi32>
          %select_n3A_2955 = arith.select %lt3A_2950, %broadcast_in_dim3A_2953, %broadcast_in_dim3A_2954 : vector<16xi1>, vector<16xi32>
          %ge3A_2956 = arith.constant 1 : i32
          %ge3A_2957 = vector.broadcast %ge3A_2956 : i32 to vector<16xi32>
          %ge3A_2958 = arith.cmpi sge, %iota3A, %ge3A_2957 : vector<16xi32>
          %broadcast_in_dim3A_2959 = vector.shape_cast %max3A_39 : vector<16xi32> to vector<16x1xi32>
          %gather3A_2960 = vector.shape_cast %broadcast_in_dim3A_2959 : vector<16x1xi32> to vector<16xi32>
          %gather3A_2961 = tpu.dynamic_gather %select_n3A_2955[%gather3A_2960] in [0] : vector<16xi32>, vector<16xi32> -> vector<16xi32>
          %jit3A_2962 = arith.constant 0 : i32
          %broadcast_in_dim3A_2963 = vector.broadcast %jit3A_2962 : i32 to vector<16xi32>
          %select_n3A_2964 = arith.select %ge3A_2958, %gather3A_2961, %broadcast_in_dim3A_2963 : vector<16xi1>, vector<16xi32>
          %add3A_2965 = arith.addi %select_n3A_2955, %select_n3A_2964 : vector<16xi32>
          %ge3A_2966 = arith.constant 2 : i32
          %ge3A_2967 = vector.broadcast %ge3A_2966 : i32 to vector<16xi32>
          %ge3A_2968 = arith.cmpi sge, %iota3A, %ge3A_2967 : vector<16xi32>
          %broadcast_in_dim3A_2969 = vector.shape_cast %max3A_45 : vector<16xi32> to vector<16x1xi32>
          %gather3A_2970 = vector.shape_cast %broadcast_in_dim3A_2969 : vector<16x1xi32> to vector<16xi32>
          %gather3A_2971 = tpu.dynamic_gather %add3A_2965[%gather3A_2970] in [0] : vector<16xi32>, vector<16xi32> -> vector<16xi32>
          %jit3A_2972 = arith.constant 0 : i32
          %broadcast_in_dim3A_2973 = vector.broadcast %jit3A_2972 : i32 to vector<16xi32>
          %select_n3A_2974 = arith.select %ge3A_2968, %gather3A_2971, %broadcast_in_dim3A_2973 : vector<16xi1>, vector<16xi32>
          %add3A_2975 = arith.addi %add3A_2965, %select_n3A_2974 : vector<16xi32>
          %ge3A_2976 = arith.constant 4 : i32
          %ge3A_2977 = vector.broadcast %ge3A_2976 : i32 to vector<16xi32>
          %ge3A_2978 = arith.cmpi sge, %iota3A, %ge3A_2977 : vector<16xi32>
          %broadcast_in_dim3A_2979 = vector.shape_cast %max3A_51 : vector<16xi32> to vector<16x1xi32>
          %gather3A_2980 = vector.shape_cast %broadcast_in_dim3A_2979 : vector<16x1xi32> to vector<16xi32>
          %gather3A_2981 = tpu.dynamic_gather %add3A_2975[%gather3A_2980] in [0] : vector<16xi32>, vector<16xi32> -> vector<16xi32>
          %jit3A_2982 = arith.constant 0 : i32
          %broadcast_in_dim3A_2983 = vector.broadcast %jit3A_2982 : i32 to vector<16xi32>
          %select_n3A_2984 = arith.select %ge3A_2978, %gather3A_2981, %broadcast_in_dim3A_2983 : vector<16xi1>, vector<16xi32>
          %add3A_2985 = arith.addi %add3A_2975, %select_n3A_2984 : vector<16xi32>
          %ge3A_2986 = arith.constant 8 : i32
          %ge3A_2987 = vector.broadcast %ge3A_2986 : i32 to vector<16xi32>
          %ge3A_2988 = arith.cmpi sge, %iota3A, %ge3A_2987 : vector<16xi32>
          %broadcast_in_dim3A_2989 = vector.shape_cast %max3A_57 : vector<16xi32> to vector<16x1xi32>
          %gather3A_2990 = vector.shape_cast %broadcast_in_dim3A_2989 : vector<16x1xi32> to vector<16xi32>
          %gather3A_2991 = tpu.dynamic_gather %add3A_2985[%gather3A_2990] in [0] : vector<16xi32>, vector<16xi32> -> vector<16xi32>
          %jit3A_2992 = arith.constant 0 : i32
          %broadcast_in_dim3A_2993 = vector.broadcast %jit3A_2992 : i32 to vector<16xi32>
          %select_n3A_2994 = arith.select %ge3A_2988, %gather3A_2991, %broadcast_in_dim3A_2993 : vector<16xi1>, vector<16xi32>
          %add3A_2995 = arith.addi %add3A_2985, %select_n3A_2994 : vector<16xi32>
          %broadcast_in_dim3A_2996 = arith.constant 0 : i32
          %broadcast_in_dim3A_2997 = vector.broadcast %broadcast_in_dim3A_2996 : i32 to vector<16xi32>
          %add3A_2998 = arith.constant 7 : i32
          %add3A_2999 = vector.broadcast %add3A_2998 : i32 to vector<16xi32>
          %add3A_3000 = arith.addi %broadcast_in_dim3A_2997, %add3A_2999 : vector<16xi32>
          %min3A_3001 = arith.minsi %add3A_3000, %broadcast_in_dim3A_58 : vector<16xi32>
          %broadcast_in_dim3A_3002 = vector.shape_cast %min3A_3001 : vector<16xi32> to vector<16x1xi32>
          %gather3A_3003 = vector.shape_cast %broadcast_in_dim3A_3002 : vector<16x1xi32> to vector<16xi32>
          %gather3A_3004 = tpu.dynamic_gather %add3A_2995[%gather3A_3003] in [0] : vector<16xi32>, vector<16xi32> -> vector<16xi32>
          %le3A_3005 = arith.cmpi sle, %gather3A_3004, %iota3A : vector<16xi32>
          %jit3A_3006 = arith.constant 8 : i32
          %jit3A_3007 = arith.constant 0 : i32
          %broadcast_in_dim3A_3008 = vector.broadcast %jit3A_3006 : i32 to vector<16xi32>
          %broadcast_in_dim3A_3009 = vector.broadcast %jit3A_3007 : i32 to vector<16xi32>
          %select_n3A_3010 = arith.select %le3A_3005, %broadcast_in_dim3A_3008, %broadcast_in_dim3A_3009 : vector<16xi1>, vector<16xi32>
          %add3A_3011 = arith.addi %broadcast_in_dim3A_2997, %select_n3A_3010 : vector<16xi32>
          %add3A_3012 = arith.constant 3 : i32
          %add3A_3013 = vector.broadcast %add3A_3012 : i32 to vector<16xi32>
          %add3A_3014 = arith.addi %add3A_3011, %add3A_3013 : vector<16xi32>
          %min3A_3015 = arith.minsi %add3A_3014, %broadcast_in_dim3A_58 : vector<16xi32>
          %broadcast_in_dim3A_3016 = vector.shape_cast %min3A_3015 : vector<16xi32> to vector<16x1xi32>
          %gather3A_3017 = vector.shape_cast %broadcast_in_dim3A_3016 : vector<16x1xi32> to vector<16xi32>
          %gather3A_3018 = tpu.dynamic_gather %add3A_2995[%gather3A_3017] in [0] : vector<16xi32>, vector<16xi32> -> vector<16xi32>
          %le3A_3019 = arith.cmpi sle, %gather3A_3018, %iota3A : vector<16xi32>
          %jit3A_3020 = arith.constant 4 : i32
          %jit3A_3021 = arith.constant 0 : i32
          %broadcast_in_dim3A_3022 = vector.broadcast %jit3A_3020 : i32 to vector<16xi32>
          %broadcast_in_dim3A_3023 = vector.broadcast %jit3A_3021 : i32 to vector<16xi32>
          %select_n3A_3024 = arith.select %le3A_3019, %broadcast_in_dim3A_3022, %broadcast_in_dim3A_3023 : vector<16xi1>, vector<16xi32>
          %add3A_3025 = arith.addi %add3A_3011, %select_n3A_3024 : vector<16xi32>
          %add3A_3026 = arith.constant 1 : i32
          %add3A_3027 = vector.broadcast %add3A_3026 : i32 to vector<16xi32>
          %add3A_3028 = arith.addi %add3A_3025, %add3A_3027 : vector<16xi32>
          %min3A_3029 = arith.minsi %add3A_3028, %broadcast_in_dim3A_58 : vector<16xi32>
          %broadcast_in_dim3A_3030 = vector.shape_cast %min3A_3029 : vector<16xi32> to vector<16x1xi32>
          %gather3A_3031 = vector.shape_cast %broadcast_in_dim3A_3030 : vector<16x1xi32> to vector<16xi32>
          %gather3A_3032 = tpu.dynamic_gather %add3A_2995[%gather3A_3031] in [0] : vector<16xi32>, vector<16xi32> -> vector<16xi32>
          %le3A_3033 = arith.cmpi sle, %gather3A_3032, %iota3A : vector<16xi32>
          %jit3A_3034 = arith.constant 2 : i32
          %jit3A_3035 = arith.constant 0 : i32
          %broadcast_in_dim3A_3036 = vector.broadcast %jit3A_3034 : i32 to vector<16xi32>
          %broadcast_in_dim3A_3037 = vector.broadcast %jit3A_3035 : i32 to vector<16xi32>
          %select_n3A_3038 = arith.select %le3A_3033, %broadcast_in_dim3A_3036, %broadcast_in_dim3A_3037 : vector<16xi1>, vector<16xi32>
          %add3A_3039 = arith.addi %add3A_3025, %select_n3A_3038 : vector<16xi32>
          %add3A_3040 = arith.constant 0 : i32
          %add3A_3041 = vector.broadcast %add3A_3040 : i32 to vector<16xi32>
          %add3A_3042 = arith.addi %add3A_3039, %add3A_3041 : vector<16xi32>
          %min3A_3043 = arith.minsi %add3A_3042, %broadcast_in_dim3A_58 : vector<16xi32>
          %broadcast_in_dim3A_3044 = vector.shape_cast %min3A_3043 : vector<16xi32> to vector<16x1xi32>
          %gather3A_3045 = vector.shape_cast %broadcast_in_dim3A_3044 : vector<16x1xi32> to vector<16xi32>
          %gather3A_3046 = tpu.dynamic_gather %add3A_2995[%gather3A_3045] in [0] : vector<16xi32>, vector<16xi32> -> vector<16xi32>
          %le3A_3047 = arith.cmpi sle, %gather3A_3046, %iota3A : vector<16xi32>
          %jit3A_3048 = arith.constant 1 : i32
          %jit3A_3049 = arith.constant 0 : i32
          %broadcast_in_dim3A_3050 = vector.broadcast %jit3A_3048 : i32 to vector<16xi32>
          %broadcast_in_dim3A_3051 = vector.broadcast %jit3A_3049 : i32 to vector<16xi32>
          %select_n3A_3052 = arith.select %le3A_3047, %broadcast_in_dim3A_3050, %broadcast_in_dim3A_3051 : vector<16xi1>, vector<16xi32>
          %add3A_3053 = arith.addi %add3A_3039, %select_n3A_3052 : vector<16xi32>
          %broadcast_in_dim3A_3054 = vector.shape_cast %add3A_3053 : vector<16xi32> to vector<16x1xi32>
          %gather3A_3055 = vector.shape_cast %broadcast_in_dim3A_3054 : vector<16x1xi32> to vector<16xi32>
          %gather3A_3056 = tpu.dynamic_gather %add3A_2543[%gather3A_3055] in [0] : vector<16xi32>, vector<16xi32> -> vector<16xi32>
          %slice3A_3057 = vector.extract_strided_slice %add3A_2995 {offsets = [15], sizes = [1], strides = [1]} : vector<16xi32> to vector<1xi32>
          %squeeze3A_3058 = vector.extract %slice3A_3057[0] : i32 from vector<1xi32>
          %min3A_3059 = arith.constant 32 : i32
          %min3A_3060 = arith.minsi %add3A_2525, %min3A_3059 : i32
          %swap3A_3061 = arith.constant 3 : i32
          %swap3A_3062 = arith.index_cast %swap3A_3061 : i32 to index
          %swap3A_3063 = arith.index_cast %min3A_3060 : i32 to index
          %swap3A_3064 = tpu.vector_load %arg9[%swap3A_3062, %swap3A_3063] {strides = array<i32>} : memref<4x64xi32, #tpu.memory_space<vmem>>, vector<1x16xi32>,
          %swap3A_3065 = vector.shape_cast %swap3A_3064 : vector<1x16xi32> to vector<16xi32>
          %swap3A_3066 = vector.shape_cast %gather3A_3056 : vector<16xi32> to vector<1x16xi32>
          tpu.vector_store %arg9[%swap3A_3062, %swap3A_3063], %swap3A_3066 {strides = array<i32>} : memref<4x64xi32, #tpu.memory_space<vmem>>, vector<1x16xi32>,
          %add3A_3067 = arith.addi %add3A_2525, %squeeze3A_3058 : i32
          %mul3A_3068 = arith.constant 8 : i32
          %mul3A_3069 = arith.muli %scan3A_342, %mul3A_3068 : i32
          %add3A_3070 = arith.constant 5 : i32
          %add3A_3071 = arith.addi %mul3A_3069, %add3A_3070 : i32
          %mul3A_3072 = arith.constant 16 : i32
          %mul3A_3073 = arith.muli %add3A_3071, %mul3A_3072 : i32
          %get3A_3074 = arith.index_cast %mul3A_3073 : i32 to index
          %get3A_3075 = tpu.vector_load %arg6[%get3A_3074] {strides = array<i32>} : memref<4112xf32, #tpu.memory_space<vmem>>, vector<16xf32>,
          %get3A_3076 = vector.shape_cast %get3A_3075 : vector<16xf32> to vector<16xf32>
          %get3A_3077 = arith.index_cast %mul3A_3073 : i32 to index
          %get3A_3078 = tpu.vector_load %arg7[%get3A_3077] {strides = array<i32>} : memref<4112xf32, #tpu.memory_space<vmem>>, vector<16xf32>,
          %get3A_3079 = vector.shape_cast %get3A_3078 : vector<16xf32> to vector<16xf32>
          %get3A_3080 = arith.index_cast %mul3A_3073 : i32 to index
          %get3A_3081 = tpu.vector_load %arg8[%get3A_3080] {strides = array<i32>} : memref<4112xf32, #tpu.memory_space<vmem>>, vector<16xf32>,
          %get3A_3082 = vector.shape_cast %get3A_3081 : vector<16xf32> to vector<16xf32>
          %add3A_3083 = arith.addi %mul3A_34, %mul3A_3073 : i32
          %add3A_3084 = vector.broadcast %add3A_3083 : i32 to vector<16xi32>
          %add3A_3085 = arith.addi %add3A_3084, %iota3A : vector<16xi32>
          %sub3A_3086 = vector.broadcast %squeeze3A : f32 to vector<16xf32>
          %sub3A_3087 = arith.subf %get3A_3076, %sub3A_3086 : vector<16xf32>
          %sub3A_3088 = vector.broadcast %squeeze3A_93 : f32 to vector<16xf32>
          %sub3A_3089 = arith.subf %get3A_3079, %sub3A_3088 : vector<16xf32>
          %sub3A_3090 = vector.broadcast %squeeze3A_99 : f32 to vector<16xf32>
          %sub3A_3091 = arith.subf %get3A_3082, %sub3A_3090 : vector<16xf32>
          %mul3A_3092 = arith.mulf %sub3A_3087, %sub3A_3087 : vector<16xf32>
          %mul3A_3093 = arith.mulf %sub3A_3089, %sub3A_3089 : vector<16xf32>
          %add3A_3094 = arith.addf %mul3A_3092, %mul3A_3093 : vector<16xf32>
          %mul3A_3095 = arith.mulf %sub3A_3091, %sub3A_3091 : vector<16xf32>
          %add3A_3096 = arith.addf %add3A_3094, %mul3A_3095 : vector<16xf32>
          %lt3A_3097 = arith.constant 4.000000e-02 : f32
          %lt3A_3098 = vector.broadcast %lt3A_3097 : f32 to vector<16xf32>
          %lt3A_3099 = arith.cmpf olt, %add3A_3096, %lt3A_3098 : vector<16xf32>
          %jit3A_3100 = arith.constant 1 : i32
          %jit3A_3101 = arith.constant 0 : i32
          %broadcast_in_dim3A_3102 = vector.broadcast %jit3A_3100 : i32 to vector<16xi32>
          %broadcast_in_dim3A_3103 = vector.broadcast %jit3A_3101 : i32 to vector<16xi32>
          %select_n3A_3104 = arith.select %lt3A_3099, %broadcast_in_dim3A_3102, %broadcast_in_dim3A_3103 : vector<16xi1>, vector<16xi32>
          %ge3A_3105 = arith.constant 1 : i32
          %ge3A_3106 = vector.broadcast %ge3A_3105 : i32 to vector<16xi32>
          %ge3A_3107 = arith.cmpi sge, %iota3A, %ge3A_3106 : vector<16xi32>
          %broadcast_in_dim3A_3108 = vector.shape_cast %max3A_39 : vector<16xi32> to vector<16x1xi32>
          %gather3A_3109 = vector.shape_cast %broadcast_in_dim3A_3108 : vector<16x1xi32> to vector<16xi32>
          %gather3A_3110 = tpu.dynamic_gather %select_n3A_3104[%gather3A_3109] in [0] : vector<16xi32>, vector<16xi32> -> vector<16xi32>
          %jit3A_3111 = arith.constant 0 : i32
          %broadcast_in_dim3A_3112 = vector.broadcast %jit3A_3111 : i32 to vector<16xi32>
          %select_n3A_3113 = arith.select %ge3A_3107, %gather3A_3110, %broadcast_in_dim3A_3112 : vector<16xi1>, vector<16xi32>
          %add3A_3114 = arith.addi %select_n3A_3104, %select_n3A_3113 : vector<16xi32>
          %ge3A_3115 = arith.constant 2 : i32
          %ge3A_3116 = vector.broadcast %ge3A_3115 : i32 to vector<16xi32>
          %ge3A_3117 = arith.cmpi sge, %iota3A, %ge3A_3116 : vector<16xi32>
          %broadcast_in_dim3A_3118 = vector.shape_cast %max3A_45 : vector<16xi32> to vector<16x1xi32>
          %gather3A_3119 = vector.shape_cast %broadcast_in_dim3A_3118 : vector<16x1xi32> to vector<16xi32>
          %gather3A_3120 = tpu.dynamic_gather %add3A_3114[%gather3A_3119] in [0] : vector<16xi32>, vector<16xi32> -> vector<16xi32>
          %jit3A_3121 = arith.constant 0 : i32
          %broadcast_in_dim3A_3122 = vector.broadcast %jit3A_3121 : i32 to vector<16xi32>
          %select_n3A_3123 = arith.select %ge3A_3117, %gather3A_3120, %broadcast_in_dim3A_3122 : vector<16xi1>, vector<16xi32>
          %add3A_3124 = arith.addi %add3A_3114, %select_n3A_3123 : vector<16xi32>
          %ge3A_3125 = arith.constant 4 : i32
          %ge3A_3126 = vector.broadcast %ge3A_3125 : i32 to vector<16xi32>
          %ge3A_3127 = arith.cmpi sge, %iota3A, %ge3A_3126 : vector<16xi32>
          %broadcast_in_dim3A_3128 = vector.shape_cast %max3A_51 : vector<16xi32> to vector<16x1xi32>
          %gather3A_3129 = vector.shape_cast %broadcast_in_dim3A_3128 : vector<16x1xi32> to vector<16xi32>
          %gather3A_3130 = tpu.dynamic_gather %add3A_3124[%gather3A_3129] in [0] : vector<16xi32>, vector<16xi32> -> vector<16xi32>
          %jit3A_3131 = arith.constant 0 : i32
          %broadcast_in_dim3A_3132 = vector.broadcast %jit3A_3131 : i32 to vector<16xi32>
          %select_n3A_3133 = arith.select %ge3A_3127, %gather3A_3130, %broadcast_in_dim3A_3132 : vector<16xi1>, vector<16xi32>
          %add3A_3134 = arith.addi %add3A_3124, %select_n3A_3133 : vector<16xi32>
          %ge3A_3135 = arith.constant 8 : i32
          %ge3A_3136 = vector.broadcast %ge3A_3135 : i32 to vector<16xi32>
          %ge3A_3137 = arith.cmpi sge, %iota3A, %ge3A_3136 : vector<16xi32>
          %broadcast_in_dim3A_3138 = vector.shape_cast %max3A_57 : vector<16xi32> to vector<16x1xi32>
          %gather3A_3139 = vector.shape_cast %broadcast_in_dim3A_3138 : vector<16x1xi32> to vector<16xi32>
          %gather3A_3140 = tpu.dynamic_gather %add3A_3134[%gather3A_3139] in [0] : vector<16xi32>, vector<16xi32> -> vector<16xi32>
          %jit3A_3141 = arith.constant 0 : i32
          %broadcast_in_dim3A_3142 = vector.broadcast %jit3A_3141 : i32 to vector<16xi32>
          %select_n3A_3143 = arith.select %ge3A_3137, %gather3A_3140, %broadcast_in_dim3A_3142 : vector<16xi1>, vector<16xi32>
          %add3A_3144 = arith.addi %add3A_3134, %select_n3A_3143 : vector<16xi32>
          %broadcast_in_dim3A_3145 = arith.constant 0 : i32
          %broadcast_in_dim3A_3146 = vector.broadcast %broadcast_in_dim3A_3145 : i32 to vector<16xi32>
          %add3A_3147 = arith.constant 7 : i32
          %add3A_3148 = vector.broadcast %add3A_3147 : i32 to vector<16xi32>
          %add3A_3149 = arith.addi %broadcast_in_dim3A_3146, %add3A_3148 : vector<16xi32>
          %min3A_3150 = arith.minsi %add3A_3149, %broadcast_in_dim3A_58 : vector<16xi32>
          %broadcast_in_dim3A_3151 = vector.shape_cast %min3A_3150 : vector<16xi32> to vector<16x1xi32>
          %gather3A_3152 = vector.shape_cast %broadcast_in_dim3A_3151 : vector<16x1xi32> to vector<16xi32>
          %gather3A_3153 = tpu.dynamic_gather %add3A_3144[%gather3A_3152] in [0] : vector<16xi32>, vector<16xi32> -> vector<16xi32>
          %le3A_3154 = arith.cmpi sle, %gather3A_3153, %iota3A : vector<16xi32>
          %jit3A_3155 = arith.constant 8 : i32
          %jit3A_3156 = arith.constant 0 : i32
          %broadcast_in_dim3A_3157 = vector.broadcast %jit3A_3155 : i32 to vector<16xi32>
          %broadcast_in_dim3A_3158 = vector.broadcast %jit3A_3156 : i32 to vector<16xi32>
          %select_n3A_3159 = arith.select %le3A_3154, %broadcast_in_dim3A_3157, %broadcast_in_dim3A_3158 : vector<16xi1>, vector<16xi32>
          %add3A_3160 = arith.addi %broadcast_in_dim3A_3146, %select_n3A_3159 : vector<16xi32>
          %add3A_3161 = arith.constant 3 : i32
          %add3A_3162 = vector.broadcast %add3A_3161 : i32 to vector<16xi32>
          %add3A_3163 = arith.addi %add3A_3160, %add3A_3162 : vector<16xi32>
          %min3A_3164 = arith.minsi %add3A_3163, %broadcast_in_dim3A_58 : vector<16xi32>
          %broadcast_in_dim3A_3165 = vector.shape_cast %min3A_3164 : vector<16xi32> to vector<16x1xi32>
          %gather3A_3166 = vector.shape_cast %broadcast_in_dim3A_3165 : vector<16x1xi32> to vector<16xi32>
          %gather3A_3167 = tpu.dynamic_gather %add3A_3144[%gather3A_3166] in [0] : vector<16xi32>, vector<16xi32> -> vector<16xi32>
          %le3A_3168 = arith.cmpi sle, %gather3A_3167, %iota3A : vector<16xi32>
          %jit3A_3169 = arith.constant 4 : i32
          %jit3A_3170 = arith.constant 0 : i32
          %broadcast_in_dim3A_3171 = vector.broadcast %jit3A_3169 : i32 to vector<16xi32>
          %broadcast_in_dim3A_3172 = vector.broadcast %jit3A_3170 : i32 to vector<16xi32>
          %select_n3A_3173 = arith.select %le3A_3168, %broadcast_in_dim3A_3171, %broadcast_in_dim3A_3172 : vector<16xi1>, vector<16xi32>
          %add3A_3174 = arith.addi %add3A_3160, %select_n3A_3173 : vector<16xi32>
          %add3A_3175 = arith.constant 1 : i32
          %add3A_3176 = vector.broadcast %add3A_3175 : i32 to vector<16xi32>
          %add3A_3177 = arith.addi %add3A_3174, %add3A_3176 : vector<16xi32>
          %min3A_3178 = arith.minsi %add3A_3177, %broadcast_in_dim3A_58 : vector<16xi32>
          %broadcast_in_dim3A_3179 = vector.shape_cast %min3A_3178 : vector<16xi32> to vector<16x1xi32>
          %gather3A_3180 = vector.shape_cast %broadcast_in_dim3A_3179 : vector<16x1xi32> to vector<16xi32>
          %gather3A_3181 = tpu.dynamic_gather %add3A_3144[%gather3A_3180] in [0] : vector<16xi32>, vector<16xi32> -> vector<16xi32>
          %le3A_3182 = arith.cmpi sle, %gather3A_3181, %iota3A : vector<16xi32>
          %jit3A_3183 = arith.constant 2 : i32
          %jit3A_3184 = arith.constant 0 : i32
          %broadcast_in_dim3A_3185 = vector.broadcast %jit3A_3183 : i32 to vector<16xi32>
          %broadcast_in_dim3A_3186 = vector.broadcast %jit3A_3184 : i32 to vector<16xi32>
          %select_n3A_3187 = arith.select %le3A_3182, %broadcast_in_dim3A_3185, %broadcast_in_dim3A_3186 : vector<16xi1>, vector<16xi32>
          %add3A_3188 = arith.addi %add3A_3174, %select_n3A_3187 : vector<16xi32>
          %add3A_3189 = arith.constant 0 : i32
          %add3A_3190 = vector.broadcast %add3A_3189 : i32 to vector<16xi32>
          %add3A_3191 = arith.addi %add3A_3188, %add3A_3190 : vector<16xi32>
          %min3A_3192 = arith.minsi %add3A_3191, %broadcast_in_dim3A_58 : vector<16xi32>
          %broadcast_in_dim3A_3193 = vector.shape_cast %min3A_3192 : vector<16xi32> to vector<16x1xi32>
          %gather3A_3194 = vector.shape_cast %broadcast_in_dim3A_3193 : vector<16x1xi32> to vector<16xi32>
          %gather3A_3195 = tpu.dynamic_gather %add3A_3144[%gather3A_3194] in [0] : vector<16xi32>, vector<16xi32> -> vector<16xi32>
          %le3A_3196 = arith.cmpi sle, %gather3A_3195, %iota3A : vector<16xi32>
          %jit3A_3197 = arith.constant 1 : i32
          %jit3A_3198 = arith.constant 0 : i32
          %broadcast_in_dim3A_3199 = vector.broadcast %jit3A_3197 : i32 to vector<16xi32>
          %broadcast_in_dim3A_3200 = vector.broadcast %jit3A_3198 : i32 to vector<16xi32>
          %select_n3A_3201 = arith.select %le3A_3196, %broadcast_in_dim3A_3199, %broadcast_in_dim3A_3200 : vector<16xi1>, vector<16xi32>
          %add3A_3202 = arith.addi %add3A_3188, %select_n3A_3201 : vector<16xi32>
          %broadcast_in_dim3A_3203 = vector.shape_cast %add3A_3202 : vector<16xi32> to vector<16x1xi32>
          %gather3A_3204 = vector.shape_cast %broadcast_in_dim3A_3203 : vector<16x1xi32> to vector<16xi32>
          %gather3A_3205 = tpu.dynamic_gather %add3A_3085[%gather3A_3204] in [0] : vector<16xi32>, vector<16xi32> -> vector<16xi32>
          %slice3A_3206 = vector.extract_strided_slice %add3A_3144 {offsets = [15], sizes = [1], strides = [1]} : vector<16xi32> to vector<1xi32>
          %squeeze3A_3207 = vector.extract %slice3A_3206[0] : i32 from vector<1xi32>
          %min3A_3208 = arith.constant 32 : i32
          %min3A_3209 = arith.minsi %add3A_2674, %min3A_3208 : i32
          %swap3A_3210 = arith.constant 0 : i32
          %swap3A_3211 = arith.index_cast %swap3A_3210 : i32 to index
          %swap3A_3212 = arith.index_cast %min3A_3209 : i32 to index
          %swap3A_3213 = tpu.vector_load %arg9[%swap3A_3211, %swap3A_3212] {strides = array<i32>} : memref<4x64xi32, #tpu.memory_space<vmem>>, vector<1x16xi32>,
          %swap3A_3214 = vector.shape_cast %swap3A_3213 : vector<1x16xi32> to vector<16xi32>
          %swap3A_3215 = vector.shape_cast %gather3A_3205 : vector<16xi32> to vector<1x16xi32>
          tpu.vector_store %arg9[%swap3A_3211, %swap3A_3212], %swap3A_3215 {strides = array<i32>} : memref<4x64xi32, #tpu.memory_space<vmem>>, vector<1x16xi32>,
          %add3A_3216 = arith.addi %add3A_2674, %squeeze3A_3207 : i32
          %sub3A_3217 = vector.broadcast %squeeze3A_105 : f32 to vector<16xf32>
          %sub3A_3218 = arith.subf %get3A_3076, %sub3A_3217 : vector<16xf32>
          %sub3A_3219 = vector.broadcast %squeeze3A_111 : f32 to vector<16xf32>
          %sub3A_3220 = arith.subf %get3A_3079, %sub3A_3219 : vector<16xf32>
          %sub3A_3221 = vector.broadcast %squeeze3A_117 : f32 to vector<16xf32>
          %sub3A_3222 = arith.subf %get3A_3082, %sub3A_3221 : vector<16xf32>
          %mul3A_3223 = arith.mulf %sub3A_3218, %sub3A_3218 : vector<16xf32>
          %mul3A_3224 = arith.mulf %sub3A_3220, %sub3A_3220 : vector<16xf32>
          %add3A_3225 = arith.addf %mul3A_3223, %mul3A_3224 : vector<16xf32>
          %mul3A_3226 = arith.mulf %sub3A_3222, %sub3A_3222 : vector<16xf32>
          %add3A_3227 = arith.addf %add3A_3225, %mul3A_3226 : vector<16xf32>
          %lt3A_3228 = arith.constant 4.000000e-02 : f32
          %lt3A_3229 = vector.broadcast %lt3A_3228 : f32 to vector<16xf32>
          %lt3A_3230 = arith.cmpf olt, %add3A_3227, %lt3A_3229 : vector<16xf32>
          %jit3A_3231 = arith.constant 1 : i32
          %jit3A_3232 = arith.constant 0 : i32
          %broadcast_in_dim3A_3233 = vector.broadcast %jit3A_3231 : i32 to vector<16xi32>
          %broadcast_in_dim3A_3234 = vector.broadcast %jit3A_3232 : i32 to vector<16xi32>
          %select_n3A_3235 = arith.select %lt3A_3230, %broadcast_in_dim3A_3233, %broadcast_in_dim3A_3234 : vector<16xi1>, vector<16xi32>
          %ge3A_3236 = arith.constant 1 : i32
          %ge3A_3237 = vector.broadcast %ge3A_3236 : i32 to vector<16xi32>
          %ge3A_3238 = arith.cmpi sge, %iota3A, %ge3A_3237 : vector<16xi32>
          %broadcast_in_dim3A_3239 = vector.shape_cast %max3A_39 : vector<16xi32> to vector<16x1xi32>
          %gather3A_3240 = vector.shape_cast %broadcast_in_dim3A_3239 : vector<16x1xi32> to vector<16xi32>
          %gather3A_3241 = tpu.dynamic_gather %select_n3A_3235[%gather3A_3240] in [0] : vector<16xi32>, vector<16xi32> -> vector<16xi32>
          %jit3A_3242 = arith.constant 0 : i32
          %broadcast_in_dim3A_3243 = vector.broadcast %jit3A_3242 : i32 to vector<16xi32>
          %select_n3A_3244 = arith.select %ge3A_3238, %gather3A_3241, %broadcast_in_dim3A_3243 : vector<16xi1>, vector<16xi32>
          %add3A_3245 = arith.addi %select_n3A_3235, %select_n3A_3244 : vector<16xi32>
          %ge3A_3246 = arith.constant 2 : i32
          %ge3A_3247 = vector.broadcast %ge3A_3246 : i32 to vector<16xi32>
          %ge3A_3248 = arith.cmpi sge, %iota3A, %ge3A_3247 : vector<16xi32>
          %broadcast_in_dim3A_3249 = vector.shape_cast %max3A_45 : vector<16xi32> to vector<16x1xi32>
          %gather3A_3250 = vector.shape_cast %broadcast_in_dim3A_3249 : vector<16x1xi32> to vector<16xi32>
          %gather3A_3251 = tpu.dynamic_gather %add3A_3245[%gather3A_3250] in [0] : vector<16xi32>, vector<16xi32> -> vector<16xi32>
          %jit3A_3252 = arith.constant 0 : i32
          %broadcast_in_dim3A_3253 = vector.broadcast %jit3A_3252 : i32 to vector<16xi32>
          %select_n3A_3254 = arith.select %ge3A_3248, %gather3A_3251, %broadcast_in_dim3A_3253 : vector<16xi1>, vector<16xi32>
          %add3A_3255 = arith.addi %add3A_3245, %select_n3A_3254 : vector<16xi32>
          %ge3A_3256 = arith.constant 4 : i32
          %ge3A_3257 = vector.broadcast %ge3A_3256 : i32 to vector<16xi32>
          %ge3A_3258 = arith.cmpi sge, %iota3A, %ge3A_3257 : vector<16xi32>
          %broadcast_in_dim3A_3259 = vector.shape_cast %max3A_51 : vector<16xi32> to vector<16x1xi32>
          %gather3A_3260 = vector.shape_cast %broadcast_in_dim3A_3259 : vector<16x1xi32> to vector<16xi32>
          %gather3A_3261 = tpu.dynamic_gather %add3A_3255[%gather3A_3260] in [0] : vector<16xi32>, vector<16xi32> -> vector<16xi32>
          %jit3A_3262 = arith.constant 0 : i32
          %broadcast_in_dim3A_3263 = vector.broadcast %jit3A_3262 : i32 to vector<16xi32>
          %select_n3A_3264 = arith.select %ge3A_3258, %gather3A_3261, %broadcast_in_dim3A_3263 : vector<16xi1>, vector<16xi32>
          %add3A_3265 = arith.addi %add3A_3255, %select_n3A_3264 : vector<16xi32>
          %ge3A_3266 = arith.constant 8 : i32
          %ge3A_3267 = vector.broadcast %ge3A_3266 : i32 to vector<16xi32>
          %ge3A_3268 = arith.cmpi sge, %iota3A, %ge3A_3267 : vector<16xi32>
          %broadcast_in_dim3A_3269 = vector.shape_cast %max3A_57 : vector<16xi32> to vector<16x1xi32>
          %gather3A_3270 = vector.shape_cast %broadcast_in_dim3A_3269 : vector<16x1xi32> to vector<16xi32>
          %gather3A_3271 = tpu.dynamic_gather %add3A_3265[%gather3A_3270] in [0] : vector<16xi32>, vector<16xi32> -> vector<16xi32>
          %jit3A_3272 = arith.constant 0 : i32
          %broadcast_in_dim3A_3273 = vector.broadcast %jit3A_3272 : i32 to vector<16xi32>
          %select_n3A_3274 = arith.select %ge3A_3268, %gather3A_3271, %broadcast_in_dim3A_3273 : vector<16xi1>, vector<16xi32>
          %add3A_3275 = arith.addi %add3A_3265, %select_n3A_3274 : vector<16xi32>
          %broadcast_in_dim3A_3276 = arith.constant 0 : i32
          %broadcast_in_dim3A_3277 = vector.broadcast %broadcast_in_dim3A_3276 : i32 to vector<16xi32>
          %add3A_3278 = arith.constant 7 : i32
          %add3A_3279 = vector.broadcast %add3A_3278 : i32 to vector<16xi32>
          %add3A_3280 = arith.addi %broadcast_in_dim3A_3277, %add3A_3279 : vector<16xi32>
          %min3A_3281 = arith.minsi %add3A_3280, %broadcast_in_dim3A_58 : vector<16xi32>
          %broadcast_in_dim3A_3282 = vector.shape_cast %min3A_3281 : vector<16xi32> to vector<16x1xi32>
          %gather3A_3283 = vector.shape_cast %broadcast_in_dim3A_3282 : vector<16x1xi32> to vector<16xi32>
          %gather3A_3284 = tpu.dynamic_gather %add3A_3275[%gather3A_3283] in [0] : vector<16xi32>, vector<16xi32> -> vector<16xi32>
          %le3A_3285 = arith.cmpi sle, %gather3A_3284, %iota3A : vector<16xi32>
          %jit3A_3286 = arith.constant 8 : i32
          %jit3A_3287 = arith.constant 0 : i32
          %broadcast_in_dim3A_3288 = vector.broadcast %jit3A_3286 : i32 to vector<16xi32>
          %broadcast_in_dim3A_3289 = vector.broadcast %jit3A_3287 : i32 to vector<16xi32>
          %select_n3A_3290 = arith.select %le3A_3285, %broadcast_in_dim3A_3288, %broadcast_in_dim3A_3289 : vector<16xi1>, vector<16xi32>
          %add3A_3291 = arith.addi %broadcast_in_dim3A_3277, %select_n3A_3290 : vector<16xi32>
          %add3A_3292 = arith.constant 3 : i32
          %add3A_3293 = vector.broadcast %add3A_3292 : i32 to vector<16xi32>
          %add3A_3294 = arith.addi %add3A_3291, %add3A_3293 : vector<16xi32>
          %min3A_3295 = arith.minsi %add3A_3294, %broadcast_in_dim3A_58 : vector<16xi32>
          %broadcast_in_dim3A_3296 = vector.shape_cast %min3A_3295 : vector<16xi32> to vector<16x1xi32>
          %gather3A_3297 = vector.shape_cast %broadcast_in_dim3A_3296 : vector<16x1xi32> to vector<16xi32>
          %gather3A_3298 = tpu.dynamic_gather %add3A_3275[%gather3A_3297] in [0] : vector<16xi32>, vector<16xi32> -> vector<16xi32>
          %le3A_3299 = arith.cmpi sle, %gather3A_3298, %iota3A : vector<16xi32>
          %jit3A_3300 = arith.constant 4 : i32
          %jit3A_3301 = arith.constant 0 : i32
          %broadcast_in_dim3A_3302 = vector.broadcast %jit3A_3300 : i32 to vector<16xi32>
          %broadcast_in_dim3A_3303 = vector.broadcast %jit3A_3301 : i32 to vector<16xi32>
          %select_n3A_3304 = arith.select %le3A_3299, %broadcast_in_dim3A_3302, %broadcast_in_dim3A_3303 : vector<16xi1>, vector<16xi32>
          %add3A_3305 = arith.addi %add3A_3291, %select_n3A_3304 : vector<16xi32>
          %add3A_3306 = arith.constant 1 : i32
          %add3A_3307 = vector.broadcast %add3A_3306 : i32 to vector<16xi32>
          %add3A_3308 = arith.addi %add3A_3305, %add3A_3307 : vector<16xi32>
          %min3A_3309 = arith.minsi %add3A_3308, %broadcast_in_dim3A_58 : vector<16xi32>
          %broadcast_in_dim3A_3310 = vector.shape_cast %min3A_3309 : vector<16xi32> to vector<16x1xi32>
          %gather3A_3311 = vector.shape_cast %broadcast_in_dim3A_3310 : vector<16x1xi32> to vector<16xi32>
          %gather3A_3312 = tpu.dynamic_gather %add3A_3275[%gather3A_3311] in [0] : vector<16xi32>, vector<16xi32> -> vector<16xi32>
          %le3A_3313 = arith.cmpi sle, %gather3A_3312, %iota3A : vector<16xi32>
          %jit3A_3314 = arith.constant 2 : i32
          %jit3A_3315 = arith.constant 0 : i32
          %broadcast_in_dim3A_3316 = vector.broadcast %jit3A_3314 : i32 to vector<16xi32>
          %broadcast_in_dim3A_3317 = vector.broadcast %jit3A_3315 : i32 to vector<16xi32>
          %select_n3A_3318 = arith.select %le3A_3313, %broadcast_in_dim3A_3316, %broadcast_in_dim3A_3317 : vector<16xi1>, vector<16xi32>
          %add3A_3319 = arith.addi %add3A_3305, %select_n3A_3318 : vector<16xi32>
          %add3A_3320 = arith.constant 0 : i32
          %add3A_3321 = vector.broadcast %add3A_3320 : i32 to vector<16xi32>
          %add3A_3322 = arith.addi %add3A_3319, %add3A_3321 : vector<16xi32>
          %min3A_3323 = arith.minsi %add3A_3322, %broadcast_in_dim3A_58 : vector<16xi32>
          %broadcast_in_dim3A_3324 = vector.shape_cast %min3A_3323 : vector<16xi32> to vector<16x1xi32>
          %gather3A_3325 = vector.shape_cast %broadcast_in_dim3A_3324 : vector<16x1xi32> to vector<16xi32>
          %gather3A_3326 = tpu.dynamic_gather %add3A_3275[%gather3A_3325] in [0] : vector<16xi32>, vector<16xi32> -> vector<16xi32>
          %le3A_3327 = arith.cmpi sle, %gather3A_3326, %iota3A : vector<16xi32>
          %jit3A_3328 = arith.constant 1 : i32
          %jit3A_3329 = arith.constant 0 : i32
          %broadcast_in_dim3A_3330 = vector.broadcast %jit3A_3328 : i32 to vector<16xi32>
          %broadcast_in_dim3A_3331 = vector.broadcast %jit3A_3329 : i32 to vector<16xi32>
          %select_n3A_3332 = arith.select %le3A_3327, %broadcast_in_dim3A_3330, %broadcast_in_dim3A_3331 : vector<16xi1>, vector<16xi32>
          %add3A_3333 = arith.addi %add3A_3319, %select_n3A_3332 : vector<16xi32>
          %broadcast_in_dim3A_3334 = vector.shape_cast %add3A_3333 : vector<16xi32> to vector<16x1xi32>
          %gather3A_3335 = vector.shape_cast %broadcast_in_dim3A_3334 : vector<16x1xi32> to vector<16xi32>
          %gather3A_3336 = tpu.dynamic_gather %add3A_3085[%gather3A_3335] in [0] : vector<16xi32>, vector<16xi32> -> vector<16xi32>
          %slice3A_3337 = vector.extract_strided_slice %add3A_3275 {offsets = [15], sizes = [1], strides = [1]} : vector<16xi32> to vector<1xi32>
          %squeeze3A_3338 = vector.extract %slice3A_3337[0] : i32 from vector<1xi32>
          %min3A_3339 = arith.constant 32 : i32
          %min3A_3340 = arith.minsi %add3A_2805, %min3A_3339 : i32
          %swap3A_3341 = arith.constant 1 : i32
          %swap3A_3342 = arith.index_cast %swap3A_3341 : i32 to index
          %swap3A_3343 = arith.index_cast %min3A_3340 : i32 to index
          %swap3A_3344 = tpu.vector_load %arg9[%swap3A_3342, %swap3A_3343] {strides = array<i32>} : memref<4x64xi32, #tpu.memory_space<vmem>>, vector<1x16xi32>,
          %swap3A_3345 = vector.shape_cast %swap3A_3344 : vector<1x16xi32> to vector<16xi32>
          %swap3A_3346 = vector.shape_cast %gather3A_3336 : vector<16xi32> to vector<1x16xi32>
          tpu.vector_store %arg9[%swap3A_3342, %swap3A_3343], %swap3A_3346 {strides = array<i32>} : memref<4x64xi32, #tpu.memory_space<vmem>>, vector<1x16xi32>,
          %add3A_3347 = arith.addi %add3A_2805, %squeeze3A_3338 : i32
          %sub3A_3348 = vector.broadcast %squeeze3A_123 : f32 to vector<16xf32>
          %sub3A_3349 = arith.subf %get3A_3076, %sub3A_3348 : vector<16xf32>
          %sub3A_3350 = vector.broadcast %squeeze3A_129 : f32 to vector<16xf32>
          %sub3A_3351 = arith.subf %get3A_3079, %sub3A_3350 : vector<16xf32>
          %sub3A_3352 = vector.broadcast %squeeze3A_135 : f32 to vector<16xf32>
          %sub3A_3353 = arith.subf %get3A_3082, %sub3A_3352 : vector<16xf32>
          %mul3A_3354 = arith.mulf %sub3A_3349, %sub3A_3349 : vector<16xf32>
          %mul3A_3355 = arith.mulf %sub3A_3351, %sub3A_3351 : vector<16xf32>
          %add3A_3356 = arith.addf %mul3A_3354, %mul3A_3355 : vector<16xf32>
          %mul3A_3357 = arith.mulf %sub3A_3353, %sub3A_3353 : vector<16xf32>
          %add3A_3358 = arith.addf %add3A_3356, %mul3A_3357 : vector<16xf32>
          %lt3A_3359 = arith.constant 4.000000e-02 : f32
          %lt3A_3360 = vector.broadcast %lt3A_3359 : f32 to vector<16xf32>
          %lt3A_3361 = arith.cmpf olt, %add3A_3358, %lt3A_3360 : vector<16xf32>
          %jit3A_3362 = arith.constant 1 : i32
          %jit3A_3363 = arith.constant 0 : i32
          %broadcast_in_dim3A_3364 = vector.broadcast %jit3A_3362 : i32 to vector<16xi32>
          %broadcast_in_dim3A_3365 = vector.broadcast %jit3A_3363 : i32 to vector<16xi32>
          %select_n3A_3366 = arith.select %lt3A_3361, %broadcast_in_dim3A_3364, %broadcast_in_dim3A_3365 : vector<16xi1>, vector<16xi32>
          %ge3A_3367 = arith.constant 1 : i32
          %ge3A_3368 = vector.broadcast %ge3A_3367 : i32 to vector<16xi32>
          %ge3A_3369 = arith.cmpi sge, %iota3A, %ge3A_3368 : vector<16xi32>
          %broadcast_in_dim3A_3370 = vector.shape_cast %max3A_39 : vector<16xi32> to vector<16x1xi32>
          %gather3A_3371 = vector.shape_cast %broadcast_in_dim3A_3370 : vector<16x1xi32> to vector<16xi32>
          %gather3A_3372 = tpu.dynamic_gather %select_n3A_3366[%gather3A_3371] in [0] : vector<16xi32>, vector<16xi32> -> vector<16xi32>
          %jit3A_3373 = arith.constant 0 : i32
          %broadcast_in_dim3A_3374 = vector.broadcast %jit3A_3373 : i32 to vector<16xi32>
          %select_n3A_3375 = arith.select %ge3A_3369, %gather3A_3372, %broadcast_in_dim3A_3374 : vector<16xi1>, vector<16xi32>
          %add3A_3376 = arith.addi %select_n3A_3366, %select_n3A_3375 : vector<16xi32>
          %ge3A_3377 = arith.constant 2 : i32
          %ge3A_3378 = vector.broadcast %ge3A_3377 : i32 to vector<16xi32>
          %ge3A_3379 = arith.cmpi sge, %iota3A, %ge3A_3378 : vector<16xi32>
          %broadcast_in_dim3A_3380 = vector.shape_cast %max3A_45 : vector<16xi32> to vector<16x1xi32>
          %gather3A_3381 = vector.shape_cast %broadcast_in_dim3A_3380 : vector<16x1xi32> to vector<16xi32>
          %gather3A_3382 = tpu.dynamic_gather %add3A_3376[%gather3A_3381] in [0] : vector<16xi32>, vector<16xi32> -> vector<16xi32>
          %jit3A_3383 = arith.constant 0 : i32
          %broadcast_in_dim3A_3384 = vector.broadcast %jit3A_3383 : i32 to vector<16xi32>
          %select_n3A_3385 = arith.select %ge3A_3379, %gather3A_3382, %broadcast_in_dim3A_3384 : vector<16xi1>, vector<16xi32>
          %add3A_3386 = arith.addi %add3A_3376, %select_n3A_3385 : vector<16xi32>
          %ge3A_3387 = arith.constant 4 : i32
          %ge3A_3388 = vector.broadcast %ge3A_3387 : i32 to vector<16xi32>
          %ge3A_3389 = arith.cmpi sge, %iota3A, %ge3A_3388 : vector<16xi32>
          %broadcast_in_dim3A_3390 = vector.shape_cast %max3A_51 : vector<16xi32> to vector<16x1xi32>
          %gather3A_3391 = vector.shape_cast %broadcast_in_dim3A_3390 : vector<16x1xi32> to vector<16xi32>
          %gather3A_3392 = tpu.dynamic_gather %add3A_3386[%gather3A_3391] in [0] : vector<16xi32>, vector<16xi32> -> vector<16xi32>
          %jit3A_3393 = arith.constant 0 : i32
          %broadcast_in_dim3A_3394 = vector.broadcast %jit3A_3393 : i32 to vector<16xi32>
          %select_n3A_3395 = arith.select %ge3A_3389, %gather3A_3392, %broadcast_in_dim3A_3394 : vector<16xi1>, vector<16xi32>
          %add3A_3396 = arith.addi %add3A_3386, %select_n3A_3395 : vector<16xi32>
          %ge3A_3397 = arith.constant 8 : i32
          %ge3A_3398 = vector.broadcast %ge3A_3397 : i32 to vector<16xi32>
          %ge3A_3399 = arith.cmpi sge, %iota3A, %ge3A_3398 : vector<16xi32>
          %broadcast_in_dim3A_3400 = vector.shape_cast %max3A_57 : vector<16xi32> to vector<16x1xi32>
          %gather3A_3401 = vector.shape_cast %broadcast_in_dim3A_3400 : vector<16x1xi32> to vector<16xi32>
          %gather3A_3402 = tpu.dynamic_gather %add3A_3396[%gather3A_3401] in [0] : vector<16xi32>, vector<16xi32> -> vector<16xi32>
          %jit3A_3403 = arith.constant 0 : i32
          %broadcast_in_dim3A_3404 = vector.broadcast %jit3A_3403 : i32 to vector<16xi32>
          %select_n3A_3405 = arith.select %ge3A_3399, %gather3A_3402, %broadcast_in_dim3A_3404 : vector<16xi1>, vector<16xi32>
          %add3A_3406 = arith.addi %add3A_3396, %select_n3A_3405 : vector<16xi32>
          %broadcast_in_dim3A_3407 = arith.constant 0 : i32
          %broadcast_in_dim3A_3408 = vector.broadcast %broadcast_in_dim3A_3407 : i32 to vector<16xi32>
          %add3A_3409 = arith.constant 7 : i32
          %add3A_3410 = vector.broadcast %add3A_3409 : i32 to vector<16xi32>
          %add3A_3411 = arith.addi %broadcast_in_dim3A_3408, %add3A_3410 : vector<16xi32>
          %min3A_3412 = arith.minsi %add3A_3411, %broadcast_in_dim3A_58 : vector<16xi32>
          %broadcast_in_dim3A_3413 = vector.shape_cast %min3A_3412 : vector<16xi32> to vector<16x1xi32>
          %gather3A_3414 = vector.shape_cast %broadcast_in_dim3A_3413 : vector<16x1xi32> to vector<16xi32>
          %gather3A_3415 = tpu.dynamic_gather %add3A_3406[%gather3A_3414] in [0] : vector<16xi32>, vector<16xi32> -> vector<16xi32>
          %le3A_3416 = arith.cmpi sle, %gather3A_3415, %iota3A : vector<16xi32>
          %jit3A_3417 = arith.constant 8 : i32
          %jit3A_3418 = arith.constant 0 : i32
          %broadcast_in_dim3A_3419 = vector.broadcast %jit3A_3417 : i32 to vector<16xi32>
          %broadcast_in_dim3A_3420 = vector.broadcast %jit3A_3418 : i32 to vector<16xi32>
          %select_n3A_3421 = arith.select %le3A_3416, %broadcast_in_dim3A_3419, %broadcast_in_dim3A_3420 : vector<16xi1>, vector<16xi32>
          %add3A_3422 = arith.addi %broadcast_in_dim3A_3408, %select_n3A_3421 : vector<16xi32>
          %add3A_3423 = arith.constant 3 : i32
          %add3A_3424 = vector.broadcast %add3A_3423 : i32 to vector<16xi32>
          %add3A_3425 = arith.addi %add3A_3422, %add3A_3424 : vector<16xi32>
          %min3A_3426 = arith.minsi %add3A_3425, %broadcast_in_dim3A_58 : vector<16xi32>
          %broadcast_in_dim3A_3427 = vector.shape_cast %min3A_3426 : vector<16xi32> to vector<16x1xi32>
          %gather3A_3428 = vector.shape_cast %broadcast_in_dim3A_3427 : vector<16x1xi32> to vector<16xi32>
          %gather3A_3429 = tpu.dynamic_gather %add3A_3406[%gather3A_3428] in [0] : vector<16xi32>, vector<16xi32> -> vector<16xi32>
          %le3A_3430 = arith.cmpi sle, %gather3A_3429, %iota3A : vector<16xi32>
          %jit3A_3431 = arith.constant 4 : i32
          %jit3A_3432 = arith.constant 0 : i32
          %broadcast_in_dim3A_3433 = vector.broadcast %jit3A_3431 : i32 to vector<16xi32>
          %broadcast_in_dim3A_3434 = vector.broadcast %jit3A_3432 : i32 to vector<16xi32>
          %select_n3A_3435 = arith.select %le3A_3430, %broadcast_in_dim3A_3433, %broadcast_in_dim3A_3434 : vector<16xi1>, vector<16xi32>
          %add3A_3436 = arith.addi %add3A_3422, %select_n3A_3435 : vector<16xi32>
          %add3A_3437 = arith.constant 1 : i32
          %add3A_3438 = vector.broadcast %add3A_3437 : i32 to vector<16xi32>
          %add3A_3439 = arith.addi %add3A_3436, %add3A_3438 : vector<16xi32>
          %min3A_3440 = arith.minsi %add3A_3439, %broadcast_in_dim3A_58 : vector<16xi32>
          %broadcast_in_dim3A_3441 = vector.shape_cast %min3A_3440 : vector<16xi32> to vector<16x1xi32>
          %gather3A_3442 = vector.shape_cast %broadcast_in_dim3A_3441 : vector<16x1xi32> to vector<16xi32>
          %gather3A_3443 = tpu.dynamic_gather %add3A_3406[%gather3A_3442] in [0] : vector<16xi32>, vector<16xi32> -> vector<16xi32>
          %le3A_3444 = arith.cmpi sle, %gather3A_3443, %iota3A : vector<16xi32>
          %jit3A_3445 = arith.constant 2 : i32
          %jit3A_3446 = arith.constant 0 : i32
          %broadcast_in_dim3A_3447 = vector.broadcast %jit3A_3445 : i32 to vector<16xi32>
          %broadcast_in_dim3A_3448 = vector.broadcast %jit3A_3446 : i32 to vector<16xi32>
          %select_n3A_3449 = arith.select %le3A_3444, %broadcast_in_dim3A_3447, %broadcast_in_dim3A_3448 : vector<16xi1>, vector<16xi32>
          %add3A_3450 = arith.addi %add3A_3436, %select_n3A_3449 : vector<16xi32>
          %add3A_3451 = arith.constant 0 : i32
          %add3A_3452 = vector.broadcast %add3A_3451 : i32 to vector<16xi32>
          %add3A_3453 = arith.addi %add3A_3450, %add3A_3452 : vector<16xi32>
          %min3A_3454 = arith.minsi %add3A_3453, %broadcast_in_dim3A_58 : vector<16xi32>
          %broadcast_in_dim3A_3455 = vector.shape_cast %min3A_3454 : vector<16xi32> to vector<16x1xi32>
          %gather3A_3456 = vector.shape_cast %broadcast_in_dim3A_3455 : vector<16x1xi32> to vector<16xi32>
          %gather3A_3457 = tpu.dynamic_gather %add3A_3406[%gather3A_3456] in [0] : vector<16xi32>, vector<16xi32> -> vector<16xi32>
          %le3A_3458 = arith.cmpi sle, %gather3A_3457, %iota3A : vector<16xi32>
          %jit3A_3459 = arith.constant 1 : i32
          %jit3A_3460 = arith.constant 0 : i32
          %broadcast_in_dim3A_3461 = vector.broadcast %jit3A_3459 : i32 to vector<16xi32>
          %broadcast_in_dim3A_3462 = vector.broadcast %jit3A_3460 : i32 to vector<16xi32>
          %select_n3A_3463 = arith.select %le3A_3458, %broadcast_in_dim3A_3461, %broadcast_in_dim3A_3462 : vector<16xi1>, vector<16xi32>
          %add3A_3464 = arith.addi %add3A_3450, %select_n3A_3463 : vector<16xi32>
          %broadcast_in_dim3A_3465 = vector.shape_cast %add3A_3464 : vector<16xi32> to vector<16x1xi32>
          %gather3A_3466 = vector.shape_cast %broadcast_in_dim3A_3465 : vector<16x1xi32> to vector<16xi32>
          %gather3A_3467 = tpu.dynamic_gather %add3A_3085[%gather3A_3466] in [0] : vector<16xi32>, vector<16xi32> -> vector<16xi32>
          %slice3A_3468 = vector.extract_strided_slice %add3A_3406 {offsets = [15], sizes = [1], strides = [1]} : vector<16xi32> to vector<1xi32>
          %squeeze3A_3469 = vector.extract %slice3A_3468[0] : i32 from vector<1xi32>
          %min3A_3470 = arith.constant 32 : i32
          %min3A_3471 = arith.minsi %add3A_2936, %min3A_3470 : i32
          %swap3A_3472 = arith.constant 2 : i32
          %swap3A_3473 = arith.index_cast %swap3A_3472 : i32 to index
          %swap3A_3474 = arith.index_cast %min3A_3471 : i32 to index
          %swap3A_3475 = tpu.vector_load %arg9[%swap3A_3473, %swap3A_3474] {strides = array<i32>} : memref<4x64xi32, #tpu.memory_space<vmem>>, vector<1x16xi32>,
          %swap3A_3476 = vector.shape_cast %swap3A_3475 : vector<1x16xi32> to vector<16xi32>
          %swap3A_3477 = vector.shape_cast %gather3A_3467 : vector<16xi32> to vector<1x16xi32>
          tpu.vector_store %arg9[%swap3A_3473, %swap3A_3474], %swap3A_3477 {strides = array<i32>} : memref<4x64xi32, #tpu.memory_space<vmem>>, vector<1x16xi32>,
          %add3A_3478 = arith.addi %add3A_2936, %squeeze3A_3469 : i32
          %sub3A_3479 = vector.broadcast %squeeze3A_141 : f32 to vector<16xf32>
          %sub3A_3480 = arith.subf %get3A_3076, %sub3A_3479 : vector<16xf32>
          %sub3A_3481 = vector.broadcast %squeeze3A_147 : f32 to vector<16xf32>
          %sub3A_3482 = arith.subf %get3A_3079, %sub3A_3481 : vector<16xf32>
          %sub3A_3483 = vector.broadcast %squeeze3A_153 : f32 to vector<16xf32>
          %sub3A_3484 = arith.subf %get3A_3082, %sub3A_3483 : vector<16xf32>
          %mul3A_3485 = arith.mulf %sub3A_3480, %sub3A_3480 : vector<16xf32>
          %mul3A_3486 = arith.mulf %sub3A_3482, %sub3A_3482 : vector<16xf32>
          %add3A_3487 = arith.addf %mul3A_3485, %mul3A_3486 : vector<16xf32>
          %mul3A_3488 = arith.mulf %sub3A_3484, %sub3A_3484 : vector<16xf32>
          %add3A_3489 = arith.addf %add3A_3487, %mul3A_3488 : vector<16xf32>
          %lt3A_3490 = arith.constant 4.000000e-02 : f32
          %lt3A_3491 = vector.broadcast %lt3A_3490 : f32 to vector<16xf32>
          %lt3A_3492 = arith.cmpf olt, %add3A_3489, %lt3A_3491 : vector<16xf32>
          %jit3A_3493 = arith.constant 1 : i32
          %jit3A_3494 = arith.constant 0 : i32
          %broadcast_in_dim3A_3495 = vector.broadcast %jit3A_3493 : i32 to vector<16xi32>
          %broadcast_in_dim3A_3496 = vector.broadcast %jit3A_3494 : i32 to vector<16xi32>
          %select_n3A_3497 = arith.select %lt3A_3492, %broadcast_in_dim3A_3495, %broadcast_in_dim3A_3496 : vector<16xi1>, vector<16xi32>
          %ge3A_3498 = arith.constant 1 : i32
          %ge3A_3499 = vector.broadcast %ge3A_3498 : i32 to vector<16xi32>
          %ge3A_3500 = arith.cmpi sge, %iota3A, %ge3A_3499 : vector<16xi32>
          %broadcast_in_dim3A_3501 = vector.shape_cast %max3A_39 : vector<16xi32> to vector<16x1xi32>
          %gather3A_3502 = vector.shape_cast %broadcast_in_dim3A_3501 : vector<16x1xi32> to vector<16xi32>
          %gather3A_3503 = tpu.dynamic_gather %select_n3A_3497[%gather3A_3502] in [0] : vector<16xi32>, vector<16xi32> -> vector<16xi32>
          %jit3A_3504 = arith.constant 0 : i32
          %broadcast_in_dim3A_3505 = vector.broadcast %jit3A_3504 : i32 to vector<16xi32>
          %select_n3A_3506 = arith.select %ge3A_3500, %gather3A_3503, %broadcast_in_dim3A_3505 : vector<16xi1>, vector<16xi32>
          %add3A_3507 = arith.addi %select_n3A_3497, %select_n3A_3506 : vector<16xi32>
          %ge3A_3508 = arith.constant 2 : i32
          %ge3A_3509 = vector.broadcast %ge3A_3508 : i32 to vector<16xi32>
          %ge3A_3510 = arith.cmpi sge, %iota3A, %ge3A_3509 : vector<16xi32>
          %broadcast_in_dim3A_3511 = vector.shape_cast %max3A_45 : vector<16xi32> to vector<16x1xi32>
          %gather3A_3512 = vector.shape_cast %broadcast_in_dim3A_3511 : vector<16x1xi32> to vector<16xi32>
          %gather3A_3513 = tpu.dynamic_gather %add3A_3507[%gather3A_3512] in [0] : vector<16xi32>, vector<16xi32> -> vector<16xi32>
          %jit3A_3514 = arith.constant 0 : i32
          %broadcast_in_dim3A_3515 = vector.broadcast %jit3A_3514 : i32 to vector<16xi32>
          %select_n3A_3516 = arith.select %ge3A_3510, %gather3A_3513, %broadcast_in_dim3A_3515 : vector<16xi1>, vector<16xi32>
          %add3A_3517 = arith.addi %add3A_3507, %select_n3A_3516 : vector<16xi32>
          %ge3A_3518 = arith.constant 4 : i32
          %ge3A_3519 = vector.broadcast %ge3A_3518 : i32 to vector<16xi32>
          %ge3A_3520 = arith.cmpi sge, %iota3A, %ge3A_3519 : vector<16xi32>
          %broadcast_in_dim3A_3521 = vector.shape_cast %max3A_51 : vector<16xi32> to vector<16x1xi32>
          %gather3A_3522 = vector.shape_cast %broadcast_in_dim3A_3521 : vector<16x1xi32> to vector<16xi32>
          %gather3A_3523 = tpu.dynamic_gather %add3A_3517[%gather3A_3522] in [0] : vector<16xi32>, vector<16xi32> -> vector<16xi32>
          %jit3A_3524 = arith.constant 0 : i32
          %broadcast_in_dim3A_3525 = vector.broadcast %jit3A_3524 : i32 to vector<16xi32>
          %select_n3A_3526 = arith.select %ge3A_3520, %gather3A_3523, %broadcast_in_dim3A_3525 : vector<16xi1>, vector<16xi32>
          %add3A_3527 = arith.addi %add3A_3517, %select_n3A_3526 : vector<16xi32>
          %ge3A_3528 = arith.constant 8 : i32
          %ge3A_3529 = vector.broadcast %ge3A_3528 : i32 to vector<16xi32>
          %ge3A_3530 = arith.cmpi sge, %iota3A, %ge3A_3529 : vector<16xi32>
          %broadcast_in_dim3A_3531 = vector.shape_cast %max3A_57 : vector<16xi32> to vector<16x1xi32>
          %gather3A_3532 = vector.shape_cast %broadcast_in_dim3A_3531 : vector<16x1xi32> to vector<16xi32>
          %gather3A_3533 = tpu.dynamic_gather %add3A_3527[%gather3A_3532] in [0] : vector<16xi32>, vector<16xi32> -> vector<16xi32>
          %jit3A_3534 = arith.constant 0 : i32
          %broadcast_in_dim3A_3535 = vector.broadcast %jit3A_3534 : i32 to vector<16xi32>
          %select_n3A_3536 = arith.select %ge3A_3530, %gather3A_3533, %broadcast_in_dim3A_3535 : vector<16xi1>, vector<16xi32>
          %add3A_3537 = arith.addi %add3A_3527, %select_n3A_3536 : vector<16xi32>
          %broadcast_in_dim3A_3538 = arith.constant 0 : i32
          %broadcast_in_dim3A_3539 = vector.broadcast %broadcast_in_dim3A_3538 : i32 to vector<16xi32>
          %add3A_3540 = arith.constant 7 : i32
          %add3A_3541 = vector.broadcast %add3A_3540 : i32 to vector<16xi32>
          %add3A_3542 = arith.addi %broadcast_in_dim3A_3539, %add3A_3541 : vector<16xi32>
          %min3A_3543 = arith.minsi %add3A_3542, %broadcast_in_dim3A_58 : vector<16xi32>
          %broadcast_in_dim3A_3544 = vector.shape_cast %min3A_3543 : vector<16xi32> to vector<16x1xi32>
          %gather3A_3545 = vector.shape_cast %broadcast_in_dim3A_3544 : vector<16x1xi32> to vector<16xi32>
          %gather3A_3546 = tpu.dynamic_gather %add3A_3537[%gather3A_3545] in [0] : vector<16xi32>, vector<16xi32> -> vector<16xi32>
          %le3A_3547 = arith.cmpi sle, %gather3A_3546, %iota3A : vector<16xi32>
          %jit3A_3548 = arith.constant 8 : i32
          %jit3A_3549 = arith.constant 0 : i32
          %broadcast_in_dim3A_3550 = vector.broadcast %jit3A_3548 : i32 to vector<16xi32>
          %broadcast_in_dim3A_3551 = vector.broadcast %jit3A_3549 : i32 to vector<16xi32>
          %select_n3A_3552 = arith.select %le3A_3547, %broadcast_in_dim3A_3550, %broadcast_in_dim3A_3551 : vector<16xi1>, vector<16xi32>
          %add3A_3553 = arith.addi %broadcast_in_dim3A_3539, %select_n3A_3552 : vector<16xi32>
          %add3A_3554 = arith.constant 3 : i32
          %add3A_3555 = vector.broadcast %add3A_3554 : i32 to vector<16xi32>
          %add3A_3556 = arith.addi %add3A_3553, %add3A_3555 : vector<16xi32>
          %min3A_3557 = arith.minsi %add3A_3556, %broadcast_in_dim3A_58 : vector<16xi32>
          %broadcast_in_dim3A_3558 = vector.shape_cast %min3A_3557 : vector<16xi32> to vector<16x1xi32>
          %gather3A_3559 = vector.shape_cast %broadcast_in_dim3A_3558 : vector<16x1xi32> to vector<16xi32>
          %gather3A_3560 = tpu.dynamic_gather %add3A_3537[%gather3A_3559] in [0] : vector<16xi32>, vector<16xi32> -> vector<16xi32>
          %le3A_3561 = arith.cmpi sle, %gather3A_3560, %iota3A : vector<16xi32>
          %jit3A_3562 = arith.constant 4 : i32
          %jit3A_3563 = arith.constant 0 : i32
          %broadcast_in_dim3A_3564 = vector.broadcast %jit3A_3562 : i32 to vector<16xi32>
          %broadcast_in_dim3A_3565 = vector.broadcast %jit3A_3563 : i32 to vector<16xi32>
          %select_n3A_3566 = arith.select %le3A_3561, %broadcast_in_dim3A_3564, %broadcast_in_dim3A_3565 : vector<16xi1>, vector<16xi32>
          %add3A_3567 = arith.addi %add3A_3553, %select_n3A_3566 : vector<16xi32>
          %add3A_3568 = arith.constant 1 : i32
          %add3A_3569 = vector.broadcast %add3A_3568 : i32 to vector<16xi32>
          %add3A_3570 = arith.addi %add3A_3567, %add3A_3569 : vector<16xi32>
          %min3A_3571 = arith.minsi %add3A_3570, %broadcast_in_dim3A_58 : vector<16xi32>
          %broadcast_in_dim3A_3572 = vector.shape_cast %min3A_3571 : vector<16xi32> to vector<16x1xi32>
          %gather3A_3573 = vector.shape_cast %broadcast_in_dim3A_3572 : vector<16x1xi32> to vector<16xi32>
          %gather3A_3574 = tpu.dynamic_gather %add3A_3537[%gather3A_3573] in [0] : vector<16xi32>, vector<16xi32> -> vector<16xi32>
          %le3A_3575 = arith.cmpi sle, %gather3A_3574, %iota3A : vector<16xi32>
          %jit3A_3576 = arith.constant 2 : i32
          %jit3A_3577 = arith.constant 0 : i32
          %broadcast_in_dim3A_3578 = vector.broadcast %jit3A_3576 : i32 to vector<16xi32>
          %broadcast_in_dim3A_3579 = vector.broadcast %jit3A_3577 : i32 to vector<16xi32>
          %select_n3A_3580 = arith.select %le3A_3575, %broadcast_in_dim3A_3578, %broadcast_in_dim3A_3579 : vector<16xi1>, vector<16xi32>
          %add3A_3581 = arith.addi %add3A_3567, %select_n3A_3580 : vector<16xi32>
          %add3A_3582 = arith.constant 0 : i32
          %add3A_3583 = vector.broadcast %add3A_3582 : i32 to vector<16xi32>
          %add3A_3584 = arith.addi %add3A_3581, %add3A_3583 : vector<16xi32>
          %min3A_3585 = arith.minsi %add3A_3584, %broadcast_in_dim3A_58 : vector<16xi32>
          %broadcast_in_dim3A_3586 = vector.shape_cast %min3A_3585 : vector<16xi32> to vector<16x1xi32>
          %gather3A_3587 = vector.shape_cast %broadcast_in_dim3A_3586 : vector<16x1xi32> to vector<16xi32>
          %gather3A_3588 = tpu.dynamic_gather %add3A_3537[%gather3A_3587] in [0] : vector<16xi32>, vector<16xi32> -> vector<16xi32>
          %le3A_3589 = arith.cmpi sle, %gather3A_3588, %iota3A : vector<16xi32>
          %jit3A_3590 = arith.constant 1 : i32
          %jit3A_3591 = arith.constant 0 : i32
          %broadcast_in_dim3A_3592 = vector.broadcast %jit3A_3590 : i32 to vector<16xi32>
          %broadcast_in_dim3A_3593 = vector.broadcast %jit3A_3591 : i32 to vector<16xi32>
          %select_n3A_3594 = arith.select %le3A_3589, %broadcast_in_dim3A_3592, %broadcast_in_dim3A_3593 : vector<16xi1>, vector<16xi32>
          %add3A_3595 = arith.addi %add3A_3581, %select_n3A_3594 : vector<16xi32>
          %broadcast_in_dim3A_3596 = vector.shape_cast %add3A_3595 : vector<16xi32> to vector<16x1xi32>
          %gather3A_3597 = vector.shape_cast %broadcast_in_dim3A_3596 : vector<16x1xi32> to vector<16xi32>
          %gather3A_3598 = tpu.dynamic_gather %add3A_3085[%gather3A_3597] in [0] : vector<16xi32>, vector<16xi32> -> vector<16xi32>
          %slice3A_3599 = vector.extract_strided_slice %add3A_3537 {offsets = [15], sizes = [1], strides = [1]} : vector<16xi32> to vector<1xi32>
          %squeeze3A_3600 = vector.extract %slice3A_3599[0] : i32 from vector<1xi32>
          %min3A_3601 = arith.constant 32 : i32
          %min3A_3602 = arith.minsi %add3A_3067, %min3A_3601 : i32
          %swap3A_3603 = arith.constant 3 : i32
          %swap3A_3604 = arith.index_cast %swap3A_3603 : i32 to index
          %swap3A_3605 = arith.index_cast %min3A_3602 : i32 to index
          %swap3A_3606 = tpu.vector_load %arg9[%swap3A_3604, %swap3A_3605] {strides = array<i32>} : memref<4x64xi32, #tpu.memory_space<vmem>>, vector<1x16xi32>,
          %swap3A_3607 = vector.shape_cast %swap3A_3606 : vector<1x16xi32> to vector<16xi32>
          %swap3A_3608 = vector.shape_cast %gather3A_3598 : vector<16xi32> to vector<1x16xi32>
          tpu.vector_store %arg9[%swap3A_3604, %swap3A_3605], %swap3A_3608 {strides = array<i32>} : memref<4x64xi32, #tpu.memory_space<vmem>>, vector<1x16xi32>,
          %add3A_3609 = arith.addi %add3A_3067, %squeeze3A_3600 : i32
          %mul3A_3610 = arith.constant 8 : i32
          %mul3A_3611 = arith.muli %scan3A_342, %mul3A_3610 : i32
          %add3A_3612 = arith.constant 6 : i32
          %add3A_3613 = arith.addi %mul3A_3611, %add3A_3612 : i32
          %mul3A_3614 = arith.constant 16 : i32
          %mul3A_3615 = arith.muli %add3A_3613, %mul3A_3614 : i32
          %get3A_3616 = arith.index_cast %mul3A_3615 : i32 to index
          %get3A_3617 = tpu.vector_load %arg6[%get3A_3616] {strides = array<i32>} : memref<4112xf32, #tpu.memory_space<vmem>>, vector<16xf32>,
          %get3A_3618 = vector.shape_cast %get3A_3617 : vector<16xf32> to vector<16xf32>
          %get3A_3619 = arith.index_cast %mul3A_3615 : i32 to index
          %get3A_3620 = tpu.vector_load %arg7[%get3A_3619] {strides = array<i32>} : memref<4112xf32, #tpu.memory_space<vmem>>, vector<16xf32>,
          %get3A_3621 = vector.shape_cast %get3A_3620 : vector<16xf32> to vector<16xf32>
          %get3A_3622 = arith.index_cast %mul3A_3615 : i32 to index
          %get3A_3623 = tpu.vector_load %arg8[%get3A_3622] {strides = array<i32>} : memref<4112xf32, #tpu.memory_space<vmem>>, vector<16xf32>,
          %get3A_3624 = vector.shape_cast %get3A_3623 : vector<16xf32> to vector<16xf32>
          %add3A_3625 = arith.addi %mul3A_34, %mul3A_3615 : i32
          %add3A_3626 = vector.broadcast %add3A_3625 : i32 to vector<16xi32>
          %add3A_3627 = arith.addi %add3A_3626, %iota3A : vector<16xi32>
          %sub3A_3628 = vector.broadcast %squeeze3A : f32 to vector<16xf32>
          %sub3A_3629 = arith.subf %get3A_3618, %sub3A_3628 : vector<16xf32>
          %sub3A_3630 = vector.broadcast %squeeze3A_93 : f32 to vector<16xf32>
          %sub3A_3631 = arith.subf %get3A_3621, %sub3A_3630 : vector<16xf32>
          %sub3A_3632 = vector.broadcast %squeeze3A_99 : f32 to vector<16xf32>
          %sub3A_3633 = arith.subf %get3A_3624, %sub3A_3632 : vector<16xf32>
          %mul3A_3634 = arith.mulf %sub3A_3629, %sub3A_3629 : vector<16xf32>
          %mul3A_3635 = arith.mulf %sub3A_3631, %sub3A_3631 : vector<16xf32>
          %add3A_3636 = arith.addf %mul3A_3634, %mul3A_3635 : vector<16xf32>
          %mul3A_3637 = arith.mulf %sub3A_3633, %sub3A_3633 : vector<16xf32>
          %add3A_3638 = arith.addf %add3A_3636, %mul3A_3637 : vector<16xf32>
          %lt3A_3639 = arith.constant 4.000000e-02 : f32
          %lt3A_3640 = vector.broadcast %lt3A_3639 : f32 to vector<16xf32>
          %lt3A_3641 = arith.cmpf olt, %add3A_3638, %lt3A_3640 : vector<16xf32>
          %jit3A_3642 = arith.constant 1 : i32
          %jit3A_3643 = arith.constant 0 : i32
          %broadcast_in_dim3A_3644 = vector.broadcast %jit3A_3642 : i32 to vector<16xi32>
          %broadcast_in_dim3A_3645 = vector.broadcast %jit3A_3643 : i32 to vector<16xi32>
          %select_n3A_3646 = arith.select %lt3A_3641, %broadcast_in_dim3A_3644, %broadcast_in_dim3A_3645 : vector<16xi1>, vector<16xi32>
          %ge3A_3647 = arith.constant 1 : i32
          %ge3A_3648 = vector.broadcast %ge3A_3647 : i32 to vector<16xi32>
          %ge3A_3649 = arith.cmpi sge, %iota3A, %ge3A_3648 : vector<16xi32>
          %broadcast_in_dim3A_3650 = vector.shape_cast %max3A_39 : vector<16xi32> to vector<16x1xi32>
          %gather3A_3651 = vector.shape_cast %broadcast_in_dim3A_3650 : vector<16x1xi32> to vector<16xi32>
          %gather3A_3652 = tpu.dynamic_gather %select_n3A_3646[%gather3A_3651] in [0] : vector<16xi32>, vector<16xi32> -> vector<16xi32>
          %jit3A_3653 = arith.constant 0 : i32
          %broadcast_in_dim3A_3654 = vector.broadcast %jit3A_3653 : i32 to vector<16xi32>
          %select_n3A_3655 = arith.select %ge3A_3649, %gather3A_3652, %broadcast_in_dim3A_3654 : vector<16xi1>, vector<16xi32>
          %add3A_3656 = arith.addi %select_n3A_3646, %select_n3A_3655 : vector<16xi32>
          %ge3A_3657 = arith.constant 2 : i32
          %ge3A_3658 = vector.broadcast %ge3A_3657 : i32 to vector<16xi32>
          %ge3A_3659 = arith.cmpi sge, %iota3A, %ge3A_3658 : vector<16xi32>
          %broadcast_in_dim3A_3660 = vector.shape_cast %max3A_45 : vector<16xi32> to vector<16x1xi32>
          %gather3A_3661 = vector.shape_cast %broadcast_in_dim3A_3660 : vector<16x1xi32> to vector<16xi32>
          %gather3A_3662 = tpu.dynamic_gather %add3A_3656[%gather3A_3661] in [0] : vector<16xi32>, vector<16xi32> -> vector<16xi32>
          %jit3A_3663 = arith.constant 0 : i32
          %broadcast_in_dim3A_3664 = vector.broadcast %jit3A_3663 : i32 to vector<16xi32>
          %select_n3A_3665 = arith.select %ge3A_3659, %gather3A_3662, %broadcast_in_dim3A_3664 : vector<16xi1>, vector<16xi32>
          %add3A_3666 = arith.addi %add3A_3656, %select_n3A_3665 : vector<16xi32>
          %ge3A_3667 = arith.constant 4 : i32
          %ge3A_3668 = vector.broadcast %ge3A_3667 : i32 to vector<16xi32>
          %ge3A_3669 = arith.cmpi sge, %iota3A, %ge3A_3668 : vector<16xi32>
          %broadcast_in_dim3A_3670 = vector.shape_cast %max3A_51 : vector<16xi32> to vector<16x1xi32>
          %gather3A_3671 = vector.shape_cast %broadcast_in_dim3A_3670 : vector<16x1xi32> to vector<16xi32>
          %gather3A_3672 = tpu.dynamic_gather %add3A_3666[%gather3A_3671] in [0] : vector<16xi32>, vector<16xi32> -> vector<16xi32>
          %jit3A_3673 = arith.constant 0 : i32
          %broadcast_in_dim3A_3674 = vector.broadcast %jit3A_3673 : i32 to vector<16xi32>
          %select_n3A_3675 = arith.select %ge3A_3669, %gather3A_3672, %broadcast_in_dim3A_3674 : vector<16xi1>, vector<16xi32>
          %add3A_3676 = arith.addi %add3A_3666, %select_n3A_3675 : vector<16xi32>
          %ge3A_3677 = arith.constant 8 : i32
          %ge3A_3678 = vector.broadcast %ge3A_3677 : i32 to vector<16xi32>
          %ge3A_3679 = arith.cmpi sge, %iota3A, %ge3A_3678 : vector<16xi32>
          %broadcast_in_dim3A_3680 = vector.shape_cast %max3A_57 : vector<16xi32> to vector<16x1xi32>
          %gather3A_3681 = vector.shape_cast %broadcast_in_dim3A_3680 : vector<16x1xi32> to vector<16xi32>
          %gather3A_3682 = tpu.dynamic_gather %add3A_3676[%gather3A_3681] in [0] : vector<16xi32>, vector<16xi32> -> vector<16xi32>
          %jit3A_3683 = arith.constant 0 : i32
          %broadcast_in_dim3A_3684 = vector.broadcast %jit3A_3683 : i32 to vector<16xi32>
          %select_n3A_3685 = arith.select %ge3A_3679, %gather3A_3682, %broadcast_in_dim3A_3684 : vector<16xi1>, vector<16xi32>
          %add3A_3686 = arith.addi %add3A_3676, %select_n3A_3685 : vector<16xi32>
          %broadcast_in_dim3A_3687 = arith.constant 0 : i32
          %broadcast_in_dim3A_3688 = vector.broadcast %broadcast_in_dim3A_3687 : i32 to vector<16xi32>
          %add3A_3689 = arith.constant 7 : i32
          %add3A_3690 = vector.broadcast %add3A_3689 : i32 to vector<16xi32>
          %add3A_3691 = arith.addi %broadcast_in_dim3A_3688, %add3A_3690 : vector<16xi32>
          %min3A_3692 = arith.minsi %add3A_3691, %broadcast_in_dim3A_58 : vector<16xi32>
          %broadcast_in_dim3A_3693 = vector.shape_cast %min3A_3692 : vector<16xi32> to vector<16x1xi32>
          %gather3A_3694 = vector.shape_cast %broadcast_in_dim3A_3693 : vector<16x1xi32> to vector<16xi32>
          %gather3A_3695 = tpu.dynamic_gather %add3A_3686[%gather3A_3694] in [0] : vector<16xi32>, vector<16xi32> -> vector<16xi32>
          %le3A_3696 = arith.cmpi sle, %gather3A_3695, %iota3A : vector<16xi32>
          %jit3A_3697 = arith.constant 8 : i32
          %jit3A_3698 = arith.constant 0 : i32
          %broadcast_in_dim3A_3699 = vector.broadcast %jit3A_3697 : i32 to vector<16xi32>
          %broadcast_in_dim3A_3700 = vector.broadcast %jit3A_3698 : i32 to vector<16xi32>
          %select_n3A_3701 = arith.select %le3A_3696, %broadcast_in_dim3A_3699, %broadcast_in_dim3A_3700 : vector<16xi1>, vector<16xi32>
          %add3A_3702 = arith.addi %broadcast_in_dim3A_3688, %select_n3A_3701 : vector<16xi32>
          %add3A_3703 = arith.constant 3 : i32
          %add3A_3704 = vector.broadcast %add3A_3703 : i32 to vector<16xi32>
          %add3A_3705 = arith.addi %add3A_3702, %add3A_3704 : vector<16xi32>
          %min3A_3706 = arith.minsi %add3A_3705, %broadcast_in_dim3A_58 : vector<16xi32>
          %broadcast_in_dim3A_3707 = vector.shape_cast %min3A_3706 : vector<16xi32> to vector<16x1xi32>
          %gather3A_3708 = vector.shape_cast %broadcast_in_dim3A_3707 : vector<16x1xi32> to vector<16xi32>
          %gather3A_3709 = tpu.dynamic_gather %add3A_3686[%gather3A_3708] in [0] : vector<16xi32>, vector<16xi32> -> vector<16xi32>
          %le3A_3710 = arith.cmpi sle, %gather3A_3709, %iota3A : vector<16xi32>
          %jit3A_3711 = arith.constant 4 : i32
          %jit3A_3712 = arith.constant 0 : i32
          %broadcast_in_dim3A_3713 = vector.broadcast %jit3A_3711 : i32 to vector<16xi32>
          %broadcast_in_dim3A_3714 = vector.broadcast %jit3A_3712 : i32 to vector<16xi32>
          %select_n3A_3715 = arith.select %le3A_3710, %broadcast_in_dim3A_3713, %broadcast_in_dim3A_3714 : vector<16xi1>, vector<16xi32>
          %add3A_3716 = arith.addi %add3A_3702, %select_n3A_3715 : vector<16xi32>
          %add3A_3717 = arith.constant 1 : i32
          %add3A_3718 = vector.broadcast %add3A_3717 : i32 to vector<16xi32>
          %add3A_3719 = arith.addi %add3A_3716, %add3A_3718 : vector<16xi32>
          %min3A_3720 = arith.minsi %add3A_3719, %broadcast_in_dim3A_58 : vector<16xi32>
          %broadcast_in_dim3A_3721 = vector.shape_cast %min3A_3720 : vector<16xi32> to vector<16x1xi32>
          %gather3A_3722 = vector.shape_cast %broadcast_in_dim3A_3721 : vector<16x1xi32> to vector<16xi32>
          %gather3A_3723 = tpu.dynamic_gather %add3A_3686[%gather3A_3722] in [0] : vector<16xi32>, vector<16xi32> -> vector<16xi32>
          %le3A_3724 = arith.cmpi sle, %gather3A_3723, %iota3A : vector<16xi32>
          %jit3A_3725 = arith.constant 2 : i32
          %jit3A_3726 = arith.constant 0 : i32
          %broadcast_in_dim3A_3727 = vector.broadcast %jit3A_3725 : i32 to vector<16xi32>
          %broadcast_in_dim3A_3728 = vector.broadcast %jit3A_3726 : i32 to vector<16xi32>
          %select_n3A_3729 = arith.select %le3A_3724, %broadcast_in_dim3A_3727, %broadcast_in_dim3A_3728 : vector<16xi1>, vector<16xi32>
          %add3A_3730 = arith.addi %add3A_3716, %select_n3A_3729 : vector<16xi32>
          %add3A_3731 = arith.constant 0 : i32
          %add3A_3732 = vector.broadcast %add3A_3731 : i32 to vector<16xi32>
          %add3A_3733 = arith.addi %add3A_3730, %add3A_3732 : vector<16xi32>
          %min3A_3734 = arith.minsi %add3A_3733, %broadcast_in_dim3A_58 : vector<16xi32>
          %broadcast_in_dim3A_3735 = vector.shape_cast %min3A_3734 : vector<16xi32> to vector<16x1xi32>
          %gather3A_3736 = vector.shape_cast %broadcast_in_dim3A_3735 : vector<16x1xi32> to vector<16xi32>
          %gather3A_3737 = tpu.dynamic_gather %add3A_3686[%gather3A_3736] in [0] : vector<16xi32>, vector<16xi32> -> vector<16xi32>
          %le3A_3738 = arith.cmpi sle, %gather3A_3737, %iota3A : vector<16xi32>
          %jit3A_3739 = arith.constant 1 : i32
          %jit3A_3740 = arith.constant 0 : i32
          %broadcast_in_dim3A_3741 = vector.broadcast %jit3A_3739 : i32 to vector<16xi32>
          %broadcast_in_dim3A_3742 = vector.broadcast %jit3A_3740 : i32 to vector<16xi32>
          %select_n3A_3743 = arith.select %le3A_3738, %broadcast_in_dim3A_3741, %broadcast_in_dim3A_3742 : vector<16xi1>, vector<16xi32>
          %add3A_3744 = arith.addi %add3A_3730, %select_n3A_3743 : vector<16xi32>
          %broadcast_in_dim3A_3745 = vector.shape_cast %add3A_3744 : vector<16xi32> to vector<16x1xi32>
          %gather3A_3746 = vector.shape_cast %broadcast_in_dim3A_3745 : vector<16x1xi32> to vector<16xi32>
          %gather3A_3747 = tpu.dynamic_gather %add3A_3627[%gather3A_3746] in [0] : vector<16xi32>, vector<16xi32> -> vector<16xi32>
          %slice3A_3748 = vector.extract_strided_slice %add3A_3686 {offsets = [15], sizes = [1], strides = [1]} : vector<16xi32> to vector<1xi32>
          %squeeze3A_3749 = vector.extract %slice3A_3748[0] : i32 from vector<1xi32>
          %min3A_3750 = arith.constant 32 : i32
          %min3A_3751 = arith.minsi %add3A_3216, %min3A_3750 : i32
          %swap3A_3752 = arith.constant 0 : i32
          %swap3A_3753 = arith.index_cast %swap3A_3752 : i32 to index
          %swap3A_3754 = arith.index_cast %min3A_3751 : i32 to index
          %swap3A_3755 = tpu.vector_load %arg9[%swap3A_3753, %swap3A_3754] {strides = array<i32>} : memref<4x64xi32, #tpu.memory_space<vmem>>, vector<1x16xi32>,
          %swap3A_3756 = vector.shape_cast %swap3A_3755 : vector<1x16xi32> to vector<16xi32>
          %swap3A_3757 = vector.shape_cast %gather3A_3747 : vector<16xi32> to vector<1x16xi32>
          tpu.vector_store %arg9[%swap3A_3753, %swap3A_3754], %swap3A_3757 {strides = array<i32>} : memref<4x64xi32, #tpu.memory_space<vmem>>, vector<1x16xi32>,
          %add3A_3758 = arith.addi %add3A_3216, %squeeze3A_3749 : i32
          %sub3A_3759 = vector.broadcast %squeeze3A_105 : f32 to vector<16xf32>
          %sub3A_3760 = arith.subf %get3A_3618, %sub3A_3759 : vector<16xf32>
          %sub3A_3761 = vector.broadcast %squeeze3A_111 : f32 to vector<16xf32>
          %sub3A_3762 = arith.subf %get3A_3621, %sub3A_3761 : vector<16xf32>
          %sub3A_3763 = vector.broadcast %squeeze3A_117 : f32 to vector<16xf32>
          %sub3A_3764 = arith.subf %get3A_3624, %sub3A_3763 : vector<16xf32>
          %mul3A_3765 = arith.mulf %sub3A_3760, %sub3A_3760 : vector<16xf32>
          %mul3A_3766 = arith.mulf %sub3A_3762, %sub3A_3762 : vector<16xf32>
          %add3A_3767 = arith.addf %mul3A_3765, %mul3A_3766 : vector<16xf32>
          %mul3A_3768 = arith.mulf %sub3A_3764, %sub3A_3764 : vector<16xf32>
          %add3A_3769 = arith.addf %add3A_3767, %mul3A_3768 : vector<16xf32>
          %lt3A_3770 = arith.constant 4.000000e-02 : f32
          %lt3A_3771 = vector.broadcast %lt3A_3770 : f32 to vector<16xf32>
          %lt3A_3772 = arith.cmpf olt, %add3A_3769, %lt3A_3771 : vector<16xf32>
          %jit3A_3773 = arith.constant 1 : i32
          %jit3A_3774 = arith.constant 0 : i32
          %broadcast_in_dim3A_3775 = vector.broadcast %jit3A_3773 : i32 to vector<16xi32>
          %broadcast_in_dim3A_3776 = vector.broadcast %jit3A_3774 : i32 to vector<16xi32>
          %select_n3A_3777 = arith.select %lt3A_3772, %broadcast_in_dim3A_3775, %broadcast_in_dim3A_3776 : vector<16xi1>, vector<16xi32>
          %ge3A_3778 = arith.constant 1 : i32
          %ge3A_3779 = vector.broadcast %ge3A_3778 : i32 to vector<16xi32>
          %ge3A_3780 = arith.cmpi sge, %iota3A, %ge3A_3779 : vector<16xi32>
          %broadcast_in_dim3A_3781 = vector.shape_cast %max3A_39 : vector<16xi32> to vector<16x1xi32>
          %gather3A_3782 = vector.shape_cast %broadcast_in_dim3A_3781 : vector<16x1xi32> to vector<16xi32>
          %gather3A_3783 = tpu.dynamic_gather %select_n3A_3777[%gather3A_3782] in [0] : vector<16xi32>, vector<16xi32> -> vector<16xi32>
          %jit3A_3784 = arith.constant 0 : i32
          %broadcast_in_dim3A_3785 = vector.broadcast %jit3A_3784 : i32 to vector<16xi32>
          %select_n3A_3786 = arith.select %ge3A_3780, %gather3A_3783, %broadcast_in_dim3A_3785 : vector<16xi1>, vector<16xi32>
          %add3A_3787 = arith.addi %select_n3A_3777, %select_n3A_3786 : vector<16xi32>
          %ge3A_3788 = arith.constant 2 : i32
          %ge3A_3789 = vector.broadcast %ge3A_3788 : i32 to vector<16xi32>
          %ge3A_3790 = arith.cmpi sge, %iota3A, %ge3A_3789 : vector<16xi32>
          %broadcast_in_dim3A_3791 = vector.shape_cast %max3A_45 : vector<16xi32> to vector<16x1xi32>
          %gather3A_3792 = vector.shape_cast %broadcast_in_dim3A_3791 : vector<16x1xi32> to vector<16xi32>
          %gather3A_3793 = tpu.dynamic_gather %add3A_3787[%gather3A_3792] in [0] : vector<16xi32>, vector<16xi32> -> vector<16xi32>
          %jit3A_3794 = arith.constant 0 : i32
          %broadcast_in_dim3A_3795 = vector.broadcast %jit3A_3794 : i32 to vector<16xi32>
          %select_n3A_3796 = arith.select %ge3A_3790, %gather3A_3793, %broadcast_in_dim3A_3795 : vector<16xi1>, vector<16xi32>
          %add3A_3797 = arith.addi %add3A_3787, %select_n3A_3796 : vector<16xi32>
          %ge3A_3798 = arith.constant 4 : i32
          %ge3A_3799 = vector.broadcast %ge3A_3798 : i32 to vector<16xi32>
          %ge3A_3800 = arith.cmpi sge, %iota3A, %ge3A_3799 : vector<16xi32>
          %broadcast_in_dim3A_3801 = vector.shape_cast %max3A_51 : vector<16xi32> to vector<16x1xi32>
          %gather3A_3802 = vector.shape_cast %broadcast_in_dim3A_3801 : vector<16x1xi32> to vector<16xi32>
          %gather3A_3803 = tpu.dynamic_gather %add3A_3797[%gather3A_3802] in [0] : vector<16xi32>, vector<16xi32> -> vector<16xi32>
          %jit3A_3804 = arith.constant 0 : i32
          %broadcast_in_dim3A_3805 = vector.broadcast %jit3A_3804 : i32 to vector<16xi32>
          %select_n3A_3806 = arith.select %ge3A_3800, %gather3A_3803, %broadcast_in_dim3A_3805 : vector<16xi1>, vector<16xi32>
          %add3A_3807 = arith.addi %add3A_3797, %select_n3A_3806 : vector<16xi32>
          %ge3A_3808 = arith.constant 8 : i32
          %ge3A_3809 = vector.broadcast %ge3A_3808 : i32 to vector<16xi32>
          %ge3A_3810 = arith.cmpi sge, %iota3A, %ge3A_3809 : vector<16xi32>
          %broadcast_in_dim3A_3811 = vector.shape_cast %max3A_57 : vector<16xi32> to vector<16x1xi32>
          %gather3A_3812 = vector.shape_cast %broadcast_in_dim3A_3811 : vector<16x1xi32> to vector<16xi32>
          %gather3A_3813 = tpu.dynamic_gather %add3A_3807[%gather3A_3812] in [0] : vector<16xi32>, vector<16xi32> -> vector<16xi32>
          %jit3A_3814 = arith.constant 0 : i32
          %broadcast_in_dim3A_3815 = vector.broadcast %jit3A_3814 : i32 to vector<16xi32>
          %select_n3A_3816 = arith.select %ge3A_3810, %gather3A_3813, %broadcast_in_dim3A_3815 : vector<16xi1>, vector<16xi32>
          %add3A_3817 = arith.addi %add3A_3807, %select_n3A_3816 : vector<16xi32>
          %broadcast_in_dim3A_3818 = arith.constant 0 : i32
          %broadcast_in_dim3A_3819 = vector.broadcast %broadcast_in_dim3A_3818 : i32 to vector<16xi32>
          %add3A_3820 = arith.constant 7 : i32
          %add3A_3821 = vector.broadcast %add3A_3820 : i32 to vector<16xi32>
          %add3A_3822 = arith.addi %broadcast_in_dim3A_3819, %add3A_3821 : vector<16xi32>
          %min3A_3823 = arith.minsi %add3A_3822, %broadcast_in_dim3A_58 : vector<16xi32>
          %broadcast_in_dim3A_3824 = vector.shape_cast %min3A_3823 : vector<16xi32> to vector<16x1xi32>
          %gather3A_3825 = vector.shape_cast %broadcast_in_dim3A_3824 : vector<16x1xi32> to vector<16xi32>
          %gather3A_3826 = tpu.dynamic_gather %add3A_3817[%gather3A_3825] in [0] : vector<16xi32>, vector<16xi32> -> vector<16xi32>
          %le3A_3827 = arith.cmpi sle, %gather3A_3826, %iota3A : vector<16xi32>
          %jit3A_3828 = arith.constant 8 : i32
          %jit3A_3829 = arith.constant 0 : i32
          %broadcast_in_dim3A_3830 = vector.broadcast %jit3A_3828 : i32 to vector<16xi32>
          %broadcast_in_dim3A_3831 = vector.broadcast %jit3A_3829 : i32 to vector<16xi32>
          %select_n3A_3832 = arith.select %le3A_3827, %broadcast_in_dim3A_3830, %broadcast_in_dim3A_3831 : vector<16xi1>, vector<16xi32>
          %add3A_3833 = arith.addi %broadcast_in_dim3A_3819, %select_n3A_3832 : vector<16xi32>
          %add3A_3834 = arith.constant 3 : i32
          %add3A_3835 = vector.broadcast %add3A_3834 : i32 to vector<16xi32>
          %add3A_3836 = arith.addi %add3A_3833, %add3A_3835 : vector<16xi32>
          %min3A_3837 = arith.minsi %add3A_3836, %broadcast_in_dim3A_58 : vector<16xi32>
          %broadcast_in_dim3A_3838 = vector.shape_cast %min3A_3837 : vector<16xi32> to vector<16x1xi32>
          %gather3A_3839 = vector.shape_cast %broadcast_in_dim3A_3838 : vector<16x1xi32> to vector<16xi32>
          %gather3A_3840 = tpu.dynamic_gather %add3A_3817[%gather3A_3839] in [0] : vector<16xi32>, vector<16xi32> -> vector<16xi32>
          %le3A_3841 = arith.cmpi sle, %gather3A_3840, %iota3A : vector<16xi32>
          %jit3A_3842 = arith.constant 4 : i32
          %jit3A_3843 = arith.constant 0 : i32
          %broadcast_in_dim3A_3844 = vector.broadcast %jit3A_3842 : i32 to vector<16xi32>
          %broadcast_in_dim3A_3845 = vector.broadcast %jit3A_3843 : i32 to vector<16xi32>
          %select_n3A_3846 = arith.select %le3A_3841, %broadcast_in_dim3A_3844, %broadcast_in_dim3A_3845 : vector<16xi1>, vector<16xi32>
          %add3A_3847 = arith.addi %add3A_3833, %select_n3A_3846 : vector<16xi32>
          %add3A_3848 = arith.constant 1 : i32
          %add3A_3849 = vector.broadcast %add3A_3848 : i32 to vector<16xi32>
          %add3A_3850 = arith.addi %add3A_3847, %add3A_3849 : vector<16xi32>
          %min3A_3851 = arith.minsi %add3A_3850, %broadcast_in_dim3A_58 : vector<16xi32>
          %broadcast_in_dim3A_3852 = vector.shape_cast %min3A_3851 : vector<16xi32> to vector<16x1xi32>
          %gather3A_3853 = vector.shape_cast %broadcast_in_dim3A_3852 : vector<16x1xi32> to vector<16xi32>
          %gather3A_3854 = tpu.dynamic_gather %add3A_3817[%gather3A_3853] in [0] : vector<16xi32>, vector<16xi32> -> vector<16xi32>
          %le3A_3855 = arith.cmpi sle, %gather3A_3854, %iota3A : vector<16xi32>
          %jit3A_3856 = arith.constant 2 : i32
          %jit3A_3857 = arith.constant 0 : i32
          %broadcast_in_dim3A_3858 = vector.broadcast %jit3A_3856 : i32 to vector<16xi32>
          %broadcast_in_dim3A_3859 = vector.broadcast %jit3A_3857 : i32 to vector<16xi32>
          %select_n3A_3860 = arith.select %le3A_3855, %broadcast_in_dim3A_3858, %broadcast_in_dim3A_3859 : vector<16xi1>, vector<16xi32>
          %add3A_3861 = arith.addi %add3A_3847, %select_n3A_3860 : vector<16xi32>
          %add3A_3862 = arith.constant 0 : i32
          %add3A_3863 = vector.broadcast %add3A_3862 : i32 to vector<16xi32>
          %add3A_3864 = arith.addi %add3A_3861, %add3A_3863 : vector<16xi32>
          %min3A_3865 = arith.minsi %add3A_3864, %broadcast_in_dim3A_58 : vector<16xi32>
          %broadcast_in_dim3A_3866 = vector.shape_cast %min3A_3865 : vector<16xi32> to vector<16x1xi32>
          %gather3A_3867 = vector.shape_cast %broadcast_in_dim3A_3866 : vector<16x1xi32> to vector<16xi32>
          %gather3A_3868 = tpu.dynamic_gather %add3A_3817[%gather3A_3867] in [0] : vector<16xi32>, vector<16xi32> -> vector<16xi32>
          %le3A_3869 = arith.cmpi sle, %gather3A_3868, %iota3A : vector<16xi32>
          %jit3A_3870 = arith.constant 1 : i32
          %jit3A_3871 = arith.constant 0 : i32
          %broadcast_in_dim3A_3872 = vector.broadcast %jit3A_3870 : i32 to vector<16xi32>
          %broadcast_in_dim3A_3873 = vector.broadcast %jit3A_3871 : i32 to vector<16xi32>
          %select_n3A_3874 = arith.select %le3A_3869, %broadcast_in_dim3A_3872, %broadcast_in_dim3A_3873 : vector<16xi1>, vector<16xi32>
          %add3A_3875 = arith.addi %add3A_3861, %select_n3A_3874 : vector<16xi32>
          %broadcast_in_dim3A_3876 = vector.shape_cast %add3A_3875 : vector<16xi32> to vector<16x1xi32>
          %gather3A_3877 = vector.shape_cast %broadcast_in_dim3A_3876 : vector<16x1xi32> to vector<16xi32>
          %gather3A_3878 = tpu.dynamic_gather %add3A_3627[%gather3A_3877] in [0] : vector<16xi32>, vector<16xi32> -> vector<16xi32>
          %slice3A_3879 = vector.extract_strided_slice %add3A_3817 {offsets = [15], sizes = [1], strides = [1]} : vector<16xi32> to vector<1xi32>
          %squeeze3A_3880 = vector.extract %slice3A_3879[0] : i32 from vector<1xi32>
          %min3A_3881 = arith.constant 32 : i32
          %min3A_3882 = arith.minsi %add3A_3347, %min3A_3881 : i32
          %swap3A_3883 = arith.constant 1 : i32
          %swap3A_3884 = arith.index_cast %swap3A_3883 : i32 to index
          %swap3A_3885 = arith.index_cast %min3A_3882 : i32 to index
          %swap3A_3886 = tpu.vector_load %arg9[%swap3A_3884, %swap3A_3885] {strides = array<i32>} : memref<4x64xi32, #tpu.memory_space<vmem>>, vector<1x16xi32>,
          %swap3A_3887 = vector.shape_cast %swap3A_3886 : vector<1x16xi32> to vector<16xi32>
          %swap3A_3888 = vector.shape_cast %gather3A_3878 : vector<16xi32> to vector<1x16xi32>
          tpu.vector_store %arg9[%swap3A_3884, %swap3A_3885], %swap3A_3888 {strides = array<i32>} : memref<4x64xi32, #tpu.memory_space<vmem>>, vector<1x16xi32>,
          %add3A_3889 = arith.addi %add3A_3347, %squeeze3A_3880 : i32
          %sub3A_3890 = vector.broadcast %squeeze3A_123 : f32 to vector<16xf32>
          %sub3A_3891 = arith.subf %get3A_3618, %sub3A_3890 : vector<16xf32>
          %sub3A_3892 = vector.broadcast %squeeze3A_129 : f32 to vector<16xf32>
          %sub3A_3893 = arith.subf %get3A_3621, %sub3A_3892 : vector<16xf32>
          %sub3A_3894 = vector.broadcast %squeeze3A_135 : f32 to vector<16xf32>
          %sub3A_3895 = arith.subf %get3A_3624, %sub3A_3894 : vector<16xf32>
          %mul3A_3896 = arith.mulf %sub3A_3891, %sub3A_3891 : vector<16xf32>
          %mul3A_3897 = arith.mulf %sub3A_3893, %sub3A_3893 : vector<16xf32>
          %add3A_3898 = arith.addf %mul3A_3896, %mul3A_3897 : vector<16xf32>
          %mul3A_3899 = arith.mulf %sub3A_3895, %sub3A_3895 : vector<16xf32>
          %add3A_3900 = arith.addf %add3A_3898, %mul3A_3899 : vector<16xf32>
          %lt3A_3901 = arith.constant 4.000000e-02 : f32
          %lt3A_3902 = vector.broadcast %lt3A_3901 : f32 to vector<16xf32>
          %lt3A_3903 = arith.cmpf olt, %add3A_3900, %lt3A_3902 : vector<16xf32>
          %jit3A_3904 = arith.constant 1 : i32
          %jit3A_3905 = arith.constant 0 : i32
          %broadcast_in_dim3A_3906 = vector.broadcast %jit3A_3904 : i32 to vector<16xi32>
          %broadcast_in_dim3A_3907 = vector.broadcast %jit3A_3905 : i32 to vector<16xi32>
          %select_n3A_3908 = arith.select %lt3A_3903, %broadcast_in_dim3A_3906, %broadcast_in_dim3A_3907 : vector<16xi1>, vector<16xi32>
          %ge3A_3909 = arith.constant 1 : i32
          %ge3A_3910 = vector.broadcast %ge3A_3909 : i32 to vector<16xi32>
          %ge3A_3911 = arith.cmpi sge, %iota3A, %ge3A_3910 : vector<16xi32>
          %broadcast_in_dim3A_3912 = vector.shape_cast %max3A_39 : vector<16xi32> to vector<16x1xi32>
          %gather3A_3913 = vector.shape_cast %broadcast_in_dim3A_3912 : vector<16x1xi32> to vector<16xi32>
          %gather3A_3914 = tpu.dynamic_gather %select_n3A_3908[%gather3A_3913] in [0] : vector<16xi32>, vector<16xi32> -> vector<16xi32>
          %jit3A_3915 = arith.constant 0 : i32
          %broadcast_in_dim3A_3916 = vector.broadcast %jit3A_3915 : i32 to vector<16xi32>
          %select_n3A_3917 = arith.select %ge3A_3911, %gather3A_3914, %broadcast_in_dim3A_3916 : vector<16xi1>, vector<16xi32>
          %add3A_3918 = arith.addi %select_n3A_3908, %select_n3A_3917 : vector<16xi32>
          %ge3A_3919 = arith.constant 2 : i32
          %ge3A_3920 = vector.broadcast %ge3A_3919 : i32 to vector<16xi32>
          %ge3A_3921 = arith.cmpi sge, %iota3A, %ge3A_3920 : vector<16xi32>
          %broadcast_in_dim3A_3922 = vector.shape_cast %max3A_45 : vector<16xi32> to vector<16x1xi32>
          %gather3A_3923 = vector.shape_cast %broadcast_in_dim3A_3922 : vector<16x1xi32> to vector<16xi32>
          %gather3A_3924 = tpu.dynamic_gather %add3A_3918[%gather3A_3923] in [0] : vector<16xi32>, vector<16xi32> -> vector<16xi32>
          %jit3A_3925 = arith.constant 0 : i32
          %broadcast_in_dim3A_3926 = vector.broadcast %jit3A_3925 : i32 to vector<16xi32>
          %select_n3A_3927 = arith.select %ge3A_3921, %gather3A_3924, %broadcast_in_dim3A_3926 : vector<16xi1>, vector<16xi32>
          %add3A_3928 = arith.addi %add3A_3918, %select_n3A_3927 : vector<16xi32>
          %ge3A_3929 = arith.constant 4 : i32
          %ge3A_3930 = vector.broadcast %ge3A_3929 : i32 to vector<16xi32>
          %ge3A_3931 = arith.cmpi sge, %iota3A, %ge3A_3930 : vector<16xi32>
          %broadcast_in_dim3A_3932 = vector.shape_cast %max3A_51 : vector<16xi32> to vector<16x1xi32>
          %gather3A_3933 = vector.shape_cast %broadcast_in_dim3A_3932 : vector<16x1xi32> to vector<16xi32>
          %gather3A_3934 = tpu.dynamic_gather %add3A_3928[%gather3A_3933] in [0] : vector<16xi32>, vector<16xi32> -> vector<16xi32>
          %jit3A_3935 = arith.constant 0 : i32
          %broadcast_in_dim3A_3936 = vector.broadcast %jit3A_3935 : i32 to vector<16xi32>
          %select_n3A_3937 = arith.select %ge3A_3931, %gather3A_3934, %broadcast_in_dim3A_3936 : vector<16xi1>, vector<16xi32>
          %add3A_3938 = arith.addi %add3A_3928, %select_n3A_3937 : vector<16xi32>
          %ge3A_3939 = arith.constant 8 : i32
          %ge3A_3940 = vector.broadcast %ge3A_3939 : i32 to vector<16xi32>
          %ge3A_3941 = arith.cmpi sge, %iota3A, %ge3A_3940 : vector<16xi32>
          %broadcast_in_dim3A_3942 = vector.shape_cast %max3A_57 : vector<16xi32> to vector<16x1xi32>
          %gather3A_3943 = vector.shape_cast %broadcast_in_dim3A_3942 : vector<16x1xi32> to vector<16xi32>
          %gather3A_3944 = tpu.dynamic_gather %add3A_3938[%gather3A_3943] in [0] : vector<16xi32>, vector<16xi32> -> vector<16xi32>
          %jit3A_3945 = arith.constant 0 : i32
          %broadcast_in_dim3A_3946 = vector.broadcast %jit3A_3945 : i32 to vector<16xi32>
          %select_n3A_3947 = arith.select %ge3A_3941, %gather3A_3944, %broadcast_in_dim3A_3946 : vector<16xi1>, vector<16xi32>
          %add3A_3948 = arith.addi %add3A_3938, %select_n3A_3947 : vector<16xi32>
          %broadcast_in_dim3A_3949 = arith.constant 0 : i32
          %broadcast_in_dim3A_3950 = vector.broadcast %broadcast_in_dim3A_3949 : i32 to vector<16xi32>
          %add3A_3951 = arith.constant 7 : i32
          %add3A_3952 = vector.broadcast %add3A_3951 : i32 to vector<16xi32>
          %add3A_3953 = arith.addi %broadcast_in_dim3A_3950, %add3A_3952 : vector<16xi32>
          %min3A_3954 = arith.minsi %add3A_3953, %broadcast_in_dim3A_58 : vector<16xi32>
          %broadcast_in_dim3A_3955 = vector.shape_cast %min3A_3954 : vector<16xi32> to vector<16x1xi32>
          %gather3A_3956 = vector.shape_cast %broadcast_in_dim3A_3955 : vector<16x1xi32> to vector<16xi32>
          %gather3A_3957 = tpu.dynamic_gather %add3A_3948[%gather3A_3956] in [0] : vector<16xi32>, vector<16xi32> -> vector<16xi32>
          %le3A_3958 = arith.cmpi sle, %gather3A_3957, %iota3A : vector<16xi32>
          %jit3A_3959 = arith.constant 8 : i32
          %jit3A_3960 = arith.constant 0 : i32
          %broadcast_in_dim3A_3961 = vector.broadcast %jit3A_3959 : i32 to vector<16xi32>
          %broadcast_in_dim3A_3962 = vector.broadcast %jit3A_3960 : i32 to vector<16xi32>
          %select_n3A_3963 = arith.select %le3A_3958, %broadcast_in_dim3A_3961, %broadcast_in_dim3A_3962 : vector<16xi1>, vector<16xi32>
          %add3A_3964 = arith.addi %broadcast_in_dim3A_3950, %select_n3A_3963 : vector<16xi32>
          %add3A_3965 = arith.constant 3 : i32
          %add3A_3966 = vector.broadcast %add3A_3965 : i32 to vector<16xi32>
          %add3A_3967 = arith.addi %add3A_3964, %add3A_3966 : vector<16xi32>
          %min3A_3968 = arith.minsi %add3A_3967, %broadcast_in_dim3A_58 : vector<16xi32>
          %broadcast_in_dim3A_3969 = vector.shape_cast %min3A_3968 : vector<16xi32> to vector<16x1xi32>
          %gather3A_3970 = vector.shape_cast %broadcast_in_dim3A_3969 : vector<16x1xi32> to vector<16xi32>
          %gather3A_3971 = tpu.dynamic_gather %add3A_3948[%gather3A_3970] in [0] : vector<16xi32>, vector<16xi32> -> vector<16xi32>
          %le3A_3972 = arith.cmpi sle, %gather3A_3971, %iota3A : vector<16xi32>
          %jit3A_3973 = arith.constant 4 : i32
          %jit3A_3974 = arith.constant 0 : i32
          %broadcast_in_dim3A_3975 = vector.broadcast %jit3A_3973 : i32 to vector<16xi32>
          %broadcast_in_dim3A_3976 = vector.broadcast %jit3A_3974 : i32 to vector<16xi32>
          %select_n3A_3977 = arith.select %le3A_3972, %broadcast_in_dim3A_3975, %broadcast_in_dim3A_3976 : vector<16xi1>, vector<16xi32>
          %add3A_3978 = arith.addi %add3A_3964, %select_n3A_3977 : vector<16xi32>
          %add3A_3979 = arith.constant 1 : i32
          %add3A_3980 = vector.broadcast %add3A_3979 : i32 to vector<16xi32>
          %add3A_3981 = arith.addi %add3A_3978, %add3A_3980 : vector<16xi32>
          %min3A_3982 = arith.minsi %add3A_3981, %broadcast_in_dim3A_58 : vector<16xi32>
          %broadcast_in_dim3A_3983 = vector.shape_cast %min3A_3982 : vector<16xi32> to vector<16x1xi32>
          %gather3A_3984 = vector.shape_cast %broadcast_in_dim3A_3983 : vector<16x1xi32> to vector<16xi32>
          %gather3A_3985 = tpu.dynamic_gather %add3A_3948[%gather3A_3984] in [0] : vector<16xi32>, vector<16xi32> -> vector<16xi32>
          %le3A_3986 = arith.cmpi sle, %gather3A_3985, %iota3A : vector<16xi32>
          %jit3A_3987 = arith.constant 2 : i32
          %jit3A_3988 = arith.constant 0 : i32
          %broadcast_in_dim3A_3989 = vector.broadcast %jit3A_3987 : i32 to vector<16xi32>
          %broadcast_in_dim3A_3990 = vector.broadcast %jit3A_3988 : i32 to vector<16xi32>
          %select_n3A_3991 = arith.select %le3A_3986, %broadcast_in_dim3A_3989, %broadcast_in_dim3A_3990 : vector<16xi1>, vector<16xi32>
          %add3A_3992 = arith.addi %add3A_3978, %select_n3A_3991 : vector<16xi32>
          %add3A_3993 = arith.constant 0 : i32
          %add3A_3994 = vector.broadcast %add3A_3993 : i32 to vector<16xi32>
          %add3A_3995 = arith.addi %add3A_3992, %add3A_3994 : vector<16xi32>
          %min3A_3996 = arith.minsi %add3A_3995, %broadcast_in_dim3A_58 : vector<16xi32>
          %broadcast_in_dim3A_3997 = vector.shape_cast %min3A_3996 : vector<16xi32> to vector<16x1xi32>
          %gather3A_3998 = vector.shape_cast %broadcast_in_dim3A_3997 : vector<16x1xi32> to vector<16xi32>
          %gather3A_3999 = tpu.dynamic_gather %add3A_3948[%gather3A_3998] in [0] : vector<16xi32>, vector<16xi32> -> vector<16xi32>
          %le3A_4000 = arith.cmpi sle, %gather3A_3999, %iota3A : vector<16xi32>
          %jit3A_4001 = arith.constant 1 : i32
          %jit3A_4002 = arith.constant 0 : i32
          %broadcast_in_dim3A_4003 = vector.broadcast %jit3A_4001 : i32 to vector<16xi32>
          %broadcast_in_dim3A_4004 = vector.broadcast %jit3A_4002 : i32 to vector<16xi32>
          %select_n3A_4005 = arith.select %le3A_4000, %broadcast_in_dim3A_4003, %broadcast_in_dim3A_4004 : vector<16xi1>, vector<16xi32>
          %add3A_4006 = arith.addi %add3A_3992, %select_n3A_4005 : vector<16xi32>
          %broadcast_in_dim3A_4007 = vector.shape_cast %add3A_4006 : vector<16xi32> to vector<16x1xi32>
          %gather3A_4008 = vector.shape_cast %broadcast_in_dim3A_4007 : vector<16x1xi32> to vector<16xi32>
          %gather3A_4009 = tpu.dynamic_gather %add3A_3627[%gather3A_4008] in [0] : vector<16xi32>, vector<16xi32> -> vector<16xi32>
          %slice3A_4010 = vector.extract_strided_slice %add3A_3948 {offsets = [15], sizes = [1], strides = [1]} : vector<16xi32> to vector<1xi32>
          %squeeze3A_4011 = vector.extract %slice3A_4010[0] : i32 from vector<1xi32>
          %min3A_4012 = arith.constant 32 : i32
          %min3A_4013 = arith.minsi %add3A_3478, %min3A_4012 : i32
          %swap3A_4014 = arith.constant 2 : i32
          %swap3A_4015 = arith.index_cast %swap3A_4014 : i32 to index
          %swap3A_4016 = arith.index_cast %min3A_4013 : i32 to index
          %swap3A_4017 = tpu.vector_load %arg9[%swap3A_4015, %swap3A_4016] {strides = array<i32>} : memref<4x64xi32, #tpu.memory_space<vmem>>, vector<1x16xi32>,
          %swap3A_4018 = vector.shape_cast %swap3A_4017 : vector<1x16xi32> to vector<16xi32>
          %swap3A_4019 = vector.shape_cast %gather3A_4009 : vector<16xi32> to vector<1x16xi32>
          tpu.vector_store %arg9[%swap3A_4015, %swap3A_4016], %swap3A_4019 {strides = array<i32>} : memref<4x64xi32, #tpu.memory_space<vmem>>, vector<1x16xi32>,
          %add3A_4020 = arith.addi %add3A_3478, %squeeze3A_4011 : i32
          %sub3A_4021 = vector.broadcast %squeeze3A_141 : f32 to vector<16xf32>
          %sub3A_4022 = arith.subf %get3A_3618, %sub3A_4021 : vector<16xf32>
          %sub3A_4023 = vector.broadcast %squeeze3A_147 : f32 to vector<16xf32>
          %sub3A_4024 = arith.subf %get3A_3621, %sub3A_4023 : vector<16xf32>
          %sub3A_4025 = vector.broadcast %squeeze3A_153 : f32 to vector<16xf32>
          %sub3A_4026 = arith.subf %get3A_3624, %sub3A_4025 : vector<16xf32>
          %mul3A_4027 = arith.mulf %sub3A_4022, %sub3A_4022 : vector<16xf32>
          %mul3A_4028 = arith.mulf %sub3A_4024, %sub3A_4024 : vector<16xf32>
          %add3A_4029 = arith.addf %mul3A_4027, %mul3A_4028 : vector<16xf32>
          %mul3A_4030 = arith.mulf %sub3A_4026, %sub3A_4026 : vector<16xf32>
          %add3A_4031 = arith.addf %add3A_4029, %mul3A_4030 : vector<16xf32>
          %lt3A_4032 = arith.constant 4.000000e-02 : f32
          %lt3A_4033 = vector.broadcast %lt3A_4032 : f32 to vector<16xf32>
          %lt3A_4034 = arith.cmpf olt, %add3A_4031, %lt3A_4033 : vector<16xf32>
          %jit3A_4035 = arith.constant 1 : i32
          %jit3A_4036 = arith.constant 0 : i32
          %broadcast_in_dim3A_4037 = vector.broadcast %jit3A_4035 : i32 to vector<16xi32>
          %broadcast_in_dim3A_4038 = vector.broadcast %jit3A_4036 : i32 to vector<16xi32>
          %select_n3A_4039 = arith.select %lt3A_4034, %broadcast_in_dim3A_4037, %broadcast_in_dim3A_4038 : vector<16xi1>, vector<16xi32>
          %ge3A_4040 = arith.constant 1 : i32
          %ge3A_4041 = vector.broadcast %ge3A_4040 : i32 to vector<16xi32>
          %ge3A_4042 = arith.cmpi sge, %iota3A, %ge3A_4041 : vector<16xi32>
          %broadcast_in_dim3A_4043 = vector.shape_cast %max3A_39 : vector<16xi32> to vector<16x1xi32>
          %gather3A_4044 = vector.shape_cast %broadcast_in_dim3A_4043 : vector<16x1xi32> to vector<16xi32>
          %gather3A_4045 = tpu.dynamic_gather %select_n3A_4039[%gather3A_4044] in [0] : vector<16xi32>, vector<16xi32> -> vector<16xi32>
          %jit3A_4046 = arith.constant 0 : i32
          %broadcast_in_dim3A_4047 = vector.broadcast %jit3A_4046 : i32 to vector<16xi32>
          %select_n3A_4048 = arith.select %ge3A_4042, %gather3A_4045, %broadcast_in_dim3A_4047 : vector<16xi1>, vector<16xi32>
          %add3A_4049 = arith.addi %select_n3A_4039, %select_n3A_4048 : vector<16xi32>
          %ge3A_4050 = arith.constant 2 : i32
          %ge3A_4051 = vector.broadcast %ge3A_4050 : i32 to vector<16xi32>
          %ge3A_4052 = arith.cmpi sge, %iota3A, %ge3A_4051 : vector<16xi32>
          %broadcast_in_dim3A_4053 = vector.shape_cast %max3A_45 : vector<16xi32> to vector<16x1xi32>
          %gather3A_4054 = vector.shape_cast %broadcast_in_dim3A_4053 : vector<16x1xi32> to vector<16xi32>
          %gather3A_4055 = tpu.dynamic_gather %add3A_4049[%gather3A_4054] in [0] : vector<16xi32>, vector<16xi32> -> vector<16xi32>
          %jit3A_4056 = arith.constant 0 : i32
          %broadcast_in_dim3A_4057 = vector.broadcast %jit3A_4056 : i32 to vector<16xi32>
          %select_n3A_4058 = arith.select %ge3A_4052, %gather3A_4055, %broadcast_in_dim3A_4057 : vector<16xi1>, vector<16xi32>
          %add3A_4059 = arith.addi %add3A_4049, %select_n3A_4058 : vector<16xi32>
          %ge3A_4060 = arith.constant 4 : i32
          %ge3A_4061 = vector.broadcast %ge3A_4060 : i32 to vector<16xi32>
          %ge3A_4062 = arith.cmpi sge, %iota3A, %ge3A_4061 : vector<16xi32>
          %broadcast_in_dim3A_4063 = vector.shape_cast %max3A_51 : vector<16xi32> to vector<16x1xi32>
          %gather3A_4064 = vector.shape_cast %broadcast_in_dim3A_4063 : vector<16x1xi32> to vector<16xi32>
          %gather3A_4065 = tpu.dynamic_gather %add3A_4059[%gather3A_4064] in [0] : vector<16xi32>, vector<16xi32> -> vector<16xi32>
          %jit3A_4066 = arith.constant 0 : i32
          %broadcast_in_dim3A_4067 = vector.broadcast %jit3A_4066 : i32 to vector<16xi32>
          %select_n3A_4068 = arith.select %ge3A_4062, %gather3A_4065, %broadcast_in_dim3A_4067 : vector<16xi1>, vector<16xi32>
          %add3A_4069 = arith.addi %add3A_4059, %select_n3A_4068 : vector<16xi32>
          %ge3A_4070 = arith.constant 8 : i32
          %ge3A_4071 = vector.broadcast %ge3A_4070 : i32 to vector<16xi32>
          %ge3A_4072 = arith.cmpi sge, %iota3A, %ge3A_4071 : vector<16xi32>
          %broadcast_in_dim3A_4073 = vector.shape_cast %max3A_57 : vector<16xi32> to vector<16x1xi32>
          %gather3A_4074 = vector.shape_cast %broadcast_in_dim3A_4073 : vector<16x1xi32> to vector<16xi32>
          %gather3A_4075 = tpu.dynamic_gather %add3A_4069[%gather3A_4074] in [0] : vector<16xi32>, vector<16xi32> -> vector<16xi32>
          %jit3A_4076 = arith.constant 0 : i32
          %broadcast_in_dim3A_4077 = vector.broadcast %jit3A_4076 : i32 to vector<16xi32>
          %select_n3A_4078 = arith.select %ge3A_4072, %gather3A_4075, %broadcast_in_dim3A_4077 : vector<16xi1>, vector<16xi32>
          %add3A_4079 = arith.addi %add3A_4069, %select_n3A_4078 : vector<16xi32>
          %broadcast_in_dim3A_4080 = arith.constant 0 : i32
          %broadcast_in_dim3A_4081 = vector.broadcast %broadcast_in_dim3A_4080 : i32 to vector<16xi32>
          %add3A_4082 = arith.constant 7 : i32
          %add3A_4083 = vector.broadcast %add3A_4082 : i32 to vector<16xi32>
          %add3A_4084 = arith.addi %broadcast_in_dim3A_4081, %add3A_4083 : vector<16xi32>
          %min3A_4085 = arith.minsi %add3A_4084, %broadcast_in_dim3A_58 : vector<16xi32>
          %broadcast_in_dim3A_4086 = vector.shape_cast %min3A_4085 : vector<16xi32> to vector<16x1xi32>
          %gather3A_4087 = vector.shape_cast %broadcast_in_dim3A_4086 : vector<16x1xi32> to vector<16xi32>
          %gather3A_4088 = tpu.dynamic_gather %add3A_4079[%gather3A_4087] in [0] : vector<16xi32>, vector<16xi32> -> vector<16xi32>
          %le3A_4089 = arith.cmpi sle, %gather3A_4088, %iota3A : vector<16xi32>
          %jit3A_4090 = arith.constant 8 : i32
          %jit3A_4091 = arith.constant 0 : i32
          %broadcast_in_dim3A_4092 = vector.broadcast %jit3A_4090 : i32 to vector<16xi32>
          %broadcast_in_dim3A_4093 = vector.broadcast %jit3A_4091 : i32 to vector<16xi32>
          %select_n3A_4094 = arith.select %le3A_4089, %broadcast_in_dim3A_4092, %broadcast_in_dim3A_4093 : vector<16xi1>, vector<16xi32>
          %add3A_4095 = arith.addi %broadcast_in_dim3A_4081, %select_n3A_4094 : vector<16xi32>
          %add3A_4096 = arith.constant 3 : i32
          %add3A_4097 = vector.broadcast %add3A_4096 : i32 to vector<16xi32>
          %add3A_4098 = arith.addi %add3A_4095, %add3A_4097 : vector<16xi32>
          %min3A_4099 = arith.minsi %add3A_4098, %broadcast_in_dim3A_58 : vector<16xi32>
          %broadcast_in_dim3A_4100 = vector.shape_cast %min3A_4099 : vector<16xi32> to vector<16x1xi32>
          %gather3A_4101 = vector.shape_cast %broadcast_in_dim3A_4100 : vector<16x1xi32> to vector<16xi32>
          %gather3A_4102 = tpu.dynamic_gather %add3A_4079[%gather3A_4101] in [0] : vector<16xi32>, vector<16xi32> -> vector<16xi32>
          %le3A_4103 = arith.cmpi sle, %gather3A_4102, %iota3A : vector<16xi32>
          %jit3A_4104 = arith.constant 4 : i32
          %jit3A_4105 = arith.constant 0 : i32
          %broadcast_in_dim3A_4106 = vector.broadcast %jit3A_4104 : i32 to vector<16xi32>
          %broadcast_in_dim3A_4107 = vector.broadcast %jit3A_4105 : i32 to vector<16xi32>
          %select_n3A_4108 = arith.select %le3A_4103, %broadcast_in_dim3A_4106, %broadcast_in_dim3A_4107 : vector<16xi1>, vector<16xi32>
          %add3A_4109 = arith.addi %add3A_4095, %select_n3A_4108 : vector<16xi32>
          %add3A_4110 = arith.constant 1 : i32
          %add3A_4111 = vector.broadcast %add3A_4110 : i32 to vector<16xi32>
          %add3A_4112 = arith.addi %add3A_4109, %add3A_4111 : vector<16xi32>
          %min3A_4113 = arith.minsi %add3A_4112, %broadcast_in_dim3A_58 : vector<16xi32>
          %broadcast_in_dim3A_4114 = vector.shape_cast %min3A_4113 : vector<16xi32> to vector<16x1xi32>
          %gather3A_4115 = vector.shape_cast %broadcast_in_dim3A_4114 : vector<16x1xi32> to vector<16xi32>
          %gather3A_4116 = tpu.dynamic_gather %add3A_4079[%gather3A_4115] in [0] : vector<16xi32>, vector<16xi32> -> vector<16xi32>
          %le3A_4117 = arith.cmpi sle, %gather3A_4116, %iota3A : vector<16xi32>
          %jit3A_4118 = arith.constant 2 : i32
          %jit3A_4119 = arith.constant 0 : i32
          %broadcast_in_dim3A_4120 = vector.broadcast %jit3A_4118 : i32 to vector<16xi32>
          %broadcast_in_dim3A_4121 = vector.broadcast %jit3A_4119 : i32 to vector<16xi32>
          %select_n3A_4122 = arith.select %le3A_4117, %broadcast_in_dim3A_4120, %broadcast_in_dim3A_4121 : vector<16xi1>, vector<16xi32>
          %add3A_4123 = arith.addi %add3A_4109, %select_n3A_4122 : vector<16xi32>
          %add3A_4124 = arith.constant 0 : i32
          %add3A_4125 = vector.broadcast %add3A_4124 : i32 to vector<16xi32>
          %add3A_4126 = arith.addi %add3A_4123, %add3A_4125 : vector<16xi32>
          %min3A_4127 = arith.minsi %add3A_4126, %broadcast_in_dim3A_58 : vector<16xi32>
          %broadcast_in_dim3A_4128 = vector.shape_cast %min3A_4127 : vector<16xi32> to vector<16x1xi32>
          %gather3A_4129 = vector.shape_cast %broadcast_in_dim3A_4128 : vector<16x1xi32> to vector<16xi32>
          %gather3A_4130 = tpu.dynamic_gather %add3A_4079[%gather3A_4129] in [0] : vector<16xi32>, vector<16xi32> -> vector<16xi32>
          %le3A_4131 = arith.cmpi sle, %gather3A_4130, %iota3A : vector<16xi32>
          %jit3A_4132 = arith.constant 1 : i32
          %jit3A_4133 = arith.constant 0 : i32
          %broadcast_in_dim3A_4134 = vector.broadcast %jit3A_4132 : i32 to vector<16xi32>
          %broadcast_in_dim3A_4135 = vector.broadcast %jit3A_4133 : i32 to vector<16xi32>
          %select_n3A_4136 = arith.select %le3A_4131, %broadcast_in_dim3A_4134, %broadcast_in_dim3A_4135 : vector<16xi1>, vector<16xi32>
          %add3A_4137 = arith.addi %add3A_4123, %select_n3A_4136 : vector<16xi32>
          %broadcast_in_dim3A_4138 = vector.shape_cast %add3A_4137 : vector<16xi32> to vector<16x1xi32>
          %gather3A_4139 = vector.shape_cast %broadcast_in_dim3A_4138 : vector<16x1xi32> to vector<16xi32>
          %gather3A_4140 = tpu.dynamic_gather %add3A_3627[%gather3A_4139] in [0] : vector<16xi32>, vector<16xi32> -> vector<16xi32>
          %slice3A_4141 = vector.extract_strided_slice %add3A_4079 {offsets = [15], sizes = [1], strides = [1]} : vector<16xi32> to vector<1xi32>
          %squeeze3A_4142 = vector.extract %slice3A_4141[0] : i32 from vector<1xi32>
          %min3A_4143 = arith.constant 32 : i32
          %min3A_4144 = arith.minsi %add3A_3609, %min3A_4143 : i32
          %swap3A_4145 = arith.constant 3 : i32
          %swap3A_4146 = arith.index_cast %swap3A_4145 : i32 to index
          %swap3A_4147 = arith.index_cast %min3A_4144 : i32 to index
          %swap3A_4148 = tpu.vector_load %arg9[%swap3A_4146, %swap3A_4147] {strides = array<i32>} : memref<4x64xi32, #tpu.memory_space<vmem>>, vector<1x16xi32>,
          %swap3A_4149 = vector.shape_cast %swap3A_4148 : vector<1x16xi32> to vector<16xi32>
          %swap3A_4150 = vector.shape_cast %gather3A_4140 : vector<16xi32> to vector<1x16xi32>
          tpu.vector_store %arg9[%swap3A_4146, %swap3A_4147], %swap3A_4150 {strides = array<i32>} : memref<4x64xi32, #tpu.memory_space<vmem>>, vector<1x16xi32>,
          %add3A_4151 = arith.addi %add3A_3609, %squeeze3A_4142 : i32
          %mul3A_4152 = arith.constant 8 : i32
          %mul3A_4153 = arith.muli %scan3A_342, %mul3A_4152 : i32
          %add3A_4154 = arith.constant 7 : i32
          %add3A_4155 = arith.addi %mul3A_4153, %add3A_4154 : i32
          %mul3A_4156 = arith.constant 16 : i32
          %mul3A_4157 = arith.muli %add3A_4155, %mul3A_4156 : i32
          %get3A_4158 = arith.index_cast %mul3A_4157 : i32 to index
          %get3A_4159 = tpu.vector_load %arg6[%get3A_4158] {strides = array<i32>} : memref<4112xf32, #tpu.memory_space<vmem>>, vector<16xf32>,
          %get3A_4160 = vector.shape_cast %get3A_4159 : vector<16xf32> to vector<16xf32>
          %get3A_4161 = arith.index_cast %mul3A_4157 : i32 to index
          %get3A_4162 = tpu.vector_load %arg7[%get3A_4161] {strides = array<i32>} : memref<4112xf32, #tpu.memory_space<vmem>>, vector<16xf32>,
          %get3A_4163 = vector.shape_cast %get3A_4162 : vector<16xf32> to vector<16xf32>
          %get3A_4164 = arith.index_cast %mul3A_4157 : i32 to index
          %get3A_4165 = tpu.vector_load %arg8[%get3A_4164] {strides = array<i32>} : memref<4112xf32, #tpu.memory_space<vmem>>, vector<16xf32>,
          %get3A_4166 = vector.shape_cast %get3A_4165 : vector<16xf32> to vector<16xf32>
          %add3A_4167 = arith.addi %mul3A_34, %mul3A_4157 : i32
          %add3A_4168 = vector.broadcast %add3A_4167 : i32 to vector<16xi32>
          %add3A_4169 = arith.addi %add3A_4168, %iota3A : vector<16xi32>
          %sub3A_4170 = vector.broadcast %squeeze3A : f32 to vector<16xf32>
          %sub3A_4171 = arith.subf %get3A_4160, %sub3A_4170 : vector<16xf32>
          %sub3A_4172 = vector.broadcast %squeeze3A_93 : f32 to vector<16xf32>
          %sub3A_4173 = arith.subf %get3A_4163, %sub3A_4172 : vector<16xf32>
          %sub3A_4174 = vector.broadcast %squeeze3A_99 : f32 to vector<16xf32>
          %sub3A_4175 = arith.subf %get3A_4166, %sub3A_4174 : vector<16xf32>
          %mul3A_4176 = arith.mulf %sub3A_4171, %sub3A_4171 : vector<16xf32>
          %mul3A_4177 = arith.mulf %sub3A_4173, %sub3A_4173 : vector<16xf32>
          %add3A_4178 = arith.addf %mul3A_4176, %mul3A_4177 : vector<16xf32>
          %mul3A_4179 = arith.mulf %sub3A_4175, %sub3A_4175 : vector<16xf32>
          %add3A_4180 = arith.addf %add3A_4178, %mul3A_4179 : vector<16xf32>
          %lt3A_4181 = arith.constant 4.000000e-02 : f32
          %lt3A_4182 = vector.broadcast %lt3A_4181 : f32 to vector<16xf32>
          %lt3A_4183 = arith.cmpf olt, %add3A_4180, %lt3A_4182 : vector<16xf32>
          %jit3A_4184 = arith.constant 1 : i32
          %jit3A_4185 = arith.constant 0 : i32
          %broadcast_in_dim3A_4186 = vector.broadcast %jit3A_4184 : i32 to vector<16xi32>
          %broadcast_in_dim3A_4187 = vector.broadcast %jit3A_4185 : i32 to vector<16xi32>
          %select_n3A_4188 = arith.select %lt3A_4183, %broadcast_in_dim3A_4186, %broadcast_in_dim3A_4187 : vector<16xi1>, vector<16xi32>
          %ge3A_4189 = arith.constant 1 : i32
          %ge3A_4190 = vector.broadcast %ge3A_4189 : i32 to vector<16xi32>
          %ge3A_4191 = arith.cmpi sge, %iota3A, %ge3A_4190 : vector<16xi32>
          %broadcast_in_dim3A_4192 = vector.shape_cast %max3A_39 : vector<16xi32> to vector<16x1xi32>
          %gather3A_4193 = vector.shape_cast %broadcast_in_dim3A_4192 : vector<16x1xi32> to vector<16xi32>
          %gather3A_4194 = tpu.dynamic_gather %select_n3A_4188[%gather3A_4193] in [0] : vector<16xi32>, vector<16xi32> -> vector<16xi32>
          %jit3A_4195 = arith.constant 0 : i32
          %broadcast_in_dim3A_4196 = vector.broadcast %jit3A_4195 : i32 to vector<16xi32>
          %select_n3A_4197 = arith.select %ge3A_4191, %gather3A_4194, %broadcast_in_dim3A_4196 : vector<16xi1>, vector<16xi32>
          %add3A_4198 = arith.addi %select_n3A_4188, %select_n3A_4197 : vector<16xi32>
          %ge3A_4199 = arith.constant 2 : i32
          %ge3A_4200 = vector.broadcast %ge3A_4199 : i32 to vector<16xi32>
          %ge3A_4201 = arith.cmpi sge, %iota3A, %ge3A_4200 : vector<16xi32>
          %broadcast_in_dim3A_4202 = vector.shape_cast %max3A_45 : vector<16xi32> to vector<16x1xi32>
          %gather3A_4203 = vector.shape_cast %broadcast_in_dim3A_4202 : vector<16x1xi32> to vector<16xi32>
          %gather3A_4204 = tpu.dynamic_gather %add3A_4198[%gather3A_4203] in [0] : vector<16xi32>, vector<16xi32> -> vector<16xi32>
          %jit3A_4205 = arith.constant 0 : i32
          %broadcast_in_dim3A_4206 = vector.broadcast %jit3A_4205 : i32 to vector<16xi32>
          %select_n3A_4207 = arith.select %ge3A_4201, %gather3A_4204, %broadcast_in_dim3A_4206 : vector<16xi1>, vector<16xi32>
          %add3A_4208 = arith.addi %add3A_4198, %select_n3A_4207 : vector<16xi32>
          %ge3A_4209 = arith.constant 4 : i32
          %ge3A_4210 = vector.broadcast %ge3A_4209 : i32 to vector<16xi32>
          %ge3A_4211 = arith.cmpi sge, %iota3A, %ge3A_4210 : vector<16xi32>
          %broadcast_in_dim3A_4212 = vector.shape_cast %max3A_51 : vector<16xi32> to vector<16x1xi32>
          %gather3A_4213 = vector.shape_cast %broadcast_in_dim3A_4212 : vector<16x1xi32> to vector<16xi32>
          %gather3A_4214 = tpu.dynamic_gather %add3A_4208[%gather3A_4213] in [0] : vector<16xi32>, vector<16xi32> -> vector<16xi32>
          %jit3A_4215 = arith.constant 0 : i32
          %broadcast_in_dim3A_4216 = vector.broadcast %jit3A_4215 : i32 to vector<16xi32>
          %select_n3A_4217 = arith.select %ge3A_4211, %gather3A_4214, %broadcast_in_dim3A_4216 : vector<16xi1>, vector<16xi32>
          %add3A_4218 = arith.addi %add3A_4208, %select_n3A_4217 : vector<16xi32>
          %ge3A_4219 = arith.constant 8 : i32
          %ge3A_4220 = vector.broadcast %ge3A_4219 : i32 to vector<16xi32>
          %ge3A_4221 = arith.cmpi sge, %iota3A, %ge3A_4220 : vector<16xi32>
          %broadcast_in_dim3A_4222 = vector.shape_cast %max3A_57 : vector<16xi32> to vector<16x1xi32>
          %gather3A_4223 = vector.shape_cast %broadcast_in_dim3A_4222 : vector<16x1xi32> to vector<16xi32>
          %gather3A_4224 = tpu.dynamic_gather %add3A_4218[%gather3A_4223] in [0] : vector<16xi32>, vector<16xi32> -> vector<16xi32>
          %jit3A_4225 = arith.constant 0 : i32
          %broadcast_in_dim3A_4226 = vector.broadcast %jit3A_4225 : i32 to vector<16xi32>
          %select_n3A_4227 = arith.select %ge3A_4221, %gather3A_4224, %broadcast_in_dim3A_4226 : vector<16xi1>, vector<16xi32>
          %add3A_4228 = arith.addi %add3A_4218, %select_n3A_4227 : vector<16xi32>
          %broadcast_in_dim3A_4229 = arith.constant 0 : i32
          %broadcast_in_dim3A_4230 = vector.broadcast %broadcast_in_dim3A_4229 : i32 to vector<16xi32>
          %add3A_4231 = arith.constant 7 : i32
          %add3A_4232 = vector.broadcast %add3A_4231 : i32 to vector<16xi32>
          %add3A_4233 = arith.addi %broadcast_in_dim3A_4230, %add3A_4232 : vector<16xi32>
          %min3A_4234 = arith.minsi %add3A_4233, %broadcast_in_dim3A_58 : vector<16xi32>
          %broadcast_in_dim3A_4235 = vector.shape_cast %min3A_4234 : vector<16xi32> to vector<16x1xi32>
          %gather3A_4236 = vector.shape_cast %broadcast_in_dim3A_4235 : vector<16x1xi32> to vector<16xi32>
          %gather3A_4237 = tpu.dynamic_gather %add3A_4228[%gather3A_4236] in [0] : vector<16xi32>, vector<16xi32> -> vector<16xi32>
          %le3A_4238 = arith.cmpi sle, %gather3A_4237, %iota3A : vector<16xi32>
          %jit3A_4239 = arith.constant 8 : i32
          %jit3A_4240 = arith.constant 0 : i32
          %broadcast_in_dim3A_4241 = vector.broadcast %jit3A_4239 : i32 to vector<16xi32>
          %broadcast_in_dim3A_4242 = vector.broadcast %jit3A_4240 : i32 to vector<16xi32>
          %select_n3A_4243 = arith.select %le3A_4238, %broadcast_in_dim3A_4241, %broadcast_in_dim3A_4242 : vector<16xi1>, vector<16xi32>
          %add3A_4244 = arith.addi %broadcast_in_dim3A_4230, %select_n3A_4243 : vector<16xi32>
          %add3A_4245 = arith.constant 3 : i32
          %add3A_4246 = vector.broadcast %add3A_4245 : i32 to vector<16xi32>
          %add3A_4247 = arith.addi %add3A_4244, %add3A_4246 : vector<16xi32>
          %min3A_4248 = arith.minsi %add3A_4247, %broadcast_in_dim3A_58 : vector<16xi32>
          %broadcast_in_dim3A_4249 = vector.shape_cast %min3A_4248 : vector<16xi32> to vector<16x1xi32>
          %gather3A_4250 = vector.shape_cast %broadcast_in_dim3A_4249 : vector<16x1xi32> to vector<16xi32>
          %gather3A_4251 = tpu.dynamic_gather %add3A_4228[%gather3A_4250] in [0] : vector<16xi32>, vector<16xi32> -> vector<16xi32>
          %le3A_4252 = arith.cmpi sle, %gather3A_4251, %iota3A : vector<16xi32>
          %jit3A_4253 = arith.constant 4 : i32
          %jit3A_4254 = arith.constant 0 : i32
          %broadcast_in_dim3A_4255 = vector.broadcast %jit3A_4253 : i32 to vector<16xi32>
          %broadcast_in_dim3A_4256 = vector.broadcast %jit3A_4254 : i32 to vector<16xi32>
          %select_n3A_4257 = arith.select %le3A_4252, %broadcast_in_dim3A_4255, %broadcast_in_dim3A_4256 : vector<16xi1>, vector<16xi32>
          %add3A_4258 = arith.addi %add3A_4244, %select_n3A_4257 : vector<16xi32>
          %add3A_4259 = arith.constant 1 : i32
          %add3A_4260 = vector.broadcast %add3A_4259 : i32 to vector<16xi32>
          %add3A_4261 = arith.addi %add3A_4258, %add3A_4260 : vector<16xi32>
          %min3A_4262 = arith.minsi %add3A_4261, %broadcast_in_dim3A_58 : vector<16xi32>
          %broadcast_in_dim3A_4263 = vector.shape_cast %min3A_4262 : vector<16xi32> to vector<16x1xi32>
          %gather3A_4264 = vector.shape_cast %broadcast_in_dim3A_4263 : vector<16x1xi32> to vector<16xi32>
          %gather3A_4265 = tpu.dynamic_gather %add3A_4228[%gather3A_4264] in [0] : vector<16xi32>, vector<16xi32> -> vector<16xi32>
          %le3A_4266 = arith.cmpi sle, %gather3A_4265, %iota3A : vector<16xi32>
          %jit3A_4267 = arith.constant 2 : i32
          %jit3A_4268 = arith.constant 0 : i32
          %broadcast_in_dim3A_4269 = vector.broadcast %jit3A_4267 : i32 to vector<16xi32>
          %broadcast_in_dim3A_4270 = vector.broadcast %jit3A_4268 : i32 to vector<16xi32>
          %select_n3A_4271 = arith.select %le3A_4266, %broadcast_in_dim3A_4269, %broadcast_in_dim3A_4270 : vector<16xi1>, vector<16xi32>
          %add3A_4272 = arith.addi %add3A_4258, %select_n3A_4271 : vector<16xi32>
          %add3A_4273 = arith.constant 0 : i32
          %add3A_4274 = vector.broadcast %add3A_4273 : i32 to vector<16xi32>
          %add3A_4275 = arith.addi %add3A_4272, %add3A_4274 : vector<16xi32>
          %min3A_4276 = arith.minsi %add3A_4275, %broadcast_in_dim3A_58 : vector<16xi32>
          %broadcast_in_dim3A_4277 = vector.shape_cast %min3A_4276 : vector<16xi32> to vector<16x1xi32>
          %gather3A_4278 = vector.shape_cast %broadcast_in_dim3A_4277 : vector<16x1xi32> to vector<16xi32>
          %gather3A_4279 = tpu.dynamic_gather %add3A_4228[%gather3A_4278] in [0] : vector<16xi32>, vector<16xi32> -> vector<16xi32>
          %le3A_4280 = arith.cmpi sle, %gather3A_4279, %iota3A : vector<16xi32>
          %jit3A_4281 = arith.constant 1 : i32
          %jit3A_4282 = arith.constant 0 : i32
          %broadcast_in_dim3A_4283 = vector.broadcast %jit3A_4281 : i32 to vector<16xi32>
          %broadcast_in_dim3A_4284 = vector.broadcast %jit3A_4282 : i32 to vector<16xi32>
          %select_n3A_4285 = arith.select %le3A_4280, %broadcast_in_dim3A_4283, %broadcast_in_dim3A_4284 : vector<16xi1>, vector<16xi32>
          %add3A_4286 = arith.addi %add3A_4272, %select_n3A_4285 : vector<16xi32>
          %broadcast_in_dim3A_4287 = vector.shape_cast %add3A_4286 : vector<16xi32> to vector<16x1xi32>
          %gather3A_4288 = vector.shape_cast %broadcast_in_dim3A_4287 : vector<16x1xi32> to vector<16xi32>
          %gather3A_4289 = tpu.dynamic_gather %add3A_4169[%gather3A_4288] in [0] : vector<16xi32>, vector<16xi32> -> vector<16xi32>
          %slice3A_4290 = vector.extract_strided_slice %add3A_4228 {offsets = [15], sizes = [1], strides = [1]} : vector<16xi32> to vector<1xi32>
          %squeeze3A_4291 = vector.extract %slice3A_4290[0] : i32 from vector<1xi32>
          %min3A_4292 = arith.constant 32 : i32
          %min3A_4293 = arith.minsi %add3A_3758, %min3A_4292 : i32
          %swap3A_4294 = arith.constant 0 : i32
          %swap3A_4295 = arith.index_cast %swap3A_4294 : i32 to index
          %swap3A_4296 = arith.index_cast %min3A_4293 : i32 to index
          %swap3A_4297 = tpu.vector_load %arg9[%swap3A_4295, %swap3A_4296] {strides = array<i32>} : memref<4x64xi32, #tpu.memory_space<vmem>>, vector<1x16xi32>,
          %swap3A_4298 = vector.shape_cast %swap3A_4297 : vector<1x16xi32> to vector<16xi32>
          %swap3A_4299 = vector.shape_cast %gather3A_4289 : vector<16xi32> to vector<1x16xi32>
          tpu.vector_store %arg9[%swap3A_4295, %swap3A_4296], %swap3A_4299 {strides = array<i32>} : memref<4x64xi32, #tpu.memory_space<vmem>>, vector<1x16xi32>,
          %add3A_4300 = arith.addi %add3A_3758, %squeeze3A_4291 : i32
          %sub3A_4301 = vector.broadcast %squeeze3A_105 : f32 to vector<16xf32>
          %sub3A_4302 = arith.subf %get3A_4160, %sub3A_4301 : vector<16xf32>
          %sub3A_4303 = vector.broadcast %squeeze3A_111 : f32 to vector<16xf32>
          %sub3A_4304 = arith.subf %get3A_4163, %sub3A_4303 : vector<16xf32>
          %sub3A_4305 = vector.broadcast %squeeze3A_117 : f32 to vector<16xf32>
          %sub3A_4306 = arith.subf %get3A_4166, %sub3A_4305 : vector<16xf32>
          %mul3A_4307 = arith.mulf %sub3A_4302, %sub3A_4302 : vector<16xf32>
          %mul3A_4308 = arith.mulf %sub3A_4304, %sub3A_4304 : vector<16xf32>
          %add3A_4309 = arith.addf %mul3A_4307, %mul3A_4308 : vector<16xf32>
          %mul3A_4310 = arith.mulf %sub3A_4306, %sub3A_4306 : vector<16xf32>
          %add3A_4311 = arith.addf %add3A_4309, %mul3A_4310 : vector<16xf32>
          %lt3A_4312 = arith.constant 4.000000e-02 : f32
          %lt3A_4313 = vector.broadcast %lt3A_4312 : f32 to vector<16xf32>
          %lt3A_4314 = arith.cmpf olt, %add3A_4311, %lt3A_4313 : vector<16xf32>
          %jit3A_4315 = arith.constant 1 : i32
          %jit3A_4316 = arith.constant 0 : i32
          %broadcast_in_dim3A_4317 = vector.broadcast %jit3A_4315 : i32 to vector<16xi32>
          %broadcast_in_dim3A_4318 = vector.broadcast %jit3A_4316 : i32 to vector<16xi32>
          %select_n3A_4319 = arith.select %lt3A_4314, %broadcast_in_dim3A_4317, %broadcast_in_dim3A_4318 : vector<16xi1>, vector<16xi32>
          %ge3A_4320 = arith.constant 1 : i32
          %ge3A_4321 = vector.broadcast %ge3A_4320 : i32 to vector<16xi32>
          %ge3A_4322 = arith.cmpi sge, %iota3A, %ge3A_4321 : vector<16xi32>
          %broadcast_in_dim3A_4323 = vector.shape_cast %max3A_39 : vector<16xi32> to vector<16x1xi32>
          %gather3A_4324 = vector.shape_cast %broadcast_in_dim3A_4323 : vector<16x1xi32> to vector<16xi32>
          %gather3A_4325 = tpu.dynamic_gather %select_n3A_4319[%gather3A_4324] in [0] : vector<16xi32>, vector<16xi32> -> vector<16xi32>
          %jit3A_4326 = arith.constant 0 : i32
          %broadcast_in_dim3A_4327 = vector.broadcast %jit3A_4326 : i32 to vector<16xi32>
          %select_n3A_4328 = arith.select %ge3A_4322, %gather3A_4325, %broadcast_in_dim3A_4327 : vector<16xi1>, vector<16xi32>
          %add3A_4329 = arith.addi %select_n3A_4319, %select_n3A_4328 : vector<16xi32>
          %ge3A_4330 = arith.constant 2 : i32
          %ge3A_4331 = vector.broadcast %ge3A_4330 : i32 to vector<16xi32>
          %ge3A_4332 = arith.cmpi sge, %iota3A, %ge3A_4331 : vector<16xi32>
          %broadcast_in_dim3A_4333 = vector.shape_cast %max3A_45 : vector<16xi32> to vector<16x1xi32>
          %gather3A_4334 = vector.shape_cast %broadcast_in_dim3A_4333 : vector<16x1xi32> to vector<16xi32>
          %gather3A_4335 = tpu.dynamic_gather %add3A_4329[%gather3A_4334] in [0] : vector<16xi32>, vector<16xi32> -> vector<16xi32>
          %jit3A_4336 = arith.constant 0 : i32
          %broadcast_in_dim3A_4337 = vector.broadcast %jit3A_4336 : i32 to vector<16xi32>
          %select_n3A_4338 = arith.select %ge3A_4332, %gather3A_4335, %broadcast_in_dim3A_4337 : vector<16xi1>, vector<16xi32>
          %add3A_4339 = arith.addi %add3A_4329, %select_n3A_4338 : vector<16xi32>
          %ge3A_4340 = arith.constant 4 : i32
          %ge3A_4341 = vector.broadcast %ge3A_4340 : i32 to vector<16xi32>
          %ge3A_4342 = arith.cmpi sge, %iota3A, %ge3A_4341 : vector<16xi32>
          %broadcast_in_dim3A_4343 = vector.shape_cast %max3A_51 : vector<16xi32> to vector<16x1xi32>
          %gather3A_4344 = vector.shape_cast %broadcast_in_dim3A_4343 : vector<16x1xi32> to vector<16xi32>
          %gather3A_4345 = tpu.dynamic_gather %add3A_4339[%gather3A_4344] in [0] : vector<16xi32>, vector<16xi32> -> vector<16xi32>
          %jit3A_4346 = arith.constant 0 : i32
          %broadcast_in_dim3A_4347 = vector.broadcast %jit3A_4346 : i32 to vector<16xi32>
          %select_n3A_4348 = arith.select %ge3A_4342, %gather3A_4345, %broadcast_in_dim3A_4347 : vector<16xi1>, vector<16xi32>
          %add3A_4349 = arith.addi %add3A_4339, %select_n3A_4348 : vector<16xi32>
          %ge3A_4350 = arith.constant 8 : i32
          %ge3A_4351 = vector.broadcast %ge3A_4350 : i32 to vector<16xi32>
          %ge3A_4352 = arith.cmpi sge, %iota3A, %ge3A_4351 : vector<16xi32>
          %broadcast_in_dim3A_4353 = vector.shape_cast %max3A_57 : vector<16xi32> to vector<16x1xi32>
          %gather3A_4354 = vector.shape_cast %broadcast_in_dim3A_4353 : vector<16x1xi32> to vector<16xi32>
          %gather3A_4355 = tpu.dynamic_gather %add3A_4349[%gather3A_4354] in [0] : vector<16xi32>, vector<16xi32> -> vector<16xi32>
          %jit3A_4356 = arith.constant 0 : i32
          %broadcast_in_dim3A_4357 = vector.broadcast %jit3A_4356 : i32 to vector<16xi32>
          %select_n3A_4358 = arith.select %ge3A_4352, %gather3A_4355, %broadcast_in_dim3A_4357 : vector<16xi1>, vector<16xi32>
          %add3A_4359 = arith.addi %add3A_4349, %select_n3A_4358 : vector<16xi32>
          %broadcast_in_dim3A_4360 = arith.constant 0 : i32
          %broadcast_in_dim3A_4361 = vector.broadcast %broadcast_in_dim3A_4360 : i32 to vector<16xi32>
          %add3A_4362 = arith.constant 7 : i32
          %add3A_4363 = vector.broadcast %add3A_4362 : i32 to vector<16xi32>
          %add3A_4364 = arith.addi %broadcast_in_dim3A_4361, %add3A_4363 : vector<16xi32>
          %min3A_4365 = arith.minsi %add3A_4364, %broadcast_in_dim3A_58 : vector<16xi32>
          %broadcast_in_dim3A_4366 = vector.shape_cast %min3A_4365 : vector<16xi32> to vector<16x1xi32>
          %gather3A_4367 = vector.shape_cast %broadcast_in_dim3A_4366 : vector<16x1xi32> to vector<16xi32>
          %gather3A_4368 = tpu.dynamic_gather %add3A_4359[%gather3A_4367] in [0] : vector<16xi32>, vector<16xi32> -> vector<16xi32>
          %le3A_4369 = arith.cmpi sle, %gather3A_4368, %iota3A : vector<16xi32>
          %jit3A_4370 = arith.constant 8 : i32
          %jit3A_4371 = arith.constant 0 : i32
          %broadcast_in_dim3A_4372 = vector.broadcast %jit3A_4370 : i32 to vector<16xi32>
          %broadcast_in_dim3A_4373 = vector.broadcast %jit3A_4371 : i32 to vector<16xi32>
          %select_n3A_4374 = arith.select %le3A_4369, %broadcast_in_dim3A_4372, %broadcast_in_dim3A_4373 : vector<16xi1>, vector<16xi32>
          %add3A_4375 = arith.addi %broadcast_in_dim3A_4361, %select_n3A_4374 : vector<16xi32>
          %add3A_4376 = arith.constant 3 : i32
          %add3A_4377 = vector.broadcast %add3A_4376 : i32 to vector<16xi32>
          %add3A_4378 = arith.addi %add3A_4375, %add3A_4377 : vector<16xi32>
          %min3A_4379 = arith.minsi %add3A_4378, %broadcast_in_dim3A_58 : vector<16xi32>
          %broadcast_in_dim3A_4380 = vector.shape_cast %min3A_4379 : vector<16xi32> to vector<16x1xi32>
          %gather3A_4381 = vector.shape_cast %broadcast_in_dim3A_4380 : vector<16x1xi32> to vector<16xi32>
          %gather3A_4382 = tpu.dynamic_gather %add3A_4359[%gather3A_4381] in [0] : vector<16xi32>, vector<16xi32> -> vector<16xi32>
          %le3A_4383 = arith.cmpi sle, %gather3A_4382, %iota3A : vector<16xi32>
          %jit3A_4384 = arith.constant 4 : i32
          %jit3A_4385 = arith.constant 0 : i32
          %broadcast_in_dim3A_4386 = vector.broadcast %jit3A_4384 : i32 to vector<16xi32>
          %broadcast_in_dim3A_4387 = vector.broadcast %jit3A_4385 : i32 to vector<16xi32>
          %select_n3A_4388 = arith.select %le3A_4383, %broadcast_in_dim3A_4386, %broadcast_in_dim3A_4387 : vector<16xi1>, vector<16xi32>
          %add3A_4389 = arith.addi %add3A_4375, %select_n3A_4388 : vector<16xi32>
          %add3A_4390 = arith.constant 1 : i32
          %add3A_4391 = vector.broadcast %add3A_4390 : i32 to vector<16xi32>
          %add3A_4392 = arith.addi %add3A_4389, %add3A_4391 : vector<16xi32>
          %min3A_4393 = arith.minsi %add3A_4392, %broadcast_in_dim3A_58 : vector<16xi32>
          %broadcast_in_dim3A_4394 = vector.shape_cast %min3A_4393 : vector<16xi32> to vector<16x1xi32>
          %gather3A_4395 = vector.shape_cast %broadcast_in_dim3A_4394 : vector<16x1xi32> to vector<16xi32>
          %gather3A_4396 = tpu.dynamic_gather %add3A_4359[%gather3A_4395] in [0] : vector<16xi32>, vector<16xi32> -> vector<16xi32>
          %le3A_4397 = arith.cmpi sle, %gather3A_4396, %iota3A : vector<16xi32>
          %jit3A_4398 = arith.constant 2 : i32
          %jit3A_4399 = arith.constant 0 : i32
          %broadcast_in_dim3A_4400 = vector.broadcast %jit3A_4398 : i32 to vector<16xi32>
          %broadcast_in_dim3A_4401 = vector.broadcast %jit3A_4399 : i32 to vector<16xi32>
          %select_n3A_4402 = arith.select %le3A_4397, %broadcast_in_dim3A_4400, %broadcast_in_dim3A_4401 : vector<16xi1>, vector<16xi32>
          %add3A_4403 = arith.addi %add3A_4389, %select_n3A_4402 : vector<16xi32>
          %add3A_4404 = arith.constant 0 : i32
          %add3A_4405 = vector.broadcast %add3A_4404 : i32 to vector<16xi32>
          %add3A_4406 = arith.addi %add3A_4403, %add3A_4405 : vector<16xi32>
          %min3A_4407 = arith.minsi %add3A_4406, %broadcast_in_dim3A_58 : vector<16xi32>
          %broadcast_in_dim3A_4408 = vector.shape_cast %min3A_4407 : vector<16xi32> to vector<16x1xi32>
          %gather3A_4409 = vector.shape_cast %broadcast_in_dim3A_4408 : vector<16x1xi32> to vector<16xi32>
          %gather3A_4410 = tpu.dynamic_gather %add3A_4359[%gather3A_4409] in [0] : vector<16xi32>, vector<16xi32> -> vector<16xi32>
          %le3A_4411 = arith.cmpi sle, %gather3A_4410, %iota3A : vector<16xi32>
          %jit3A_4412 = arith.constant 1 : i32
          %jit3A_4413 = arith.constant 0 : i32
          %broadcast_in_dim3A_4414 = vector.broadcast %jit3A_4412 : i32 to vector<16xi32>
          %broadcast_in_dim3A_4415 = vector.broadcast %jit3A_4413 : i32 to vector<16xi32>
          %select_n3A_4416 = arith.select %le3A_4411, %broadcast_in_dim3A_4414, %broadcast_in_dim3A_4415 : vector<16xi1>, vector<16xi32>
          %add3A_4417 = arith.addi %add3A_4403, %select_n3A_4416 : vector<16xi32>
          %broadcast_in_dim3A_4418 = vector.shape_cast %add3A_4417 : vector<16xi32> to vector<16x1xi32>
          %gather3A_4419 = vector.shape_cast %broadcast_in_dim3A_4418 : vector<16x1xi32> to vector<16xi32>
          %gather3A_4420 = tpu.dynamic_gather %add3A_4169[%gather3A_4419] in [0] : vector<16xi32>, vector<16xi32> -> vector<16xi32>
          %slice3A_4421 = vector.extract_strided_slice %add3A_4359 {offsets = [15], sizes = [1], strides = [1]} : vector<16xi32> to vector<1xi32>
          %squeeze3A_4422 = vector.extract %slice3A_4421[0] : i32 from vector<1xi32>
          %min3A_4423 = arith.constant 32 : i32
          %min3A_4424 = arith.minsi %add3A_3889, %min3A_4423 : i32
          %swap3A_4425 = arith.constant 1 : i32
          %swap3A_4426 = arith.index_cast %swap3A_4425 : i32 to index
          %swap3A_4427 = arith.index_cast %min3A_4424 : i32 to index
          %swap3A_4428 = tpu.vector_load %arg9[%swap3A_4426, %swap3A_4427] {strides = array<i32>} : memref<4x64xi32, #tpu.memory_space<vmem>>, vector<1x16xi32>,
          %swap3A_4429 = vector.shape_cast %swap3A_4428 : vector<1x16xi32> to vector<16xi32>
          %swap3A_4430 = vector.shape_cast %gather3A_4420 : vector<16xi32> to vector<1x16xi32>
          tpu.vector_store %arg9[%swap3A_4426, %swap3A_4427], %swap3A_4430 {strides = array<i32>} : memref<4x64xi32, #tpu.memory_space<vmem>>, vector<1x16xi32>,
          %add3A_4431 = arith.addi %add3A_3889, %squeeze3A_4422 : i32
          %sub3A_4432 = vector.broadcast %squeeze3A_123 : f32 to vector<16xf32>
          %sub3A_4433 = arith.subf %get3A_4160, %sub3A_4432 : vector<16xf32>
          %sub3A_4434 = vector.broadcast %squeeze3A_129 : f32 to vector<16xf32>
          %sub3A_4435 = arith.subf %get3A_4163, %sub3A_4434 : vector<16xf32>
          %sub3A_4436 = vector.broadcast %squeeze3A_135 : f32 to vector<16xf32>
          %sub3A_4437 = arith.subf %get3A_4166, %sub3A_4436 : vector<16xf32>
          %mul3A_4438 = arith.mulf %sub3A_4433, %sub3A_4433 : vector<16xf32>
          %mul3A_4439 = arith.mulf %sub3A_4435, %sub3A_4435 : vector<16xf32>
          %add3A_4440 = arith.addf %mul3A_4438, %mul3A_4439 : vector<16xf32>
          %mul3A_4441 = arith.mulf %sub3A_4437, %sub3A_4437 : vector<16xf32>
          %add3A_4442 = arith.addf %add3A_4440, %mul3A_4441 : vector<16xf32>
          %lt3A_4443 = arith.constant 4.000000e-02 : f32
          %lt3A_4444 = vector.broadcast %lt3A_4443 : f32 to vector<16xf32>
          %lt3A_4445 = arith.cmpf olt, %add3A_4442, %lt3A_4444 : vector<16xf32>
          %jit3A_4446 = arith.constant 1 : i32
          %jit3A_4447 = arith.constant 0 : i32
          %broadcast_in_dim3A_4448 = vector.broadcast %jit3A_4446 : i32 to vector<16xi32>
          %broadcast_in_dim3A_4449 = vector.broadcast %jit3A_4447 : i32 to vector<16xi32>
          %select_n3A_4450 = arith.select %lt3A_4445, %broadcast_in_dim3A_4448, %broadcast_in_dim3A_4449 : vector<16xi1>, vector<16xi32>
          %ge3A_4451 = arith.constant 1 : i32
          %ge3A_4452 = vector.broadcast %ge3A_4451 : i32 to vector<16xi32>
          %ge3A_4453 = arith.cmpi sge, %iota3A, %ge3A_4452 : vector<16xi32>
          %broadcast_in_dim3A_4454 = vector.shape_cast %max3A_39 : vector<16xi32> to vector<16x1xi32>
          %gather3A_4455 = vector.shape_cast %broadcast_in_dim3A_4454 : vector<16x1xi32> to vector<16xi32>
          %gather3A_4456 = tpu.dynamic_gather %select_n3A_4450[%gather3A_4455] in [0] : vector<16xi32>, vector<16xi32> -> vector<16xi32>
          %jit3A_4457 = arith.constant 0 : i32
          %broadcast_in_dim3A_4458 = vector.broadcast %jit3A_4457 : i32 to vector<16xi32>
          %select_n3A_4459 = arith.select %ge3A_4453, %gather3A_4456, %broadcast_in_dim3A_4458 : vector<16xi1>, vector<16xi32>
          %add3A_4460 = arith.addi %select_n3A_4450, %select_n3A_4459 : vector<16xi32>
          %ge3A_4461 = arith.constant 2 : i32
          %ge3A_4462 = vector.broadcast %ge3A_4461 : i32 to vector<16xi32>
          %ge3A_4463 = arith.cmpi sge, %iota3A, %ge3A_4462 : vector<16xi32>
          %broadcast_in_dim3A_4464 = vector.shape_cast %max3A_45 : vector<16xi32> to vector<16x1xi32>
          %gather3A_4465 = vector.shape_cast %broadcast_in_dim3A_4464 : vector<16x1xi32> to vector<16xi32>
          %gather3A_4466 = tpu.dynamic_gather %add3A_4460[%gather3A_4465] in [0] : vector<16xi32>, vector<16xi32> -> vector<16xi32>
          %jit3A_4467 = arith.constant 0 : i32
          %broadcast_in_dim3A_4468 = vector.broadcast %jit3A_4467 : i32 to vector<16xi32>
          %select_n3A_4469 = arith.select %ge3A_4463, %gather3A_4466, %broadcast_in_dim3A_4468 : vector<16xi1>, vector<16xi32>
          %add3A_4470 = arith.addi %add3A_4460, %select_n3A_4469 : vector<16xi32>
          %ge3A_4471 = arith.constant 4 : i32
          %ge3A_4472 = vector.broadcast %ge3A_4471 : i32 to vector<16xi32>
          %ge3A_4473 = arith.cmpi sge, %iota3A, %ge3A_4472 : vector<16xi32>
          %broadcast_in_dim3A_4474 = vector.shape_cast %max3A_51 : vector<16xi32> to vector<16x1xi32>
          %gather3A_4475 = vector.shape_cast %broadcast_in_dim3A_4474 : vector<16x1xi32> to vector<16xi32>
          %gather3A_4476 = tpu.dynamic_gather %add3A_4470[%gather3A_4475] in [0] : vector<16xi32>, vector<16xi32> -> vector<16xi32>
          %jit3A_4477 = arith.constant 0 : i32
          %broadcast_in_dim3A_4478 = vector.broadcast %jit3A_4477 : i32 to vector<16xi32>
          %select_n3A_4479 = arith.select %ge3A_4473, %gather3A_4476, %broadcast_in_dim3A_4478 : vector<16xi1>, vector<16xi32>
          %add3A_4480 = arith.addi %add3A_4470, %select_n3A_4479 : vector<16xi32>
          %ge3A_4481 = arith.constant 8 : i32
          %ge3A_4482 = vector.broadcast %ge3A_4481 : i32 to vector<16xi32>
          %ge3A_4483 = arith.cmpi sge, %iota3A, %ge3A_4482 : vector<16xi32>
          %broadcast_in_dim3A_4484 = vector.shape_cast %max3A_57 : vector<16xi32> to vector<16x1xi32>
          %gather3A_4485 = vector.shape_cast %broadcast_in_dim3A_4484 : vector<16x1xi32> to vector<16xi32>
          %gather3A_4486 = tpu.dynamic_gather %add3A_4480[%gather3A_4485] in [0] : vector<16xi32>, vector<16xi32> -> vector<16xi32>
          %jit3A_4487 = arith.constant 0 : i32
          %broadcast_in_dim3A_4488 = vector.broadcast %jit3A_4487 : i32 to vector<16xi32>
          %select_n3A_4489 = arith.select %ge3A_4483, %gather3A_4486, %broadcast_in_dim3A_4488 : vector<16xi1>, vector<16xi32>
          %add3A_4490 = arith.addi %add3A_4480, %select_n3A_4489 : vector<16xi32>
          %broadcast_in_dim3A_4491 = arith.constant 0 : i32
          %broadcast_in_dim3A_4492 = vector.broadcast %broadcast_in_dim3A_4491 : i32 to vector<16xi32>
          %add3A_4493 = arith.constant 7 : i32
          %add3A_4494 = vector.broadcast %add3A_4493 : i32 to vector<16xi32>
          %add3A_4495 = arith.addi %broadcast_in_dim3A_4492, %add3A_4494 : vector<16xi32>
          %min3A_4496 = arith.minsi %add3A_4495, %broadcast_in_dim3A_58 : vector<16xi32>
          %broadcast_in_dim3A_4497 = vector.shape_cast %min3A_4496 : vector<16xi32> to vector<16x1xi32>
          %gather3A_4498 = vector.shape_cast %broadcast_in_dim3A_4497 : vector<16x1xi32> to vector<16xi32>
          %gather3A_4499 = tpu.dynamic_gather %add3A_4490[%gather3A_4498] in [0] : vector<16xi32>, vector<16xi32> -> vector<16xi32>
          %le3A_4500 = arith.cmpi sle, %gather3A_4499, %iota3A : vector<16xi32>
          %jit3A_4501 = arith.constant 8 : i32
          %jit3A_4502 = arith.constant 0 : i32
          %broadcast_in_dim3A_4503 = vector.broadcast %jit3A_4501 : i32 to vector<16xi32>
          %broadcast_in_dim3A_4504 = vector.broadcast %jit3A_4502 : i32 to vector<16xi32>
          %select_n3A_4505 = arith.select %le3A_4500, %broadcast_in_dim3A_4503, %broadcast_in_dim3A_4504 : vector<16xi1>, vector<16xi32>
          %add3A_4506 = arith.addi %broadcast_in_dim3A_4492, %select_n3A_4505 : vector<16xi32>
          %add3A_4507 = arith.constant 3 : i32
          %add3A_4508 = vector.broadcast %add3A_4507 : i32 to vector<16xi32>
          %add3A_4509 = arith.addi %add3A_4506, %add3A_4508 : vector<16xi32>
          %min3A_4510 = arith.minsi %add3A_4509, %broadcast_in_dim3A_58 : vector<16xi32>
          %broadcast_in_dim3A_4511 = vector.shape_cast %min3A_4510 : vector<16xi32> to vector<16x1xi32>
          %gather3A_4512 = vector.shape_cast %broadcast_in_dim3A_4511 : vector<16x1xi32> to vector<16xi32>
          %gather3A_4513 = tpu.dynamic_gather %add3A_4490[%gather3A_4512] in [0] : vector<16xi32>, vector<16xi32> -> vector<16xi32>
          %le3A_4514 = arith.cmpi sle, %gather3A_4513, %iota3A : vector<16xi32>
          %jit3A_4515 = arith.constant 4 : i32
          %jit3A_4516 = arith.constant 0 : i32
          %broadcast_in_dim3A_4517 = vector.broadcast %jit3A_4515 : i32 to vector<16xi32>
          %broadcast_in_dim3A_4518 = vector.broadcast %jit3A_4516 : i32 to vector<16xi32>
          %select_n3A_4519 = arith.select %le3A_4514, %broadcast_in_dim3A_4517, %broadcast_in_dim3A_4518 : vector<16xi1>, vector<16xi32>
          %add3A_4520 = arith.addi %add3A_4506, %select_n3A_4519 : vector<16xi32>
          %add3A_4521 = arith.constant 1 : i32
          %add3A_4522 = vector.broadcast %add3A_4521 : i32 to vector<16xi32>
          %add3A_4523 = arith.addi %add3A_4520, %add3A_4522 : vector<16xi32>
          %min3A_4524 = arith.minsi %add3A_4523, %broadcast_in_dim3A_58 : vector<16xi32>
          %broadcast_in_dim3A_4525 = vector.shape_cast %min3A_4524 : vector<16xi32> to vector<16x1xi32>
          %gather3A_4526 = vector.shape_cast %broadcast_in_dim3A_4525 : vector<16x1xi32> to vector<16xi32>
          %gather3A_4527 = tpu.dynamic_gather %add3A_4490[%gather3A_4526] in [0] : vector<16xi32>, vector<16xi32> -> vector<16xi32>
          %le3A_4528 = arith.cmpi sle, %gather3A_4527, %iota3A : vector<16xi32>
          %jit3A_4529 = arith.constant 2 : i32
          %jit3A_4530 = arith.constant 0 : i32
          %broadcast_in_dim3A_4531 = vector.broadcast %jit3A_4529 : i32 to vector<16xi32>
          %broadcast_in_dim3A_4532 = vector.broadcast %jit3A_4530 : i32 to vector<16xi32>
          %select_n3A_4533 = arith.select %le3A_4528, %broadcast_in_dim3A_4531, %broadcast_in_dim3A_4532 : vector<16xi1>, vector<16xi32>
          %add3A_4534 = arith.addi %add3A_4520, %select_n3A_4533 : vector<16xi32>
          %add3A_4535 = arith.constant 0 : i32
          %add3A_4536 = vector.broadcast %add3A_4535 : i32 to vector<16xi32>
          %add3A_4537 = arith.addi %add3A_4534, %add3A_4536 : vector<16xi32>
          %min3A_4538 = arith.minsi %add3A_4537, %broadcast_in_dim3A_58 : vector<16xi32>
          %broadcast_in_dim3A_4539 = vector.shape_cast %min3A_4538 : vector<16xi32> to vector<16x1xi32>
          %gather3A_4540 = vector.shape_cast %broadcast_in_dim3A_4539 : vector<16x1xi32> to vector<16xi32>
          %gather3A_4541 = tpu.dynamic_gather %add3A_4490[%gather3A_4540] in [0] : vector<16xi32>, vector<16xi32> -> vector<16xi32>
          %le3A_4542 = arith.cmpi sle, %gather3A_4541, %iota3A : vector<16xi32>
          %jit3A_4543 = arith.constant 1 : i32
          %jit3A_4544 = arith.constant 0 : i32
          %broadcast_in_dim3A_4545 = vector.broadcast %jit3A_4543 : i32 to vector<16xi32>
          %broadcast_in_dim3A_4546 = vector.broadcast %jit3A_4544 : i32 to vector<16xi32>
          %select_n3A_4547 = arith.select %le3A_4542, %broadcast_in_dim3A_4545, %broadcast_in_dim3A_4546 : vector<16xi1>, vector<16xi32>
          %add3A_4548 = arith.addi %add3A_4534, %select_n3A_4547 : vector<16xi32>
          %broadcast_in_dim3A_4549 = vector.shape_cast %add3A_4548 : vector<16xi32> to vector<16x1xi32>
          %gather3A_4550 = vector.shape_cast %broadcast_in_dim3A_4549 : vector<16x1xi32> to vector<16xi32>
          %gather3A_4551 = tpu.dynamic_gather %add3A_4169[%gather3A_4550] in [0] : vector<16xi32>, vector<16xi32> -> vector<16xi32>
          %slice3A_4552 = vector.extract_strided_slice %add3A_4490 {offsets = [15], sizes = [1], strides = [1]} : vector<16xi32> to vector<1xi32>
          %squeeze3A_4553 = vector.extract %slice3A_4552[0] : i32 from vector<1xi32>
          %min3A_4554 = arith.constant 32 : i32
          %min3A_4555 = arith.minsi %add3A_4020, %min3A_4554 : i32
          %swap3A_4556 = arith.constant 2 : i32
          %swap3A_4557 = arith.index_cast %swap3A_4556 : i32 to index
          %swap3A_4558 = arith.index_cast %min3A_4555 : i32 to index
          %swap3A_4559 = tpu.vector_load %arg9[%swap3A_4557, %swap3A_4558] {strides = array<i32>} : memref<4x64xi32, #tpu.memory_space<vmem>>, vector<1x16xi32>,
          %swap3A_4560 = vector.shape_cast %swap3A_4559 : vector<1x16xi32> to vector<16xi32>
          %swap3A_4561 = vector.shape_cast %gather3A_4551 : vector<16xi32> to vector<1x16xi32>
          tpu.vector_store %arg9[%swap3A_4557, %swap3A_4558], %swap3A_4561 {strides = array<i32>} : memref<4x64xi32, #tpu.memory_space<vmem>>, vector<1x16xi32>,
          %add3A_4562 = arith.addi %add3A_4020, %squeeze3A_4553 : i32
          %sub3A_4563 = vector.broadcast %squeeze3A_141 : f32 to vector<16xf32>
          %sub3A_4564 = arith.subf %get3A_4160, %sub3A_4563 : vector<16xf32>
          %sub3A_4565 = vector.broadcast %squeeze3A_147 : f32 to vector<16xf32>
          %sub3A_4566 = arith.subf %get3A_4163, %sub3A_4565 : vector<16xf32>
          %sub3A_4567 = vector.broadcast %squeeze3A_153 : f32 to vector<16xf32>
          %sub3A_4568 = arith.subf %get3A_4166, %sub3A_4567 : vector<16xf32>
          %mul3A_4569 = arith.mulf %sub3A_4564, %sub3A_4564 : vector<16xf32>
          %mul3A_4570 = arith.mulf %sub3A_4566, %sub3A_4566 : vector<16xf32>
          %add3A_4571 = arith.addf %mul3A_4569, %mul3A_4570 : vector<16xf32>
          %mul3A_4572 = arith.mulf %sub3A_4568, %sub3A_4568 : vector<16xf32>
          %add3A_4573 = arith.addf %add3A_4571, %mul3A_4572 : vector<16xf32>
          %lt3A_4574 = arith.constant 4.000000e-02 : f32
          %lt3A_4575 = vector.broadcast %lt3A_4574 : f32 to vector<16xf32>
          %lt3A_4576 = arith.cmpf olt, %add3A_4573, %lt3A_4575 : vector<16xf32>
          %jit3A_4577 = arith.constant 1 : i32
          %jit3A_4578 = arith.constant 0 : i32
          %broadcast_in_dim3A_4579 = vector.broadcast %jit3A_4577 : i32 to vector<16xi32>
          %broadcast_in_dim3A_4580 = vector.broadcast %jit3A_4578 : i32 to vector<16xi32>
          %select_n3A_4581 = arith.select %lt3A_4576, %broadcast_in_dim3A_4579, %broadcast_in_dim3A_4580 : vector<16xi1>, vector<16xi32>
          %ge3A_4582 = arith.constant 1 : i32
          %ge3A_4583 = vector.broadcast %ge3A_4582 : i32 to vector<16xi32>
          %ge3A_4584 = arith.cmpi sge, %iota3A, %ge3A_4583 : vector<16xi32>
          %broadcast_in_dim3A_4585 = vector.shape_cast %max3A_39 : vector<16xi32> to vector<16x1xi32>
          %gather3A_4586 = vector.shape_cast %broadcast_in_dim3A_4585 : vector<16x1xi32> to vector<16xi32>
          %gather3A_4587 = tpu.dynamic_gather %select_n3A_4581[%gather3A_4586] in [0] : vector<16xi32>, vector<16xi32> -> vector<16xi32>
          %jit3A_4588 = arith.constant 0 : i32
          %broadcast_in_dim3A_4589 = vector.broadcast %jit3A_4588 : i32 to vector<16xi32>
          %select_n3A_4590 = arith.select %ge3A_4584, %gather3A_4587, %broadcast_in_dim3A_4589 : vector<16xi1>, vector<16xi32>
          %add3A_4591 = arith.addi %select_n3A_4581, %select_n3A_4590 : vector<16xi32>
          %ge3A_4592 = arith.constant 2 : i32
          %ge3A_4593 = vector.broadcast %ge3A_4592 : i32 to vector<16xi32>
          %ge3A_4594 = arith.cmpi sge, %iota3A, %ge3A_4593 : vector<16xi32>
          %broadcast_in_dim3A_4595 = vector.shape_cast %max3A_45 : vector<16xi32> to vector<16x1xi32>
          %gather3A_4596 = vector.shape_cast %broadcast_in_dim3A_4595 : vector<16x1xi32> to vector<16xi32>
          %gather3A_4597 = tpu.dynamic_gather %add3A_4591[%gather3A_4596] in [0] : vector<16xi32>, vector<16xi32> -> vector<16xi32>
          %jit3A_4598 = arith.constant 0 : i32
          %broadcast_in_dim3A_4599 = vector.broadcast %jit3A_4598 : i32 to vector<16xi32>
          %select_n3A_4600 = arith.select %ge3A_4594, %gather3A_4597, %broadcast_in_dim3A_4599 : vector<16xi1>, vector<16xi32>
          %add3A_4601 = arith.addi %add3A_4591, %select_n3A_4600 : vector<16xi32>
          %ge3A_4602 = arith.constant 4 : i32
          %ge3A_4603 = vector.broadcast %ge3A_4602 : i32 to vector<16xi32>
          %ge3A_4604 = arith.cmpi sge, %iota3A, %ge3A_4603 : vector<16xi32>
          %broadcast_in_dim3A_4605 = vector.shape_cast %max3A_51 : vector<16xi32> to vector<16x1xi32>
          %gather3A_4606 = vector.shape_cast %broadcast_in_dim3A_4605 : vector<16x1xi32> to vector<16xi32>
          %gather3A_4607 = tpu.dynamic_gather %add3A_4601[%gather3A_4606] in [0] : vector<16xi32>, vector<16xi32> -> vector<16xi32>
          %jit3A_4608 = arith.constant 0 : i32
          %broadcast_in_dim3A_4609 = vector.broadcast %jit3A_4608 : i32 to vector<16xi32>
          %select_n3A_4610 = arith.select %ge3A_4604, %gather3A_4607, %broadcast_in_dim3A_4609 : vector<16xi1>, vector<16xi32>
          %add3A_4611 = arith.addi %add3A_4601, %select_n3A_4610 : vector<16xi32>
          %ge3A_4612 = arith.constant 8 : i32
          %ge3A_4613 = vector.broadcast %ge3A_4612 : i32 to vector<16xi32>
          %ge3A_4614 = arith.cmpi sge, %iota3A, %ge3A_4613 : vector<16xi32>
          %broadcast_in_dim3A_4615 = vector.shape_cast %max3A_57 : vector<16xi32> to vector<16x1xi32>
          %gather3A_4616 = vector.shape_cast %broadcast_in_dim3A_4615 : vector<16x1xi32> to vector<16xi32>
          %gather3A_4617 = tpu.dynamic_gather %add3A_4611[%gather3A_4616] in [0] : vector<16xi32>, vector<16xi32> -> vector<16xi32>
          %jit3A_4618 = arith.constant 0 : i32
          %broadcast_in_dim3A_4619 = vector.broadcast %jit3A_4618 : i32 to vector<16xi32>
          %select_n3A_4620 = arith.select %ge3A_4614, %gather3A_4617, %broadcast_in_dim3A_4619 : vector<16xi1>, vector<16xi32>
          %add3A_4621 = arith.addi %add3A_4611, %select_n3A_4620 : vector<16xi32>
          %broadcast_in_dim3A_4622 = arith.constant 0 : i32
          %broadcast_in_dim3A_4623 = vector.broadcast %broadcast_in_dim3A_4622 : i32 to vector<16xi32>
          %add3A_4624 = arith.constant 7 : i32
          %add3A_4625 = vector.broadcast %add3A_4624 : i32 to vector<16xi32>
          %add3A_4626 = arith.addi %broadcast_in_dim3A_4623, %add3A_4625 : vector<16xi32>
          %min3A_4627 = arith.minsi %add3A_4626, %broadcast_in_dim3A_58 : vector<16xi32>
          %broadcast_in_dim3A_4628 = vector.shape_cast %min3A_4627 : vector<16xi32> to vector<16x1xi32>
          %gather3A_4629 = vector.shape_cast %broadcast_in_dim3A_4628 : vector<16x1xi32> to vector<16xi32>
          %gather3A_4630 = tpu.dynamic_gather %add3A_4621[%gather3A_4629] in [0] : vector<16xi32>, vector<16xi32> -> vector<16xi32>
          %le3A_4631 = arith.cmpi sle, %gather3A_4630, %iota3A : vector<16xi32>
          %jit3A_4632 = arith.constant 8 : i32
          %jit3A_4633 = arith.constant 0 : i32
          %broadcast_in_dim3A_4634 = vector.broadcast %jit3A_4632 : i32 to vector<16xi32>
          %broadcast_in_dim3A_4635 = vector.broadcast %jit3A_4633 : i32 to vector<16xi32>
          %select_n3A_4636 = arith.select %le3A_4631, %broadcast_in_dim3A_4634, %broadcast_in_dim3A_4635 : vector<16xi1>, vector<16xi32>
          %add3A_4637 = arith.addi %broadcast_in_dim3A_4623, %select_n3A_4636 : vector<16xi32>
          %add3A_4638 = arith.constant 3 : i32
          %add3A_4639 = vector.broadcast %add3A_4638 : i32 to vector<16xi32>
          %add3A_4640 = arith.addi %add3A_4637, %add3A_4639 : vector<16xi32>
          %min3A_4641 = arith.minsi %add3A_4640, %broadcast_in_dim3A_58 : vector<16xi32>
          %broadcast_in_dim3A_4642 = vector.shape_cast %min3A_4641 : vector<16xi32> to vector<16x1xi32>
          %gather3A_4643 = vector.shape_cast %broadcast_in_dim3A_4642 : vector<16x1xi32> to vector<16xi32>
          %gather3A_4644 = tpu.dynamic_gather %add3A_4621[%gather3A_4643] in [0] : vector<16xi32>, vector<16xi32> -> vector<16xi32>
          %le3A_4645 = arith.cmpi sle, %gather3A_4644, %iota3A : vector<16xi32>
          %jit3A_4646 = arith.constant 4 : i32
          %jit3A_4647 = arith.constant 0 : i32
          %broadcast_in_dim3A_4648 = vector.broadcast %jit3A_4646 : i32 to vector<16xi32>
          %broadcast_in_dim3A_4649 = vector.broadcast %jit3A_4647 : i32 to vector<16xi32>
          %select_n3A_4650 = arith.select %le3A_4645, %broadcast_in_dim3A_4648, %broadcast_in_dim3A_4649 : vector<16xi1>, vector<16xi32>
          %add3A_4651 = arith.addi %add3A_4637, %select_n3A_4650 : vector<16xi32>
          %add3A_4652 = arith.constant 1 : i32
          %add3A_4653 = vector.broadcast %add3A_4652 : i32 to vector<16xi32>
          %add3A_4654 = arith.addi %add3A_4651, %add3A_4653 : vector<16xi32>
          %min3A_4655 = arith.minsi %add3A_4654, %broadcast_in_dim3A_58 : vector<16xi32>
          %broadcast_in_dim3A_4656 = vector.shape_cast %min3A_4655 : vector<16xi32> to vector<16x1xi32>
          %gather3A_4657 = vector.shape_cast %broadcast_in_dim3A_4656 : vector<16x1xi32> to vector<16xi32>
          %gather3A_4658 = tpu.dynamic_gather %add3A_4621[%gather3A_4657] in [0] : vector<16xi32>, vector<16xi32> -> vector<16xi32>
          %le3A_4659 = arith.cmpi sle, %gather3A_4658, %iota3A : vector<16xi32>
          %jit3A_4660 = arith.constant 2 : i32
          %jit3A_4661 = arith.constant 0 : i32
          %broadcast_in_dim3A_4662 = vector.broadcast %jit3A_4660 : i32 to vector<16xi32>
          %broadcast_in_dim3A_4663 = vector.broadcast %jit3A_4661 : i32 to vector<16xi32>
          %select_n3A_4664 = arith.select %le3A_4659, %broadcast_in_dim3A_4662, %broadcast_in_dim3A_4663 : vector<16xi1>, vector<16xi32>
          %add3A_4665 = arith.addi %add3A_4651, %select_n3A_4664 : vector<16xi32>
          %add3A_4666 = arith.constant 0 : i32
          %add3A_4667 = vector.broadcast %add3A_4666 : i32 to vector<16xi32>
          %add3A_4668 = arith.addi %add3A_4665, %add3A_4667 : vector<16xi32>
          %min3A_4669 = arith.minsi %add3A_4668, %broadcast_in_dim3A_58 : vector<16xi32>
          %broadcast_in_dim3A_4670 = vector.shape_cast %min3A_4669 : vector<16xi32> to vector<16x1xi32>
          %gather3A_4671 = vector.shape_cast %broadcast_in_dim3A_4670 : vector<16x1xi32> to vector<16xi32>
          %gather3A_4672 = tpu.dynamic_gather %add3A_4621[%gather3A_4671] in [0] : vector<16xi32>, vector<16xi32> -> vector<16xi32>
          %le3A_4673 = arith.cmpi sle, %gather3A_4672, %iota3A : vector<16xi32>
          %jit3A_4674 = arith.constant 1 : i32
          %jit3A_4675 = arith.constant 0 : i32
          %broadcast_in_dim3A_4676 = vector.broadcast %jit3A_4674 : i32 to vector<16xi32>
          %broadcast_in_dim3A_4677 = vector.broadcast %jit3A_4675 : i32 to vector<16xi32>
          %select_n3A_4678 = arith.select %le3A_4673, %broadcast_in_dim3A_4676, %broadcast_in_dim3A_4677 : vector<16xi1>, vector<16xi32>
          %add3A_4679 = arith.addi %add3A_4665, %select_n3A_4678 : vector<16xi32>
          %broadcast_in_dim3A_4680 = vector.shape_cast %add3A_4679 : vector<16xi32> to vector<16x1xi32>
          %gather3A_4681 = vector.shape_cast %broadcast_in_dim3A_4680 : vector<16x1xi32> to vector<16xi32>
          %gather3A_4682 = tpu.dynamic_gather %add3A_4169[%gather3A_4681] in [0] : vector<16xi32>, vector<16xi32> -> vector<16xi32>
          %slice3A_4683 = vector.extract_strided_slice %add3A_4621 {offsets = [15], sizes = [1], strides = [1]} : vector<16xi32> to vector<1xi32>
          %squeeze3A_4684 = vector.extract %slice3A_4683[0] : i32 from vector<1xi32>
          %min3A_4685 = arith.constant 32 : i32
          %min3A_4686 = arith.minsi %add3A_4151, %min3A_4685 : i32
          %swap3A_4687 = arith.constant 3 : i32
          %swap3A_4688 = arith.index_cast %swap3A_4687 : i32 to index
          %swap3A_4689 = arith.index_cast %min3A_4686 : i32 to index
          %swap3A_4690 = tpu.vector_load %arg9[%swap3A_4688, %swap3A_4689] {strides = array<i32>} : memref<4x64xi32, #tpu.memory_space<vmem>>, vector<1x16xi32>,
          %swap3A_4691 = vector.shape_cast %swap3A_4690 : vector<1x16xi32> to vector<16xi32>
          %swap3A_4692 = vector.shape_cast %gather3A_4682 : vector<16xi32> to vector<1x16xi32>
          tpu.vector_store %arg9[%swap3A_4688, %swap3A_4689], %swap3A_4692 {strides = array<i32>} : memref<4x64xi32, #tpu.memory_space<vmem>>, vector<1x16xi32>,
          %add3A_4693 = arith.addi %add3A_4151, %squeeze3A_4684 : i32
          %swap3A_4694 = arith.constant 0 : i32
          %swap3A_4695 = arith.index_cast %swap3A_4694 : i32 to index
          %swap3A_4696 = memref.load %arg11[%swap3A_4695] : memref<4xi32, #tpu.memory_space<smem>>
          memref.store %add3A_4300, %arg11[%swap3A_4695] : memref<4xi32, #tpu.memory_space<smem>>
          %swap3A_4697 = arith.constant 1 : i32
          %swap3A_4698 = arith.index_cast %swap3A_4697 : i32 to index
          %swap3A_4699 = memref.load %arg11[%swap3A_4698] : memref<4xi32, #tpu.memory_space<smem>>
          memref.store %add3A_4431, %arg11[%swap3A_4698] : memref<4xi32, #tpu.memory_space<smem>>
          %swap3A_4700 = arith.constant 2 : i32
          %swap3A_4701 = arith.index_cast %swap3A_4700 : i32 to index
          %swap3A_4702 = memref.load %arg11[%swap3A_4701] : memref<4xi32, #tpu.memory_space<smem>>
          memref.store %add3A_4562, %arg11[%swap3A_4701] : memref<4xi32, #tpu.memory_space<smem>>
          %swap3A_4703 = arith.constant 3 : i32
          %swap3A_4704 = arith.index_cast %swap3A_4703 : i32 to index
          %swap3A_4705 = memref.load %arg11[%swap3A_4704] : memref<4xi32, #tpu.memory_space<smem>>
          memref.store %add3A_4693, %arg11[%swap3A_4704] : memref<4xi32, #tpu.memory_space<smem>>
        } else {
        }
      }
      %scan3A_174 = arith.constant 32 : i32
      %get3A_175 = arith.constant 0 : i32
      %get3A_176 = arith.index_cast %get3A_175 : i32 to index
      %get3A_177 = memref.load %arg11[%get3A_176] : memref<4xi32, #tpu.memory_space<smem>>
      %min3A = arith.constant 32 : i32
      %min3A_178 = arith.minsi %get3A_177, %min3A : i32
      %get3A_179 = arith.constant 0 : i32
      %get3A_180 = arith.index_cast %get3A_179 : i32 to index
      %get3A_181 = arith.constant 0 : index
      %get3A_182 = tpu.vector_load %arg9[%get3A_180, %get3A_181] {strides = array<i32>} : memref<4x64xi32, #tpu.memory_space<vmem>>, vector<1x16xi32>,
      %get3A_183 = vector.shape_cast %get3A_182 : vector<1x16xi32> to vector<16xi32>
      %get3A_184 = arith.constant 0 : i32
      %get3A_185 = arith.index_cast %get3A_184 : i32 to index
      %get3A_186 = arith.constant 16 : index
      %get3A_187 = tpu.vector_load %arg9[%get3A_185, %get3A_186] {strides = array<i32>} : memref<4x64xi32, #tpu.memory_space<vmem>>, vector<1x16xi32>,
      %get3A_188 = vector.shape_cast %get3A_187 : vector<1x16xi32> to vector<16xi32>
      %slice3A_189 = vector.extract_strided_slice %get3A_183 {offsets = [0], sizes = [1], strides = [1]} : vector<16xi32> to vector<1xi32>
      %squeeze3A_190 = vector.extract %slice3A_189[0] : i32 from vector<1xi32>
      %lt3A_191 = vector.broadcast %min3A_178 : i32 to vector<16xi32>
      %lt3A_192 = arith.cmpi slt, %iota3A, %lt3A_191 : vector<16xi32>
      %broadcast_in_dim3A_193 = vector.broadcast %squeeze3A_190 : i32 to vector<16xi32>
      %select_n3A_194 = arith.select %lt3A_192, %get3A_183, %broadcast_in_dim3A_193 : vector<16xi1>, vector<16xi32>
      %mul3A_195 = arith.constant 32 : i32
      %mul3A_196 = arith.muli %add3A_72, %mul3A_195 : i32
      %swap3A_197 = arith.index_cast %mul3A_196 : i32 to index
      %swap3A_198 = tpu.vector_load %arg10[%swap3A_197] {strides = array<i32>} : memref<16384xi32, #tpu.memory_space<vmem>>, vector<16xi32>,
      %swap3A_199 = vector.shape_cast %swap3A_198 : vector<16xi32> to vector<16xi32>
      %swap3A_200 = vector.shape_cast %select_n3A_194 : vector<16xi32> to vector<16xi32>
      tpu.vector_store %arg10[%swap3A_197], %swap3A_200 {strides = array<i32>} : memref<16384xi32, #tpu.memory_space<vmem>>, vector<16xi32>,
      %add3A_201 = arith.constant 16 : i32
      %add3A_202 = vector.broadcast %add3A_201 : i32 to vector<16xi32>
      %add3A_203 = arith.addi %iota3A, %add3A_202 : vector<16xi32>
      %lt3A_204 = vector.broadcast %min3A_178 : i32 to vector<16xi32>
      %lt3A_205 = arith.cmpi slt, %add3A_203, %lt3A_204 : vector<16xi32>
      %broadcast_in_dim3A_206 = vector.broadcast %squeeze3A_190 : i32 to vector<16xi32>
      %select_n3A_207 = arith.select %lt3A_205, %get3A_188, %broadcast_in_dim3A_206 : vector<16xi1>, vector<16xi32>
      %mul3A_208 = arith.constant 32 : i32
      %mul3A_209 = arith.muli %add3A_72, %mul3A_208 : i32
      %add3A_210 = arith.constant 16 : i32
      %add3A_211 = arith.addi %mul3A_209, %add3A_210 : i32
      %swap3A_212 = arith.index_cast %add3A_211 : i32 to index
      %swap3A_213 = tpu.vector_load %arg10[%swap3A_212] {strides = array<i32>} : memref<16384xi32, #tpu.memory_space<vmem>>, vector<16xi32>,
      %swap3A_214 = vector.shape_cast %swap3A_213 : vector<16xi32> to vector<16xi32>
      %swap3A_215 = vector.shape_cast %select_n3A_207 : vector<16xi32> to vector<16xi32>
      tpu.vector_store %arg10[%swap3A_212], %swap3A_215 {strides = array<i32>} : memref<16384xi32, #tpu.memory_space<vmem>>, vector<16xi32>,
      %get3A_216 = arith.constant 1 : i32
      %get3A_217 = arith.index_cast %get3A_216 : i32 to index
      %get3A_218 = memref.load %arg11[%get3A_217] : memref<4xi32, #tpu.memory_space<smem>>
      %min3A_219 = arith.constant 32 : i32
      %min3A_220 = arith.minsi %get3A_218, %min3A_219 : i32
      %get3A_221 = arith.constant 1 : i32
      %get3A_222 = arith.index_cast %get3A_221 : i32 to index
      %get3A_223 = arith.constant 0 : index
      %get3A_224 = tpu.vector_load %arg9[%get3A_222, %get3A_223] {strides = array<i32>} : memref<4x64xi32, #tpu.memory_space<vmem>>, vector<1x16xi32>,
      %get3A_225 = vector.shape_cast %get3A_224 : vector<1x16xi32> to vector<16xi32>
      %get3A_226 = arith.constant 1 : i32
      %get3A_227 = arith.index_cast %get3A_226 : i32 to index
      %get3A_228 = arith.constant 16 : index
      %get3A_229 = tpu.vector_load %arg9[%get3A_227, %get3A_228] {strides = array<i32>} : memref<4x64xi32, #tpu.memory_space<vmem>>, vector<1x16xi32>,
      %get3A_230 = vector.shape_cast %get3A_229 : vector<1x16xi32> to vector<16xi32>
      %slice3A_231 = vector.extract_strided_slice %get3A_225 {offsets = [0], sizes = [1], strides = [1]} : vector<16xi32> to vector<1xi32>
      %squeeze3A_232 = vector.extract %slice3A_231[0] : i32 from vector<1xi32>
      %lt3A_233 = vector.broadcast %min3A_220 : i32 to vector<16xi32>
      %lt3A_234 = arith.cmpi slt, %iota3A, %lt3A_233 : vector<16xi32>
      %broadcast_in_dim3A_235 = vector.broadcast %squeeze3A_232 : i32 to vector<16xi32>
      %select_n3A_236 = arith.select %lt3A_234, %get3A_225, %broadcast_in_dim3A_235 : vector<16xi1>, vector<16xi32>
      %mul3A_237 = arith.constant 32 : i32
      %mul3A_238 = arith.muli %add3A_76, %mul3A_237 : i32
      %swap3A_239 = arith.index_cast %mul3A_238 : i32 to index
      %swap3A_240 = tpu.vector_load %arg10[%swap3A_239] {strides = array<i32>} : memref<16384xi32, #tpu.memory_space<vmem>>, vector<16xi32>,
      %swap3A_241 = vector.shape_cast %swap3A_240 : vector<16xi32> to vector<16xi32>
      %swap3A_242 = vector.shape_cast %select_n3A_236 : vector<16xi32> to vector<16xi32>
      tpu.vector_store %arg10[%swap3A_239], %swap3A_242 {strides = array<i32>} : memref<16384xi32, #tpu.memory_space<vmem>>, vector<16xi32>,
      %add3A_243 = arith.constant 16 : i32
      %add3A_244 = vector.broadcast %add3A_243 : i32 to vector<16xi32>
      %add3A_245 = arith.addi %iota3A, %add3A_244 : vector<16xi32>
      %lt3A_246 = vector.broadcast %min3A_220 : i32 to vector<16xi32>
      %lt3A_247 = arith.cmpi slt, %add3A_245, %lt3A_246 : vector<16xi32>
      %broadcast_in_dim3A_248 = vector.broadcast %squeeze3A_232 : i32 to vector<16xi32>
      %select_n3A_249 = arith.select %lt3A_247, %get3A_230, %broadcast_in_dim3A_248 : vector<16xi1>, vector<16xi32>
      %mul3A_250 = arith.constant 32 : i32
      %mul3A_251 = arith.muli %add3A_76, %mul3A_250 : i32
      %add3A_252 = arith.constant 16 : i32
      %add3A_253 = arith.addi %mul3A_251, %add3A_252 : i32
      %swap3A_254 = arith.index_cast %add3A_253 : i32 to index
      %swap3A_255 = tpu.vector_load %arg10[%swap3A_254] {strides = array<i32>} : memref<16384xi32, #tpu.memory_space<vmem>>, vector<16xi32>,
      %swap3A_256 = vector.shape_cast %swap3A_255 : vector<16xi32> to vector<16xi32>
      %swap3A_257 = vector.shape_cast %select_n3A_249 : vector<16xi32> to vector<16xi32>
      tpu.vector_store %arg10[%swap3A_254], %swap3A_257 {strides = array<i32>} : memref<16384xi32, #tpu.memory_space<vmem>>, vector<16xi32>,
      %get3A_258 = arith.constant 2 : i32
      %get3A_259 = arith.index_cast %get3A_258 : i32 to index
      %get3A_260 = memref.load %arg11[%get3A_259] : memref<4xi32, #tpu.memory_space<smem>>
      %min3A_261 = arith.constant 32 : i32
      %min3A_262 = arith.minsi %get3A_260, %min3A_261 : i32
      %get3A_263 = arith.constant 2 : i32
      %get3A_264 = arith.index_cast %get3A_263 : i32 to index
      %get3A_265 = arith.constant 0 : index
      %get3A_266 = tpu.vector_load %arg9[%get3A_264, %get3A_265] {strides = array<i32>} : memref<4x64xi32, #tpu.memory_space<vmem>>, vector<1x16xi32>,
      %get3A_267 = vector.shape_cast %get3A_266 : vector<1x16xi32> to vector<16xi32>
      %get3A_268 = arith.constant 2 : i32
      %get3A_269 = arith.index_cast %get3A_268 : i32 to index
      %get3A_270 = arith.constant 16 : index
      %get3A_271 = tpu.vector_load %arg9[%get3A_269, %get3A_270] {strides = array<i32>} : memref<4x64xi32, #tpu.memory_space<vmem>>, vector<1x16xi32>,
      %get3A_272 = vector.shape_cast %get3A_271 : vector<1x16xi32> to vector<16xi32>
      %slice3A_273 = vector.extract_strided_slice %get3A_267 {offsets = [0], sizes = [1], strides = [1]} : vector<16xi32> to vector<1xi32>
      %squeeze3A_274 = vector.extract %slice3A_273[0] : i32 from vector<1xi32>
      %lt3A_275 = vector.broadcast %min3A_262 : i32 to vector<16xi32>
      %lt3A_276 = arith.cmpi slt, %iota3A, %lt3A_275 : vector<16xi32>
      %broadcast_in_dim3A_277 = vector.broadcast %squeeze3A_274 : i32 to vector<16xi32>
      %select_n3A_278 = arith.select %lt3A_276, %get3A_267, %broadcast_in_dim3A_277 : vector<16xi1>, vector<16xi32>
      %mul3A_279 = arith.constant 32 : i32
      %mul3A_280 = arith.muli %add3A_80, %mul3A_279 : i32
      %swap3A_281 = arith.index_cast %mul3A_280 : i32 to index
      %swap3A_282 = tpu.vector_load %arg10[%swap3A_281] {strides = array<i32>} : memref<16384xi32, #tpu.memory_space<vmem>>, vector<16xi32>,
      %swap3A_283 = vector.shape_cast %swap3A_282 : vector<16xi32> to vector<16xi32>
      %swap3A_284 = vector.shape_cast %select_n3A_278 : vector<16xi32> to vector<16xi32>
      tpu.vector_store %arg10[%swap3A_281], %swap3A_284 {strides = array<i32>} : memref<16384xi32, #tpu.memory_space<vmem>>, vector<16xi32>,
      %add3A_285 = arith.constant 16 : i32
      %add3A_286 = vector.broadcast %add3A_285 : i32 to vector<16xi32>
      %add3A_287 = arith.addi %iota3A, %add3A_286 : vector<16xi32>
      %lt3A_288 = vector.broadcast %min3A_262 : i32 to vector<16xi32>
      %lt3A_289 = arith.cmpi slt, %add3A_287, %lt3A_288 : vector<16xi32>
      %broadcast_in_dim3A_290 = vector.broadcast %squeeze3A_274 : i32 to vector<16xi32>
      %select_n3A_291 = arith.select %lt3A_289, %get3A_272, %broadcast_in_dim3A_290 : vector<16xi1>, vector<16xi32>
      %mul3A_292 = arith.constant 32 : i32
      %mul3A_293 = arith.muli %add3A_80, %mul3A_292 : i32
      %add3A_294 = arith.constant 16 : i32
      %add3A_295 = arith.addi %mul3A_293, %add3A_294 : i32
      %swap3A_296 = arith.index_cast %add3A_295 : i32 to index
      %swap3A_297 = tpu.vector_load %arg10[%swap3A_296] {strides = array<i32>} : memref<16384xi32, #tpu.memory_space<vmem>>, vector<16xi32>,
      %swap3A_298 = vector.shape_cast %swap3A_297 : vector<16xi32> to vector<16xi32>
      %swap3A_299 = vector.shape_cast %select_n3A_291 : vector<16xi32> to vector<16xi32>
      tpu.vector_store %arg10[%swap3A_296], %swap3A_299 {strides = array<i32>} : memref<16384xi32, #tpu.memory_space<vmem>>, vector<16xi32>,
      %get3A_300 = arith.constant 3 : i32
      %get3A_301 = arith.index_cast %get3A_300 : i32 to index
      %get3A_302 = memref.load %arg11[%get3A_301] : memref<4xi32, #tpu.memory_space<smem>>
      %min3A_303 = arith.constant 32 : i32
      %min3A_304 = arith.minsi %get3A_302, %min3A_303 : i32
      %get3A_305 = arith.constant 3 : i32
      %get3A_306 = arith.index_cast %get3A_305 : i32 to index
      %get3A_307 = arith.constant 0 : index
      %get3A_308 = tpu.vector_load %arg9[%get3A_306, %get3A_307] {strides = array<i32>} : memref<4x64xi32, #tpu.memory_space<vmem>>, vector<1x16xi32>,
      %get3A_309 = vector.shape_cast %get3A_308 : vector<1x16xi32> to vector<16xi32>
      %get3A_310 = arith.constant 3 : i32
      %get3A_311 = arith.index_cast %get3A_310 : i32 to index
      %get3A_312 = arith.constant 16 : index
      %get3A_313 = tpu.vector_load %arg9[%get3A_311, %get3A_312] {strides = array<i32>} : memref<4x64xi32, #tpu.memory_space<vmem>>, vector<1x16xi32>,
      %get3A_314 = vector.shape_cast %get3A_313 : vector<1x16xi32> to vector<16xi32>
      %slice3A_315 = vector.extract_strided_slice %get3A_309 {offsets = [0], sizes = [1], strides = [1]} : vector<16xi32> to vector<1xi32>
      %squeeze3A_316 = vector.extract %slice3A_315[0] : i32 from vector<1xi32>
      %lt3A_317 = vector.broadcast %min3A_304 : i32 to vector<16xi32>
      %lt3A_318 = arith.cmpi slt, %iota3A, %lt3A_317 : vector<16xi32>
      %broadcast_in_dim3A_319 = vector.broadcast %squeeze3A_316 : i32 to vector<16xi32>
      %select_n3A_320 = arith.select %lt3A_318, %get3A_309, %broadcast_in_dim3A_319 : vector<16xi1>, vector<16xi32>
      %mul3A_321 = arith.constant 32 : i32
      %mul3A_322 = arith.muli %add3A_84, %mul3A_321 : i32
      %swap3A_323 = arith.index_cast %mul3A_322 : i32 to index
      %swap3A_324 = tpu.vector_load %arg10[%swap3A_323] {strides = array<i32>} : memref<16384xi32, #tpu.memory_space<vmem>>, vector<16xi32>,
      %swap3A_325 = vector.shape_cast %swap3A_324 : vector<16xi32> to vector<16xi32>
      %swap3A_326 = vector.shape_cast %select_n3A_320 : vector<16xi32> to vector<16xi32>
      tpu.vector_store %arg10[%swap3A_323], %swap3A_326 {strides = array<i32>} : memref<16384xi32, #tpu.memory_space<vmem>>, vector<16xi32>,
      %add3A_327 = arith.constant 16 : i32
      %add3A_328 = vector.broadcast %add3A_327 : i32 to vector<16xi32>
      %add3A_329 = arith.addi %iota3A, %add3A_328 : vector<16xi32>
      %lt3A_330 = vector.broadcast %min3A_304 : i32 to vector<16xi32>
      %lt3A_331 = arith.cmpi slt, %add3A_329, %lt3A_330 : vector<16xi32>
      %broadcast_in_dim3A_332 = vector.broadcast %squeeze3A_316 : i32 to vector<16xi32>
      %select_n3A_333 = arith.select %lt3A_331, %get3A_314, %broadcast_in_dim3A_332 : vector<16xi1>, vector<16xi32>
      %mul3A_334 = arith.constant 32 : i32
      %mul3A_335 = arith.muli %add3A_84, %mul3A_334 : i32
      %add3A_336 = arith.constant 16 : i32
      %add3A_337 = arith.addi %mul3A_335, %add3A_336 : i32
      %swap3A_338 = arith.index_cast %add3A_337 : i32 to index
      %swap3A_339 = tpu.vector_load %arg10[%swap3A_338] {strides = array<i32>} : memref<16384xi32, #tpu.memory_space<vmem>>, vector<16xi32>,
      %swap3A_340 = vector.shape_cast %swap3A_339 : vector<16xi32> to vector<16xi32>
      %swap3A_341 = vector.shape_cast %select_n3A_333 : vector<16xi32> to vector<16xi32>
      tpu.vector_store %arg10[%swap3A_338], %swap3A_341 {strides = array<i32>} : memref<16384xi32, #tpu.memory_space<vmem>>, vector<16xi32>,
    }
    %scan3A_63 = arith.constant 128 : i32
    %mul3A_64 = arith.constant 512 : i32
    %mul3A_65 = arith.muli %add3A, %mul3A_64 : i32
    %mul3A_66 = arith.constant 32 : i32
    %mul3A_67 = arith.muli %mul3A_65, %mul3A_66 : i32
    "tpu.region"() ({
      %run_scoped3A = tpu.sem_alloc : memref<!tpu.dma_semaphore, #tpu.memory_space<semaphore_mem>>
      %dma_start3A = tpu.memref_slice %arg5[%mul3A_67] : memref<524288xi32, #tpu.memory_space<hbm>> -> memref<16384xi32, #tpu.memory_space<hbm>>
      %dma_start3A_68 = tpu.memref_slice %arg5[%mul3A_67] : memref<524288xi32, #tpu.memory_space<hbm>> -> memref<16384xi32, #tpu.memory_space<hbm>>
      tpu.enqueue_dma source(%arg10 : memref<16384xi32, #tpu.memory_space<vmem>>) target(%dma_start3A_68 : memref<16384xi32, #tpu.memory_space<hbm>>) target_semaphore(%run_scoped3A : memref<!tpu.dma_semaphore, #tpu.memory_space<semaphore_mem>>)
      %dma_wait3A = tpu.memref_slice %arg5[%mul3A_67] : memref<524288xi32, #tpu.memory_space<hbm>> -> memref<16384xi32, #tpu.memory_space<hbm>>
      %dma_wait3A_69 = tpu.memref_slice %arg5[%mul3A_67] : memref<524288xi32, #tpu.memory_space<hbm>> -> memref<16384xi32, #tpu.memory_space<hbm>>
      tpu.wait_dma2 semaphore(%run_scoped3A : memref<!tpu.dma_semaphore, #tpu.memory_space<semaphore_mem>>) src(%arg10 : memref<16384xi32, #tpu.memory_space<vmem>>) dst(%dma_wait3A_69 : memref<16384xi32, #tpu.memory_space<hbm>>)
      tpu.yield
    }) : () -> ()
    return
  }
}

#map = affine_map<(d0, d1) -> (0, 0)>
#map1 = affine_map<(d0, d1) -> (0)>
module attributes {stable_mosaic.version = 14 : i64} {
  func.func @gather(%arg0: i32, %arg1: i32, %arg2: memref<16384x80xf32, #tpu.memory_space<hbm>>, %arg3: memref<524288xi32, #tpu.memory_space<hbm>>, %arg4: memref<524288x80xf32, #tpu.memory_space<hbm>>, %arg5: memref<16384xi32, #tpu.memory_space<vmem>>, %arg6: memref<2x128x80xf32, #tpu.memory_space<vmem>>, %arg7: memref<!tpu.dma_semaphore, #tpu.memory_space<semaphore_mem>>, %arg8: memref<!tpu.dma_semaphore, #tpu.memory_space<semaphore_mem>>) attributes {dimension_semantics = [#tpu.dimension_semantics<core_parallel>, #tpu.dimension_semantics<subcore_parallel>], iteration_bounds = array<i64: 2, 16>, scalar_prefetch = 0 : i64, scratch_operands = 4 : i64, tpu.core_type = #tpu.core_type<sc_vector_subcore>, window_params = [{transform_indices = #map}, {transform_indices = #map1}, {transform_indices = #map}]} {
    %mul3A = arith.constant 2 : i32
    %mul3A_0 = arith.muli %arg1, %mul3A : i32
    %add3A = arith.addi %mul3A_0, %arg0 : i32
    %mul3A_1 = arith.constant 16384 : i32
    %mul3A_2 = arith.muli %add3A, %mul3A_1 : i32
    "tpu.region"() ({
      %run_scoped3A = tpu.sem_alloc : memref<!tpu.dma_semaphore, #tpu.memory_space<semaphore_mem>>
      %dma_start3A_17 = tpu.memref_slice %arg3[%mul3A_2] : memref<524288xi32, #tpu.memory_space<hbm>> -> memref<16384xi32, #tpu.memory_space<hbm>>
      %dma_start3A_18 = tpu.memref_slice %arg3[%mul3A_2] : memref<524288xi32, #tpu.memory_space<hbm>> -> memref<16384xi32, #tpu.memory_space<hbm>>
      tpu.enqueue_dma source(%dma_start3A_18 : memref<16384xi32, #tpu.memory_space<hbm>>) target(%arg5 : memref<16384xi32, #tpu.memory_space<vmem>>) target_semaphore(%run_scoped3A : memref<!tpu.dma_semaphore, #tpu.memory_space<semaphore_mem>>)
      %dma_wait3A = tpu.memref_slice %arg3[%mul3A_2] : memref<524288xi32, #tpu.memory_space<hbm>> -> memref<16384xi32, #tpu.memory_space<hbm>>
      %dma_wait3A_19 = tpu.memref_slice %arg3[%mul3A_2] : memref<524288xi32, #tpu.memory_space<hbm>> -> memref<16384xi32, #tpu.memory_space<hbm>>
      tpu.wait_dma2 semaphore(%run_scoped3A : memref<!tpu.dma_semaphore, #tpu.memory_space<semaphore_mem>>) src(%dma_wait3A_19 : memref<16384xi32, #tpu.memory_space<hbm>>) dst(%arg5 : memref<16384xi32, #tpu.memory_space<vmem>>)
      tpu.yield
    }) : () -> ()
    %dma_start3A = arith.constant 0 : i32
    %dma_start3A_3 = arith.constant 0 : i32
    %dma_start3A_4 = arith.constant 0 : i32
    %dma_start3A_5 = tpu.memref_slice %arg6[%dma_start3A, %dma_start3A_3, %dma_start3A_4] : memref<2x128x80xf32, #tpu.memory_space<vmem>> -> memref<1x128x80xf32, #tpu.memory_space<vmem>>
    %dma_start3A_6 = tpu.memref_squeeze %dma_start3A_5 : memref<1x128x80xf32, #tpu.memory_space<vmem>> -> memref<128x80xf32, #tpu.memory_space<vmem>>
    %dma_start3A_7 = arith.constant 0 : i32
    %dma_start3A_8 = tpu.memref_slice %arg5[%dma_start3A_7] : memref<16384xi32, #tpu.memory_space<vmem>> -> memref<128xi32, #tpu.memory_space<vmem>>
    %dma_start3A_9 = arith.constant 0 : i32
    %dma_start3A_10 = arith.constant 0 : i32
    %dma_start3A_11 = tpu.memref_slice %arg2[%dma_start3A_9, %dma_start3A_10] : memref<16384x80xf32, #tpu.memory_space<hbm>> -> memref<16384x80xf32, #tpu.memory_space<hbm>>
    tpu.enqueue_indirect_dma source(%dma_start3A_11 : memref<16384x80xf32, #tpu.memory_space<hbm>>) target(%dma_start3A_6 : memref<128x80xf32, #tpu.memory_space<vmem>>) offsets(%dma_start3A_8 : memref<128xi32, #tpu.memory_space<vmem>>) semaphore(%arg7 : memref<!tpu.dma_semaphore, #tpu.memory_space<semaphore_mem>>)
    %scan3A = arith.constant 0 : i32
    %scan3A_12 = arith.constant 0 : i32
    %scan3A_13 = arith.constant 64 : i32
    %scan3A_14 = arith.addi %scan3A_12, %scan3A_13 : i32
    %scan3A_15 = arith.constant 1 : i32
    scf.for %scan3A_17 = %scan3A_12 to %scan3A_14 step %scan3A_15  : i32 {
      %mul3A_18 = arith.constant 2 : i32
      %mul3A_19 = arith.muli %scan3A_17, %mul3A_18 : i32
      %add3A_20 = arith.constant 0 : i32
      %add3A_21 = arith.addi %mul3A_19, %add3A_20 : i32
      %add3A_22 = arith.constant 1 : i32
      %add3A_23 = arith.addi %add3A_21, %add3A_22 : i32
      %lt3A = arith.constant 128 : i32
      %lt3A_24 = arith.cmpi slt, %add3A_23, %lt3A : i32
      %convert_element_type3A = arith.extui %lt3A_24 : i1 to i32
      %cond3A = arith.constant 0 : i32
      %cond3A_25 = arith.cmpi ne, %convert_element_type3A, %cond3A : i32
      scf.if %cond3A_25 {
        %add3A_65 = arith.constant 1 : i32
        %add3A_66 = arith.addi %add3A_21, %add3A_65 : i32
        %mul3A_67 = arith.constant 128 : i32
        %mul3A_68 = arith.muli %add3A_66, %mul3A_67 : i32
        %dma_start3A_69 = arith.constant 1 : i32
        %dma_start3A_70 = arith.constant 0 : i32
        %dma_start3A_71 = arith.constant 0 : i32
        %dma_start3A_72 = tpu.memref_slice %arg6[%dma_start3A_69, %dma_start3A_70, %dma_start3A_71] : memref<2x128x80xf32, #tpu.memory_space<vmem>> -> memref<1x128x80xf32, #tpu.memory_space<vmem>>
        %dma_start3A_73 = tpu.memref_squeeze %dma_start3A_72 : memref<1x128x80xf32, #tpu.memory_space<vmem>> -> memref<128x80xf32, #tpu.memory_space<vmem>>
        %dma_start3A_74 = tpu.memref_slice %arg5[%mul3A_68] : memref<16384xi32, #tpu.memory_space<vmem>> -> memref<128xi32, #tpu.memory_space<vmem>>
        %dma_start3A_75 = arith.constant 0 : i32
        %dma_start3A_76 = arith.constant 0 : i32
        %dma_start3A_77 = tpu.memref_slice %arg2[%dma_start3A_75, %dma_start3A_76] : memref<16384x80xf32, #tpu.memory_space<hbm>> -> memref<16384x80xf32, #tpu.memory_space<hbm>>
        tpu.enqueue_indirect_dma source(%dma_start3A_77 : memref<16384x80xf32, #tpu.memory_space<hbm>>) target(%dma_start3A_73 : memref<128x80xf32, #tpu.memory_space<vmem>>) offsets(%dma_start3A_74 : memref<128xi32, #tpu.memory_space<vmem>>) semaphore(%arg8 : memref<!tpu.dma_semaphore, #tpu.memory_space<semaphore_mem>>)
      } else {
      }
      %mul3A_26 = arith.constant 128 : i32
      %mul3A_27 = arith.muli %add3A_21, %mul3A_26 : i32
      %dma_wait3A = arith.constant 0 : i32
      %dma_wait3A_28 = arith.constant 0 : i32
      %dma_wait3A_29 = arith.constant 0 : i32
      %dma_wait3A_30 = tpu.memref_slice %arg6[%dma_wait3A, %dma_wait3A_28, %dma_wait3A_29] : memref<2x128x80xf32, #tpu.memory_space<vmem>> -> memref<1x128x80xf32, #tpu.memory_space<vmem>>
      %dma_wait3A_31 = tpu.memref_squeeze %dma_wait3A_30 : memref<1x128x80xf32, #tpu.memory_space<vmem>> -> memref<128x80xf32, #tpu.memory_space<vmem>>
      %dma_wait3A_32 = tpu.memref_slice %arg5[%mul3A_27] : memref<16384xi32, #tpu.memory_space<vmem>> -> memref<128xi32, #tpu.memory_space<vmem>>
      %dma_wait3A_33 = arith.constant 0 : i32
      %dma_wait3A_34 = arith.constant 0 : i32
      %dma_wait3A_35 = tpu.memref_slice %arg2[%dma_wait3A_33, %dma_wait3A_34] : memref<16384x80xf32, #tpu.memory_space<hbm>> -> memref<16384x80xf32, #tpu.memory_space<hbm>>
      tpu.wait_indirect_dma semaphore(%arg7 : memref<!tpu.dma_semaphore, #tpu.memory_space<semaphore_mem>>) src(%dma_wait3A_35 : memref<16384x80xf32, #tpu.memory_space<hbm>>) dst(%dma_wait3A_31 : memref<128x80xf32, #tpu.memory_space<vmem>>)
      %mul3A_36 = arith.constant 128 : i32
      %mul3A_37 = arith.muli %add3A_21, %mul3A_36 : i32
      %add3A_38 = arith.addi %mul3A_2, %mul3A_37 : i32
      %run_scoped3A = arith.constant 0 : i32
      "tpu.region"() ({
        %run_scoped3A_65 = tpu.sem_alloc : memref<!tpu.dma_semaphore, #tpu.memory_space<semaphore_mem>>
        %dma_start3A_66 = arith.constant 0 : i32
        %dma_start3A_67 = arith.constant 0 : i32
        %dma_start3A_68 = tpu.memref_slice %arg6[%run_scoped3A, %dma_start3A_66, %dma_start3A_67] : memref<2x128x80xf32, #tpu.memory_space<vmem>> -> memref<1x128x80xf32, #tpu.memory_space<vmem>>
        %dma_start3A_69 = tpu.memref_squeeze %dma_start3A_68 : memref<1x128x80xf32, #tpu.memory_space<vmem>> -> memref<128x80xf32, #tpu.memory_space<vmem>>
        %dma_start3A_70 = arith.constant 0 : i32
        %dma_start3A_71 = tpu.memref_slice %arg4[%add3A_38, %dma_start3A_70] : memref<524288x80xf32, #tpu.memory_space<hbm>> -> memref<128x80xf32, #tpu.memory_space<hbm>>
        %dma_start3A_72 = arith.constant 0 : i32
        %dma_start3A_73 = tpu.memref_slice %arg4[%add3A_38, %dma_start3A_72] : memref<524288x80xf32, #tpu.memory_space<hbm>> -> memref<128x80xf32, #tpu.memory_space<hbm>>
        %dma_start3A_74 = arith.constant 0 : i32
        %dma_start3A_75 = arith.constant 0 : i32
        %dma_start3A_76 = tpu.memref_slice %arg6[%run_scoped3A, %dma_start3A_74, %dma_start3A_75] : memref<2x128x80xf32, #tpu.memory_space<vmem>> -> memref<1x128x80xf32, #tpu.memory_space<vmem>>
        %dma_start3A_77 = tpu.memref_squeeze %dma_start3A_76 : memref<1x128x80xf32, #tpu.memory_space<vmem>> -> memref<128x80xf32, #tpu.memory_space<vmem>>
        tpu.enqueue_dma source(%dma_start3A_77 : memref<128x80xf32, #tpu.memory_space<vmem>>) target(%dma_start3A_73 : memref<128x80xf32, #tpu.memory_space<hbm>>) target_semaphore(%run_scoped3A_65 : memref<!tpu.dma_semaphore, #tpu.memory_space<semaphore_mem>>)
        %dma_wait3A_78 = arith.constant 0 : i32
        %dma_wait3A_79 = arith.constant 0 : i32
        %dma_wait3A_80 = tpu.memref_slice %arg6[%run_scoped3A, %dma_wait3A_78, %dma_wait3A_79] : memref<2x128x80xf32, #tpu.memory_space<vmem>> -> memref<1x128x80xf32, #tpu.memory_space<vmem>>
        %dma_wait3A_81 = tpu.memref_squeeze %dma_wait3A_80 : memref<1x128x80xf32, #tpu.memory_space<vmem>> -> memref<128x80xf32, #tpu.memory_space<vmem>>
        %dma_wait3A_82 = arith.constant 0 : i32
        %dma_wait3A_83 = tpu.memref_slice %arg4[%add3A_38, %dma_wait3A_82] : memref<524288x80xf32, #tpu.memory_space<hbm>> -> memref<128x80xf32, #tpu.memory_space<hbm>>
        %dma_wait3A_84 = arith.constant 0 : i32
        %dma_wait3A_85 = tpu.memref_slice %arg4[%add3A_38, %dma_wait3A_84] : memref<524288x80xf32, #tpu.memory_space<hbm>> -> memref<128x80xf32, #tpu.memory_space<hbm>>
        %dma_wait3A_86 = arith.constant 0 : i32
        %dma_wait3A_87 = arith.constant 0 : i32
        %dma_wait3A_88 = tpu.memref_slice %arg6[%run_scoped3A, %dma_wait3A_86, %dma_wait3A_87] : memref<2x128x80xf32, #tpu.memory_space<vmem>> -> memref<1x128x80xf32, #tpu.memory_space<vmem>>
        %dma_wait3A_89 = tpu.memref_squeeze %dma_wait3A_88 : memref<1x128x80xf32, #tpu.memory_space<vmem>> -> memref<128x80xf32, #tpu.memory_space<vmem>>
        tpu.wait_dma2 semaphore(%run_scoped3A_65 : memref<!tpu.dma_semaphore, #tpu.memory_space<semaphore_mem>>) src(%dma_wait3A_89 : memref<128x80xf32, #tpu.memory_space<vmem>>) dst(%dma_wait3A_85 : memref<128x80xf32, #tpu.memory_space<hbm>>)
        tpu.yield
      }) : () -> ()
      %mul3A_39 = arith.constant 2 : i32
      %mul3A_40 = arith.muli %scan3A_17, %mul3A_39 : i32
      %add3A_41 = arith.constant 1 : i32
      %add3A_42 = arith.addi %mul3A_40, %add3A_41 : i32
      %add3A_43 = arith.constant 1 : i32
      %add3A_44 = arith.addi %add3A_42, %add3A_43 : i32
      %lt3A_45 = arith.constant 128 : i32
      %lt3A_46 = arith.cmpi slt, %add3A_44, %lt3A_45 : i32
      %convert_element_type3A_47 = arith.extui %lt3A_46 : i1 to i32
      %cond3A_48 = arith.constant 0 : i32
      %cond3A_49 = arith.cmpi ne, %convert_element_type3A_47, %cond3A_48 : i32
      scf.if %cond3A_49 {
        %add3A_65 = arith.constant 1 : i32
        %add3A_66 = arith.addi %add3A_42, %add3A_65 : i32
        %mul3A_67 = arith.constant 128 : i32
        %mul3A_68 = arith.muli %add3A_66, %mul3A_67 : i32
        %dma_start3A_69 = arith.constant 0 : i32
        %dma_start3A_70 = arith.constant 0 : i32
        %dma_start3A_71 = arith.constant 0 : i32
        %dma_start3A_72 = tpu.memref_slice %arg6[%dma_start3A_69, %dma_start3A_70, %dma_start3A_71] : memref<2x128x80xf32, #tpu.memory_space<vmem>> -> memref<1x128x80xf32, #tpu.memory_space<vmem>>
        %dma_start3A_73 = tpu.memref_squeeze %dma_start3A_72 : memref<1x128x80xf32, #tpu.memory_space<vmem>> -> memref<128x80xf32, #tpu.memory_space<vmem>>
        %dma_start3A_74 = tpu.memref_slice %arg5[%mul3A_68] : memref<16384xi32, #tpu.memory_space<vmem>> -> memref<128xi32, #tpu.memory_space<vmem>>
        %dma_start3A_75 = arith.constant 0 : i32
        %dma_start3A_76 = arith.constant 0 : i32
        %dma_start3A_77 = tpu.memref_slice %arg2[%dma_start3A_75, %dma_start3A_76] : memref<16384x80xf32, #tpu.memory_space<hbm>> -> memref<16384x80xf32, #tpu.memory_space<hbm>>
        tpu.enqueue_indirect_dma source(%dma_start3A_77 : memref<16384x80xf32, #tpu.memory_space<hbm>>) target(%dma_start3A_73 : memref<128x80xf32, #tpu.memory_space<vmem>>) offsets(%dma_start3A_74 : memref<128xi32, #tpu.memory_space<vmem>>) semaphore(%arg7 : memref<!tpu.dma_semaphore, #tpu.memory_space<semaphore_mem>>)
      } else {
      }
      %mul3A_50 = arith.constant 128 : i32
      %mul3A_51 = arith.muli %add3A_42, %mul3A_50 : i32
      %dma_wait3A_52 = arith.constant 1 : i32
      %dma_wait3A_53 = arith.constant 0 : i32
      %dma_wait3A_54 = arith.constant 0 : i32
      %dma_wait3A_55 = tpu.memref_slice %arg6[%dma_wait3A_52, %dma_wait3A_53, %dma_wait3A_54] : memref<2x128x80xf32, #tpu.memory_space<vmem>> -> memref<1x128x80xf32, #tpu.memory_space<vmem>>
      %dma_wait3A_56 = tpu.memref_squeeze %dma_wait3A_55 : memref<1x128x80xf32, #tpu.memory_space<vmem>> -> memref<128x80xf32, #tpu.memory_space<vmem>>
      %dma_wait3A_57 = tpu.memref_slice %arg5[%mul3A_51] : memref<16384xi32, #tpu.memory_space<vmem>> -> memref<128xi32, #tpu.memory_space<vmem>>
      %dma_wait3A_58 = arith.constant 0 : i32
      %dma_wait3A_59 = arith.constant 0 : i32
      %dma_wait3A_60 = tpu.memref_slice %arg2[%dma_wait3A_58, %dma_wait3A_59] : memref<16384x80xf32, #tpu.memory_space<hbm>> -> memref<16384x80xf32, #tpu.memory_space<hbm>>
      tpu.wait_indirect_dma semaphore(%arg8 : memref<!tpu.dma_semaphore, #tpu.memory_space<semaphore_mem>>) src(%dma_wait3A_60 : memref<16384x80xf32, #tpu.memory_space<hbm>>) dst(%dma_wait3A_56 : memref<128x80xf32, #tpu.memory_space<vmem>>)
      %mul3A_61 = arith.constant 128 : i32
      %mul3A_62 = arith.muli %add3A_42, %mul3A_61 : i32
      %add3A_63 = arith.addi %mul3A_2, %mul3A_62 : i32
      %run_scoped3A_64 = arith.constant 1 : i32
      "tpu.region"() ({
        %run_scoped3A_65 = tpu.sem_alloc : memref<!tpu.dma_semaphore, #tpu.memory_space<semaphore_mem>>
        %dma_start3A_66 = arith.constant 0 : i32
        %dma_start3A_67 = arith.constant 0 : i32
        %dma_start3A_68 = tpu.memref_slice %arg6[%run_scoped3A_64, %dma_start3A_66, %dma_start3A_67] : memref<2x128x80xf32, #tpu.memory_space<vmem>> -> memref<1x128x80xf32, #tpu.memory_space<vmem>>
        %dma_start3A_69 = tpu.memref_squeeze %dma_start3A_68 : memref<1x128x80xf32, #tpu.memory_space<vmem>> -> memref<128x80xf32, #tpu.memory_space<vmem>>
        %dma_start3A_70 = arith.constant 0 : i32
        %dma_start3A_71 = tpu.memref_slice %arg4[%add3A_63, %dma_start3A_70] : memref<524288x80xf32, #tpu.memory_space<hbm>> -> memref<128x80xf32, #tpu.memory_space<hbm>>
        %dma_start3A_72 = arith.constant 0 : i32
        %dma_start3A_73 = tpu.memref_slice %arg4[%add3A_63, %dma_start3A_72] : memref<524288x80xf32, #tpu.memory_space<hbm>> -> memref<128x80xf32, #tpu.memory_space<hbm>>
        %dma_start3A_74 = arith.constant 0 : i32
        %dma_start3A_75 = arith.constant 0 : i32
        %dma_start3A_76 = tpu.memref_slice %arg6[%run_scoped3A_64, %dma_start3A_74, %dma_start3A_75] : memref<2x128x80xf32, #tpu.memory_space<vmem>> -> memref<1x128x80xf32, #tpu.memory_space<vmem>>
        %dma_start3A_77 = tpu.memref_squeeze %dma_start3A_76 : memref<1x128x80xf32, #tpu.memory_space<vmem>> -> memref<128x80xf32, #tpu.memory_space<vmem>>
        tpu.enqueue_dma source(%dma_start3A_77 : memref<128x80xf32, #tpu.memory_space<vmem>>) target(%dma_start3A_73 : memref<128x80xf32, #tpu.memory_space<hbm>>) target_semaphore(%run_scoped3A_65 : memref<!tpu.dma_semaphore, #tpu.memory_space<semaphore_mem>>)
        %dma_wait3A_78 = arith.constant 0 : i32
        %dma_wait3A_79 = arith.constant 0 : i32
        %dma_wait3A_80 = tpu.memref_slice %arg6[%run_scoped3A_64, %dma_wait3A_78, %dma_wait3A_79] : memref<2x128x80xf32, #tpu.memory_space<vmem>> -> memref<1x128x80xf32, #tpu.memory_space<vmem>>
        %dma_wait3A_81 = tpu.memref_squeeze %dma_wait3A_80 : memref<1x128x80xf32, #tpu.memory_space<vmem>> -> memref<128x80xf32, #tpu.memory_space<vmem>>
        %dma_wait3A_82 = arith.constant 0 : i32
        %dma_wait3A_83 = tpu.memref_slice %arg4[%add3A_63, %dma_wait3A_82] : memref<524288x80xf32, #tpu.memory_space<hbm>> -> memref<128x80xf32, #tpu.memory_space<hbm>>
        %dma_wait3A_84 = arith.constant 0 : i32
        %dma_wait3A_85 = tpu.memref_slice %arg4[%add3A_63, %dma_wait3A_84] : memref<524288x80xf32, #tpu.memory_space<hbm>> -> memref<128x80xf32, #tpu.memory_space<hbm>>
        %dma_wait3A_86 = arith.constant 0 : i32
        %dma_wait3A_87 = arith.constant 0 : i32
        %dma_wait3A_88 = tpu.memref_slice %arg6[%run_scoped3A_64, %dma_wait3A_86, %dma_wait3A_87] : memref<2x128x80xf32, #tpu.memory_space<vmem>> -> memref<1x128x80xf32, #tpu.memory_space<vmem>>
        %dma_wait3A_89 = tpu.memref_squeeze %dma_wait3A_88 : memref<1x128x80xf32, #tpu.memory_space<vmem>> -> memref<128x80xf32, #tpu.memory_space<vmem>>
        tpu.wait_dma2 semaphore(%run_scoped3A_65 : memref<!tpu.dma_semaphore, #tpu.memory_space<semaphore_mem>>) src(%dma_wait3A_89 : memref<128x80xf32, #tpu.memory_space<vmem>>) dst(%dma_wait3A_85 : memref<128x80xf32, #tpu.memory_space<hbm>>)
        tpu.yield
      }) : () -> ()
    }
    %scan3A_16 = arith.constant 64 : i32
    return
  }
}

module attributes {stable_mosaic.version = 14 : i64} {
  func.func @_mlp_body(%arg0: i32, %arg1: memref<8192x80xf32, #tpu.memory_space<vmem>>, %arg2: memref<256x80xf32, #tpu.memory_space<vmem>>, %arg3: memref<256x8xf32, #tpu.memory_space<vmem>>, %arg4: memref<80x64xf32, #tpu.memory_space<vmem>>, %arg5: memref<1x64xf32, #tpu.memory_space<vmem>>, %arg6: memref<64x32xf32, #tpu.memory_space<vmem>>, %arg7: memref<1x32xf32, #tpu.memory_space<vmem>>, %arg8: memref<1x32xf32, #tpu.memory_space<vmem>>, %arg9: memref<1x1xf32, #tpu.memory_space<vmem>>, %arg10: memref<256x8xf32, #tpu.memory_space<vmem>>) attributes {dimension_semantics = [#tpu.dimension_semantics<arbitrary>], iteration_bounds = array<i64: 64>, scalar_prefetch = 0 : i64, scratch_operands = 0 : i64, tpu.core_type = #tpu.core_type<tc>, window_params = [{transform_indices = @transform_0, window_bounds = array<i64: 8192, 80>}, {transform_indices = @transform_1, window_bounds = array<i64: 256, 80>}, {transform_indices = @transform_2, window_bounds = array<i64: 256, 8>}, {pipeline_mode = #tpu.pipeline_mode<synchronous>, transform_indices = @transform_3, window_bounds = array<i64: 80, 64>}, {pipeline_mode = #tpu.pipeline_mode<synchronous>, transform_indices = @transform_4, window_bounds = array<i64: 1, 64>}, {pipeline_mode = #tpu.pipeline_mode<synchronous>, transform_indices = @transform_5, window_bounds = array<i64: 64, 32>}, {pipeline_mode = #tpu.pipeline_mode<synchronous>, transform_indices = @transform_6, window_bounds = array<i64: 1, 32>}, {pipeline_mode = #tpu.pipeline_mode<synchronous>, transform_indices = @transform_7, window_bounds = array<i64: 1, 32>}, {pipeline_mode = #tpu.pipeline_mode<synchronous>, transform_indices = @transform_8, window_bounds = array<i64: 1, 1>}, {transform_indices = @transform_9, window_bounds = array<i64: 256, 8>}]} {
    %get3A = arith.constant 0 : index
    %get3A_0 = arith.constant 0 : index
    %get3A_1 = vector.load %arg1[%get3A, %get3A_0] : memref<8192x80xf32, #tpu.memory_space<vmem>>, vector<8192x80xf32>
    %get3A_2 = arith.constant 0 : index
    %get3A_3 = arith.constant 0 : index
    %get3A_4 = vector.load %arg2[%get3A_2, %get3A_3] : memref<256x80xf32, #tpu.memory_space<vmem>>, vector<256x80xf32>
    %broadcast_in_dim3A = vector.shape_cast %get3A_4 : vector<256x80xf32> to vector<256x1x80xf32>
    %broadcast_in_dim3A_5 = vector.shape_cast %broadcast_in_dim3A : vector<256x1x80xf32> to vector<256x1x80xf32>
    %broadcast_in_dim3A_6 = vector.broadcast %broadcast_in_dim3A_5 : vector<256x1x80xf32> to vector<256x32x80xf32>
    %reshape3A = vector.shape_cast %broadcast_in_dim3A_6 : vector<256x32x80xf32> to vector<8192x80xf32>
    %sub3A = arith.subf %get3A_1, %reshape3A : vector<8192x80xf32>
    %mul3A = arith.mulf %sub3A, %sub3A : vector<8192x80xf32>
    %get3A_7 = arith.constant 0 : index
    %get3A_8 = arith.constant 0 : index
    %get3A_9 = vector.load %arg4[%get3A_7, %get3A_8] : memref<80x64xf32, #tpu.memory_space<vmem>>, vector<80x64xf32>
    %dot_general3A = arith.constant dense<0.000000e+00> : vector<8192x64xf32>
    %dot_general3A_10 = tpu.matmul %mul3A, %get3A_9, %dot_general3A {dimension_numbers = #tpu.dot_dimension_numbers<[1], [0], [0], [1], [0, 0, 1, 1], [], []>, transpose_lhs_hint = false} : vector<8192x80xf32>, vector<80x64xf32>, vector<8192x64xf32> -> vector<8192x64xf32>
    %get3A_11 = arith.constant 0 : index
    %get3A_12 = arith.constant 0 : index
    %get3A_13 = vector.load %arg5[%get3A_11, %get3A_12] : memref<1x64xf32, #tpu.memory_space<vmem>>, vector<1x64xf32>
    %add3A = vector.broadcast %get3A_13 : vector<1x64xf32> to vector<8192x64xf32>
    %add3A_14 = arith.addf %dot_general3A_10, %add3A : vector<8192x64xf32>
    %max3A = arith.constant 0.000000e+00 : f32
    %max3A_15 = vector.broadcast %max3A : f32 to vector<8192x64xf32>
    %max3A_16 = arith.maximumf %add3A_14, %max3A_15 : vector<8192x64xf32>
    %get3A_17 = arith.constant 0 : index
    %get3A_18 = arith.constant 0 : index
    %get3A_19 = vector.load %arg6[%get3A_17, %get3A_18] : memref<64x32xf32, #tpu.memory_space<vmem>>, vector<64x32xf32>
    %dot_general3A_20 = arith.constant dense<0.000000e+00> : vector<8192x32xf32>
    %dot_general3A_21 = tpu.matmul %max3A_16, %get3A_19, %dot_general3A_20 {dimension_numbers = #tpu.dot_dimension_numbers<[1], [0], [0], [1], [0, 0, 1, 1], [], []>, transpose_lhs_hint = false} : vector<8192x64xf32>, vector<64x32xf32>, vector<8192x32xf32> -> vector<8192x32xf32>
    %get3A_22 = arith.constant 0 : index
    %get3A_23 = arith.constant 0 : index
    %get3A_24 = vector.load %arg7[%get3A_22, %get3A_23] : memref<1x32xf32, #tpu.memory_space<vmem>>, vector<1x32xf32>
    %add3A_25 = vector.broadcast %get3A_24 : vector<1x32xf32> to vector<8192x32xf32>
    %add3A_26 = arith.addf %dot_general3A_21, %add3A_25 : vector<8192x32xf32>
    %max3A_27 = arith.constant 0.000000e+00 : f32
    %max3A_28 = vector.broadcast %max3A_27 : f32 to vector<8192x32xf32>
    %max3A_29 = arith.maximumf %add3A_26, %max3A_28 : vector<8192x32xf32>
    %get3A_30 = arith.constant 0 : index
    %get3A_31 = arith.constant 0 : index
    %get3A_32 = vector.load %arg8[%get3A_30, %get3A_31] : memref<1x32xf32, #tpu.memory_space<vmem>>, vector<1x32xf32>
    %mul3A_33 = vector.broadcast %get3A_32 : vector<1x32xf32> to vector<8192x32xf32>
    %mul3A_34 = arith.mulf %max3A_29, %mul3A_33 : vector<8192x32xf32>
    %reduce_sum3A = arith.constant dense<0.000000e+00> : vector<8192xf32>
    %reduce_sum3A_35 = vector.multi_reduction <add>, %mul3A_34, %reduce_sum3A [1] : vector<8192x32xf32> to vector<8192xf32>
    %broadcast_in_dim3A_36 = vector.shape_cast %reduce_sum3A_35 : vector<8192xf32> to vector<8192x1xf32>
    %get3A_37 = arith.constant 0 : index
    %get3A_38 = arith.constant 0 : index
    %get3A_39 = vector.load %arg9[%get3A_37, %get3A_38] : memref<1x1xf32, #tpu.memory_space<vmem>>, vector<1x1xf32>
    %add3A_40 = vector.broadcast %get3A_39 : vector<1x1xf32> to vector<8192x1xf32>
    %add3A_41 = arith.addf %broadcast_in_dim3A_36, %add3A_40 : vector<8192x1xf32>
    %max3A_42 = arith.constant 0.000000e+00 : f32
    %max3A_43 = vector.broadcast %max3A_42 : f32 to vector<8192x1xf32>
    %max3A_44 = arith.maximumf %add3A_41, %max3A_43 : vector<8192x1xf32>
    %slice3A = vector.extract_strided_slice %get3A_1 {offsets = [0, 0], sizes = [8192, 8], strides = [1, 1]} : vector<8192x80xf32> to vector<8192x8xf32>
    %iota3A = tpu.iota {dimensions = array<i32: 1>} : vector<8192x8xi32>
    %eq3A = arith.constant 7 : i32
    %eq3A_45 = vector.broadcast %eq3A : i32 to vector<8192x8xi32>
    %eq3A_46 = arith.cmpi eq, %iota3A, %eq3A_45 : vector<8192x8xi32>
    %mul3A_47 = vector.broadcast %max3A_44 : vector<8192x1xf32> to vector<8192x8xf32>
    %mul3A_48 = arith.mulf %slice3A, %mul3A_47 : vector<8192x8xf32>
    %broadcast_in_dim3A_49 = vector.shape_cast %max3A_44 : vector<8192x1xf32> to vector<8192x1xf32>
    %broadcast_in_dim3A_50 = vector.broadcast %broadcast_in_dim3A_49 : vector<8192x1xf32> to vector<8192x8xf32>
    %select_n3A = arith.select %eq3A_46, %broadcast_in_dim3A_50, %mul3A_48 : vector<8192x8xi1>, vector<8192x8xf32>
    %reshape3A_51 = vector.shape_cast %select_n3A : vector<8192x8xf32> to vector<256x32x8xf32>
    %reduce_sum3A_52 = arith.constant dense<0.000000e+00> : vector<256x8xf32>
    %reduce_sum3A_53 = vector.multi_reduction <add>, %reshape3A_51, %reduce_sum3A_52 [1] : vector<256x32x8xf32> to vector<256x8xf32>
    %slice3A_54 = vector.extract_strided_slice %reduce_sum3A_53 {offsets = [0, 7], sizes = [256, 1], strides = [1, 1]} : vector<256x8xf32> to vector<256x1xf32>
    %div3A = vector.broadcast %slice3A_54 : vector<256x1xf32> to vector<256x8xf32>
    %div3A_55 = arith.divf %reduce_sum3A_53, %div3A : vector<256x8xf32>
    %get3A_56 = arith.constant 0 : index
    %get3A_57 = arith.constant 0 : index
    %get3A_58 = vector.load %arg3[%get3A_56, %get3A_57] : memref<256x8xf32, #tpu.memory_space<vmem>>, vector<256x8xf32>
    %sub3A_59 = arith.subf %div3A_55, %get3A_58 : vector<256x8xf32>
    %swap3A = arith.constant 0 : index
    %swap3A_60 = arith.constant 0 : index
    %swap3A_61 = vector.load %arg10[%swap3A, %swap3A_60] : memref<256x8xf32, #tpu.memory_space<vmem>>, vector<256x8xf32>
    tpu.vector_store %arg10[%swap3A, %swap3A_60], %sub3A_59 {strides = array<i32>} : memref<256x8xf32, #tpu.memory_space<vmem>>, vector<256x8xf32>,
    return
  }
  func.func @transform_0(%arg0: i32) -> (i32, i32) {
    %c0_i32 = arith.constant 0 : i32
    %c0_i32_0 = arith.constant 0 : i32
    return %arg0, %c0_i32 : i32, i32
  }
  func.func @transform_1(%arg0: i32) -> (i32, i32) {
    %c0_i32 = arith.constant 0 : i32
    %c0_i32_0 = arith.constant 0 : i32
    return %arg0, %c0_i32 : i32, i32
  }
  func.func @transform_2(%arg0: i32) -> (i32, i32) {
    %c0_i32 = arith.constant 0 : i32
    %c0_i32_0 = arith.constant 0 : i32
    return %arg0, %c0_i32 : i32, i32
  }
  func.func @transform_3(%arg0: i32) -> (i32, i32) {
    %c0_i32 = arith.constant 0 : i32
    %c0_i32_0 = arith.constant 0 : i32
    %c0_i32_1 = arith.constant 0 : i32
    return %c0_i32, %c0_i32_0 : i32, i32
  }
  func.func @transform_4(%arg0: i32) -> (i32, i32) {
    %c0_i32 = arith.constant 0 : i32
    %c0_i32_0 = arith.constant 0 : i32
    %c0_i32_1 = arith.constant 0 : i32
    return %c0_i32, %c0_i32_0 : i32, i32
  }
  func.func @transform_5(%arg0: i32) -> (i32, i32) {
    %c0_i32 = arith.constant 0 : i32
    %c0_i32_0 = arith.constant 0 : i32
    %c0_i32_1 = arith.constant 0 : i32
    return %c0_i32, %c0_i32_0 : i32, i32
  }
  func.func @transform_6(%arg0: i32) -> (i32, i32) {
    %c0_i32 = arith.constant 0 : i32
    %c0_i32_0 = arith.constant 0 : i32
    %c0_i32_1 = arith.constant 0 : i32
    return %c0_i32, %c0_i32_0 : i32, i32
  }
  func.func @transform_7(%arg0: i32) -> (i32, i32) {
    %c0_i32 = arith.constant 0 : i32
    %c0_i32_0 = arith.constant 0 : i32
    %c0_i32_1 = arith.constant 0 : i32
    return %c0_i32, %c0_i32_0 : i32, i32
  }
  func.func @transform_8(%arg0: i32) -> (i32, i32) {
    %c0_i32 = arith.constant 0 : i32
    %c0_i32_0 = arith.constant 0 : i32
    %c0_i32_1 = arith.constant 0 : i32
    return %c0_i32, %c0_i32_0 : i32, i32
  }
  func.func @transform_9(%arg0: i32) -> (i32, i32) {
    %c0_i32 = arith.constant 0 : i32
    %c0_i32_0 = arith.constant 0 : i32
    return %arg0, %c0_i32 : i32, i32
  }
}

</mosaic_0001>

<sc_bundles>
// kernel: kernel.5.cloned.1.call-start
scs
__scs_entry_jumppad:
0x0: {  	(pc) =	sbr.rel $0x88, $3  }
0x1: {  	(tag) =	ssettag $0x0;
	lr =	simm.s32 $0x1  }
0x2: {  	[smem:$0x3F99] =	sst lr;
	_ =	strace $0xD0000000  }
0x3: {  	_ = 	snop  }
0x4: {  	_ = 	snop  }
0x5: {  	_ = 	snop  }
0x6: {  	_ = 	snop  }
0x7: {  	_ = 	snop  }
__scs_overlays_trampoline_lowered:
0x8: {  	[smem:$0x3FA8] =	sst s0  }
0x9: {  	[smem:$0x3FA9] =	sst s1  }
0xa: {  	[smem:$0x3FAA] =	sst s2  }
0xb: {  	[smem:$0x3FAB] =	sst s3  }
0xc: {  	[smem:$0x3FAC] =	sst s4  }
0xd: {  	[smem:$0x3FAD] =	sst s5  }
0xe: {  	[smem:$0x3FAE] =	sst s6  }
0xf: {  	[smem:$0x3FAF] =	sst s7  }
0x10: {  	[smem:$0x3FB0] =	sst s8  }
0x11: {  	[smem:$0x3FB1] =	sst s9;
	s0 =	simm.s32 @!p0 $0x0  }
0x12: {  	s1 =	sld [smem:$0x3F97];
	s0 =	simm.s32 @p0 $0x1  }
0x13: {  	[smem:$0x3FB2] =	sst s0;
	s0 =	simm.s32 @!p1 $0x0  }
0x14: {  	s2 =	sld [smem:$0x3F96];
	s0 =	simm.s32 @p1 $0x1  }
0x15: {  	[smem:$0x3FB3] =	sst s0;
	s0 =	simm.s32 @!p2 $0x0  }
0x16: {  	s3 =	sld [smem:$0x3FDB];
	s0 =	simm.s32 @p2 $0x1  }
0x17: {  	s4 =	simm.s32 $0x1BF5;
	[smem:$0x3FB5] =	sst s0  }
0x18: {  	s0 =	sld [smem:$0x3F98];
	_ =	swait.ge [sflag:s4], $0x0  }
0x19: {  	s7 =	sld [smem:$0x3F99]  }
0x1a: {  	s8 =	sadd.s32 $0xFFFFE003, lr  }
0x1b: {  	s9 =	sadd.s32 $0xFFFFFEF7, lr;
	s5 =	simm.s32 $0xFFFFFFFF;
	p2 =	slt.u32 s8, $0xFFFFF086  }
0x1c: {  	p1 =	slt.u32 s9, $0xF7A;
	s5 =	simm.s32 @!p2 $0x0  }
0x1d: {  	s5 =	simm.s32 @p1 $0x1;
	p0 =	seq.s32 s7, s2  }
0x1e: {  	s7 =	smul.u32 @!p0 $0xF7A, s2;
	p2 =	seq.s32 @!p0 s5, $0x0  }
0x1f: {  	s9 =	smul.u32 $0xF7A, s1;
	s8 =	simm.s32 @!p0 $0x1BF5;
	p2 =	por !p2, p0  }
0x20: {  	[sflag:s8] =	ssyncset.s32 @!p0 $0xFFFFF086;
	s6 =	sadd.s32 @!p0 s3, s7;
	s7 =	simm.s32 @!p0 $0x108  }
0x21: {  	s3 =	sadd.s32 s3, s9;
	s6 =	sadd.s32 @!p0 $0x88, s6;
	s7 =	simm.s32 @p2 $0x1082  }
0x22: {  	[simem:s7], [sflag:s8] =	dma.local @!p0 [hbm:s6], $0xF7A  }
0x23: {  	s9 =	sor.u32 $0xD0000000, s2;
	s6 =	simm.s32 $0x108;
	_ =	swait.ge @!p0 [sflag:s8], $0x0  }
0x24: {  	s3 =	sadd.s32 $0x88, s3;
	s6 =	simm.s32 @!p1 $0x1082;
	[sflag:s4] =	ssyncset.s32 $0xFFFFF086  }
0x25: {  	[simem:s6], [sflag:s4] =	dma.local [hbm:s3], $0xF7A  }
0x26: {  	[smem:$0x3F99] =	sst s1;
	(tag) =	ssettag s2;
	_ =	strace s9  }
0x27: {  	s1 =	sld [smem:$0x3FA9]  }
0x28: {  	s2 =	sld [smem:$0x3FAA]  }
0x29: {  	s4 =	sld [smem:$0x3FAC]  }
0x2a: {  	p0 =	seq.s32 s5, $0x0;
	s5 =	sld [smem:$0x3FAD]  }
0x2b: {  	s6 =	sld [smem:$0x3FAE]  }
0x2c: {  	s7 =	sld [smem:$0x3FAF]  }
0x2d: {  	s3 =	simm.s32 $0x108;
	s8 =	sld [smem:$0x3FB0]  }
0x2e: {  	s3 =	simm.s32 @!p0 $0x1082;
	s9 =	sld [smem:$0x3FB1]  }
0x2f: {  	lr =	sadd.s32 s0, s3;
	s0 =	sld [smem:$0x3FA8]  }
0x30: {  	s3 =	sld [smem:$0x3FAB]  }
0x31: {  	[smem:$0x3FB4] =	sst s10  }
0x32: {  	s10 =	sld [smem:$0x3FB2];
	_ =	sdelay $0x3  }
0x33: {  	p0 =	seq.s32 s10, $0x1;
	s10 =	sld [smem:$0x3FB4];
	_ =	sdelay $0x3  }
0x34: {  	[smem:$0x3FB4] =	sst s10  }
0x35: {  	s10 =	sld [smem:$0x3FB3];
	_ =	sdelay $0x3  }
0x36: {  	p1 =	seq.s32 s10, $0x1;
	s10 =	sld [smem:$0x3FB4];
	_ =	sdelay $0x3  }
0x37: {  	[smem:$0x3FB4] =	sst s10  }
0x38: {  	s10 =	sld [smem:$0x3FB5]  }
0x39: {  	_ = 	snop;
	(pc) =	sbr.ind lr, $3  }
0x3a: {  	_ = 	snop  }
0x3b: {  	_ = 	snop  }
0x3c: {  	p2 =	seq.s32 s10, $0x1;
	s10 =	sld [smem:$0x3FB4]  }
0x3d: {  	_ =	shalt  }
0x3e: {  	_ =	shalt  }
0x3f: {  	_ =	shalt  }
0x40: {  	_ =	shalt  }
0x41: {  	_ =	shalt  }
0x42: {  	_ =	shalt  }
0x43: {  	_ =	shalt  }
0x44: {  	_ =	shalt  }
0x45: {  	_ =	shalt  }
0x46: {  	_ =	shalt  }
0x47: {  	_ =	shalt  }
0x48: {  	_ =	shalt  }
0x49: {  	_ =	shalt  }
0x4a: {  	_ =	shalt  }
0x4b: {  	_ =	shalt  }
0x4c: {  	_ =	shalt  }
0x4d: {  	_ =	shalt  }
0x4e: {  	_ =	shalt  }
0x4f: {  	_ =	shalt  }
0x50: {  	_ =	shalt  }
0x51: {  	_ =	shalt  }
0x52: {  	_ =	shalt  }
0x53: {  	_ =	shalt  }
0x54: {  	_ =	shalt  }
0x55: {  	_ =	shalt  }
0x56: {  	_ =	shalt  }
0x57: {  	_ =	shalt  }
0x58: {  	_ =	shalt  }
0x59: {  	_ =	shalt  }
0x5a: {  	_ =	shalt  }
0x5b: {  	_ =	shalt  }
0x5c: {  	_ =	shalt  }
0x5d: {  	_ =	shalt  }
0x5e: {  	_ =	shalt  }
0x5f: {  	_ =	shalt  }
0x60: {  	_ =	shalt  }
0x61: {  	_ =	shalt  }
0x62: {  	_ =	shalt  }
0x63: {  	_ =	shalt  }
0x64: {  	_ =	shalt  }
0x65: {  	_ =	shalt  }
0x66: {  	_ =	shalt  }
0x67: {  	_ =	shalt  }
0x68: {  	_ =	shalt  }
0x69: {  	_ =	shalt  }
0x6a: {  	_ =	shalt  }
0x6b: {  	_ =	shalt  }
0x6c: {  	_ =	shalt  }
0x6d: {  	_ =	shalt  }
0x6e: {  	_ =	shalt  }
0x6f: {  	_ =	shalt  }
0x70: {  	_ =	shalt  }
0x71: {  	_ =	shalt  }
0x72: {  	_ =	shalt  }
0x73: {  	_ =	shalt  }
0x74: {  	_ =	shalt  }
0x75: {  	_ =	shalt  }
0x76: {  	_ =	shalt  }
0x77: {  	_ =	shalt  }
0x78: {  	_ =	shalt  }
0x79: {  	_ =	shalt  }
0x7a: {  	_ =	shalt  }
0x7b: {  	_ =	shalt  }
0x7c: {  	_ =	shalt  }
0x7d: {  	_ =	shalt  }
0x7e: {  	_ =	shalt  }
0x7f: {  	_ =	shalt  }
0x80: {  	_ =	shalt  }
0x81: {  	_ =	shalt  }
0x82: {  	_ =	shalt  }
0x83: {  	_ =	shalt  }
0x84: {  	_ =	shalt  }
0x85: {  	_ =	shalt  }
0x86: {  	_ =	shalt  }
0x87: {  	_ =	shalt  }
.Lfunc_end0:
.L_simem_size_0:
called_computation_lowered:
.L_overlay_start_0:
0x88: {  	s2 =	sld [smem:$0x3FD9]  }
0x89: {  	s3 =	sld [smem:$0x3FFE];
	_ =	sdelay $0x1  }
0x8a: {  	s1 =	srdreg.scid  }
0x8b: {  	s0 =	sand.u32 $0x1, s1  }
0x8c: {  	s17 =	sshll.u32 s0, $0xA;
	s2 =	sadd.s32 s3, s2  }
0x8d: {  	s2 =	sadd.s32 s2, s17  }
0x8e: {  	[smem:$0x3FC0] =	sst s2  }
0x8f: {  	_ = 	snop  }
0x90: {  	s2 =	sld [smem:$0x3FD0];
	(tm) =	ssettm $0x1  }
0x91: {  	s18 =	sld [smem:$0x3FFB];
	_ =	sdelay $0x3  }
0x92: {  	_ =	strace s18  }
0x93: {  	s3 =	sld [smem:$0x3FFC];
	_ =	sdelay $0x3  }
0x94: {  	_ =	strace s3  }
0x95: {  	s3 =	sld [smem:$0x3FFD];
	_ =	sdelay $0x3  }
0x96: {  	_ =	strace s3  }
0x97: {  	_ =	strace $0x8FFFFFFF  }
0x98: {  	s19 =	sld [smem:$0x3FDB];
	_ =	sdelay $0x1  }
0x99: {  	s4 =	simm.s32 $_scs_section_size  }
0x9a: {  	s5 =	simm.s32 $_size__tile_overlayer_lowered;
	s6 =	simm.s32 $_tile_overlayer_lowered  }
0x9b: {  	s22 =	simm.s32 $0x1BFF;
	s21 =	sshll.u32 s6, $0x1;
	s3 =	sadd.s32 s4, s19  }
0x9c: {  	s7 =	simm.s32 $0x0;
	s20 =	sshll.u32 s5, $0x1;
	s5 =	sadd.s32 s21, s3  }
0x9d: {  	[timem:s7], [sflag:s22] =	dma.local [hbm:s5], s20  }
0x9e: {  	_ =	swait.ge [sflag:s22], s20  }
0x9f: {  	s4 =	ssub.s32 $0x0, s20;
	[sflag:s22] =	ssyncset.done $0x0  }
0xa0: {  	[sflag:s22] =	ssyncadd.s32 s4;
	_ =	sdelay $0x1  }
0xa1: {  	s23 =	simm.s32 $0x1B8B  }
0xa2: {  	_ =	swait.ge [sflag:s23], $0x1  }
0xa3: {  	[sflag:s23] =	ssyncset.done $0x0  }
0xa4: {  	s25 =	simm.s32 $0x1B8E;
	s24 =	sld [smem:$0x3FFE];
	[sflag:s23] =	ssyncadd.s32 $0xFFFFFFFF  }
0xa5: {  	s26 =	simm.s32 $execute0_lowered;
	[smem:$0x3FD2] =	sst s25  }
0xa6: {  	s5 =	sshll.u32 s26, $0x1;
	_ =	strace $0x80000046;
	[dreg:$0x1] =	wrdreg $0xFFFFFFFF  }
0xa7: {  	s28 =	simm.s32 $_size_execute0_lowered;
	s3 =	sadd.s32 s3, s5;
	[dreg:$0x0] =	wrdreg $0x0  }
0xa8: {  	s5 =	sshll.u32 s28, $0x1;
	[dreg:$0x2] =	wrdreg s3  }
0xa9: {  	[dreg:$0x3] =	wrdreg s5  }
0xaa: {  	[dreg:$0x4] =	wrdreg $0xC0  }
0xab: {  	_ =	task [dreg:s7], $0x5FFFF  }
0xac: {  	[dreg:$0x1] =	wrdreg $0xFFFFFFFF  }
0xad: {  	[dreg:$0x0] =	wrdreg $0x60  }
0xae: {  	[dreg:$0x2] =	wrdreg s2  }
0xaf: {  	[dreg:$0x3] =	wrdreg s24  }
0xb0: {  	[dreg:$0x4] =	wrdreg $0x9  }
0xb1: {  	_ =	task.clear_ibuf [dreg:s7], $0x5FFFF;
	_ =	strace $0x90000046  }
0xb2: {  	s29 =	simm.s32 $0x9;
	_ =	strace $0x80000048  }
0xb3: {  	_ =	swait.ge [sflag:s29], $0x1  }
0xb4: {  	[sflag:s29] =	ssyncadd.s32 $0xFFFFFFFF  }
0xb5: {  	_ =	strace $0x90000048  }
0xb6: {  	_ =	sfence  }
0xb7: {  	s30 =	sld [smem:$0x0];
	_ =	sdelay $0x2  }
0xb8: {  	s31 =	sshll.u32 s1, $0xD;
	s1 =	sshrl.u32 s1, $0x2  }
0xb9: {  	s3 =	sand.u32 $0x4000, s31;
	s1 =	sadd.s32 s1, s30  }
0xba: {  	s0 =	sor.u32 s3, s0;
	s1 =	sshll.u32 s1, $0x11  }
0xbb: {  	s0 =	sor.u32 s1, s0  }
0xbc: {  	s0 =	sadd.s32 $0x8F2B, s0  }
0xbd: {  	[sflag:s0] =	ssyncadd.remote.s32 $0x1  }
0xbe: {  	_ =	sfence.sel $0xFFFF  }
0xbf: {  	[dreg:$0x0] =	wrdreg $0xFFFFFFFF;
	(pc) =	sbr.abs _section_cstart, $3  }
0xc0: {  	[dreg:$0x1] =	wrdreg $0xFFFFFFFF  }
0xc1: {  	_ =	task.clear_ibuf [dreg:s7], $0x2FFFF;
	_ =	strace $0x9FFFFFFF  }
0xc2: {  	(tm) =	ssettm $0x7FFFFFFF  }
0xc3: {  	_ =	shalt  }
tec
execute0_lowered:
.L_overlay_start_1:
0x0: {  	(tag) =	ssettag $0x1  }
0x1: {  	v0 =	vimm.s32 $0xEDCBA987  }
0x2: {  	v0 =	vunpack.c.l.s4.s8 v0  }
0x3: {  	v1 =	vimm.s32 $0x65432100  }
0x4: {  	v2 =	vimm.s32 $0xDCBA9876;
	v1 =	vunpack.c.l.s4.s8 v1;
	v0 =	vunpack.c.0.s8.s32 v0  }
0x5: {  	s0 =	rddreg [dreg:$0x0];
	v2 =	vunpack.c.l.s4.s8 v2  }
0x6: {  	s2 =	rddreg [dreg:$0x1];
	v1 =	vunpack.c.0.s8.s32 v1;
	v3 =	vand.u32 $0xF, v0;
	v0 =	vimm.s32 $0x54321000  }
0x7: {  	s1 =	simm.s32 $0x0;
	s4 =	stileid.u32;
	s3 =	srdreg.scid;
	v5 =	vimm.s32 $0xE40000;
	v2 =	vunpack.c.0.s8.s32 v2;
	v4 =	vunpack.c.l.s4.s8 v0  }
0x8: {  	v6 =	vimm.s32 $0x32100000;
	s11 =	simm.s32 $0x80;
	s12 =	simm.s32 $0x200;
	s13 =	simm.s32 $0x1;
	v1 =	vcombine.low v1, v3;
	v3 =	vunpack.c.l.s2.s4 v5  }
0x9: {  	s16 =	simm.s32 $0x3380;
	s17 =	simm.s32 $0x0;
	[smem:$0x7FF] =	sst s1;
	v5 =	vand.u32 $0xF, v2;
	v2 =	vimm.s32 $0xBA987654;
	v4 =	vunpack.c.0.s8.s32 v4  }
0xa: {  	vm0 =	vmmov $0x3;
	s8 =	sshrl.u32 s4, $0x2;
	s3 =	sand.u32 $0x1, s3;
	s4 =	sshll.u32 s4, $0x1;
	v7 =	vunpack.c.l.s4.s8 v2;
	v8 =	vunpack.c.l.s4.s8 v3  }
0xb: {  	vm2 =	vcmask $0x3F30;
	_ =	strace $0x80000047;
	s5 =	sshll.u32 s8, $0x4;
	s4 =	sor.u32 s3, s4;
	v3 =	vcombine.low v4, v5;
	v4 =	vunpack.c.l.s4.s8 v6  }
.Ltmp0:
0xc: {  	s9 =	ssub.s32 $0x2, s3;
	s8 =	sshll.u32 s8, $0xC;
	v5 =	vunpack.c.0.s8.s32 v7;
	v6 =	vimm.s32 $0x7060504;
	v7 =	vunpack.c.0.s8.s32 v8;
	(pc) =	sbr.rel .LBB2_1-.Ltmp0, $4  }
0xd: {  	vm1 =	vmmov $0xf;
	s7 =	sadd.s32 s5, s2;
	s6 =	sshll.u32 s4, $0xB;
	s31 =	sshrl.u32 s9, $0x1;
	v6 =	vunpack.c.0.s8.s32 v6;
	v4 =	vunpack.c.0.s8.s32 v4  }
0xe: {  	s3 =	sshll.u32 s4, $0x9;
	s5 =	sadd.s32 s0, s5;
	s2 =	sadd.s32 s6, s2;
	v0 =	vlaneseq.u32;
	v5 =	vand.u32 $0xF, v5;
	v7 =	vand.u32 $0x3, v7  }
0xf: {  	s10 =	ssub.s32 s9, s31;
	s4 =	sand.u32 $0xE00, s3;
	s6 =	sadd.s32 $0x1E00, s7;
	v2 =	vimm.s32 $0x0;
	v4 =	vcombine.low v4, v5;
	v5 =	vsel vm2, v6, v7  }
0x10: {  	s7 =	sadd.s32 $0x2800, s7;
	s9 =	sadd.s32 $0x3200, s2;
	s10 =	smax.u32 s10, $0x1;
	vm2 =	vmmov $0xff;
	v6 =	vimm.s32 $0x7;
	v7 =	vadd.s32 $0x1, v0  }
.LBB2_7:
0x11: {  	s17 =	sadd.s32 $0x1, s17  }
0x12: {  	p0 =	sne.s32 s17, s10  }
.Ltmp1:
0x13: {  	_ = 	snop;
	(pc) =	sbr.rel @!p0 .LBB2_8-.Ltmp1, $4  }
0x14: {  	[hbm4b:s9+s1] =	stream.linear.scatter [tilespmem:s16], [sflag:$0x1], $0x4000, $0x38;
	[tilespmem:$0x7380] =	vst v63  }
0x15: {  	_ =	swait.ge [sflag:s13], $0x4000  }
0x16: {  	[sflag:s13] =	ssyncset.done $0x0  }
0x17: {  	[sflag:s13] =	ssyncadd.s32 $0xFFFFC000  }
.LBB2_1:
0x18: {  	[tilespmem:s1], [sflag:$0x1] =	stream.strided.gather [hbm4b:s5+s11], $0x1080, s12, s11, $0x38;
	[tilespmem:$0x7380] =	vst v63  }
0x19: {  	_ =	swait.ge [sflag:s13], $0x1080  }
0x1a: {  	[sflag:s13] =	ssyncset.done $0x0  }
0x1b: {  	s0 =	simm.s32 $0x1080;
	[sflag:s13] =	ssyncadd.s32 $0xFFFFEF80  }
0x1c: {  	[tilespmem:s0], [sflag:$0x1] =	stream.strided.gather [hbm4b:s6+s11], $0x1080, s12, s11, $0x38;
	[tilespmem:$0x7380] =	vst v63  }
0x1d: {  	_ =	swait.ge [sflag:s13], $0x1080  }
0x1e: {  	[sflag:s13] =	ssyncset.done $0x0  }
.Ltmp2:
0x1f: {  	s31 =	simm.s32 $0x2100;
	[sflag:s13] =	ssyncadd.s32 $0xFFFFEF80;
	(pc) =	sbr.rel .LBB2_2-.Ltmp2, $4  }
0x20: {  	[tilespmem:s31], [sflag:$0x1] =	stream.strided.gather [hbm4b:s7+s11], $0x1080, s12, s11, $0x38;
	[tilespmem:$0x7380] =	vst v63  }
0x21: {  	_ =	swait.ge [sflag:s13], $0x1080  }
0x22: {  	[sflag:s13] =	ssyncset.done $0x0  }
0x23: {  	s18 =	simm.s32 $0x0;
	[sflag:s13] =	ssyncadd.s32 $0xFFFFEF80  }
.LBB2_6:
0x24: {  	v8 =	vld [tilespmem:$0x3180];
	_ =	sdelay $0x2  }
0x25: {  	p0 =	slt.s32 s30, $0x20;
	v9 =	vld [tilespmem:$0x3190]  }
0x26: {  	s30 =	simm.s32 @!p0 $0x20  }
0x27: {  	v10 =	vmov s30;
	v11 =	vbroadcast v8, $0x0  }
0x28: {  	s0 =	sshll.u32 s18, $0x7;
	v12 =	vor.u32 $0x10, v0;
	vm3 =	vgt.s32 v10, v0  }
0x29: {  	s0 =	sand.u32 $0x3FFFFF80, s0;
	v8 =	vsel vm3, v8, v11;
	vm3 =	vgt.s32 v10, v12  }
0x2a: {  	[tilespmem:s0+$0x3380] =	vst v8;
	v8 =	vsel vm3, v9, v11  }
0x2b: {  	[tilespmem:s0+$0x3390] =	vst v8  }
0x2c: {  	v8 =	vld [tilespmem:$0x3200];
	_ =	sdelay $0x2  }
0x2d: {  	p0 =	slt.s32 s31, $0x20;
	v55 =	vld [tilespmem:$0x3210]  }
0x2e: {  	s31 =	simm.s32 @!p0 $0x20  }
0x2f: {  	v56 =	vmov s31;
	v57 =	vbroadcast v8, $0x0  }
0x30: {  	vm3 =	vgt.s32 v56, v0  }
0x31: {  	s26 =	sshll.u32 s21, $0x5;
	v8 =	vsel vm3, v8, v57;
	vm3 =	vgt.s32 v56, v12  }
0x32: {  	s0 =	sor.u32 $0x30, s26;
	[tilespmem:s26+$0x3380] =	vst v8;
	v8 =	vsel vm3, v55, v57  }
0x33: {  	[tilespmem:s0+$0x3380] =	vst v8  }
0x34: {  	v8 =	vld [tilespmem:$0x3280];
	_ =	sdelay $0x2  }
0x35: {  	p0 =	slt.s32 s28, $0x20;
	v58 =	vld [tilespmem:$0x3290]  }
0x36: {  	s28 =	simm.s32 @!p0 $0x20  }
0x37: {  	v59 =	vmov s28;
	v60 =	vbroadcast v8, $0x0  }
0x38: {  	vm3 =	vgt.s32 v59, v0  }
0x39: {  	s30 =	sshll.u32 s20, $0x5;
	v8 =	vsel vm3, v8, v60;
	vm3 =	vgt.s32 v59, v12  }
0x3a: {  	s0 =	sor.u32 $0x50, s30;
	[tilespmem:s30+$0x3380] =	vst v8;
	v8 =	vsel vm3, v58, v60  }
0x3b: {  	[tilespmem:s0+$0x3380] =	vst v8  }
0x3c: {  	v8 =	vld [tilespmem:$0x3300];
	_ =	sdelay $0x2  }
0x3d: {  	s18 =	sadd.s32 $0x1, s18;
	p0 =	slt.s32 s29, $0x20;
	v61 =	vld [tilespmem:$0x3310]  }
0x3e: {  	s29 =	simm.s32 @!p0 $0x20;
	p0 =	sne.s32 s18, $0x80  }
.Ltmp3:
0x3f: {  	v62 =	vmov s29;
	v63 =	vbroadcast v8, $0x0;
	(pc) =	sbr.rel @!p0 .LBB2_7-.Ltmp3, $4  }
0x40: {  	vm3 =	vgt.s32 v62, v0  }
0x41: {  	s31 =	sshll.u32 s19, $0x5;
	v8 =	vsel vm3, v8, v63;
	vm3 =	vgt.s32 v62, v12  }
0x42: {  	s0 =	sor.u32 $0x70, s31;
	[tilespmem:s31+$0x3380] =	vst v8;
	v8 =	vsel vm3, v61, v63  }
0x43: {  	[tilespmem:s0+$0x3380] =	vst v8  }
.LBB2_2:
0x44: {  	s19 =	sshllo.u32 s18, $0x2  }
0x45: {  	s0 =	sshll.u32 s18, $0x2;
	s26 =	sor.u32 s4, s19  }
0x46: {  	s2 =	sor.u32 s3, s0;
	v17 =	vld.msk [tilespmem:s26+$0x0 ss:$0x0], $0xffff  }
0x47: {  	s14 =	sand.u32 $0x7C, s0;
	s2 =	sand.u32 $0xF80, s2;
	v18 =	vld.msk [tilespmem:s26+$0x1080 ss:$0x0], $0xffff  }
0x48: {  	v19 =	vld.msk [tilespmem:s26+$0x2100 ss:$0x0], $0xffff;
	s14 =	sor.u32 s14, s2  }
0x49: {  	s21 =	sor.u32 $0x1, s0;
	v8 =	vld.msk [tilespmem:s14+$0x0 ss:$0x0], $0xffff  }
0x4a: {  	s15 =	sand.u32 $0x7D, s21;
	v9 =	vld.msk [tilespmem:s14+$0x1080 ss:$0x0], $0xffff  }
0x4b: {  	s15 =	sor.u32 s15, s2;
	v10 =	vld.msk [tilespmem:s14+$0x2100 ss:$0x0], $0xffff  }
0x4c: {  	s20 =	sor.u32 $0x2, s0;
	v11 =	vld.msk [tilespmem:s15+$0x0 ss:$0x0], $0xffff  }
.Ltmp4:
0x4d: {  	s30 =	simm.s32 $0x0;
	s0 =	sand.u32 $0x7E, s20;
	v12 =	vld.msk [tilespmem:s15+$0x1080 ss:$0x0], $0xffff;
	(pc) =	sbr.rel .LBB2_3-.Ltmp4, $4  }
0x4e: {  	s22 =	simm.s32 $0x2140;
	[smem:$0x0] =	sst s30;
	s0 =	sor.u32 s0, s2;
	v13 =	vld.msk [tilespmem:s15+$0x2100 ss:$0x0], $0xffff  }
0x4f: {  	s23 =	simm.s32 $0x10C0;
	s24 =	simm.s32 $0x40;
	[smem:$0x1] =	sst s30;
	v14 =	vld.msk [tilespmem:s0+$0x0 ss:$0x0], $0xffff  }
0x50: {  	s25 =	simm.s32 $0x0;
	s31 =	simm.s32 $0x0;
	[smem:$0x2] =	sst s30;
	v15 =	vld.msk [tilespmem:s0+$0x1080 ss:$0x0], $0xffff  }
0x51: {  	s28 =	simm.s32 $0x0;
	s29 =	simm.s32 $0x0;
	v16 =	vld.msk [tilespmem:s0+$0x2100 ss:$0x0], $0xffff;
	[smem:$0x3] =	sst s30  }
.LBB2_5:
0x52: {  	s25 =	sadd.s32 $0x80, s25  }
0x53: {  	p0 =	sne.s32 s25, $0x1000  }
.Ltmp5:
0x54: {  	_ = 	snop;
	(pc) =	sbr.rel @!p0 .LBB2_6-.Ltmp5, $2  }
0x55: {  	_ =	sdelay $0x2  }
0x56: {  	s22 =	sadd.s32 $0x80, s22;
	s23 =	sadd.s32 $0x80, s23;
	s24 =	sadd.s32 $0x80, s24  }
.LBB2_3:
0x57: {  	p0 =	slt.s32 s30, s31;
	s0 =	smov.u32 s31  }
0x58: {  	s0 =	smov.u32 @p0 s30  }
0x59: {  	s2 =	smov.u32 s28;
	p0 =	slt.s32 s0, s28  }
0x5a: {  	s2 =	smov.u32 @p0 s0  }
0x5b: {  	s0 =	smov.u32 s29;
	p0 =	slt.s32 s2, s29  }
0x5c: {  	s0 =	smov.u32 @p0 s2  }
0x5d: {  	p0 =	sgt.s32 s0, $0x1F  }
.Ltmp6:
0x5e: {  	_ = 	snop;
	(pc) =	sbr.rel @p0 .LBB2_5-.Ltmp6, $1  }
0x5f: {  	_ =	sdelay $0x3  }
0x60: {  	v20 =	vld [tilespmem:s24+$0xFFFFFFC0]  }
0x61: {  	v21 =	vld [tilespmem:s23+$0xFFFFFFC0];
	_ =	sdelay $0x1  }
0x62: {  	v22 =	vld [tilespmem:s22+$0xFFFFFFC0];
	_ =	sdelay $0x2  }
0x63: {  	v23 =	vsub.f32 v20, v8;
	v24 =	vsub.f32 v21, v9;
	_ =	sdelay $0x1  }
0x64: {  	v25 =	vsub.f32 v22, v10;
	v23 =	vmul.f32 v23, v23;
	v24 =	vmul.f32 v24, v24;
	_ =	sdelay $0x1  }
0x65: {  	v58 =	vmul.f32 v25, v25;
	v23 =	vadd.f32 v24, v23;
	_ =	sdelay $0x1  }
0x66: {  	v23 =	vadd.f32 v58, v23;
	_ =	sdelay $0x1  }
0x67: {  	vm3 =	vlt.f32 v23, $3.999999910e-02  }
0x68: {  	v60 =	vsub.f32 v20, v11;
	v23 =	vsel vm3, $0x1, v2  }
0x69: {  	v61 =	vsub.f32 v21, v12;
	v27 =	vsub.f32 v22, v13;
	v59 =	vperm.xlane v23, v1  }
0x6a: {  	v62 =	vsub.f32 v20, v14;
	v20 =	vsub.f32 v20, v17;
	vm3 =	veq.s32 v0, $0x0  }
0x6b: {  	v63 =	vsub.f32 v21, v15;
	v21 =	vsub.f32 v21, v18;
	v24 =	vsel vm3, $0x0, v59  }
0x6c: {  	v28 =	vsub.f32 v22, v16;
	v20 =	vmul.f32 v20, v20;
	v23 =	vadd.s32 v23, v24  }
0x6d: {  	v22 =	vsub.f32 v22, v19;
	v21 =	vmul.f32 v21, v21;
	v24 =	vperm.xlane v23, v3;
	_ =	sdelay $0x1  }
0x6e: {  	v32 =	vmul.f32 v22, v22;
	v20 =	vadd.f32 v21, v20;
	v24 =	vsel vm0, $0x0, v24  }
0x6f: {  	v25 =	vmul.f32 v61, v61;
	v23 =	vadd.s32 v24, v23  }
0x70: {  	v20 =	vadd.f32 v32, v20;
	v24 =	vmul.f32 v60, v60;
	v26 =	vperm.xlane v23, v4;
	_ =	sdelay $0x1  }
0x71: {  	vm14 =	vlt.f32 v20, $3.999999910e-02;
	v24 =	vadd.f32 v25, v24;
	v26 =	vsel vm1, $0x0, v26  }
0x72: {  	v25 =	vmul.f32 v62, v62;
	v23 =	vadd.s32 v26, v23;
	v26 =	vmul.f32 v63, v63  }
0x73: {  	v27 =	vmul.f32 v27, v27;
	v40 =	vsel vm14, $0x1, v2  }
0x74: {  	v30 =	vmul.f32 v28, v28;
	v41 =	vperm.xlane v40, v1;
	v25 =	vadd.f32 v26, v25  }
0x75: {  	v24 =	vadd.f32 v27, v24  }
0x76: {  	v22 =	vsel vm3, $0x0, v41;
	v33 =	vadd.f32 v30, v25  }
0x77: {  	v22 =	vadd.s32 v40, v22;
	vm4 =	vlt.f32 v24, $3.999999910e-02  }
0x78: {  	v48 =	vperm.xlane v22, v3;
	v35 =	vsel vm4, $0x1, v2;
	vm13 =	vlt.f32 v33, $3.999999910e-02  }
0x79: {  	v31 =	vperm.xlane v23, v5;
	v36 =	vperm.xlane v35, v1;
	v38 =	vsel vm13, $0x1, v2  }
0x7a: {  	v39 =	vperm.xlane v38, v1  }
0x7b: {  	v24 =	vsel vm0, $0x0, v48;
	v34 =	vsel vm2, $0x0, v31;
	v20 =	vsel vm3, $0x0, v36  }
0x7c: {  	v21 =	vadd.s32 v34, v23;
	v20 =	vadd.s32 v35, v20;
	v23 =	vsel vm3, $0x0, v39  }
0x7d: {  	v37 =	vperm.xlane v21, v6;
	v43 =	vperm.xlane v20, v3;
	v23 =	vadd.s32 v38, v23  }
0x7e: {  	v22 =	vadd.s32 v24, v22;
	v46 =	vperm.xlane v23, v3  }
0x7f: {  	v52 =	vperm.xlane v22, v4;
	vm15 =	vlt.s32 v37, v7;
	v45 =	vsel vm0, $0x0, v43  }
0x80: {  	v42 =	vsel vm15, $0x8, v2;
	v20 =	vadd.s32 v45, v20;
	v27 =	vsel vm0, $0x0, v46  }
0x81: {  	v44 =	vor.u32 $0x3, v42;
	v49 =	vperm.xlane v20, v4;
	v23 =	vadd.s32 v27, v23  }
0x82: {  	v47 =	vperm.xlane v21, v44;
	v27 =	vperm.xlane v23, v4  }
0x83: {  	(v2sf) =	vpush v21, $0xF;
	v26 =	vsel vm1, $0x0, v52;
	v50 =	vsel vm1, $0x0, v49  }
0x84: {  	vm8 =	vlt.s32 v47, v7;
	v20 =	vadd.s32 v50, v20;
	v27 =	vsel vm1, $0x0, v27  }
0x85: {  	v51 =	vsel vm8, $0x4, v2;
	v53 =	vperm.xlane v20, v5;
	v23 =	vadd.s32 v27, v23  }
0x86: {  	v22 =	vadd.s32 v26, v22;
	v24 =	vor.u32 v42, v51;
	v27 =	vperm.xlane v23, v5  }
0x87: {  	v56 =	vperm.xlane v22, v5;
	v54 =	vor.u32 $0x1, v24;
	v25 =	vsel vm2, $0x0, v53  }
0x88: {  	v55 =	vperm.xlane v21, v54;
	v20 =	vadd.s32 v25, v20;
	v27 =	vsel vm2, $0x0, v27  }
0x89: {  	v25 =	vsel vm2, $0x0, v56;
	v57 =	vperm.xlane v20, v6;
	v23 =	vadd.s32 v27, v23  }
0x8a: {  	vm9 =	vlt.s32 v55, v7;
	v22 =	vadd.s32 v25, v22;
	v58 =	vperm.xlane v23, v6  }
0x8b: {  	v59 =	vsel vm9, $0x2, v2;
	v61 =	vperm.xlane v22, v6;
	vm5 =	vlt.s32 v57, v7  }
0x8c: {  	(v2sf) =	vpush v20, $0xF;
	v60 =	vsel vm5, $0x8, v2;
	vm10 =	vlt.s32 v58, v7  }
0x8d: {  	vm11 =	vlt.s32 v61, v7;
	v29 =	vor.u32 $0x3, v60;
	v26 =	vsel vm10, $0x8, v2  }
0x8e: {  	v30 =	vsel vm11, $0x8, v2;
	v62 =	vperm.xlane v20, v29;
	v63 =	vor.u32 $0x3, v26  }
0x8f: {  	(v2sf) =	vpush v23, $0xF;
	v31 =	vor.u32 $0x3, v30;
	v29 =	vperm.xlane v23, v63  }
0x90: {  	v24 =	vor.u32 v59, v24;
	v32 =	vperm.xlane v22, v31;
	vm12 =	vlt.s32 v62, v7  }
0x91: {  	(v2sf) =	vpush v22, $0xF;
	v33 =	vsel vm12, $0x4, v2;
	vm13 =	vlt.s32 v29, v7  }
0x92: {  	vm14 =	vlt.s32 v32, v7;
	v25 =	vor.u32 v60, v33;
	v34 =	vsel vm13, $0x4, v2  }
0x93: {  	v36 =	vsel vm14, $0x4, v2;
	v35 =	vor.u32 $0x1, v25;
	v26 =	vor.u32 v26, v34  }
0x94: {  	v27 =	vor.u32 v30, v36;
	v28 =	vperm.xlane v20, v35;
	v37 =	vor.u32 $0x1, v26  }
0x95: {  	s26 =	sadd.s32 s25, s8;
	v21 =	vperm.xlane v21, v24;
	v30 =	vor.u32 $0x1, v27;
	v29 =	vperm.xlane v23, v37  }
0x96: {  	v38 =	vor.u32 s26, v0;
	v39 =	vperm.xlane v22, v30;
	vm15 =	vlt.s32 v28, v7  }
0x97: {  	vm8 =	vlt.s32 v21, v7;
	v40 =	vsel vm15, $0x2, v2;
	vm9 =	vlt.s32 v29, v7  }
0x98: {  	vm10 =	vlt.s32 v39, v7;
	v21 =	vor.u32 v40, v25;
	v41 =	vsel vm9, $0x2, v2  }
0x99: {  	v42 =	vsel vm10, $0x2, v2;
	v20 =	vperm.xlane v20, v21;
	v25 =	vor.u32 v41, v26  }
0x9a: {  	v43 =	vsel vm8, $0x1, v2;
	v26 =	vor.u32 v42, v27;
	v23 =	vperm.xlane v23, v25  }
0x9b: {  	v24 =	vor.u32 v43, v24;
	vm11 =	vlt.s32 v20, v7;
	v20 =	vperm.xlane v22, v26  }
0x9c: {  	p0 =	slt.s32 s30, $0x20;
	s0 =	spop (v2sf);
	v44 =	vperm.xlane v38, v24;
	v45 =	vsel vm11, $0x1, v2;
	vm12 =	vlt.s32 v23, v7  }
0x9d: {  	s0 =	sadd.s32 s30, s0;
	s30 =	simm.s32 @!p0 $0x20;
	s2 =	spop (v2sf);
	v21 =	vor.u32 v45, v21;
	vm13 =	vlt.s32 v20, v7;
	v23 =	vsel vm12, $0x1, v2  }
0x9e: {  	p0 =	slt.s32 s31, $0x20;
	s2 =	sadd.s32 s31, s2;
	s14 =	spop (v2sf);
	v20 =	vperm.xlane v38, v21;
	v47 =	vsel vm13, $0x1, v2;
	v46 =	vor.u32 v23, v25  }
0x9f: {  	[tilespmem:s30+$0x3180] =	vst v44;
	s31 =	simm.s32 @!p0 $0x20;
	p0 =	slt.s32 s28, $0x20;
	s30 =	sadd.s32 s28, s14;
	v48 =	vor.u32 v47, v26;
	v21 =	vperm.xlane v38, v46  }
0xa0: {  	s15 =	spop (v2sf);
	s28 =	simm.s32 @!p0 $0x20;
	p0 =	slt.s32 s29, $0x20;
	[tilespmem:s31+$0x3200] =	vst v20;
	v20 =	vperm.xlane v38, v48  }
0xa1: {  	s14 =	sadd.s32 s29, s15;
	s29 =	simm.s32 @!p0 $0x20;
	[tilespmem:s28+$0x3280] =	vst v21  }
0xa2: {  	[tilespmem:s29+$0x3300] =	vst v20  }
0xa3: {  	v20 =	vld [tilespmem:s24+$0xFFFFFFD0]  }
0xa4: {  	v21 =	vld [tilespmem:s23+$0xFFFFFFD0];
	_ =	sdelay $0x1  }
0xa5: {  	v49 =	vld [tilespmem:s22+$0xFFFFFFD0];
	_ =	sdelay $0x2  }
0xa6: {  	v50 =	vsub.f32 v20, v8;
	v51 =	vsub.f32 v21, v9;
	_ =	sdelay $0x1  }
0xa7: {  	v52 =	vsub.f32 v49, v10;
	v23 =	vmul.f32 v50, v50;
	v24 =	vmul.f32 v51, v51;
	_ =	sdelay $0x1  }
0xa8: {  	v53 =	vmul.f32 v52, v52;
	v23 =	vadd.f32 v24, v23;
	_ =	sdelay $0x1  }
0xa9: {  	v23 =	vadd.f32 v53, v23;
	_ =	sdelay $0x1  }
0xaa: {  	vm14 =	vlt.f32 v23, $3.999999910e-02  }
0xab: {  	v23 =	vsel vm14, $0x1, v2  }
0xac: {  	v55 =	vsub.f32 v20, v11;
	v56 =	vsub.f32 v21, v12;
	v54 =	vperm.xlane v23, v1  }
0xad: {  	v59 =	vsub.f32 v20, v14;
	v20 =	vsub.f32 v20, v17  }
0xae: {  	v60 =	vsub.f32 v21, v15;
	v21 =	vsub.f32 v21, v18;
	v24 =	vsel vm3, $0x0, v54  }
0xaf: {  	v20 =	vmul.f32 v20, v20;
	v23 =	vadd.s32 v23, v24  }
0xb0: {  	v22 =	vsub.f32 v49, v19;
	v21 =	vmul.f32 v21, v21;
	v24 =	vperm.xlane v23, v3;
	_ =	sdelay $0x1  }
0xb1: {  	v29 =	vmul.f32 v22, v22;
	v20 =	vadd.f32 v21, v20;
	v24 =	vsel vm0, $0x0, v24  }
0xb2: {  	v25 =	vmul.f32 v56, v56;
	v23 =	vadd.s32 v24, v23  }
0xb3: {  	v20 =	vadd.f32 v29, v20;
	v24 =	vmul.f32 v55, v55;
	v57 =	vperm.xlane v23, v4  }
0xb4: {  	v58 =	vsub.f32 v49, v13;
	v61 =	vsub.f32 v49, v16  }
0xb5: {  	vm9 =	vlt.f32 v20, $3.999999910e-02;
	v24 =	vadd.f32 v25, v24;
	v26 =	vsel vm1, $0x0, v57  }
0xb6: {  	v25 =	vmul.f32 v59, v59;
	v23 =	vadd.s32 v26, v23;
	v26 =	vmul.f32 v60, v60  }
0xb7: {  	v27 =	vmul.f32 v58, v58;
	v37 =	vsel vm9, $0x1, v2  }
0xb8: {  	v62 =	vmul.f32 v61, v61;
	v38 =	vperm.xlane v37, v1;
	v25 =	vadd.f32 v26, v25  }
0xb9: {  	v24 =	vadd.f32 v27, v24  }
0xba: {  	v22 =	vsel vm3, $0x0, v38;
	v30 =	vadd.f32 v62, v25  }
0xbb: {  	v22 =	vadd.s32 v37, v22;
	vm15 =	vlt.f32 v24, $3.999999910e-02  }
0xbc: {  	v45 =	vperm.xlane v22, v3;
	v32 =	vsel vm15, $0x1, v2;
	vm8 =	vlt.f32 v30, $3.999999910e-02  }
0xbd: {  	v63 =	vperm.xlane v23, v5;
	v33 =	vperm.xlane v32, v1;
	v35 =	vsel vm8, $0x1, v2  }
0xbe: {  	v36 =	vperm.xlane v35, v1  }
0xbf: {  	v24 =	vsel vm0, $0x0, v45;
	v31 =	vsel vm2, $0x0, v63;
	v20 =	vsel vm3, $0x0, v33  }
0xc0: {  	v21 =	vadd.s32 v31, v23;
	v20 =	vadd.s32 v32, v20;
	v23 =	vsel vm3, $0x0, v36  }
0xc1: {  	v34 =	vperm.xlane v21, v6;
	v40 =	vperm.xlane v20, v3;
	v23 =	vadd.s32 v35, v23  }
0xc2: {  	v22 =	vadd.s32 v24, v22;
	v43 =	vperm.xlane v23, v3  }
0xc3: {  	v49 =	vperm.xlane v22, v4;
	vm10 =	vlt.s32 v34, v7;
	v42 =	vsel vm0, $0x0, v40  }
0xc4: {  	v39 =	vsel vm10, $0x8, v2;
	v20 =	vadd.s32 v42, v20;
	v27 =	vsel vm0, $0x0, v43  }
0xc5: {  	v41 =	vor.u32 $0x3, v39;
	v46 =	vperm.xlane v20, v4;
	v23 =	vadd.s32 v27, v23  }
0xc6: {  	v44 =	vperm.xlane v21, v41;
	v27 =	vperm.xlane v23, v4  }
0xc7: {  	(v2sf) =	vpush v21, $0xF;
	v26 =	vsel vm1, $0x0, v49;
	v47 =	vsel vm1, $0x0, v46  }
0xc8: {  	vm11 =	vlt.s32 v44, v7;
	v20 =	vadd.s32 v47, v20;
	v27 =	vsel vm1, $0x0, v27  }
0xc9: {  	v48 =	vsel vm11, $0x4, v2;
	v50 =	vperm.xlane v20, v5;
	v23 =	vadd.s32 v27, v23  }
0xca: {  	v22 =	vadd.s32 v26, v22;
	v24 =	vor.u32 v39, v48;
	v27 =	vperm.xlane v23, v5  }
0xcb: {  	v53 =	vperm.xlane v22, v5;
	v51 =	vor.u32 $0x1, v24;
	v25 =	vsel vm2, $0x0, v50  }
0xcc: {  	v52 =	vperm.xlane v21, v51;
	v20 =	vadd.s32 v25, v20;
	v27 =	vsel vm2, $0x0, v27  }
0xcd: {  	v25 =	vsel vm2, $0x0, v53;
	v54 =	vperm.xlane v20, v6;
	v23 =	vadd.s32 v27, v23  }
0xce: {  	vm12 =	vlt.s32 v52, v7;
	v22 =	vadd.s32 v25, v22;
	v55 =	vperm.xlane v23, v6  }
0xcf: {  	v56 =	vsel vm12, $0x2, v2;
	v58 =	vperm.xlane v22, v6;
	vm13 =	vlt.s32 v54, v7  }
0xd0: {  	(v2sf) =	vpush v20, $0xF;
	v57 =	vsel vm13, $0x8, v2;
	vm14 =	vlt.s32 v55, v7  }
0xd1: {  	vm15 =	vlt.s32 v58, v7;
	v59 =	vor.u32 $0x3, v57;
	v26 =	vsel vm14, $0x8, v2  }
0xd2: {  	v62 =	vsel vm15, $0x8, v2;
	v60 =	vperm.xlane v20, v59;
	v61 =	vor.u32 $0x3, v26  }
0xd3: {  	(v2sf) =	vpush v23, $0xF;
	v63 =	vor.u32 $0x3, v62;
	v29 =	vperm.xlane v23, v61  }
0xd4: {  	v24 =	vor.u32 v56, v24;
	v32 =	vperm.xlane v22, v63;
	vm8 =	vlt.s32 v60, v7  }
0xd5: {  	(v2sf) =	vpush v22, $0xF;
	v33 =	vsel vm8, $0x4, v2;
	vm9 =	vlt.s32 v29, v7  }
0xd6: {  	vm10 =	vlt.s32 v32, v7;
	v25 =	vor.u32 v57, v33;
	v34 =	vsel vm9, $0x4, v2  }
0xd7: {  	v36 =	vsel vm10, $0x4, v2;
	v35 =	vor.u32 $0x1, v25;
	v26 =	vor.u32 v26, v34  }
0xd8: {  	v27 =	vor.u32 v62, v36;
	v28 =	vperm.xlane v20, v35;
	v37 =	vor.u32 $0x1, v26  }
0xd9: {  	s15 =	sadd.s32 $0x10, s26;
	v21 =	vperm.xlane v21, v24;
	v30 =	vor.u32 $0x1, v27;
	v29 =	vperm.xlane v23, v37  }
0xda: {  	v38 =	vor.u32 s15, v0;
	v39 =	vperm.xlane v22, v30;
	vm11 =	vlt.s32 v28, v7  }
0xdb: {  	vm12 =	vlt.s32 v21, v7;
	v40 =	vsel vm11, $0x2, v2;
	vm13 =	vlt.s32 v29, v7  }
0xdc: {  	vm14 =	vlt.s32 v39, v7;
	v21 =	vor.u32 v40, v25;
	v41 =	vsel vm13, $0x2, v2  }
0xdd: {  	v42 =	vsel vm14, $0x2, v2;
	v20 =	vperm.xlane v20, v21;
	v25 =	vor.u32 v41, v26  }
0xde: {  	v43 =	vsel vm12, $0x1, v2;
	v26 =	vor.u32 v42, v27;
	v23 =	vperm.xlane v23, v25  }
0xdf: {  	v24 =	vor.u32 v43, v24;
	vm15 =	vlt.s32 v20, v7;
	v20 =	vperm.xlane v22, v26  }
0xe0: {  	p0 =	slt.s32 s0, $0x20;
	s15 =	spop (v2sf);
	v44 =	vperm.xlane v38, v24;
	v45 =	vsel vm15, $0x1, v2;
	vm8 =	vlt.s32 v23, v7  }
0xe1: {  	s28 =	sadd.s32 s0, s15;
	s0 =	simm.s32 @!p0 $0x20;
	s15 =	spop (v2sf);
	v21 =	vor.u32 v45, v21;
	vm9 =	vlt.s32 v20, v7;
	v23 =	vsel vm8, $0x1, v2  }
0xe2: {  	p0 =	slt.s32 s2, $0x20;
	s29 =	sadd.s32 s2, s15;
	s15 =	spop (v2sf);
	v20 =	vperm.xlane v38, v21;
	v47 =	vsel vm9, $0x1, v2;
	v46 =	vor.u32 v23, v25  }
0xe3: {  	[tilespmem:s0+$0x3180] =	vst v44;
	s2 =	simm.s32 @!p0 $0x20;
	p0 =	slt.s32 s30, $0x20;
	s31 =	sadd.s32 s30, s15;
	v48 =	vor.u32 v47, v26;
	v21 =	vperm.xlane v38, v46  }
0xe4: {  	s15 =	spop (v2sf);
	s30 =	simm.s32 @!p0 $0x20;
	p0 =	slt.s32 s14, $0x20;
	[tilespmem:s2+$0x3200] =	vst v20;
	v20 =	vperm.xlane v38, v48  }
0xe5: {  	s15 =	sadd.s32 s14, s15;
	s14 =	simm.s32 @!p0 $0x20;
	[tilespmem:s30+$0x3280] =	vst v21  }
0xe6: {  	[tilespmem:s14+$0x3300] =	vst v20  }
0xe7: {  	v20 =	vld [tilespmem:s24+$0xFFFFFFE0]  }
0xe8: {  	v21 =	vld [tilespmem:s23+$0xFFFFFFE0];
	_ =	sdelay $0x1  }
0xe9: {  	v49 =	vld [tilespmem:s22+$0xFFFFFFE0];
	_ =	sdelay $0x2  }
0xea: {  	v50 =	vsub.f32 v20, v8;
	v51 =	vsub.f32 v21, v9;
	_ =	sdelay $0x1  }
0xeb: {  	v52 =	vsub.f32 v49, v10;
	v23 =	vmul.f32 v50, v50;
	v24 =	vmul.f32 v51, v51;
	_ =	sdelay $0x1  }
0xec: {  	v53 =	vmul.f32 v52, v52;
	v23 =	vadd.f32 v24, v23;
	_ =	sdelay $0x1  }
0xed: {  	v23 =	vadd.f32 v53, v23;
	_ =	sdelay $0x1  }
0xee: {  	vm10 =	vlt.f32 v23, $3.999999910e-02  }
0xef: {  	v23 =	vsel vm10, $0x1, v2  }
0xf0: {  	v55 =	vsub.f32 v20, v11;
	v56 =	vsub.f32 v21, v12;
	v54 =	vperm.xlane v23, v1  }
0xf1: {  	v59 =	vsub.f32 v20, v14;
	v20 =	vsub.f32 v20, v17  }
0xf2: {  	v60 =	vsub.f32 v21, v15;
	v21 =	vsub.f32 v21, v18;
	v24 =	vsel vm3, $0x0, v54  }
0xf3: {  	v20 =	vmul.f32 v20, v20;
	v23 =	vadd.s32 v23, v24  }
0xf4: {  	v22 =	vsub.f32 v49, v19;
	v21 =	vmul.f32 v21, v21;
	v24 =	vperm.xlane v23, v3;
	_ =	sdelay $0x1  }
0xf5: {  	v29 =	vmul.f32 v22, v22;
	v20 =	vadd.f32 v21, v20;
	v24 =	vsel vm0, $0x0, v24  }
0xf6: {  	v25 =	vmul.f32 v56, v56;
	v23 =	vadd.s32 v24, v23  }
0xf7: {  	v20 =	vadd.f32 v29, v20;
	v24 =	vmul.f32 v55, v55;
	v57 =	vperm.xlane v23, v4  }
0xf8: {  	v58 =	vsub.f32 v49, v13;
	v61 =	vsub.f32 v49, v16  }
0xf9: {  	vm13 =	vlt.f32 v20, $3.999999910e-02;
	v24 =	vadd.f32 v25, v24;
	v26 =	vsel vm1, $0x0, v57  }
0xfa: {  	v25 =	vmul.f32 v59, v59;
	v23 =	vadd.s32 v26, v23;
	v26 =	vmul.f32 v60, v60  }
0xfb: {  	v27 =	vmul.f32 v58, v58;
	v37 =	vsel vm13, $0x1, v2  }
0xfc: {  	v62 =	vmul.f32 v61, v61;
	v38 =	vperm.xlane v37, v1;
	v25 =	vadd.f32 v26, v25  }
0xfd: {  	v24 =	vadd.f32 v27, v24  }
0xfe: {  	v22 =	vsel vm3, $0x0, v38;
	v30 =	vadd.f32 v62, v25  }
0xff: {  	v22 =	vadd.s32 v37, v22;
	vm11 =	vlt.f32 v24, $3.999999910e-02  }
0x100: {  	v45 =	vperm.xlane v22, v3;
	v32 =	vsel vm11, $0x1, v2;
	vm12 =	vlt.f32 v30, $3.999999910e-02  }
0x101: {  	v63 =	vperm.xlane v23, v5;
	v33 =	vperm.xlane v32, v1;
	v35 =	vsel vm12, $0x1, v2  }
0x102: {  	v36 =	vperm.xlane v35, v1  }
0x103: {  	v24 =	vsel vm0, $0x0, v45;
	v31 =	vsel vm2, $0x0, v63;
	v20 =	vsel vm3, $0x0, v33  }
0x104: {  	v21 =	vadd.s32 v31, v23;
	v20 =	vadd.s32 v32, v20;
	v23 =	vsel vm3, $0x0, v36  }
0x105: {  	v34 =	vperm.xlane v21, v6;
	v40 =	vperm.xlane v20, v3;
	v23 =	vadd.s32 v35, v23  }
0x106: {  	v22 =	vadd.s32 v24, v22;
	v43 =	vperm.xlane v23, v3  }
0x107: {  	v49 =	vperm.xlane v22, v4;
	vm14 =	vlt.s32 v34, v7;
	v42 =	vsel vm0, $0x0, v40  }
0x108: {  	v39 =	vsel vm14, $0x8, v2;
	v20 =	vadd.s32 v42, v20;
	v27 =	vsel vm0, $0x0, v43  }
0x109: {  	v41 =	vor.u32 $0x3, v39;
	v46 =	vperm.xlane v20, v4;
	v23 =	vadd.s32 v27, v23  }
0x10a: {  	v44 =	vperm.xlane v21, v41;
	v27 =	vperm.xlane v23, v4  }
0x10b: {  	(v2sf) =	vpush v21, $0xF;
	v26 =	vsel vm1, $0x0, v49;
	v47 =	vsel vm1, $0x0, v46  }
0x10c: {  	vm15 =	vlt.s32 v44, v7;
	v20 =	vadd.s32 v47, v20;
	v27 =	vsel vm1, $0x0, v27  }
0x10d: {  	v48 =	vsel vm15, $0x4, v2;
	v50 =	vperm.xlane v20, v5;
	v23 =	vadd.s32 v27, v23  }
0x10e: {  	v22 =	vadd.s32 v26, v22;
	v24 =	vor.u32 v39, v48;
	v27 =	vperm.xlane v23, v5  }
0x10f: {  	v53 =	vperm.xlane v22, v5;
	v51 =	vor.u32 $0x1, v24;
	v25 =	vsel vm2, $0x0, v50  }
0x110: {  	v52 =	vperm.xlane v21, v51;
	v20 =	vadd.s32 v25, v20;
	v27 =	vsel vm2, $0x0, v27  }
0x111: {  	v25 =	vsel vm2, $0x0, v53;
	v54 =	vperm.xlane v20, v6;
	v23 =	vadd.s32 v27, v23  }
0x112: {  	vm8 =	vlt.s32 v52, v7;
	v22 =	vadd.s32 v25, v22;
	v55 =	vperm.xlane v23, v6  }
0x113: {  	v56 =	vsel vm8, $0x2, v2;
	v58 =	vperm.xlane v22, v6;
	vm9 =	vlt.s32 v54, v7  }
0x114: {  	(v2sf) =	vpush v20, $0xF;
	v57 =	vsel vm9, $0x8, v2;
	vm10 =	vlt.s32 v55, v7  }
0x115: {  	vm11 =	vlt.s32 v58, v7;
	v59 =	vor.u32 $0x3, v57;
	v26 =	vsel vm10, $0x8, v2  }
0x116: {  	v62 =	vsel vm11, $0x8, v2;
	v60 =	vperm.xlane v20, v59;
	v61 =	vor.u32 $0x3, v26  }
0x117: {  	(v2sf) =	vpush v23, $0xF;
	v63 =	vor.u32 $0x3, v62;
	v29 =	vperm.xlane v23, v61  }
0x118: {  	v24 =	vor.u32 v56, v24;
	v32 =	vperm.xlane v22, v63;
	vm12 =	vlt.s32 v60, v7  }
0x119: {  	(v2sf) =	vpush v22, $0xF;
	v33 =	vsel vm12, $0x4, v2;
	vm13 =	vlt.s32 v29, v7  }
0x11a: {  	vm14 =	vlt.s32 v32, v7;
	v25 =	vor.u32 v57, v33;
	v34 =	vsel vm13, $0x4, v2  }
0x11b: {  	v36 =	vsel vm14, $0x4, v2;
	v35 =	vor.u32 $0x1, v25;
	v26 =	vor.u32 v26, v34  }
0x11c: {  	v27 =	vor.u32 v62, v36;
	v28 =	vperm.xlane v20, v35;
	v37 =	vor.u32 $0x1, v26  }
0x11d: {  	s14 =	sadd.s32 $0x20, s26;
	v21 =	vperm.xlane v21, v24;
	v30 =	vor.u32 $0x1, v27;
	v29 =	vperm.xlane v23, v37  }
0x11e: {  	v38 =	vor.u32 s14, v0;
	v39 =	vperm.xlane v22, v30;
	vm15 =	vlt.s32 v28, v7  }
0x11f: {  	vm8 =	vlt.s32 v21, v7;
	v40 =	vsel vm15, $0x2, v2;
	vm9 =	vlt.s32 v29, v7  }
0x120: {  	vm10 =	vlt.s32 v39, v7;
	v21 =	vor.u32 v40, v25;
	v41 =	vsel vm9, $0x2, v2  }
0x121: {  	v42 =	vsel vm10, $0x2, v2;
	v20 =	vperm.xlane v20, v21;
	v25 =	vor.u32 v41, v26  }
0x122: {  	v43 =	vsel vm8, $0x1, v2;
	v26 =	vor.u32 v42, v27;
	v23 =	vperm.xlane v23, v25  }
0x123: {  	v24 =	vor.u32 v43, v24;
	vm11 =	vlt.s32 v20, v7;
	v20 =	vperm.xlane v22, v26  }
0x124: {  	p0 =	slt.s32 s28, $0x20;
	s2 =	spop (v2sf);
	v44 =	vperm.xlane v38, v24;
	v45 =	vsel vm11, $0x1, v2;
	vm12 =	vlt.s32 v23, v7  }
0x125: {  	s0 =	sadd.s32 s28, s2;
	s28 =	simm.s32 @!p0 $0x20;
	s14 =	spop (v2sf);
	v21 =	vor.u32 v45, v21;
	vm13 =	vlt.s32 v20, v7;
	v23 =	vsel vm12, $0x1, v2  }
0x126: {  	p0 =	slt.s32 s29, $0x20;
	s2 =	sadd.s32 s29, s14;
	s14 =	spop (v2sf);
	v20 =	vperm.xlane v38, v21;
	v47 =	vsel vm13, $0x1, v2;
	v46 =	vor.u32 v23, v25  }
0x127: {  	[tilespmem:s28+$0x3180] =	vst v44;
	s29 =	simm.s32 @!p0 $0x20;
	p0 =	slt.s32 s31, $0x20;
	s30 =	sadd.s32 s31, s14;
	v48 =	vor.u32 v47, v26;
	v21 =	vperm.xlane v38, v46  }
0x128: {  	s14 =	spop (v2sf);
	s31 =	simm.s32 @!p0 $0x20;
	p0 =	slt.s32 s15, $0x20;
	[tilespmem:s29+$0x3200] =	vst v20;
	v20 =	vperm.xlane v38, v48  }
0x129: {  	s14 =	sadd.s32 s15, s14;
	s15 =	simm.s32 @!p0 $0x20;
	[tilespmem:s31+$0x3280] =	vst v21  }
0x12a: {  	[tilespmem:s15+$0x3300] =	vst v20  }
0x12b: {  	v20 =	vld [tilespmem:s24+$0xFFFFFFF0]  }
0x12c: {  	v21 =	vld [tilespmem:s23+$0xFFFFFFF0];
	_ =	sdelay $0x1  }
0x12d: {  	v49 =	vld [tilespmem:s22+$0xFFFFFFF0];
	_ =	sdelay $0x2  }
0x12e: {  	v50 =	vsub.f32 v20, v8;
	v51 =	vsub.f32 v21, v9;
	_ =	sdelay $0x1  }
0x12f: {  	v52 =	vsub.f32 v49, v10;
	v23 =	vmul.f32 v50, v50;
	v24 =	vmul.f32 v51, v51;
	_ =	sdelay $0x1  }
0x130: {  	v53 =	vmul.f32 v52, v52;
	v23 =	vadd.f32 v24, v23;
	_ =	sdelay $0x1  }
0x131: {  	v23 =	vadd.f32 v53, v23;
	_ =	sdelay $0x1  }
0x132: {  	vm14 =	vlt.f32 v23, $3.999999910e-02  }
0x133: {  	v23 =	vsel vm14, $0x1, v2  }
0x134: {  	v55 =	vsub.f32 v20, v11;
	v56 =	vsub.f32 v21, v12;
	v54 =	vperm.xlane v23, v1  }
0x135: {  	v59 =	vsub.f32 v20, v14;
	v20 =	vsub.f32 v20, v17  }
0x136: {  	v60 =	vsub.f32 v21, v15;
	v21 =	vsub.f32 v21, v18;
	v24 =	vsel vm3, $0x0, v54  }
0x137: {  	v20 =	vmul.f32 v20, v20;
	v23 =	vadd.s32 v23, v24  }
0x138: {  	v22 =	vsub.f32 v49, v19;
	v21 =	vmul.f32 v21, v21;
	v24 =	vperm.xlane v23, v3;
	_ =	sdelay $0x1  }
0x139: {  	v29 =	vmul.f32 v22, v22;
	v20 =	vadd.f32 v21, v20;
	v24 =	vsel vm0, $0x0, v24  }
0x13a: {  	v25 =	vmul.f32 v56, v56;
	v23 =	vadd.s32 v24, v23  }
0x13b: {  	v20 =	vadd.f32 v29, v20;
	v24 =	vmul.f32 v55, v55;
	v57 =	vperm.xlane v23, v4  }
0x13c: {  	v58 =	vsub.f32 v49, v13;
	v61 =	vsub.f32 v49, v16  }
0x13d: {  	vm9 =	vlt.f32 v20, $3.999999910e-02;
	v24 =	vadd.f32 v25, v24;
	v26 =	vsel vm1, $0x0, v57  }
0x13e: {  	v25 =	vmul.f32 v59, v59;
	v23 =	vadd.s32 v26, v23;
	v26 =	vmul.f32 v60, v60  }
0x13f: {  	v27 =	vmul.f32 v58, v58;
	v37 =	vsel vm9, $0x1, v2  }
0x140: {  	v62 =	vmul.f32 v61, v61;
	v38 =	vperm.xlane v37, v1;
	v25 =	vadd.f32 v26, v25  }
0x141: {  	v24 =	vadd.f32 v27, v24  }
0x142: {  	v22 =	vsel vm3, $0x0, v38;
	v30 =	vadd.f32 v62, v25  }
0x143: {  	v22 =	vadd.s32 v37, v22;
	vm15 =	vlt.f32 v24, $3.999999910e-02  }
0x144: {  	v45 =	vperm.xlane v22, v3;
	v32 =	vsel vm15, $0x1, v2;
	vm8 =	vlt.f32 v30, $3.999999910e-02  }
0x145: {  	v63 =	vperm.xlane v23, v5;
	v33 =	vperm.xlane v32, v1;
	v35 =	vsel vm8, $0x1, v2  }
0x146: {  	v36 =	vperm.xlane v35, v1  }
0x147: {  	v24 =	vsel vm0, $0x0, v45;
	v31 =	vsel vm2, $0x0, v63;
	v20 =	vsel vm3, $0x0, v33  }
0x148: {  	v21 =	vadd.s32 v31, v23;
	v20 =	vadd.s32 v32, v20;
	v23 =	vsel vm3, $0x0, v36  }
0x149: {  	v34 =	vperm.xlane v21, v6;
	v40 =	vperm.xlane v20, v3;
	v23 =	vadd.s32 v35, v23  }
0x14a: {  	v22 =	vadd.s32 v24, v22;
	v43 =	vperm.xlane v23, v3  }
0x14b: {  	v49 =	vperm.xlane v22, v4;
	vm10 =	vlt.s32 v34, v7;
	v42 =	vsel vm0, $0x0, v40  }
0x14c: {  	v39 =	vsel vm10, $0x8, v2;
	v20 =	vadd.s32 v42, v20;
	v27 =	vsel vm0, $0x0, v43  }
0x14d: {  	v41 =	vor.u32 $0x3, v39;
	v46 =	vperm.xlane v20, v4;
	v23 =	vadd.s32 v27, v23  }
0x14e: {  	v44 =	vperm.xlane v21, v41;
	v27 =	vperm.xlane v23, v4  }
0x14f: {  	(v2sf) =	vpush v21, $0xF;
	v26 =	vsel vm1, $0x0, v49;
	v47 =	vsel vm1, $0x0, v46  }
0x150: {  	vm11 =	vlt.s32 v44, v7;
	v20 =	vadd.s32 v47, v20;
	v27 =	vsel vm1, $0x0, v27  }
0x151: {  	v48 =	vsel vm11, $0x4, v2;
	v50 =	vperm.xlane v20, v5;
	v23 =	vadd.s32 v27, v23  }
0x152: {  	v22 =	vadd.s32 v26, v22;
	v24 =	vor.u32 v39, v48;
	v27 =	vperm.xlane v23, v5  }
0x153: {  	v53 =	vperm.xlane v22, v5;
	v51 =	vor.u32 $0x1, v24;
	v25 =	vsel vm2, $0x0, v50  }
0x154: {  	v52 =	vperm.xlane v21, v51;
	v20 =	vadd.s32 v25, v20;
	v27 =	vsel vm2, $0x0, v27  }
0x155: {  	v25 =	vsel vm2, $0x0, v53;
	v54 =	vperm.xlane v20, v6;
	v23 =	vadd.s32 v27, v23  }
0x156: {  	vm12 =	vlt.s32 v52, v7;
	v22 =	vadd.s32 v25, v22;
	v55 =	vperm.xlane v23, v6  }
0x157: {  	v56 =	vsel vm12, $0x2, v2;
	v58 =	vperm.xlane v22, v6;
	vm13 =	vlt.s32 v54, v7  }
0x158: {  	(v2sf) =	vpush v20, $0xF;
	v57 =	vsel vm13, $0x8, v2;
	vm14 =	vlt.s32 v55, v7  }
0x159: {  	vm15 =	vlt.s32 v58, v7;
	v59 =	vor.u32 $0x3, v57;
	v26 =	vsel vm14, $0x8, v2  }
0x15a: {  	v62 =	vsel vm15, $0x8, v2;
	v60 =	vperm.xlane v20, v59;
	v61 =	vor.u32 $0x3, v26  }
0x15b: {  	(v2sf) =	vpush v23, $0xF;
	v63 =	vor.u32 $0x3, v62;
	v29 =	vperm.xlane v23, v61  }
0x15c: {  	v24 =	vor.u32 v56, v24;
	v32 =	vperm.xlane v22, v63;
	vm8 =	vlt.s32 v60, v7  }
0x15d: {  	(v2sf) =	vpush v22, $0xF;
	v33 =	vsel vm8, $0x4, v2;
	vm9 =	vlt.s32 v29, v7  }
0x15e: {  	vm10 =	vlt.s32 v32, v7;
	v25 =	vor.u32 v57, v33;
	v34 =	vsel vm9, $0x4, v2  }
0x15f: {  	v36 =	vsel vm10, $0x4, v2;
	v35 =	vor.u32 $0x1, v25;
	v26 =	vor.u32 v26, v34  }
0x160: {  	v27 =	vor.u32 v62, v36;
	v28 =	vperm.xlane v20, v35;
	v37 =	vor.u32 $0x1, v26  }
0x161: {  	s15 =	sadd.s32 $0x30, s26;
	v21 =	vperm.xlane v21, v24;
	v30 =	vor.u32 $0x1, v27;
	v29 =	vperm.xlane v23, v37  }
0x162: {  	v38 =	vor.u32 s15, v0;
	v39 =	vperm.xlane v22, v30;
	vm11 =	vlt.s32 v28, v7  }
0x163: {  	vm12 =	vlt.s32 v21, v7;
	v40 =	vsel vm11, $0x2, v2;
	vm13 =	vlt.s32 v29, v7  }
0x164: {  	vm14 =	vlt.s32 v39, v7;
	v21 =	vor.u32 v40, v25;
	v41 =	vsel vm13, $0x2, v2  }
0x165: {  	v42 =	vsel vm14, $0x2, v2;
	v20 =	vperm.xlane v20, v21;
	v25 =	vor.u32 v41, v26  }
0x166: {  	v43 =	vsel vm12, $0x1, v2;
	v26 =	vor.u32 v42, v27;
	v23 =	vperm.xlane v23, v25  }
0x167: {  	v24 =	vor.u32 v43, v24;
	vm15 =	vlt.s32 v20, v7;
	v20 =	vperm.xlane v22, v26  }
0x168: {  	p0 =	slt.s32 s0, $0x20;
	s15 =	spop (v2sf);
	v44 =	vperm.xlane v38, v24;
	v45 =	vsel vm15, $0x1, v2;
	vm8 =	vlt.s32 v23, v7  }
0x169: {  	s28 =	sadd.s32 s0, s15;
	s0 =	simm.s32 @!p0 $0x20;
	s15 =	spop (v2sf);
	v21 =	vor.u32 v45, v21;
	vm9 =	vlt.s32 v20, v7;
	v23 =	vsel vm8, $0x1, v2  }
0x16a: {  	p0 =	slt.s32 s2, $0x20;
	s29 =	sadd.s32 s2, s15;
	s15 =	spop (v2sf);
	v20 =	vperm.xlane v38, v21;
	v47 =	vsel vm9, $0x1, v2;
	v46 =	vor.u32 v23, v25  }
0x16b: {  	[tilespmem:s0+$0x3180] =	vst v44;
	s2 =	simm.s32 @!p0 $0x20;
	p0 =	slt.s32 s30, $0x20;
	s31 =	sadd.s32 s30, s15;
	v48 =	vor.u32 v47, v26;
	v21 =	vperm.xlane v38, v46  }
0x16c: {  	s15 =	spop (v2sf);
	s30 =	simm.s32 @!p0 $0x20;
	p0 =	slt.s32 s14, $0x20;
	[tilespmem:s2+$0x3200] =	vst v20;
	v20 =	vperm.xlane v38, v48  }
0x16d: {  	s15 =	sadd.s32 s14, s15;
	s14 =	simm.s32 @!p0 $0x20;
	[tilespmem:s30+$0x3280] =	vst v21  }
0x16e: {  	[tilespmem:s14+$0x3300] =	vst v20  }
0x16f: {  	v20 =	vld [tilespmem:s24+$0x0]  }
0x170: {  	v21 =	vld [tilespmem:s23+$0x0];
	_ =	sdelay $0x1  }
0x171: {  	v49 =	vld [tilespmem:s22+$0x0];
	_ =	sdelay $0x2  }
0x172: {  	v50 =	vsub.f32 v20, v8;
	v51 =	vsub.f32 v21, v9;
	_ =	sdelay $0x1  }
0x173: {  	v52 =	vsub.f32 v49, v10;
	v23 =	vmul.f32 v50, v50;
	v24 =	vmul.f32 v51, v51;
	_ =	sdelay $0x1  }
0x174: {  	v53 =	vmul.f32 v52, v52;
	v23 =	vadd.f32 v24, v23;
	_ =	sdelay $0x1  }
0x175: {  	v23 =	vadd.f32 v53, v23;
	_ =	sdelay $0x1  }
0x176: {  	vm10 =	vlt.f32 v23, $3.999999910e-02  }
0x177: {  	v23 =	vsel vm10, $0x1, v2  }
0x178: {  	v55 =	vsub.f32 v20, v11;
	v56 =	vsub.f32 v21, v12;
	v54 =	vperm.xlane v23, v1  }
0x179: {  	v59 =	vsub.f32 v20, v14;
	v20 =	vsub.f32 v20, v17  }
0x17a: {  	v60 =	vsub.f32 v21, v15;
	v21 =	vsub.f32 v21, v18;
	v24 =	vsel vm3, $0x0, v54  }
0x17b: {  	v20 =	vmul.f32 v20, v20;
	v23 =	vadd.s32 v23, v24  }
0x17c: {  	v22 =	vsub.f32 v49, v19;
	v21 =	vmul.f32 v21, v21;
	v24 =	vperm.xlane v23, v3;
	_ =	sdelay $0x1  }
0x17d: {  	v28 =	vmul.f32 v22, v22;
	v20 =	vadd.f32 v21, v20;
	v24 =	vsel vm0, $0x0, v24  }
0x17e: {  	v25 =	vmul.f32 v56, v56;
	v23 =	vadd.s32 v24, v23  }
0x17f: {  	v20 =	vadd.f32 v28, v20;
	v24 =	vmul.f32 v55, v55;
	v57 =	vperm.xlane v23, v4  }
0x180: {  	v58 =	vsub.f32 v49, v13;
	v61 =	vsub.f32 v49, v16  }
0x181: {  	vm13 =	vlt.f32 v20, $3.999999910e-02;
	v24 =	vadd.f32 v25, v24;
	v26 =	vsel vm1, $0x0, v57  }
0x182: {  	v25 =	vmul.f32 v59, v59;
	v23 =	vadd.s32 v26, v23;
	v26 =	vmul.f32 v60, v60  }
0x183: {  	v27 =	vmul.f32 v58, v58;
	v36 =	vsel vm13, $0x1, v2  }
0x184: {  	v62 =	vmul.f32 v61, v61;
	v37 =	vperm.xlane v36, v1;
	v25 =	vadd.f32 v26, v25  }
0x185: {  	v24 =	vadd.f32 v27, v24  }
0x186: {  	v22 =	vsel vm3, $0x0, v37;
	v29 =	vadd.f32 v62, v25  }
0x187: {  	v22 =	vadd.s32 v36, v22;
	vm11 =	vlt.f32 v24, $3.999999910e-02  }
0x188: {  	v44 =	vperm.xlane v22, v3;
	v31 =	vsel vm11, $0x1, v2;
	vm12 =	vlt.f32 v29, $3.999999910e-02  }
0x189: {  	v63 =	vperm.xlane v23, v5;
	v32 =	vperm.xlane v31, v1;
	v34 =	vsel vm12, $0x1, v2  }
0x18a: {  	v35 =	vperm.xlane v34, v1  }
0x18b: {  	v24 =	vsel vm0, $0x0, v44;
	v30 =	vsel vm2, $0x0, v63;
	v20 =	vsel vm3, $0x0, v32  }
0x18c: {  	v21 =	vadd.s32 v30, v23;
	v20 =	vadd.s32 v31, v20;
	v23 =	vsel vm3, $0x0, v35  }
0x18d: {  	v33 =	vperm.xlane v21, v6;
	v39 =	vperm.xlane v20, v3;
	v23 =	vadd.s32 v34, v23  }
0x18e: {  	v22 =	vadd.s32 v24, v22;
	v42 =	vperm.xlane v23, v3  }
0x18f: {  	v48 =	vperm.xlane v22, v4;
	vm14 =	vlt.s32 v33, v7;
	v41 =	vsel vm0, $0x0, v39  }
0x190: {  	v38 =	vsel vm14, $0x8, v2;
	v20 =	vadd.s32 v41, v20;
	v27 =	vsel vm0, $0x0, v42  }
0x191: {  	v40 =	vor.u32 $0x3, v38;
	v45 =	vperm.xlane v20, v4;
	v23 =	vadd.s32 v27, v23  }
0x192: {  	v43 =	vperm.xlane v21, v40;
	v27 =	vperm.xlane v23, v4  }
0x193: {  	(v2sf) =	vpush v21, $0xF;
	v26 =	vsel vm1, $0x0, v48;
	v46 =	vsel vm1, $0x0, v45  }
0x194: {  	vm15 =	vlt.s32 v43, v7;
	v20 =	vadd.s32 v46, v20;
	v27 =	vsel vm1, $0x0, v27  }
0x195: {  	v47 =	vsel vm15, $0x4, v2;
	v49 =	vperm.xlane v20, v5;
	v23 =	vadd.s32 v27, v23  }
0x196: {  	v22 =	vadd.s32 v26, v22;
	v24 =	vor.u32 v38, v47;
	v27 =	vperm.xlane v23, v5  }
0x197: {  	v52 =	vperm.xlane v22, v5;
	v50 =	vor.u32 $0x1, v24;
	v25 =	vsel vm2, $0x0, v49  }
0x198: {  	v51 =	vperm.xlane v21, v50;
	v20 =	vadd.s32 v25, v20;
	v27 =	vsel vm2, $0x0, v27  }
0x199: {  	v25 =	vsel vm2, $0x0, v52;
	v53 =	vperm.xlane v20, v6;
	v23 =	vadd.s32 v27, v23  }
0x19a: {  	vm8 =	vlt.s32 v51, v7;
	v22 =	vadd.s32 v25, v22;
	v54 =	vperm.xlane v23, v6  }
0x19b: {  	v55 =	vsel vm8, $0x2, v2;
	v57 =	vperm.xlane v22, v6;
	vm9 =	vlt.s32 v53, v7  }
0x19c: {  	(v2sf) =	vpush v20, $0xF;
	v56 =	vsel vm9, $0x8, v2;
	vm10 =	vlt.s32 v54, v7  }
0x19d: {  	vm11 =	vlt.s32 v57, v7;
	v58 =	vor.u32 $0x3, v56;
	v26 =	vsel vm10, $0x8, v2  }
0x19e: {  	v61 =	vsel vm11, $0x8, v2;
	v59 =	vperm.xlane v20, v58;
	v60 =	vor.u32 $0x3, v26  }
0x19f: {  	(v2sf) =	vpush v23, $0xF;
	v62 =	vor.u32 $0x3, v61;
	v29 =	vperm.xlane v23, v60  }
0x1a0: {  	v24 =	vor.u32 v55, v24;
	v63 =	vperm.xlane v22, v62;
	vm12 =	vlt.s32 v59, v7  }
0x1a1: {  	(v2sf) =	vpush v22, $0xF;
	v31 =	vsel vm12, $0x4, v2;
	vm13 =	vlt.s32 v29, v7  }
0x1a2: {  	vm14 =	vlt.s32 v63, v7;
	v25 =	vor.u32 v56, v31;
	v32 =	vsel vm13, $0x4, v2  }
0x1a3: {  	v34 =	vsel vm14, $0x4, v2;
	v33 =	vor.u32 $0x1, v25;
	v26 =	vor.u32 v26, v32  }
0x1a4: {  	v27 =	vor.u32 v61, v34;
	v28 =	vperm.xlane v20, v33;
	v35 =	vor.u32 $0x1, v26  }
0x1a5: {  	s14 =	sadd.s32 $0x40, s26;
	v21 =	vperm.xlane v21, v24;
	v30 =	vor.u32 $0x1, v27;
	v29 =	vperm.xlane v23, v35  }
0x1a6: {  	v36 =	vor.u32 s14, v0;
	v37 =	vperm.xlane v22, v30;
	vm15 =	vlt.s32 v28, v7  }
0x1a7: {  	vm8 =	vlt.s32 v21, v7;
	v38 =	vsel vm15, $0x2, v2;
	vm9 =	vlt.s32 v29, v7  }
0x1a8: {  	vm10 =	vlt.s32 v37, v7;
	v21 =	vor.u32 v38, v25;
	v39 =	vsel vm9, $0x2, v2  }
0x1a9: {  	v40 =	vsel vm10, $0x2, v2;
	v20 =	vperm.xlane v20, v21;
	v25 =	vor.u32 v39, v26  }
0x1aa: {  	v41 =	vsel vm8, $0x1, v2;
	v26 =	vor.u32 v40, v27;
	v23 =	vperm.xlane v23, v25  }
0x1ab: {  	v24 =	vor.u32 v41, v24;
	vm11 =	vlt.s32 v20, v7;
	v20 =	vperm.xlane v22, v26  }
0x1ac: {  	p0 =	slt.s32 s28, $0x20;
	s2 =	spop (v2sf);
	v42 =	vperm.xlane v36, v24;
	v43 =	vsel vm11, $0x1, v2;
	vm12 =	vlt.s32 v23, v7  }
0x1ad: {  	s0 =	sadd.s32 s28, s2;
	s28 =	simm.s32 @!p0 $0x20;
	s14 =	spop (v2sf);
	v21 =	vor.u32 v43, v21;
	vm13 =	vlt.s32 v20, v7;
	v23 =	vsel vm12, $0x1, v2  }
0x1ae: {  	p0 =	slt.s32 s29, $0x20;
	s2 =	sadd.s32 s29, s14;
	s14 =	spop (v2sf);
	v20 =	vperm.xlane v36, v21;
	v45 =	vsel vm13, $0x1, v2;
	v44 =	vor.u32 v23, v25  }
0x1af: {  	[tilespmem:s28+$0x3180] =	vst v42;
	s29 =	simm.s32 @!p0 $0x20;
	p0 =	slt.s32 s31, $0x20;
	s14 =	sadd.s32 s31, s14;
	v46 =	vor.u32 v45, v26;
	v21 =	vperm.xlane v36, v44  }
0x1b0: {  	s28 =	spop (v2sf);
	s31 =	simm.s32 @!p0 $0x20;
	p0 =	slt.s32 s15, $0x20;
	[tilespmem:s29+$0x3200] =	vst v20;
	v20 =	vperm.xlane v36, v46  }
0x1b1: {  	s29 =	sadd.s32 s15, s28;
	s15 =	simm.s32 @!p0 $0x20;
	[tilespmem:s31+$0x3280] =	vst v21  }
0x1b2: {  	[tilespmem:s15+$0x3300] =	vst v20  }
0x1b3: {  	v20 =	vld [tilespmem:s24+$0x10]  }
0x1b4: {  	v21 =	vld [tilespmem:s23+$0x10];
	_ =	sdelay $0x1  }
0x1b5: {  	v47 =	vld [tilespmem:s22+$0x10];
	_ =	sdelay $0x2  }
0x1b6: {  	v48 =	vsub.f32 v20, v8;
	v49 =	vsub.f32 v21, v9;
	_ =	sdelay $0x1  }
0x1b7: {  	v50 =	vsub.f32 v47, v10;
	v23 =	vmul.f32 v48, v48;
	v24 =	vmul.f32 v49, v49;
	_ =	sdelay $0x1  }
0x1b8: {  	v51 =	vmul.f32 v50, v50;
	v23 =	vadd.f32 v24, v23;
	_ =	sdelay $0x1  }
0x1b9: {  	v23 =	vadd.f32 v51, v23;
	_ =	sdelay $0x1  }
0x1ba: {  	vm14 =	vlt.f32 v23, $3.999999910e-02  }
0x1bb: {  	v23 =	vsel vm14, $0x1, v2  }
0x1bc: {  	v53 =	vsub.f32 v20, v11;
	v54 =	vsub.f32 v21, v12;
	v52 =	vperm.xlane v23, v1  }
0x1bd: {  	v57 =	vsub.f32 v20, v14;
	v20 =	vsub.f32 v20, v17  }
0x1be: {  	v58 =	vsub.f32 v21, v15;
	v21 =	vsub.f32 v21, v18;
	v24 =	vsel vm3, $0x0, v52  }
0x1bf: {  	v20 =	vmul.f32 v20, v20;
	v23 =	vadd.s32 v23, v24  }
0x1c0: {  	v22 =	vsub.f32 v47, v19;
	v21 =	vmul.f32 v21, v21;
	v24 =	vperm.xlane v23, v3;
	_ =	sdelay $0x1  }
0x1c1: {  	v62 =	vmul.f32 v22, v22;
	v20 =	vadd.f32 v21, v20;
	v24 =	vsel vm0, $0x0, v24  }
0x1c2: {  	v25 =	vmul.f32 v54, v54;
	v23 =	vadd.s32 v24, v23  }
0x1c3: {  	v20 =	vadd.f32 v62, v20;
	v24 =	vmul.f32 v53, v53;
	v55 =	vperm.xlane v23, v4  }
0x1c4: {  	v56 =	vsub.f32 v47, v13;
	v59 =	vsub.f32 v47, v16  }
0x1c5: {  	vm9 =	vlt.f32 v20, $3.999999910e-02;
	v24 =	vadd.f32 v25, v24;
	v26 =	vsel vm1, $0x0, v55  }
0x1c6: {  	v25 =	vmul.f32 v57, v57;
	v23 =	vadd.s32 v26, v23;
	v26 =	vmul.f32 v58, v58  }
0x1c7: {  	v27 =	vmul.f32 v56, v56;
	v34 =	vsel vm9, $0x1, v2  }
0x1c8: {  	v60 =	vmul.f32 v59, v59;
	v35 =	vperm.xlane v34, v1;
	v25 =	vadd.f32 v26, v25  }
0x1c9: {  	v24 =	vadd.f32 v27, v24  }
0x1ca: {  	v22 =	vsel vm3, $0x0, v35;
	v63 =	vadd.f32 v60, v25  }
0x1cb: {  	v22 =	vadd.s32 v34, v22;
	vm15 =	vlt.f32 v24, $3.999999910e-02  }
0x1cc: {  	v42 =	vperm.xlane v22, v3;
	v29 =	vsel vm15, $0x1, v2;
	vm8 =	vlt.f32 v63, $3.999999910e-02  }
0x1cd: {  	v61 =	vperm.xlane v23, v5;
	v30 =	vperm.xlane v29, v1;
	v32 =	vsel vm8, $0x1, v2  }
0x1ce: {  	v33 =	vperm.xlane v32, v1  }
0x1cf: {  	v24 =	vsel vm0, $0x0, v42;
	v28 =	vsel vm2, $0x0, v61;
	v20 =	vsel vm3, $0x0, v30  }
0x1d0: {  	v21 =	vadd.s32 v28, v23;
	v20 =	vadd.s32 v29, v20;
	v23 =	vsel vm3, $0x0, v33  }
0x1d1: {  	v31 =	vperm.xlane v21, v6;
	v37 =	vperm.xlane v20, v3;
	v23 =	vadd.s32 v32, v23  }
0x1d2: {  	v22 =	vadd.s32 v24, v22;
	v40 =	vperm.xlane v23, v3  }
0x1d3: {  	v46 =	vperm.xlane v22, v4;
	vm10 =	vlt.s32 v31, v7;
	v39 =	vsel vm0, $0x0, v37  }
0x1d4: {  	v36 =	vsel vm10, $0x8, v2;
	v20 =	vadd.s32 v39, v20;
	v27 =	vsel vm0, $0x0, v40  }
0x1d5: {  	v38 =	vor.u32 $0x3, v36;
	v43 =	vperm.xlane v20, v4;
	v23 =	vadd.s32 v27, v23  }
0x1d6: {  	v41 =	vperm.xlane v21, v38;
	v27 =	vperm.xlane v23, v4  }
0x1d7: {  	(v2sf) =	vpush v21, $0xF;
	v26 =	vsel vm1, $0x0, v46;
	v44 =	vsel vm1, $0x0, v43  }
0x1d8: {  	vm11 =	vlt.s32 v41, v7;
	v20 =	vadd.s32 v44, v20;
	v27 =	vsel vm1, $0x0, v27  }
0x1d9: {  	v45 =	vsel vm11, $0x4, v2;
	v47 =	vperm.xlane v20, v5;
	v23 =	vadd.s32 v27, v23  }
0x1da: {  	v22 =	vadd.s32 v26, v22;
	v24 =	vor.u32 v36, v45;
	v27 =	vperm.xlane v23, v5  }
0x1db: {  	v50 =	vperm.xlane v22, v5;
	v48 =	vor.u32 $0x1, v24;
	v25 =	vsel vm2, $0x0, v47  }
0x1dc: {  	v49 =	vperm.xlane v21, v48;
	v20 =	vadd.s32 v25, v20;
	v27 =	vsel vm2, $0x0, v27  }
0x1dd: {  	v25 =	vsel vm2, $0x0, v50;
	v51 =	vperm.xlane v20, v6;
	v23 =	vadd.s32 v27, v23  }
0x1de: {  	vm12 =	vlt.s32 v49, v7;
	v22 =	vadd.s32 v25, v22;
	v52 =	vperm.xlane v23, v6  }
0x1df: {  	v53 =	vsel vm12, $0x2, v2;
	v55 =	vperm.xlane v22, v6;
	vm13 =	vlt.s32 v51, v7  }
0x1e0: {  	(v2sf) =	vpush v20, $0xF;
	v54 =	vsel vm13, $0x8, v2;
	vm14 =	vlt.s32 v52, v7  }
0x1e1: {  	vm15 =	vlt.s32 v55, v7;
	v56 =	vor.u32 $0x3, v54;
	v26 =	vsel vm14, $0x8, v2  }
0x1e2: {  	v59 =	vsel vm15, $0x8, v2;
	v57 =	vperm.xlane v20, v56;
	v58 =	vor.u32 $0x3, v26  }
0x1e3: {  	(v2sf) =	vpush v23, $0xF;
	v60 =	vor.u32 $0x3, v59;
	v29 =	vperm.xlane v23, v58  }
0x1e4: {  	v24 =	vor.u32 v53, v24;
	v61 =	vperm.xlane v22, v60;
	vm8 =	vlt.s32 v57, v7  }
0x1e5: {  	(v2sf) =	vpush v22, $0xF;
	v62 =	vsel vm8, $0x4, v2;
	vm9 =	vlt.s32 v29, v7  }
0x1e6: {  	vm10 =	vlt.s32 v61, v7;
	v25 =	vor.u32 v54, v62;
	v63 =	vsel vm9, $0x4, v2  }
0x1e7: {  	v33 =	vsel vm10, $0x4, v2;
	v32 =	vor.u32 $0x1, v25;
	v26 =	vor.u32 v26, v63  }
0x1e8: {  	v27 =	vor.u32 v59, v33;
	v28 =	vperm.xlane v20, v32;
	v34 =	vor.u32 $0x1, v26  }
0x1e9: {  	s15 =	sadd.s32 $0x50, s26;
	v21 =	vperm.xlane v21, v24;
	v30 =	vor.u32 $0x1, v27;
	v29 =	vperm.xlane v23, v34  }
0x1ea: {  	v35 =	vor.u32 s15, v0;
	v36 =	vperm.xlane v22, v30;
	vm11 =	vlt.s32 v28, v7  }
0x1eb: {  	vm12 =	vlt.s32 v21, v7;
	v37 =	vsel vm11, $0x2, v2;
	vm13 =	vlt.s32 v29, v7  }
0x1ec: {  	vm14 =	vlt.s32 v36, v7;
	v21 =	vor.u32 v37, v25;
	v38 =	vsel vm13, $0x2, v2  }
0x1ed: {  	v39 =	vsel vm14, $0x2, v2;
	v20 =	vperm.xlane v20, v21;
	v25 =	vor.u32 v38, v26  }
0x1ee: {  	v40 =	vsel vm12, $0x1, v2;
	v26 =	vor.u32 v39, v27;
	v23 =	vperm.xlane v23, v25  }
0x1ef: {  	v24 =	vor.u32 v40, v24;
	vm15 =	vlt.s32 v20, v7;
	v20 =	vperm.xlane v22, v26  }
0x1f0: {  	p0 =	slt.s32 s0, $0x20;
	s15 =	spop (v2sf);
	v41 =	vperm.xlane v35, v24;
	v42 =	vsel vm15, $0x1, v2;
	vm8 =	vlt.s32 v23, v7  }
0x1f1: {  	s28 =	sadd.s32 s0, s15;
	s0 =	simm.s32 @!p0 $0x20;
	s15 =	spop (v2sf);
	v21 =	vor.u32 v42, v21;
	vm9 =	vlt.s32 v20, v7;
	v23 =	vsel vm8, $0x1, v2  }
0x1f2: {  	p0 =	slt.s32 s2, $0x20;
	s30 =	sadd.s32 s2, s15;
	s15 =	spop (v2sf);
	v20 =	vperm.xlane v35, v21;
	v44 =	vsel vm9, $0x1, v2;
	v43 =	vor.u32 v23, v25  }
0x1f3: {  	[tilespmem:s0+$0x3180] =	vst v41;
	s2 =	simm.s32 @!p0 $0x20;
	p0 =	slt.s32 s14, $0x20;
	s31 =	sadd.s32 s14, s15;
	v45 =	vor.u32 v44, v26;
	v21 =	vperm.xlane v35, v43  }
0x1f4: {  	s15 =	spop (v2sf);
	s14 =	simm.s32 @!p0 $0x20;
	p0 =	slt.s32 s29, $0x20;
	[tilespmem:s2+$0x3200] =	vst v20;
	v20 =	vperm.xlane v35, v45  }
0x1f5: {  	s15 =	sadd.s32 s29, s15;
	s29 =	simm.s32 @!p0 $0x20;
	[tilespmem:s14+$0x3280] =	vst v21  }
0x1f6: {  	[tilespmem:s29+$0x3300] =	vst v20  }
0x1f7: {  	v20 =	vld [tilespmem:s24+$0x20]  }
0x1f8: {  	v21 =	vld [tilespmem:s23+$0x20];
	_ =	sdelay $0x1  }
0x1f9: {  	v46 =	vld [tilespmem:s22+$0x20];
	_ =	sdelay $0x2  }
0x1fa: {  	v47 =	vsub.f32 v20, v8;
	v48 =	vsub.f32 v21, v9;
	_ =	sdelay $0x1  }
0x1fb: {  	v49 =	vsub.f32 v46, v10;
	v23 =	vmul.f32 v47, v47;
	v24 =	vmul.f32 v48, v48;
	_ =	sdelay $0x1  }
0x1fc: {  	v50 =	vmul.f32 v49, v49;
	v23 =	vadd.f32 v24, v23;
	_ =	sdelay $0x1  }
0x1fd: {  	v23 =	vadd.f32 v50, v23;
	_ =	sdelay $0x1  }
0x1fe: {  	vm10 =	vlt.f32 v23, $3.999999910e-02  }
0x1ff: {  	v23 =	vsel vm10, $0x1, v2  }
0x200: {  	v51 =	vperm.xlane v23, v1;
	_ =	sdelay $0x1  }
0x201: {  	v52 =	vsub.f32 v20, v11;
	v53 =	vsub.f32 v21, v12;
	v24 =	vsel vm3, $0x0, v51  }
0x202: {  	v56 =	vsub.f32 v20, v14;
	v57 =	vsub.f32 v21, v15;
	v23 =	vadd.s32 v23, v24  }
0x203: {  	v20 =	vsub.f32 v20, v17;
	v21 =	vsub.f32 v21, v18;
	v24 =	vperm.xlane v23, v3  }
0x204: {  	v55 =	vsub.f32 v46, v13;
	v22 =	vsub.f32 v46, v19;
	v25 =	vmul.f32 v53, v53  }
0x205: {  	v20 =	vmul.f32 v20, v20;
	v21 =	vmul.f32 v21, v21;
	v24 =	vsel vm0, $0x0, v24  }
0x206: {  	v58 =	vmul.f32 v55, v55;
	v32 =	vmul.f32 v22, v22;
	v23 =	vadd.s32 v24, v23  }
0x207: {  	v20 =	vadd.f32 v21, v20;
	v24 =	vmul.f32 v52, v52;
	v54 =	vperm.xlane v23, v4  }
0x208: {  	v59 =	vsub.f32 v46, v16;
	v60 =	vmul.f32 v56, v56;
	v61 =	vmul.f32 v57, v57  }
0x209: {  	v20 =	vadd.f32 v32, v20;
	v24 =	vadd.f32 v25, v24;
	v26 =	vsel vm1, $0x0, v54  }
0x20a: {  	v63 =	vadd.f32 v61, v60;
	v23 =	vadd.s32 v26, v23;
	v26 =	vmul.f32 v59, v59  }
0x20b: {  	vm13 =	vlt.f32 v20, $3.999999910e-02;
	v24 =	vadd.f32 v58, v24  }
0x20c: {  	v38 =	vsel vm13, $0x1, v2;
	v31 =	vadd.f32 v26, v63  }
0x20d: {  	v40 =	vperm.xlane v38, v1;
	vm11 =	vlt.f32 v24, $3.999999910e-02  }
0x20e: {  	v62 =	vperm.xlane v23, v5;
	v34 =	vsel vm11, $0x1, v2;
	vm12 =	vlt.f32 v31, $3.999999910e-02  }
0x20f: {  	v26 =	vsel vm3, $0x0, v40;
	v35 =	vperm.xlane v34, v1;
	v24 =	vsel vm12, $0x1, v2  }
0x210: {  	v30 =	vsel vm2, $0x0, v62;
	v21 =	vadd.s32 v38, v26;
	v37 =	vperm.xlane v24, v1  }
0x211: {  	v33 =	vadd.s32 v30, v23;
	v26 =	vperm.xlane v21, v3;
	v25 =	vsel vm3, $0x0, v35  }
0x212: {  	v36 =	vperm.xlane v33, v6;
	v20 =	vadd.s32 v34, v25;
	v39 =	vsel vm3, $0x0, v37  }
0x213: {  	v26 =	vsel vm0, $0x0, v26;
	v23 =	vperm.xlane v20, v3;
	v24 =	vadd.s32 v24, v39  }
0x214: {  	vm14 =	vlt.s32 v36, v7;
	v21 =	vadd.s32 v26, v21;
	v25 =	vperm.xlane v24, v3  }
0x215: {  	v41 =	vsel vm14, $0x8, v2;
	v26 =	vperm.xlane v21, v4;
	v23 =	vsel vm0, $0x0, v23  }
0x216: {  	v42 =	vor.u32 $0x3, v41;
	v20 =	vadd.s32 v23, v20;
	v25 =	vsel vm0, $0x0, v25  }
0x217: {  	v28 =	vperm.xlane v33, v42;
	v23 =	vperm.xlane v20, v4;
	v24 =	vadd.s32 v25, v24  }
0x218: {  	v26 =	vsel vm1, $0x0, v26;
	v25 =	vperm.xlane v24, v4  }
0x219: {  	v21 =	vadd.s32 v26, v21;
	vm15 =	vlt.s32 v28, v7;
	v23 =	vsel vm1, $0x0, v23  }
0x21a: {  	v26 =	vperm.xlane v21, v5;
	v20 =	vadd.s32 v23, v20;
	v25 =	vsel vm1, $0x0, v25  }
0x21b: {  	v28 =	vsel vm15, $0x4, v2;
	v23 =	vperm.xlane v20, v5;
	v24 =	vadd.s32 v25, v24  }
0x21c: {  	v27 =	vor.u32 v41, v28;
	v44 =	vsel vm2, $0x0, v26;
	v25 =	vperm.xlane v24, v5  }
0x21d: {  	v28 =	vor.u32 $0x1, v27;
	v21 =	vadd.s32 v44, v21;
	v23 =	vsel vm2, $0x0, v23  }
0x21e: {  	v45 =	vperm.xlane v33, v28;
	v20 =	vadd.s32 v23, v20;
	v25 =	vsel vm2, $0x0, v25  }
0x21f: {  	v48 =	vperm.xlane v21, v6;
	v23 =	vperm.xlane v20, v6;
	v24 =	vadd.s32 v25, v24  }
0x220: {  	(v2sf) =	vpush v33, $0xF;
	v43 =	vperm.xlane v24, v6  }
0x221: {  	vm10 =	vlt.s32 v48, v7;
	vm13 =	vlt.s32 v45, v7;
	vm8 =	vlt.s32 v23, v7  }
0x222: {  	v52 =	vsel vm10, $0x8, v2;
	v46 =	vsel vm8, $0x8, v2;
	vm9 =	vlt.s32 v43, v7  }
0x223: {  	v58 =	vsel vm13, $0x2, v2;
	v47 =	vor.u32 $0x3, v46;
	v49 =	vsel vm9, $0x8, v2  }
0x224: {  	(v2sf) =	vpush v20, $0xF;
	v25 =	vperm.xlane v20, v47;
	v50 =	vor.u32 $0x3, v49  }
0x225: {  	v54 =	vor.u32 $0x3, v52;
	(v2sf) =	vpush v24, $0xF;
	v51 =	vperm.xlane v24, v50  }
0x226: {  	v55 =	vperm.xlane v21, v54;
	v23 =	vor.u32 v58, v27;
	vm11 =	vlt.s32 v25, v7  }
0x227: {  	(v2sf) =	vpush v21, $0xF;
	v53 =	vsel vm11, $0x4, v2;
	vm12 =	vlt.s32 v51, v7  }
0x228: {  	vm14 =	vlt.s32 v55, v7;
	v28 =	vor.u32 v46, v53;
	v56 =	vsel vm12, $0x4, v2  }
0x229: {  	v59 =	vsel vm14, $0x4, v2;
	v57 =	vor.u32 $0x1, v28;
	v26 =	vor.u32 v49, v56  }
0x22a: {  	v25 =	vor.u32 v52, v59;
	v29 =	vperm.xlane v20, v57;
	v60 =	vor.u32 $0x1, v26  }
0x22b: {  	s2 =	sadd.s32 $0x60, s26;
	v22 =	vperm.xlane v33, v23;
	v61 =	vor.u32 $0x1, v25;
	v27 =	vperm.xlane v24, v60  }
0x22c: {  	v63 =	vor.u32 s2, v0;
	vm15 =	vlt.s32 v29, v7;
	v29 =	vperm.xlane v21, v61  }
0x22d: {  	vm9 =	vlt.s32 v22, v7;
	v62 =	vsel vm15, $0x2, v2;
	vm8 =	vlt.s32 v27, v7  }
0x22e: {  	v28 =	vor.u32 v62, v28;
	vm10 =	vlt.s32 v29, v7;
	v32 =	vsel vm8, $0x2, v2  }
0x22f: {  	v20 =	vperm.xlane v20, v28;
	v33 =	vsel vm10, $0x2, v2;
	v22 =	vor.u32 v32, v26  }
0x230: {  	v34 =	vsel vm9, $0x1, v2;
	v25 =	vor.u32 v33, v25;
	v24 =	vperm.xlane v24, v22  }
0x231: {  	v23 =	vor.u32 v34, v23;
	vm11 =	vlt.s32 v20, v7;
	v20 =	vperm.xlane v21, v25  }
0x232: {  	p0 =	slt.s32 s28, $0x20;
	s14 =	spop (v2sf);
	v35 =	vperm.xlane v63, v23;
	v36 =	vsel vm11, $0x1, v2;
	vm12 =	vlt.s32 v24, v7  }
0x233: {  	s29 =	sadd.s32 s28, s14;
	s28 =	simm.s32 @!p0 $0x20;
	s2 =	spop (v2sf);
	v23 =	vor.u32 v36, v28;
	vm13 =	vlt.s32 v20, v7;
	v24 =	vsel vm12, $0x1, v2  }
0x234: {  	p0 =	slt.s32 s30, $0x20;
	s0 =	sadd.s32 s30, s2;
	s14 =	spop (v2sf);
	v20 =	vperm.xlane v63, v23;
	v37 =	vsel vm13, $0x1, v2;
	v22 =	vor.u32 v24, v22  }
0x235: {  	[tilespmem:s28+$0x3180] =	vst v35;
	s30 =	simm.s32 @!p0 $0x20;
	p0 =	slt.s32 s31, $0x20;
	s2 =	sadd.s32 s31, s14;
	v39 =	vor.u32 v37, v25;
	v38 =	vperm.xlane v63, v22  }
0x236: {  	s14 =	spop (v2sf);
	s31 =	simm.s32 @!p0 $0x20;
	p0 =	slt.s32 s15, $0x20;
	[tilespmem:s30+$0x3200] =	vst v20;
	v20 =	vperm.xlane v63, v39  }
0x237: {  	s14 =	sadd.s32 s15, s14;
	s15 =	simm.s32 @!p0 $0x20;
	[tilespmem:s31+$0x3280] =	vst v38  }
0x238: {  	[tilespmem:s15+$0x3300] =	vst v20  }
0x239: {  	v20 =	vld [tilespmem:s24+$0x30]  }
0x23a: {  	v21 =	vld [tilespmem:s23+$0x30];
	_ =	sdelay $0x1  }
0x23b: {  	v40 =	vld [tilespmem:s22+$0x30];
	_ =	sdelay $0x2  }
0x23c: {  	v41 =	vsub.f32 v20, v8;
	v42 =	vsub.f32 v21, v9;
	_ =	sdelay $0x1  }
0x23d: {  	v43 =	vsub.f32 v40, v10;
	v23 =	vmul.f32 v41, v41;
	v24 =	vmul.f32 v42, v42;
	_ =	sdelay $0x1  }
0x23e: {  	v44 =	vmul.f32 v43, v43;
	v23 =	vadd.f32 v24, v23;
	_ =	sdelay $0x1  }
0x23f: {  	v23 =	vadd.f32 v44, v23;
	_ =	sdelay $0x1  }
0x240: {  	vm14 =	vlt.f32 v23, $3.999999910e-02  }
0x241: {  	v23 =	vsel vm14, $0x1, v2  }
0x242: {  	v45 =	vperm.xlane v23, v1  }
0x243: {  	v46 =	vsub.f32 v20, v11  }
0x244: {  	v47 =	vsub.f32 v21, v12;
	v24 =	vsel vm3, $0x0, v45  }
0x245: {  	v25 =	vmul.f32 v46, v46;
	v23 =	vadd.s32 v23, v24  }
0x246: {  	v48 =	vsub.f32 v40, v13;
	v26 =	vmul.f32 v47, v47;
	v24 =	vperm.xlane v23, v3  }
0x247: {  	v49 =	vsub.f32 v20, v14;
	v50 =	vsub.f32 v21, v15  }
0x248: {  	v52 =	vmul.f32 v48, v48;
	v25 =	vadd.f32 v26, v25;
	v24 =	vsel vm0, $0x0, v24  }
0x249: {  	v53 =	vsub.f32 v40, v16;
	v20 =	vsub.f32 v20, v17;
	v23 =	vadd.s32 v24, v23  }
0x24a: {  	v21 =	vsub.f32 v21, v18;
	v25 =	vadd.f32 v52, v25;
	v24 =	vperm.xlane v23, v4  }
0x24b: {  	v22 =	vsub.f32 v40, v19;
	v28 =	vmul.f32 v50, v50;
	v20 =	vmul.f32 v20, v20  }
0x24c: {  	v21 =	vmul.f32 v21, v21;
	vm15 =	vlt.f32 v25, $3.999999910e-02;
	v24 =	vsel vm1, $0x0, v24  }
0x24d: {  	v25 =	vsel vm15, $0x1, v2;
	v23 =	vadd.s32 v24, v23;
	v24 =	vmul.f32 v49, v49  }
0x24e: {  	v54 =	vmul.f32 v53, v53;
	v57 =	vperm.xlane v25, v1  }
0x24f: {  	v55 =	vmul.f32 v22, v22;
	v20 =	vadd.f32 v21, v20;
	v24 =	vadd.f32 v28, v24  }
0x250: {  	v59 =	vsel vm3, $0x0, v57  }
0x251: {  	v20 =	vadd.f32 v55, v20;
	v22 =	vadd.s32 v25, v59;
	v24 =	vadd.f32 v54, v24  }
0x252: {  	v62 =	vperm.xlane v22, v3  }
0x253: {  	vm10 =	vlt.f32 v20, $3.999999910e-02;
	vm8 =	vlt.f32 v24, $3.999999910e-02  }
0x254: {  	v61 =	vsel vm10, $0x1, v2;
	v33 =	vsel vm0, $0x0, v62;
	v58 =	vsel vm8, $0x1, v2  }
0x255: {  	v63 =	vperm.xlane v61, v1;
	v22 =	vadd.s32 v33, v22;
	v60 =	vperm.xlane v58, v1  }
0x256: {  	v36 =	vperm.xlane v22, v4  }
0x257: {  	v27 =	vsel vm3, $0x0, v63;
	v51 =	vperm.xlane v23, v5;
	v24 =	vsel vm3, $0x0, v60  }
0x258: {  	v35 =	vadd.s32 v61, v27;
	v25 =	vsel vm1, $0x0, v36;
	v21 =	vadd.s32 v58, v24  }
0x259: {  	v22 =	vadd.s32 v25, v22;
	v29 =	vsel vm2, $0x0, v51;
	v34 =	vperm.xlane v21, v3  }
0x25a: {  	v27 =	vperm.xlane v35, v3;
	v25 =	vperm.xlane v22, v5;
	v23 =	vadd.s32 v29, v23  }
0x25b: {  	v56 =	vperm.xlane v23, v6;
	v26 =	vsel vm0, $0x0, v34  }
0x25c: {  	v27 =	vsel vm0, $0x0, v27;
	v25 =	vsel vm2, $0x0, v25;
	v21 =	vadd.s32 v26, v21  }
0x25d: {  	vm9 =	vlt.s32 v56, v7;
	v24 =	vadd.s32 v27, v35;
	v26 =	vperm.xlane v21, v4  }
0x25e: {  	v22 =	vadd.s32 v25, v22;
	v20 =	vsel vm9, $0x8, v2;
	v27 =	vperm.xlane v24, v4  }
0x25f: {  	v25 =	vperm.xlane v22, v6;
	v32 =	vor.u32 $0x3, v20;
	v26 =	vsel vm1, $0x0, v26  }
0x260: {  	v28 =	vperm.xlane v23, v32;
	v27 =	vsel vm1, $0x0, v27;
	v21 =	vadd.s32 v26, v21  }
0x261: {  	(v2sf) =	vpush v23, $0xF;
	v24 =	vadd.s32 v27, v24;
	v26 =	vperm.xlane v21, v5  }
0x262: {  	(v2sf) =	vpush v22, $0xF;
	vm3 =	vlt.s32 v28, v7;
	v27 =	vperm.xlane v24, v5  }
0x263: {  	v28 =	vsel vm3, $0x4, v2;
	vm3 =	vlt.s32 v25, v7;
	v26 =	vsel vm2, $0x0, v26  }
0x264: {  	v20 =	vor.u32 v20, v28;
	v38 =	vsel vm2, $0x0, v27;
	v21 =	vadd.s32 v26, v21  }
0x265: {  	v39 =	vsel vm3, $0x8, v2;
	v24 =	vadd.s32 v38, v24;
	v37 =	vperm.xlane v21, v6  }
0x266: {  	v28 =	vor.u32 $0x1, v20;
	v40 =	vor.u32 $0x3, v39;
	v41 =	vperm.xlane v24, v6  }
0x267: {  	v28 =	vperm.xlane v23, v28;
	v26 =	vperm.xlane v22, v40;
	vm3 =	vlt.s32 v37, v7  }
0x268: {  	(v2sf) =	vpush v21, $0xF;
	v42 =	vsel vm3, $0x8, v2;
	vm3 =	vlt.s32 v41, v7  }
0x269: {  	vm11 =	vlt.s32 v26, v7;
	v43 =	vor.u32 $0x3, v42;
	v45 =	vsel vm3, $0x8, v2  }
0x26a: {  	v46 =	vsel vm11, $0x4, v2;
	v44 =	vperm.xlane v21, v43;
	v47 =	vor.u32 $0x3, v45  }
0x26b: {  	(v2sf) =	vpush v24, $0xF;
	v27 =	vor.u32 v39, v46;
	v48 =	vperm.xlane v24, v47  }
0x26c: {  	vm3 =	vlt.s32 v28, v7;
	v51 =	vor.u32 $0x1, v27;
	vm12 =	vlt.s32 v44, v7  }
0x26d: {  	v49 =	vsel vm3, $0x2, v2;
	v50 =	vsel vm12, $0x4, v2;
	vm3 =	vlt.s32 v48, v7  }
0x26e: {  	v52 =	vperm.xlane v22, v51;
	v28 =	vor.u32 v42, v50;
	v53 =	vsel vm3, $0x4, v2  }
0x26f: {  	v20 =	vor.u32 v49, v20;
	v29 =	vor.u32 $0x1, v28;
	v26 =	vor.u32 v45, v53  }
0x270: {  	s26 =	sadd.s32 $0x70, s26;
	v23 =	vperm.xlane v23, v20;
	v29 =	vperm.xlane v21, v29;
	v54 =	vor.u32 $0x1, v26  }
0x271: {  	v58 =	vor.u32 s26, v0;
	vm3 =	vlt.s32 v52, v7;
	v25 =	vperm.xlane v24, v54  }
0x272: {  	v55 =	vsel vm3, $0x2, v2;
	vm3 =	vlt.s32 v23, v7;
	vm13 =	vlt.s32 v29, v7  }
0x273: {  	v27 =	vor.u32 v55, v27;
	v56 =	vsel vm13, $0x2, v2;
	vm14 =	vlt.s32 v25, v7  }
0x274: {  	v22 =	vperm.xlane v22, v27;
	v28 =	vor.u32 v56, v28;
	v25 =	vsel vm14, $0x2, v2  }
0x275: {  	v23 =	vsel vm3, $0x1, v2;
	v57 =	vor.u32 v25, v26;
	v21 =	vperm.xlane v21, v28  }
0x276: {  	p0 =	slt.s32 s29, $0x20;
	s15 =	spop (v2sf);
	v20 =	vor.u32 v23, v20;
	vm3 =	vlt.s32 v22, v7;
	v24 =	vperm.xlane v24, v57  }
0x277: {  	p1 =	slt.s32 s2, $0x20;
	s28 =	spop (v2sf);
	s30 =	sadd.s32 s29, s15;
	v20 =	vperm.xlane v58, v20;
	v59 =	vsel vm3, $0x1, v2;
	vm15 =	vlt.s32 v21, v7  }
0x278: {  	s29 =	simm.s32 @!p0 $0x20;
	p0 =	slt.s32 s0, $0x20;
	s31 =	sadd.s32 s0, s28;
	v21 =	vor.u32 v59, v27;
	v60 =	vsel vm15, $0x1, v2;
	vm3 =	vlt.s32 v24, v7  }
.Ltmp7:
0x279: {  	s0 =	simm.s32 @!p0 $0x20;
	[smem:$0x0] =	sst s30;
	v21 =	vperm.xlane v58, v21;
	v61 =	vor.u32 v60, v28;
	v62 =	vsel vm3, $0x1, v2;
	(pc) =	sbr.rel .LBB2_5-.Ltmp7, $4  }
0x27a: {  	p0 =	slt.s32 s14, $0x20;
	[smem:$0x1] =	sst s31;
	s26 =	spop (v2sf);
	[tilespmem:s29+$0x3180] =	vst v20;
	v20 =	vperm.xlane v58, v61;
	v23 =	vor.u32 v62, v57  }
0x27b: {  	s28 =	sadd.s32 s2, s26;
	s2 =	simm.s32 @!p1 $0x20;
	s26 =	spop (v2sf);
	[tilespmem:s0+$0x3200] =	vst v21;
	v63 =	vperm.xlane v58, v23  }
0x27c: {  	s29 =	sadd.s32 s14, s26;
	s14 =	simm.s32 @!p0 $0x20;
	[smem:$0x2] =	sst s28;
	[tilespmem:s2+$0x3280] =	vst v20  }
0x27d: {  	[smem:$0x3] =	sst s29;
	[tilespmem:s14+$0x3300] =	vst v63  }
.LBB2_8:
0x27e: {  	_ =	sfence.sel $0x180000  }
0x27f: {  	[bflag:$0x0] =	sbarrier.arrive $0xFFFF  }
0x280: {  	_ =	strace $0x90000047  }
0x281: {  	s0 =	stileid.u32;
	[bflag:$0x2] =	sbarrier.arrive $0xFFFF  }
0x282: {  	p0 =	sne.s32 s0, $0x0;
	s0 =	rddreg [dreg:$0x2]  }
0x283: {  	s0 =	sadd.s32 @!p0 $0x100000, s0  }
0x284: {  	[sflag:s0] =	ssyncadd.tile.s32 @!p0 $0x1;
	_ =	shalt  }
.Lfunc_end2:
_tile_overlayer_lowered:
.L_overlay_start_2:
0x285: {  	(tag) =	ssettag $0x2  }
0x286: {  	s0 =	rddreg [dreg:$0x0];
	s2 =	stileid.u32  }
0x287: {  	s1 =	rddreg [dreg:$0x1];
	p0 =	sne.s32 s2, $0x0  }
0x288: {  	s3 =	rddreg [dreg:$0x2];
	[bflag:$0x3] =	sbarrier.arrive $0xFFFF;
	s2 =	simm.s32 @!p0 $0x1C01  }
0x289: {  	[timem:s3], [sflag:s2] =	dma.local @!p0 [hbm:s0], s1  }
0x28a: {  	s0 =	simm.s32 @!p0 $0x1  }
0x28b: {  	_ =	swait.ge @!p0 [sflag:s0], s1  }
0x28c: {  	s1 =	ssub.s32 @!p0 $0x0, s1;
	[sflag:s0] =	ssyncset.done @!p0 $0x0  }
0x28d: {  	[sflag:s0] =	ssyncadd.s32 @!p0 s1  }
0x28e: {  	[bflag:$0x3] =	sbarrier.arrive $0xFFFF  }
0x28f: {  	_ =	shalt  }

// kernel: kernel.8.cloned.1.call-start
scs
__scs_entry_jumppad:
0x0: {  	(pc) =	sbr.rel $0x88, $3  }
0x1: {  	(tag) =	ssettag $0x0;
	lr =	simm.s32 $0x1  }
0x2: {  	[smem:$0x3F99] =	sst lr;
	_ =	strace $0xD0000000  }
0x3: {  	_ = 	snop  }
0x4: {  	_ = 	snop  }
0x5: {  	_ = 	snop  }
0x6: {  	_ = 	snop  }
0x7: {  	_ = 	snop  }
__scs_overlays_trampoline_lowered:
0x8: {  	[smem:$0x3FA8] =	sst s0  }
0x9: {  	[smem:$0x3FA9] =	sst s1  }
0xa: {  	[smem:$0x3FAA] =	sst s2  }
0xb: {  	[smem:$0x3FAB] =	sst s3  }
0xc: {  	[smem:$0x3FAC] =	sst s4  }
0xd: {  	[smem:$0x3FAD] =	sst s5  }
0xe: {  	[smem:$0x3FAE] =	sst s6  }
0xf: {  	[smem:$0x3FAF] =	sst s7  }
0x10: {  	[smem:$0x3FB0] =	sst s8  }
0x11: {  	[smem:$0x3FB1] =	sst s9;
	s0 =	simm.s32 @!p0 $0x0  }
0x12: {  	s1 =	sld [smem:$0x3F97];
	s0 =	simm.s32 @p0 $0x1  }
0x13: {  	[smem:$0x3FB2] =	sst s0;
	s0 =	simm.s32 @!p1 $0x0  }
0x14: {  	s2 =	sld [smem:$0x3F96];
	s0 =	simm.s32 @p1 $0x1  }
0x15: {  	[smem:$0x3FB3] =	sst s0;
	s0 =	simm.s32 @!p2 $0x0  }
0x16: {  	s3 =	sld [smem:$0x3FDB];
	s0 =	simm.s32 @p2 $0x1  }
0x17: {  	s4 =	simm.s32 $0x1BF5;
	[smem:$0x3FB5] =	sst s0  }
0x18: {  	s0 =	sld [smem:$0x3F98];
	_ =	swait.ge [sflag:s4], $0x0  }
0x19: {  	s7 =	sld [smem:$0x3F99]  }
0x1a: {  	s8 =	sadd.s32 $0xFFFFE003, lr  }
0x1b: {  	s9 =	sadd.s32 $0xFFFFFEF7, lr;
	s5 =	simm.s32 $0xFFFFFFFF;
	p2 =	slt.u32 s8, $0xFFFFF086  }
0x1c: {  	p1 =	slt.u32 s9, $0xF7A;
	s5 =	simm.s32 @!p2 $0x0  }
0x1d: {  	s5 =	simm.s32 @p1 $0x1;
	p0 =	seq.s32 s7, s2  }
0x1e: {  	s7 =	smul.u32 @!p0 $0xF7A, s2;
	p2 =	seq.s32 @!p0 s5, $0x0  }
0x1f: {  	s9 =	smul.u32 $0xF7A, s1;
	s8 =	simm.s32 @!p0 $0x1BF5;
	p2 =	por !p2, p0  }
0x20: {  	[sflag:s8] =	ssyncset.s32 @!p0 $0xFFFFF086;
	s6 =	sadd.s32 @!p0 s3, s7;
	s7 =	simm.s32 @!p0 $0x108  }
0x21: {  	s3 =	sadd.s32 s3, s9;
	s6 =	sadd.s32 @!p0 $0x88, s6;
	s7 =	simm.s32 @p2 $0x1082  }
0x22: {  	[simem:s7], [sflag:s8] =	dma.local @!p0 [hbm:s6], $0xF7A  }
0x23: {  	s9 =	sor.u32 $0xD0000000, s2;
	s6 =	simm.s32 $0x108;
	_ =	swait.ge @!p0 [sflag:s8], $0x0  }
0x24: {  	s3 =	sadd.s32 $0x88, s3;
	s6 =	simm.s32 @!p1 $0x1082;
	[sflag:s4] =	ssyncset.s32 $0xFFFFF086  }
0x25: {  	[simem:s6], [sflag:s4] =	dma.local [hbm:s3], $0xF7A  }
0x26: {  	[smem:$0x3F99] =	sst s1;
	(tag) =	ssettag s2;
	_ =	strace s9  }
0x27: {  	s1 =	sld [smem:$0x3FA9]  }
0x28: {  	s2 =	sld [smem:$0x3FAA]  }
0x29: {  	s4 =	sld [smem:$0x3FAC]  }
0x2a: {  	p0 =	seq.s32 s5, $0x0;
	s5 =	sld [smem:$0x3FAD]  }
0x2b: {  	s6 =	sld [smem:$0x3FAE]  }
0x2c: {  	s7 =	sld [smem:$0x3FAF]  }
0x2d: {  	s3 =	simm.s32 $0x108;
	s8 =	sld [smem:$0x3FB0]  }
0x2e: {  	s3 =	simm.s32 @!p0 $0x1082;
	s9 =	sld [smem:$0x3FB1]  }
0x2f: {  	lr =	sadd.s32 s0, s3;
	s0 =	sld [smem:$0x3FA8]  }
0x30: {  	s3 =	sld [smem:$0x3FAB]  }
0x31: {  	[smem:$0x3FB4] =	sst s10  }
0x32: {  	s10 =	sld [smem:$0x3FB2];
	_ =	sdelay $0x3  }
0x33: {  	p0 =	seq.s32 s10, $0x1;
	s10 =	sld [smem:$0x3FB4];
	_ =	sdelay $0x3  }
0x34: {  	[smem:$0x3FB4] =	sst s10  }
0x35: {  	s10 =	sld [smem:$0x3FB3];
	_ =	sdelay $0x3  }
0x36: {  	p1 =	seq.s32 s10, $0x1;
	s10 =	sld [smem:$0x3FB4];
	_ =	sdelay $0x3  }
0x37: {  	[smem:$0x3FB4] =	sst s10  }
0x38: {  	s10 =	sld [smem:$0x3FB5]  }
0x39: {  	_ = 	snop;
	(pc) =	sbr.ind lr, $3  }
0x3a: {  	_ = 	snop  }
0x3b: {  	_ = 	snop  }
0x3c: {  	p2 =	seq.s32 s10, $0x1;
	s10 =	sld [smem:$0x3FB4]  }
0x3d: {  	_ =	shalt  }
0x3e: {  	_ =	shalt  }
0x3f: {  	_ =	shalt  }
0x40: {  	_ =	shalt  }
0x41: {  	_ =	shalt  }
0x42: {  	_ =	shalt  }
0x43: {  	_ =	shalt  }
0x44: {  	_ =	shalt  }
0x45: {  	_ =	shalt  }
0x46: {  	_ =	shalt  }
0x47: {  	_ =	shalt  }
0x48: {  	_ =	shalt  }
0x49: {  	_ =	shalt  }
0x4a: {  	_ =	shalt  }
0x4b: {  	_ =	shalt  }
0x4c: {  	_ =	shalt  }
0x4d: {  	_ =	shalt  }
0x4e: {  	_ =	shalt  }
0x4f: {  	_ =	shalt  }
0x50: {  	_ =	shalt  }
0x51: {  	_ =	shalt  }
0x52: {  	_ =	shalt  }
0x53: {  	_ =	shalt  }
0x54: {  	_ =	shalt  }
0x55: {  	_ =	shalt  }
0x56: {  	_ =	shalt  }
0x57: {  	_ =	shalt  }
0x58: {  	_ =	shalt  }
0x59: {  	_ =	shalt  }
0x5a: {  	_ =	shalt  }
0x5b: {  	_ =	shalt  }
0x5c: {  	_ =	shalt  }
0x5d: {  	_ =	shalt  }
0x5e: {  	_ =	shalt  }
0x5f: {  	_ =	shalt  }
0x60: {  	_ =	shalt  }
0x61: {  	_ =	shalt  }
0x62: {  	_ =	shalt  }
0x63: {  	_ =	shalt  }
0x64: {  	_ =	shalt  }
0x65: {  	_ =	shalt  }
0x66: {  	_ =	shalt  }
0x67: {  	_ =	shalt  }
0x68: {  	_ =	shalt  }
0x69: {  	_ =	shalt  }
0x6a: {  	_ =	shalt  }
0x6b: {  	_ =	shalt  }
0x6c: {  	_ =	shalt  }
0x6d: {  	_ =	shalt  }
0x6e: {  	_ =	shalt  }
0x6f: {  	_ =	shalt  }
0x70: {  	_ =	shalt  }
0x71: {  	_ =	shalt  }
0x72: {  	_ =	shalt  }
0x73: {  	_ =	shalt  }
0x74: {  	_ =	shalt  }
0x75: {  	_ =	shalt  }
0x76: {  	_ =	shalt  }
0x77: {  	_ =	shalt  }
0x78: {  	_ =	shalt  }
0x79: {  	_ =	shalt  }
0x7a: {  	_ =	shalt  }
0x7b: {  	_ =	shalt  }
0x7c: {  	_ =	shalt  }
0x7d: {  	_ =	shalt  }
0x7e: {  	_ =	shalt  }
0x7f: {  	_ =	shalt  }
0x80: {  	_ =	shalt  }
0x81: {  	_ =	shalt  }
0x82: {  	_ =	shalt  }
0x83: {  	_ =	shalt  }
0x84: {  	_ =	shalt  }
0x85: {  	_ =	shalt  }
0x86: {  	_ =	shalt  }
0x87: {  	_ =	shalt  }
.Lfunc_end0:
.L_simem_size_0:
called_computation.1_lowered:
.L_overlay_start_0:
0x88: {  	s2 =	sld [smem:$0x3FD9]  }
0x89: {  	s3 =	sld [smem:$0x3FFE];
	_ =	sdelay $0x1  }
0x8a: {  	s1 =	srdreg.scid  }
0x8b: {  	s0 =	sand.u32 $0x1, s1  }
0x8c: {  	s16 =	sshll.u32 s0, $0xA;
	s2 =	sadd.s32 s3, s2  }
0x8d: {  	s2 =	sadd.s32 s2, s16  }
0x8e: {  	[smem:$0x3FC0] =	sst s2  }
0x8f: {  	_ = 	snop  }
0x90: {  	(tm) =	ssettm $0x1  }
0x91: {  	s17 =	sld [smem:$0x3FFB];
	_ =	sdelay $0x3  }
0x92: {  	_ =	strace s17  }
0x93: {  	s2 =	sld [smem:$0x3FFC];
	_ =	sdelay $0x3  }
0x94: {  	_ =	strace s2  }
0x95: {  	s2 =	sld [smem:$0x3FFD];
	_ =	sdelay $0x3  }
0x96: {  	_ =	strace s2  }
0x97: {  	_ =	strace $0x8FFFFFFF  }
0x98: {  	s18 =	sld [smem:$0x3FDB];
	_ =	sdelay $0x1  }
0x99: {  	s19 =	simm.s32 $_scs_section_size  }
0x9a: {  	s4 =	simm.s32 $_size__tile_overlayer_lowered;
	s5 =	simm.s32 $_tile_overlayer_lowered  }
0x9b: {  	s22 =	simm.s32 $0x1BFF;
	s21 =	sshll.u32 s5, $0x1;
	s2 =	sadd.s32 s19, s18  }
0x9c: {  	s6 =	simm.s32 $0x0;
	s20 =	sshll.u32 s4, $0x1;
	s4 =	sadd.s32 s21, s2  }
0x9d: {  	[timem:s6], [sflag:s22] =	dma.local [hbm:s4], s20  }
0x9e: {  	_ =	swait.ge [sflag:s22], s20  }
0x9f: {  	s3 =	ssub.s32 $0x0, s20;
	[sflag:s22] =	ssyncset.done $0x0  }
0xa0: {  	[sflag:s22] =	ssyncadd.s32 s3;
	_ =	sdelay $0x1  }
0xa1: {  	s23 =	simm.s32 $0x1B8B  }
0xa2: {  	_ =	swait.ge [sflag:s23], $0x1  }
0xa3: {  	[sflag:s23] =	ssyncset.done $0x0  }
0xa4: {  	s25 =	simm.s32 $0x1B8E;
	s24 =	sld [smem:$0x3FFE];
	[sflag:s23] =	ssyncadd.s32 $0xFFFFFFFF  }
0xa5: {  	s26 =	simm.s32 $execute0_lowered;
	[smem:$0x3FD2] =	sst s25  }
0xa6: {  	s4 =	sshll.u32 s26, $0x1;
	_ =	strace $0x80000049;
	[dreg:$0x1] =	wrdreg $0xFFFFFFFF  }
0xa7: {  	s28 =	simm.s32 $_size_execute0_lowered;
	s2 =	sadd.s32 s2, s4;
	[dreg:$0x0] =	wrdreg $0x0  }
0xa8: {  	s4 =	sshll.u32 s28, $0x1;
	[dreg:$0x2] =	wrdreg s2  }
0xa9: {  	[dreg:$0x3] =	wrdreg s4  }
0xaa: {  	[dreg:$0x4] =	wrdreg $0xC0  }
0xab: {  	_ =	task [dreg:s6], $0x5FFFF  }
0xac: {  	[dreg:$0x1] =	wrdreg $0xFFFFFFFF  }
0xad: {  	[dreg:$0x0] =	wrdreg $0x60  }
0xae: {  	[dreg:$0x2] =	wrdreg s24  }
0xaf: {  	[dreg:$0x3] =	wrdreg $0x9  }
0xb0: {  	_ =	task.clear_ibuf [dreg:s6], $0x4FFFF;
	_ =	strace $0x90000049  }
0xb1: {  	s29 =	simm.s32 $0x9;
	_ =	strace $0x8000004B  }
0xb2: {  	_ =	swait.ge [sflag:s29], $0x1  }
0xb3: {  	[sflag:s29] =	ssyncadd.s32 $0xFFFFFFFF  }
0xb4: {  	_ =	strace $0x9000004B  }
0xb5: {  	_ =	sfence  }
0xb6: {  	s30 =	sld [smem:$0x0];
	_ =	sdelay $0x2  }
0xb7: {  	s31 =	sshll.u32 s1, $0xD;
	s1 =	sshrl.u32 s1, $0x2  }
0xb8: {  	s3 =	sand.u32 $0x4000, s31;
	s1 =	sadd.s32 s1, s30  }
0xb9: {  	s0 =	sor.u32 s3, s0;
	s1 =	sshll.u32 s1, $0x11  }
0xba: {  	s0 =	sor.u32 s1, s0  }
0xbb: {  	s0 =	sadd.s32 $0x8F2B, s0  }
0xbc: {  	[sflag:s0] =	ssyncadd.remote.s32 $0x1  }
0xbd: {  	_ =	sfence.sel $0xFFFF  }
0xbe: {  	[dreg:$0x0] =	wrdreg $0xFFFFFFFF;
	(pc) =	sbr.abs _section_cstart, $3  }
0xbf: {  	[dreg:$0x1] =	wrdreg $0xFFFFFFFF  }
0xc0: {  	_ =	task.clear_ibuf [dreg:s6], $0x2FFFF;
	_ =	strace $0x9FFFFFFF  }
0xc1: {  	(tm) =	ssettm $0x7FFFFFFF  }
tec
execute0_lowered:
.L_overlay_start_1:
0x0: {  	(tag) =	ssettag $0x1  }
0x1: {  	s4 =	rddreg [dreg:$0x0]  }
0x2: {  	s2 =	srdreg.scid;
	s0 =	rddreg [dreg:$0x1]  }
0x3: {  	s1 =	stileid.u32;
	s11 =	simm.s32 $0x80;
	s12 =	simm.s32 $0x6800  }
0x4: {  	s13 =	simm.s32 $0x1;
	s14 =	simm.s32 $0x2;
	s15 =	simm.s32 $0x3F80  }
0x5: {  	s16 =	simm.s32 $0x0;
	s6 =	sand.u32 $0x1, s2;
	s2 =	simm.s32 $0x0  }
0x6: {  	s3 =	sshll.u32 s1, $0xF;
	s9 =	sadd.s32 $0x63200, s4;
	s29 =	smul.u32 $0x50000, s1  }
0x7: {  	s5 =	sshll.u32 s6, $0xE;
	[smem:$0x7FF] =	sst s2;
	s8 =	ssub.s32 $0x2, s6  }
0x8: {  	s31 =	smul.u32 $0x28000, s6;
	s5 =	sor.u32 s5, s3;
	_ =	strace $0x8000004A  }
0x9: {  	s3 =	sadd.s32 $0x3B200, s4;
	s26 =	sshrl.u32 s8, $0x1;
	s7 =	sshrl.u32 s5, $0x3  }
0xa: {  	s10 =	smul.u32 $0xA, s5;
	s28 =	ssub.s32 s8, s26;
	s8 =	sadd.s32 s29, s9  }
0xb: {  	s7 =	sadd.s32 s7, s4;
	s5 =	smax.u32 s28, $0x1;
	s8 =	sadd.s32 s31, s8  }
0xc: {  	s4 =	sadd.s32 $0x3200, s7;
	s30 =	sadd.s32 s9, s10;
	s9 =	simm.s32 $0x3  }
0xd: {  	s10 =	simm.s32 $0x4000;
	s6 =	sadd.s32 $0x27600, s30;
	s7 =	sadd.s32 $0x27B00, s30  }
.LBB2_1:
0xe: {  	[tilespmem:s2], [sflag:$0x3] =	stream.linear.gather [hbm4b:s4+s2], $0x4000, $0x38;
	[tilespmem:$0x9000] =	vst v63  }
0xf: {  	_ =	swait.ge [sflag:s9], $0x4000  }
0x10: {  	[sflag:s9] =	ssyncset.done $0x0  }
0x11: {  	[sflag:s9] =	ssyncadd.s32 $0xFFFFC000  }
0x12: {  	[tilespmem:s10], [sflag:$0x1] =	stream.indirect.gather [hbm4b:s3+s11], $0x50, s2, s11, $0xb8;
	[tilespmem:$0x9000] =	vst v63  }
0x13: {  	_ = 	snop  }
0x14: {  	[tilespmem:s12], [sflag:$0x2] =	stream.indirect.gather [hbm4b:s3+s11], $0x50, s11, s11, $0xb8;
	[tilespmem:$0x9000] =	vst v63  }
0x15: {  	_ =	swait.ge [sflag:s13], $0x2800  }
0x16: {  	[sflag:s13] =	ssyncset.done $0x0  }
0x17: {  	s17 =	sadd.s32 $0x0, s8;
	[sflag:s13] =	ssyncadd.s32 $0xFFFFD800  }
0x18: {  	[hbm4b:s17+s2] =	stream.linear.scatter [tilespmem:s10], [sflag:$0x3], $0x2800, $0x38;
	[tilespmem:$0x9000] =	vst v63  }
0x19: {  	_ =	swait.ge [sflag:s9], $0x2800  }
0x1a: {  	[sflag:s9] =	ssyncset.done $0x0  }
0x1b: {  	s18 =	simm.s32 $0x100;
	[sflag:s9] =	ssyncadd.s32 $0xFFFFD800  }
0x1c: {  	[tilespmem:s10], [sflag:$0x1] =	stream.indirect.gather [hbm4b:s3+s11], $0x50, s18, s11, $0xb8;
	[tilespmem:$0x9000] =	vst v63  }
0x1d: {  	_ =	swait.ge [sflag:s14], $0x2800  }
0x1e: {  	[sflag:s14] =	ssyncset.done $0x0  }
0x1f: {  	s17 =	sadd.s32 $0x500, s17;
	[sflag:s14] =	ssyncadd.s32 $0xFFFFD800  }
0x20: {  	[hbm4b:s17+s2] =	stream.linear.scatter [tilespmem:s12], [sflag:$0x3], $0x2800, $0x38;
	[tilespmem:$0x9000] =	vst v63  }
0x21: {  	_ =	swait.ge [sflag:s9], $0x2800  }
0x22: {  	s18 =	simm.s32 $0x80;
	s17 =	simm.s32 $0xA00;
	[sflag:s9] =	ssyncset.done $0x0  }
.LBB2_2:
0x23: {  	p0 =	sne.s32 s17, $0x26C00;
	[sflag:s9] =	ssyncadd.s32 $0xFFFFD800;
	s18 =	sadd.s32 $0x100, s18  }
0x24: {  	[tilespmem:s12], [sflag:$0x2] =	stream.indirect.gather [hbm4b:s3+s11], $0x50, s18, s11, $0xb8;
	[tilespmem:$0x9000] =	vst v63  }
0x25: {  	s19 =	smov.u32 s17;
	s17 =	sadd.s32 $0xA00, s17;
	_ =	swait.ge [sflag:s13], $0x2800  }
0x26: {  	[sflag:s13] =	ssyncset.done $0x0  }
0x27: {  	s19 =	sadd.s32 s19, s8;
	[sflag:s13] =	ssyncadd.s32 $0xFFFFD800  }
0x28: {  	[hbm4b:s19+s2] =	stream.linear.scatter [tilespmem:s10], [sflag:$0x3], $0x2800, $0x38;
	[tilespmem:$0x9000] =	vst v63  }
0x29: {  	_ =	swait.ge [sflag:s9], $0x2800  }
0x2a: {  	[sflag:s9] =	ssyncset.done $0x0  }
0x2b: {  	s20 =	sadd.s32 $0x80, s18;
	[sflag:s9] =	ssyncadd.s32 $0xFFFFD800  }
0x2c: {  	[tilespmem:s10], [sflag:$0x1] =	stream.indirect.gather [hbm4b:s3+s11], $0x50, s20, s11, $0xb8;
	[tilespmem:$0x9000] =	vst v63  }
0x2d: {  	_ =	swait.ge [sflag:s14], $0x2800  }
.Ltmp0:
0x2e: {  	[sflag:s14] =	ssyncset.done $0x0;
	(pc) =	sbr.rel @p0 .LBB2_2-.Ltmp0, $4  }
0x2f: {  	s19 =	sadd.s32 $0x500, s19;
	[sflag:s14] =	ssyncadd.s32 $0xFFFFD800  }
0x30: {  	[hbm4b:s19+s2] =	stream.linear.scatter [tilespmem:s12], [sflag:$0x3], $0x2800, $0x38;
	[tilespmem:$0x9000] =	vst v63  }
0x31: {  	_ =	swait.ge [sflag:s9], $0x2800  }
0x32: {  	[sflag:s9] =	ssyncset.done $0x0  }
0x33: {  	[sflag:s9] =	ssyncadd.s32 $0xFFFFD800  }
0x34: {  	[tilespmem:s12], [sflag:$0x2] =	stream.indirect.gather [hbm4b:s3+s11], $0x50, s15, s11, $0xb8;
	[tilespmem:$0x9000] =	vst v63  }
0x35: {  	_ =	swait.ge [sflag:s13], $0x2800  }
0x36: {  	[sflag:s13] =	ssyncset.done $0x0  }
0x37: {  	[sflag:s13] =	ssyncadd.s32 $0xFFFFD800  }
0x38: {  	[hbm4b:s6+s2] =	stream.linear.scatter [tilespmem:s10], [sflag:$0x3], $0x2800, $0x38;
	[tilespmem:$0x9000] =	vst v63  }
0x39: {  	_ =	swait.ge [sflag:s9], $0x2800  }
0x3a: {  	[sflag:s9] =	ssyncset.done $0x0  }
0x3b: {  	[sflag:s9] =	ssyncadd.s32 $0xFFFFD800  }
0x3c: {  	s16 =	sadd.s32 $0x1, s16;
	_ =	swait.ge [sflag:s14], $0x2800  }
0x3d: {  	p0 =	sne.s32 s16, s5;
	[sflag:s14] =	ssyncset.done $0x0  }
.Ltmp1:
0x3e: {  	[sflag:s14] =	ssyncadd.s32 $0xFFFFD800;
	(pc) =	sbr.rel @p0 .LBB2_1-.Ltmp1, $4  }
0x3f: {  	[hbm4b:s7+s2] =	stream.linear.scatter [tilespmem:s12], [sflag:$0x3], $0x2800, $0x38;
	[tilespmem:$0x9000] =	vst v63  }
0x40: {  	_ =	swait.ge [sflag:s9], $0x2800  }
0x41: {  	[sflag:s9] =	ssyncset.done $0x0  }
0x42: {  	[sflag:s9] =	ssyncadd.s32 $0xFFFFD800  }
0x43: {  	_ =	sfence.sel $0x180000  }
0x44: {  	[bflag:$0x0] =	sbarrier.arrive $0xFFFF  }
0x45: {  	p0 =	sne.s32 s1, $0x0;
	_ =	strace $0x9000004A  }
0x46: {  	s0 =	sadd.s32 @!p0 $0x100000, s0;
	[bflag:$0x2] =	sbarrier.arrive $0xFFFF  }
0x47: {  	[sflag:s0] =	ssyncadd.tile.s32 @!p0 $0x1;
	_ =	shalt  }
.Lfunc_end2:
_tile_overlayer_lowered:
.L_overlay_start_2:
0x48: {  	(tag) =	ssettag $0x2  }
0x49: {  	s0 =	rddreg [dreg:$0x0];
	s2 =	stileid.u32  }
0x4a: {  	s1 =	rddreg [dreg:$0x1];
	p0 =	sne.s32 s2, $0x0  }
0x4b: {  	s3 =	rddreg [dreg:$0x2];
	[bflag:$0x3] =	sbarrier.arrive $0xFFFF;
	s2 =	simm.s32 @!p0 $0x1C03  }
0x4c: {  	[timem:s3], [sflag:s2] =	dma.local @!p0 [hbm:s0], s1  }
0x4d: {  	s0 =	simm.s32 @!p0 $0x3  }
0x4e: {  	_ =	swait.ge @!p0 [sflag:s0], s1  }
0x4f: {  	s1 =	ssub.s32 @!p0 $0x0, s1;
	[sflag:s0] =	ssyncset.done @!p0 $0x0  }
0x50: {  	[sflag:s0] =	ssyncadd.s32 @!p0 s1  }
0x51: {  	[bflag:$0x3] =	sbarrier.arrive $0xFFFF  }
0x52: {  	_ =	shalt  }

</sc_bundles>
